<compile_context>
chip_gen: v7x
topology: tpu7x:2x2x1
jax: 0.10.2.dev20260603
libtpu: 0.0.44.dev20260713+nightly
codegen_flags: <defaults>
</compile_context>

<pallas_src>
import jax
import jax.numpy as jnp
from jax import lax
from jax.experimental import pallas as pl
from jax.experimental.pallas import tpu as pltpu
from jax.experimental.pallas import tpu_sc as plsc

N = 10000
E = 320000
D = 128
NE = 3

NC = 2
NS = 16
NW = NC * NS
C = 32
IB = 16
BE = IB * C
EPW = 10240
NBLK = EPW // BE
EPL = E - (NW - 1) * EPW
NBLK_L = EPL // BE
STRIPE = 632
N_ACC = NS * STRIPE
LAST = N - (NS - 1) * STRIPE


def _pack_pair(ya, yb):
    def rne_hi(v):
        u = pltpu.bitcast(v, jnp.int32)
        r = u + 0x7FFF + ((u >> 16) & 1)
        return r & jnp.int32(-65536)

    return lax.shift_right_logical(rne_hi(ya), 16) | rne_hi(yb)


def _tables_body(x_ref, wc_ref, bc_ref, k_ref, qv_ref, skip_ref):
    xb = x_ref[...]
    y = lax.dot_general(xb, wc_ref[...], (((1,), (0,)), ((), ())),
                        preferred_element_type=jnp.float32)
    for t in range(NE):
        k_ref[t] = y[:, t * D:(t + 1) * D] + bc_ref[t][None, :]
        qf = y[:, 3 * D + t * 2 * D:3 * D + t * 2 * D + D] + bc_ref[3 + 2 * t][None, :]
        vf = y[:, 3 * D + t * 2 * D + D:3 * D + (t + 1) * 2 * D] + bc_ref[4 + 2 * t][None, :]
        qv_ref[t] = _pack_pair(qf, vf)
    ssum = (y[:, 9 * D:10 * D] + y[:, 10 * D:11 * D] + y[:, 11 * D:12 * D])
    bsum = bc_ref[9] + bc_ref[10] + bc_ref[11]
    skip_ref[...] = ssum * (1.0 / NE) + (bsum * (1.0 / NE))[None, :]


def _make_tables(x, Wk, bk, Wq, bq, Wv, bv, Ws, b):
    wkT = jnp.swapaxes(Wk, 1, 2)
    wqT = jnp.swapaxes(Wq, 1, 2)
    wvT = jnp.swapaxes(Wv, 1, 2)
    wsT = jnp.swapaxes(Ws, 1, 2)
    w_cat = jnp.concatenate(
        [wkT[0], wkT[1], wkT[2],
         wqT[0], wvT[0], wqT[1], wvT[1], wqT[2], wvT[2],
         wsT[0], wsT[1], wsT[2]], axis=1)
    b_cat = jnp.stack(
        [bk[0], bk[1], bk[2], bq[0], bv[0], bq[1],
         bv[1], bq[2], bv[2], b[0], b[1], b[2]], axis=0)
    bn = 1000
    return pl.pallas_call(
        _tables_body,
        grid=(N // bn,),
        in_specs=[
            pl.BlockSpec((bn, D), lambda i: (i, 0)),
            pl.BlockSpec((D, 12 * D), lambda i: (0, 0)),
            pl.BlockSpec((12, D), lambda i: (0, 0)),
        ],
        out_specs=[
            pl.BlockSpec((NE, bn, D), lambda i: (0, i, 0)),
            pl.BlockSpec((NE, bn, D), lambda i: (0, i, 0)),
            pl.BlockSpec((bn, D), lambda i: (i, 0)),
        ],
        out_shape=[
            jax.ShapeDtypeStruct((NE, N, D), jnp.float32),
            jax.ShapeDtypeStruct((NE, N, D), jnp.int32),
            jax.ShapeDtypeStruct((N, D), jnp.float32),
        ],
    )(x, w_cat, b_cat)


def _edge_body(kt_hbm, qvt_hbm, ei_hbm, et_hbm, out_hbm,
               src_v, dst_v, typ_v, ik_v, iqv_v, id_v,
               rk0, rk1, rqv0, rqv1, msg0, msg1, acc,
               sk0, sk1, sq0, sq1, ss0, ss1):
    cid = lax.axis_index("c")
    sid = lax.axis_index("s")
    wid = sid * NC + cid
    rk = (rk0, rk1)
    rqv = (rqv0, rqv1)
    msg = (msg0, msg1)
    sk = (sk0, sk1)
    sq = (sq0, sq1)
    ss = (ss0, ss1)

    zeros16 = jnp.zeros((16,), jnp.float32)

    @pl.loop(0, C)
    def _zrow(i):
        for g in range(8):
            msg0[i, pl.ds(g * 16, 16)] = zeros16

    lo = sid * STRIPE
    for r in range(STRIPE // C):
        pltpu.sync_copy(msg0, acc.at[pl.ds(lo + r * C, C)])
    rem = STRIPE % C
    if rem:
        pltpu.sync_copy(msg0.at[pl.ds(0, rem)],
                        acc.at[pl.ds(lo + (STRIPE // C) * C, rem)])
    plsc.subcore_barrier()

    def start_gather(j, s):
        pltpu.async_copy(kt_hbm.at[ik_v.at[j]], rk[s], sk[s])
        pltpu.async_copy(qvt_hbm.at[iqv_v.at[j]], rqv[s], sq[s])

    def process(j, s, pf_j, pf_cond):
        @pl.when(pf_cond)
        def _pf():
            start_gather(pf_j, 1 - s)

        pltpu.make_async_copy(kt_hbm.at[ik_v.at[j]], rk[s], sk[s]).wait()
        pltpu.make_async_copy(qvt_hbm.at[iqv_v.at[j]], rqv[s], sq[s]).wait()

        @pl.when(j >= 2)
        def _drain():
            pltpu.make_async_copy(msg[s], acc.at[id_v.at[j]], ss[s]).wait()

        himask = jnp.full((16,), -65536, jnp.int32)

        def unpk(lanes):
            lof = lax.bitcast_convert_type(lanes << 16, jnp.float32)
            hif = lax.bitcast_convert_type(lanes & himask, jnp.float32)
            return lof, hif

        @plsc.parallel_loop(0, C, unroll=4)
        def _erow(e):
            for g in range(D // 32):
                ka = rk[s][e, pl.ds(g * 16, 16)]
                kb = rk[s][e, pl.ds(D // 2 + g * 16, 16)]
                q1, v1 = unpk(rqv[s][e, pl.ds(g * 16, 16)])
                q2, v2 = unpk(rqv[s][e, pl.ds(D // 2 + g * 16, 16)])
                s1 = 1.0 / (1.0 + jnp.exp(-(ka + q1)))
                s2 = 1.0 / (1.0 + jnp.exp(-(kb + q2)))
                msg[s][e, pl.ds(g * 16, 16)] = s1 * v1
                msg[s][e, pl.ds(D // 2 + g * 16, 16)] = s2 * v2

        pltpu.async_copy(msg[s], acc.at[id_v.at[j]], ss[s], add=True)

    nblk = jnp.where(wid == NW - 1, NBLK_L, NBLK)
    ebase = wid * EPW

    @pl.loop(0, nblk)
    def _blk(bi):
        eoff = ebase + bi * BE
        pltpu.sync_copy(ei_hbm.at[0, pl.ds(eoff, BE)], src_v)
        pltpu.sync_copy(ei_hbm.at[1, pl.ds(eoff, BE)], dst_v)
        pltpu.sync_copy(et_hbm.at[pl.ds(eoff, BE)], typ_v)

        @plsc.parallel_loop(0, IB, unroll=2)
        def _idx(j):
            for g in range(C // 16):
                sl = pl.ds(j * C + g * 16, 16)
                gl = pl.ds(g * 16, 16)
                tn = typ_v[sl] * N
                ik_v[j, gl] = tn + dst_v[sl]
                iqv_v[j, gl] = tn + src_v[sl]
                id_v[j, gl] = dst_v[sl]

        start_gather(0, 0)

        @pl.loop(0, IB, step=2)
        def _pair(j):
            process(j, 0, j + 1, True)
            process(j + 1, 1, j + 2, j + 2 < IB)

        pltpu.make_async_copy(msg0, acc.at[id_v.at[IB - 2]], ss0).wait()
        pltpu.make_async_copy(msg1, acc.at[id_v.at[IB - 1]], ss1).wait()

    plsc.subcore_barrier()

    base = cid * N + lo
    pltpu.sync_copy(acc.at[pl.ds(lo, LAST)], out_hbm.at[pl.ds(base, LAST)])

    @pl.when(sid != NS - 1)
    def _tail():
        pltpu.sync_copy(acc.at[pl.ds(lo + LAST, STRIPE - LAST)],
                        out_hbm.at[pl.ds(base + LAST, STRIPE - LAST)])


def _edge_stage(k_tab, qv_tab, edge_index, edge_type):
    mesh = plsc.VectorSubcoreMesh(core_axis_name="c", subcore_axis_name="s")
    run = pl.kernel(
        _edge_body,
        out_type=jax.ShapeDtypeStruct((NC * N, D), jnp.float32),
        mesh=mesh,
        scratch_types=[
            pltpu.VMEM((BE,), jnp.int32),
            pltpu.VMEM((BE,), jnp.int32),
            pltpu.VMEM((BE,), jnp.int32),
            pltpu.VMEM((IB, C), jnp.int32),
            pltpu.VMEM((IB, C), jnp.int32),
            pltpu.VMEM((IB, C), jnp.int32),
            pltpu.VMEM((C, D), jnp.float32),
            pltpu.VMEM((C, D), jnp.float32),
            pltpu.VMEM((C, D), jnp.int32),
            pltpu.VMEM((C, D), jnp.int32),
            pltpu.VMEM((C, D), jnp.float32),
            pltpu.VMEM((C, D), jnp.float32),
            pltpu.VMEM_SHARED((N_ACC, D), jnp.float32),
            pltpu.SemaphoreType.DMA,
            pltpu.SemaphoreType.DMA,
            pltpu.SemaphoreType.DMA,
            pltpu.SemaphoreType.DMA,
            pltpu.SemaphoreType.DMA,
            pltpu.SemaphoreType.DMA,
        ],
    )
    return run(k_tab, qv_tab, edge_index, edge_type)


def _combine_body(p0_ref, p1_ref, skip_ref, out_ref):
    out_ref[...] = (p0_ref[...] + p1_ref[...]) * (1.0 / NE) + skip_ref[...]


def _combine(partial, skip):
    bn = 1000
    return pl.pallas_call(
        _combine_body,
        grid=(N // bn,),
        in_specs=[
            pl.BlockSpec((bn, D), lambda i: (i, 0)),
            pl.BlockSpec((bn, D), lambda i: (i + N // bn, 0)),
            pl.BlockSpec((bn, D), lambda i: (i, 0)),
        ],
        out_specs=pl.BlockSpec((bn, D), lambda i: (i, 0)),
        out_shape=jax.ShapeDtypeStruct((N, D), jnp.float32),
    )(partial, partial, skip)


def kernel(x, edge_index, edge_type, Wk, bk, Wq, bq, Wv, bv, Ws, b):
    assert x.shape == (N, D) and edge_index.shape == (2, E)

    k3, qv3, skip = _make_tables(x, Wk, bk, Wq, bq, Wv, bv, Ws, b)
    k_tab = k3.reshape(NE * N, D)
    qv_tab = qv3.reshape(NE * N, D)

    partial = _edge_stage(k_tab, qv_tab, edge_index, edge_type)
    return _combine(partial, skip)

# --- scband reference (transcript-rebuilt; emitter-appended) ---
"""Pipeline reference for scband-hetero-res-gated-graph-conv-layer-82308753260704 (READ-ONLY COPY).

The authoritative reference and input builder live on the scoring server;
editing this copy changes nothing except your own understanding.
"""

import jax, jax.numpy as jnp
import numpy as np

N = 10000
E = 320000
D = 128
NE = 3


def _lin_init(k, shape, fan_in):
    bound = 1.0 / np.sqrt(fan_in)
    return jax.random.uniform(k, shape, jnp.float32, -bound, bound)


def setup_inputs(seed: int = 0) -> dict:
    key = jax.random.key(seed)
    ks = jax.random.split(key, 12)
    inp = {}
    inp['x'] = jax.random.normal(ks[0], (N, D), dtype=jnp.float32)
    inp['edge_index'] = jax.random.randint(ks[1], (2, E), 0, N, dtype=jnp.int32)
    inp['edge_type'] = jax.random.randint(ks[2], (E,), 0, NE, dtype=jnp.int32)
    # Per-edge-type ResGatedGraphConv params, stacked over the NE edge types:
    # lin_key (W,b), lin_query (W,b), lin_value (W,b), lin_skip (W only, bias=False), conv bias b
    inp['Wk'] = _lin_init(ks[3], (NE, D, D), D)
    inp['bk'] = _lin_init(ks[4], (NE, D), D)
    inp['Wq'] = _lin_init(ks[5], (NE, D, D), D)
    inp['bq'] = _lin_init(ks[6], (NE, D), D)
    inp['Wv'] = _lin_init(ks[7], (NE, D, D), D)
    inp['bv'] = _lin_init(ks[8], (NE, D), D)
    inp['Ws'] = _lin_init(ks[9], (NE, D, D), D)
    inp['b'] = _lin_init(ks[10], (NE, D), D)
    return inp


def reference(x, edge_index, edge_type, Wk, bk, Wq, bq, Wv, bv, Ws, b):
    # HeteroResGatedGraphConvLayer: one ResGatedGraphConv per edge type, applied to the
    # edge subset (edge_type == e), then mean over edge types.
    # ResGatedGraphConv (PyG): out_i = lin_skip(x_i) + sum_{j->i} sigmoid(k_i + q_j) * v_j + bias
    # where k = lin_key(x), q = lin_query(x), v = lin_value(x); i = edge_index[1] (dst), j = edge_index[0] (src).
    src = edge_index[0]
    dst = edge_index[1]
    outs = []
    for e in range(NE):
        k = x @ Wk[e].T + bk[e]
        q = x @ Wq[e].T + bq[e]
        v = x @ Wv[e].T + bv[e]
        # masking messages by edge type is equivalent to subsetting edges for add-aggregation
        m = (edge_type == e).astype(x.dtype)[:, None]
        msg = jax.nn.sigmoid(k[dst] + q[src]) * v[src] * m
        agg = jnp.zeros((x.shape[0], Wk.shape[1]), x.dtype).at[dst].add(msg)
        out_e = agg + x @ Ws[e].T + b[e]
        outs.append(out_e)
    return jnp.stack(outs, axis=0).mean(axis=0)

if __name__ == "__main__":
    import jax
    _d = setup_inputs()
    print(jax.jit(kernel)(*tuple(_d.values())))

</pallas_src>

<mosaic_0001>
#map = affine_map<(d0, d1) -> (0, 0)>
#map1 = affine_map<(d0, d1) -> (0)>
module attributes {stable_mosaic.version = 14 : i64} {
  func.func @_edge_body(%arg0: i32, %arg1: i32, %arg2: memref<30000x128xf32, #tpu.memory_space<hbm>>, %arg3: memref<30000x128xi32, #tpu.memory_space<hbm>>, %arg4: memref<2x320000xi32, #tpu.memory_space<hbm>>, %arg5: memref<320000xi32, #tpu.memory_space<hbm>>, %arg6: memref<20000x128xf32, #tpu.memory_space<hbm>>, %arg7: memref<512xi32, #tpu.memory_space<vmem>>, %arg8: memref<512xi32, #tpu.memory_space<vmem>>, %arg9: memref<512xi32, #tpu.memory_space<vmem>>, %arg10: memref<16x32xi32, #tpu.memory_space<vmem>>, %arg11: memref<16x32xi32, #tpu.memory_space<vmem>>, %arg12: memref<16x32xi32, #tpu.memory_space<vmem>>, %arg13: memref<32x128xf32, #tpu.memory_space<vmem>>, %arg14: memref<32x128xf32, #tpu.memory_space<vmem>>, %arg15: memref<32x128xi32, #tpu.memory_space<vmem>>, %arg16: memref<32x128xi32, #tpu.memory_space<vmem>>, %arg17: memref<32x128xf32, #tpu.memory_space<vmem>>, %arg18: memref<32x128xf32, #tpu.memory_space<vmem>>, %arg19: memref<10112x128xf32, #tpu.memory_space<vmem_shared>>, %arg20: memref<!tpu.dma_semaphore, #tpu.memory_space<semaphore_mem>>, %arg21: memref<!tpu.dma_semaphore, #tpu.memory_space<semaphore_mem>>, %arg22: memref<!tpu.dma_semaphore, #tpu.memory_space<semaphore_mem>>, %arg23: memref<!tpu.dma_semaphore, #tpu.memory_space<semaphore_mem>>, %arg24: memref<!tpu.dma_semaphore, #tpu.memory_space<semaphore_mem>>, %arg25: memref<!tpu.dma_semaphore, #tpu.memory_space<semaphore_mem>>) attributes {dimension_semantics = [#tpu.dimension_semantics<core_parallel>, #tpu.dimension_semantics<subcore_parallel>], iteration_bounds = array<i64: 2, 16>, scalar_prefetch = 0 : i64, scratch_operands = 19 : i64, tpu.core_type = #tpu.core_type<sc_vector_subcore>, window_params = [{transform_indices = #map}, {transform_indices = #map}, {transform_indices = #map}, {transform_indices = #map1}, {transform_indices = #map}]} {
    %mul3A = arith.constant 2 : i32
    %mul3A_0 = arith.muli %arg1, %mul3A : i32
    %add3A = arith.addi %mul3A_0, %arg0 : i32
    %broadcast_in_dim3A = arith.constant 0.000000e+00 : f32
    %broadcast_in_dim3A_1 = vector.broadcast %broadcast_in_dim3A : f32 to vector<16xf32>
    %scan3A = arith.constant 0 : i32
    %scan3A_2 = arith.constant 32 : i32
    %scan3A_3 = arith.addi %scan3A, %scan3A_2 : i32
    %scan3A_4 = arith.constant 1 : i32
    scf.for %scan3A_74 = %scan3A to %scan3A_3 step %scan3A_4  : i32 {
      %mul3A_75 = arith.constant 1 : i32
      %mul3A_76 = arith.muli %scan3A_74, %mul3A_75 : i32
      %add3A_77 = arith.constant 0 : i32
      %add3A_78 = arith.addi %add3A_77, %mul3A_76 : i32
      %swap3A = arith.index_cast %add3A_78 : i32 to index
      %swap3A_79 = arith.constant 0 : index
      %swap3A_80 = tpu.vector_load %arg17[%swap3A, %swap3A_79] {strides = array<i32>} : memref<32x128xf32, #tpu.memory_space<vmem>>, vector<1x16xf32>,
      %swap3A_81 = vector.shape_cast %swap3A_80 : vector<1x16xf32> to vector<16xf32>
      %swap3A_82 = vector.shape_cast %broadcast_in_dim3A_1 : vector<16xf32> to vector<1x16xf32>
      tpu.vector_store %arg17[%swap3A, %swap3A_79], %swap3A_82 {strides = array<i32>} : memref<32x128xf32, #tpu.memory_space<vmem>>, vector<1x16xf32>,
      %swap3A_83 = arith.index_cast %add3A_78 : i32 to index
      %swap3A_84 = arith.constant 16 : index
      %swap3A_85 = tpu.vector_load %arg17[%swap3A_83, %swap3A_84] {strides = array<i32>} : memref<32x128xf32, #tpu.memory_space<vmem>>, vector<1x16xf32>,
      %swap3A_86 = vector.shape_cast %swap3A_85 : vector<1x16xf32> to vector<16xf32>
      %swap3A_87 = vector.shape_cast %broadcast_in_dim3A_1 : vector<16xf32> to vector<1x16xf32>
      tpu.vector_store %arg17[%swap3A_83, %swap3A_84], %swap3A_87 {strides = array<i32>} : memref<32x128xf32, #tpu.memory_space<vmem>>, vector<1x16xf32>,
      %swap3A_88 = arith.index_cast %add3A_78 : i32 to index
      %swap3A_89 = arith.constant 32 : index
      %swap3A_90 = tpu.vector_load %arg17[%swap3A_88, %swap3A_89] {strides = array<i32>} : memref<32x128xf32, #tpu.memory_space<vmem>>, vector<1x16xf32>,
      %swap3A_91 = vector.shape_cast %swap3A_90 : vector<1x16xf32> to vector<16xf32>
      %swap3A_92 = vector.shape_cast %broadcast_in_dim3A_1 : vector<16xf32> to vector<1x16xf32>
      tpu.vector_store %arg17[%swap3A_88, %swap3A_89], %swap3A_92 {strides = array<i32>} : memref<32x128xf32, #tpu.memory_space<vmem>>, vector<1x16xf32>,
      %swap3A_93 = arith.index_cast %add3A_78 : i32 to index
      %swap3A_94 = arith.constant 48 : index
      %swap3A_95 = tpu.vector_load %arg17[%swap3A_93, %swap3A_94] {strides = array<i32>} : memref<32x128xf32, #tpu.memory_space<vmem>>, vector<1x16xf32>,
      %swap3A_96 = vector.shape_cast %swap3A_95 : vector<1x16xf32> to vector<16xf32>
      %swap3A_97 = vector.shape_cast %broadcast_in_dim3A_1 : vector<16xf32> to vector<1x16xf32>
      tpu.vector_store %arg17[%swap3A_93, %swap3A_94], %swap3A_97 {strides = array<i32>} : memref<32x128xf32, #tpu.memory_space<vmem>>, vector<1x16xf32>,
      %swap3A_98 = arith.index_cast %add3A_78 : i32 to index
      %swap3A_99 = arith.constant 64 : index
      %swap3A_100 = tpu.vector_load %arg17[%swap3A_98, %swap3A_99] {strides = array<i32>} : memref<32x128xf32, #tpu.memory_space<vmem>>, vector<1x16xf32>,
      %swap3A_101 = vector.shape_cast %swap3A_100 : vector<1x16xf32> to vector<16xf32>
      %swap3A_102 = vector.shape_cast %broadcast_in_dim3A_1 : vector<16xf32> to vector<1x16xf32>
      tpu.vector_store %arg17[%swap3A_98, %swap3A_99], %swap3A_102 {strides = array<i32>} : memref<32x128xf32, #tpu.memory_space<vmem>>, vector<1x16xf32>,
      %swap3A_103 = arith.index_cast %add3A_78 : i32 to index
      %swap3A_104 = arith.constant 80 : index
      %swap3A_105 = tpu.vector_load %arg17[%swap3A_103, %swap3A_104] {strides = array<i32>} : memref<32x128xf32, #tpu.memory_space<vmem>>, vector<1x16xf32>,
      %swap3A_106 = vector.shape_cast %swap3A_105 : vector<1x16xf32> to vector<16xf32>
      %swap3A_107 = vector.shape_cast %broadcast_in_dim3A_1 : vector<16xf32> to vector<1x16xf32>
      tpu.vector_store %arg17[%swap3A_103, %swap3A_104], %swap3A_107 {strides = array<i32>} : memref<32x128xf32, #tpu.memory_space<vmem>>, vector<1x16xf32>,
      %swap3A_108 = arith.index_cast %add3A_78 : i32 to index
      %swap3A_109 = arith.constant 96 : index
      %swap3A_110 = tpu.vector_load %arg17[%swap3A_108, %swap3A_109] {strides = array<i32>} : memref<32x128xf32, #tpu.memory_space<vmem>>, vector<1x16xf32>,
      %swap3A_111 = vector.shape_cast %swap3A_110 : vector<1x16xf32> to vector<16xf32>
      %swap3A_112 = vector.shape_cast %broadcast_in_dim3A_1 : vector<16xf32> to vector<1x16xf32>
      tpu.vector_store %arg17[%swap3A_108, %swap3A_109], %swap3A_112 {strides = array<i32>} : memref<32x128xf32, #tpu.memory_space<vmem>>, vector<1x16xf32>,
      %swap3A_113 = arith.index_cast %add3A_78 : i32 to index
      %swap3A_114 = arith.constant 112 : index
      %swap3A_115 = tpu.vector_load %arg17[%swap3A_113, %swap3A_114] {strides = array<i32>} : memref<32x128xf32, #tpu.memory_space<vmem>>, vector<1x16xf32>,
      %swap3A_116 = vector.shape_cast %swap3A_115 : vector<1x16xf32> to vector<16xf32>
      %swap3A_117 = vector.shape_cast %broadcast_in_dim3A_1 : vector<16xf32> to vector<1x16xf32>
      tpu.vector_store %arg17[%swap3A_113, %swap3A_114], %swap3A_117 {strides = array<i32>} : memref<32x128xf32, #tpu.memory_space<vmem>>, vector<1x16xf32>,
    }
    %scan3A_5 = arith.constant 32 : i32
    %mul3A_6 = arith.constant 632 : i32
    %mul3A_7 = arith.muli %arg1, %mul3A_6 : i32
    %add3A_8 = arith.constant 0 : i32
    %add3A_9 = arith.addi %mul3A_7, %add3A_8 : i32
    "tpu.region"() ({
      %run_scoped3A = tpu.sem_alloc : memref<!tpu.dma_semaphore, #tpu.memory_space<semaphore_mem>>
      %dma_start3A = arith.constant 0 : i32
      %dma_start3A_74 = tpu.memref_slice %arg19[%add3A_9, %dma_start3A] : memref<10112x128xf32, #tpu.memory_space<vmem_shared>> -> memref<32x128xf32, #tpu.memory_space<vmem_shared>>
      %dma_start3A_75 = arith.constant 0 : i32
      %dma_start3A_76 = tpu.memref_slice %arg19[%add3A_9, %dma_start3A_75] : memref<10112x128xf32, #tpu.memory_space<vmem_shared>> -> memref<32x128xf32, #tpu.memory_space<vmem_shared>>
      tpu.enqueue_dma source(%arg17 : memref<32x128xf32, #tpu.memory_space<vmem>>) target(%dma_start3A_76 : memref<32x128xf32, #tpu.memory_space<vmem_shared>>) target_semaphore(%run_scoped3A : memref<!tpu.dma_semaphore, #tpu.memory_space<semaphore_mem>>)
      %dma_wait3A = arith.constant 0 : i32
      %dma_wait3A_77 = tpu.memref_slice %arg19[%add3A_9, %dma_wait3A] : memref<10112x128xf32, #tpu.memory_space<vmem_shared>> -> memref<32x128xf32, #tpu.memory_space<vmem_shared>>
      %dma_wait3A_78 = arith.constant 0 : i32
      %dma_wait3A_79 = tpu.memref_slice %arg19[%add3A_9, %dma_wait3A_78] : memref<10112x128xf32, #tpu.memory_space<vmem_shared>> -> memref<32x128xf32, #tpu.memory_space<vmem_shared>>
      tpu.wait_dma2 semaphore(%run_scoped3A : memref<!tpu.dma_semaphore, #tpu.memory_space<semaphore_mem>>) src(%arg17 : memref<32x128xf32, #tpu.memory_space<vmem>>) dst(%dma_wait3A_79 : memref<32x128xf32, #tpu.memory_space<vmem_shared>>)
      tpu.yield
    }) : () -> ()
    %add3A_10 = arith.constant 32 : i32
    %add3A_11 = arith.addi %mul3A_7, %add3A_10 : i32
    "tpu.region"() ({
      %run_scoped3A = tpu.sem_alloc : memref<!tpu.dma_semaphore, #tpu.memory_space<semaphore_mem>>
      %dma_start3A = arith.constant 0 : i32
      %dma_start3A_74 = tpu.memref_slice %arg19[%add3A_11, %dma_start3A] : memref<10112x128xf32, #tpu.memory_space<vmem_shared>> -> memref<32x128xf32, #tpu.memory_space<vmem_shared>>
      %dma_start3A_75 = arith.constant 0 : i32
      %dma_start3A_76 = tpu.memref_slice %arg19[%add3A_11, %dma_start3A_75] : memref<10112x128xf32, #tpu.memory_space<vmem_shared>> -> memref<32x128xf32, #tpu.memory_space<vmem_shared>>
      tpu.enqueue_dma source(%arg17 : memref<32x128xf32, #tpu.memory_space<vmem>>) target(%dma_start3A_76 : memref<32x128xf32, #tpu.memory_space<vmem_shared>>) target_semaphore(%run_scoped3A : memref<!tpu.dma_semaphore, #tpu.memory_space<semaphore_mem>>)
      %dma_wait3A = arith.constant 0 : i32
      %dma_wait3A_77 = tpu.memref_slice %arg19[%add3A_11, %dma_wait3A] : memref<10112x128xf32, #tpu.memory_space<vmem_shared>> -> memref<32x128xf32, #tpu.memory_space<vmem_shared>>
      %dma_wait3A_78 = arith.constant 0 : i32
      %dma_wait3A_79 = tpu.memref_slice %arg19[%add3A_11, %dma_wait3A_78] : memref<10112x128xf32, #tpu.memory_space<vmem_shared>> -> memref<32x128xf32, #tpu.memory_space<vmem_shared>>
      tpu.wait_dma2 semaphore(%run_scoped3A : memref<!tpu.dma_semaphore, #tpu.memory_space<semaphore_mem>>) src(%arg17 : memref<32x128xf32, #tpu.memory_space<vmem>>) dst(%dma_wait3A_79 : memref<32x128xf32, #tpu.memory_space<vmem_shared>>)
      tpu.yield
    }) : () -> ()
    %add3A_12 = arith.constant 64 : i32
    %add3A_13 = arith.addi %mul3A_7, %add3A_12 : i32
    "tpu.region"() ({
      %run_scoped3A = tpu.sem_alloc : memref<!tpu.dma_semaphore, #tpu.memory_space<semaphore_mem>>
      %dma_start3A = arith.constant 0 : i32
      %dma_start3A_74 = tpu.memref_slice %arg19[%add3A_13, %dma_start3A] : memref<10112x128xf32, #tpu.memory_space<vmem_shared>> -> memref<32x128xf32, #tpu.memory_space<vmem_shared>>
      %dma_start3A_75 = arith.constant 0 : i32
      %dma_start3A_76 = tpu.memref_slice %arg19[%add3A_13, %dma_start3A_75] : memref<10112x128xf32, #tpu.memory_space<vmem_shared>> -> memref<32x128xf32, #tpu.memory_space<vmem_shared>>
      tpu.enqueue_dma source(%arg17 : memref<32x128xf32, #tpu.memory_space<vmem>>) target(%dma_start3A_76 : memref<32x128xf32, #tpu.memory_space<vmem_shared>>) target_semaphore(%run_scoped3A : memref<!tpu.dma_semaphore, #tpu.memory_space<semaphore_mem>>)
      %dma_wait3A = arith.constant 0 : i32
      %dma_wait3A_77 = tpu.memref_slice %arg19[%add3A_13, %dma_wait3A] : memref<10112x128xf32, #tpu.memory_space<vmem_shared>> -> memref<32x128xf32, #tpu.memory_space<vmem_shared>>
      %dma_wait3A_78 = arith.constant 0 : i32
      %dma_wait3A_79 = tpu.memref_slice %arg19[%add3A_13, %dma_wait3A_78] : memref<10112x128xf32, #tpu.memory_space<vmem_shared>> -> memref<32x128xf32, #tpu.memory_space<vmem_shared>>
      tpu.wait_dma2 semaphore(%run_scoped3A : memref<!tpu.dma_semaphore, #tpu.memory_space<semaphore_mem>>) src(%arg17 : memref<32x128xf32, #tpu.memory_space<vmem>>) dst(%dma_wait3A_79 : memref<32x128xf32, #tpu.memory_space<vmem_shared>>)
      tpu.yield
    }) : () -> ()
    %add3A_14 = arith.constant 96 : i32
    %add3A_15 = arith.addi %mul3A_7, %add3A_14 : i32
    "tpu.region"() ({
      %run_scoped3A = tpu.sem_alloc : memref<!tpu.dma_semaphore, #tpu.memory_space<semaphore_mem>>
      %dma_start3A = arith.constant 0 : i32
      %dma_start3A_74 = tpu.memref_slice %arg19[%add3A_15, %dma_start3A] : memref<10112x128xf32, #tpu.memory_space<vmem_shared>> -> memref<32x128xf32, #tpu.memory_space<vmem_shared>>
      %dma_start3A_75 = arith.constant 0 : i32
      %dma_start3A_76 = tpu.memref_slice %arg19[%add3A_15, %dma_start3A_75] : memref<10112x128xf32, #tpu.memory_space<vmem_shared>> -> memref<32x128xf32, #tpu.memory_space<vmem_shared>>
      tpu.enqueue_dma source(%arg17 : memref<32x128xf32, #tpu.memory_space<vmem>>) target(%dma_start3A_76 : memref<32x128xf32, #tpu.memory_space<vmem_shared>>) target_semaphore(%run_scoped3A : memref<!tpu.dma_semaphore, #tpu.memory_space<semaphore_mem>>)
      %dma_wait3A = arith.constant 0 : i32
      %dma_wait3A_77 = tpu.memref_slice %arg19[%add3A_15, %dma_wait3A] : memref<10112x128xf32, #tpu.memory_space<vmem_shared>> -> memref<32x128xf32, #tpu.memory_space<vmem_shared>>
      %dma_wait3A_78 = arith.constant 0 : i32
      %dma_wait3A_79 = tpu.memref_slice %arg19[%add3A_15, %dma_wait3A_78] : memref<10112x128xf32, #tpu.memory_space<vmem_shared>> -> memref<32x128xf32, #tpu.memory_space<vmem_shared>>
      tpu.wait_dma2 semaphore(%run_scoped3A : memref<!tpu.dma_semaphore, #tpu.memory_space<semaphore_mem>>) src(%arg17 : memref<32x128xf32, #tpu.memory_space<vmem>>) dst(%dma_wait3A_79 : memref<32x128xf32, #tpu.memory_space<vmem_shared>>)
      tpu.yield
    }) : () -> ()
    %add3A_16 = arith.constant 128 : i32
    %add3A_17 = arith.addi %mul3A_7, %add3A_16 : i32
    "tpu.region"() ({
      %run_scoped3A = tpu.sem_alloc : memref<!tpu.dma_semaphore, #tpu.memory_space<semaphore_mem>>
      %dma_start3A = arith.constant 0 : i32
      %dma_start3A_74 = tpu.memref_slice %arg19[%add3A_17, %dma_start3A] : memref<10112x128xf32, #tpu.memory_space<vmem_shared>> -> memref<32x128xf32, #tpu.memory_space<vmem_shared>>
      %dma_start3A_75 = arith.constant 0 : i32
      %dma_start3A_76 = tpu.memref_slice %arg19[%add3A_17, %dma_start3A_75] : memref<10112x128xf32, #tpu.memory_space<vmem_shared>> -> memref<32x128xf32, #tpu.memory_space<vmem_shared>>
      tpu.enqueue_dma source(%arg17 : memref<32x128xf32, #tpu.memory_space<vmem>>) target(%dma_start3A_76 : memref<32x128xf32, #tpu.memory_space<vmem_shared>>) target_semaphore(%run_scoped3A : memref<!tpu.dma_semaphore, #tpu.memory_space<semaphore_mem>>)
      %dma_wait3A = arith.constant 0 : i32
      %dma_wait3A_77 = tpu.memref_slice %arg19[%add3A_17, %dma_wait3A] : memref<10112x128xf32, #tpu.memory_space<vmem_shared>> -> memref<32x128xf32, #tpu.memory_space<vmem_shared>>
      %dma_wait3A_78 = arith.constant 0 : i32
      %dma_wait3A_79 = tpu.memref_slice %arg19[%add3A_17, %dma_wait3A_78] : memref<10112x128xf32, #tpu.memory_space<vmem_shared>> -> memref<32x128xf32, #tpu.memory_space<vmem_shared>>
      tpu.wait_dma2 semaphore(%run_scoped3A : memref<!tpu.dma_semaphore, #tpu.memory_space<semaphore_mem>>) src(%arg17 : memref<32x128xf32, #tpu.memory_space<vmem>>) dst(%dma_wait3A_79 : memref<32x128xf32, #tpu.memory_space<vmem_shared>>)
      tpu.yield
    }) : () -> ()
    %add3A_18 = arith.constant 160 : i32
    %add3A_19 = arith.addi %mul3A_7, %add3A_18 : i32
    "tpu.region"() ({
      %run_scoped3A = tpu.sem_alloc : memref<!tpu.dma_semaphore, #tpu.memory_space<semaphore_mem>>
      %dma_start3A = arith.constant 0 : i32
      %dma_start3A_74 = tpu.memref_slice %arg19[%add3A_19, %dma_start3A] : memref<10112x128xf32, #tpu.memory_space<vmem_shared>> -> memref<32x128xf32, #tpu.memory_space<vmem_shared>>
      %dma_start3A_75 = arith.constant 0 : i32
      %dma_start3A_76 = tpu.memref_slice %arg19[%add3A_19, %dma_start3A_75] : memref<10112x128xf32, #tpu.memory_space<vmem_shared>> -> memref<32x128xf32, #tpu.memory_space<vmem_shared>>
      tpu.enqueue_dma source(%arg17 : memref<32x128xf32, #tpu.memory_space<vmem>>) target(%dma_start3A_76 : memref<32x128xf32, #tpu.memory_space<vmem_shared>>) target_semaphore(%run_scoped3A : memref<!tpu.dma_semaphore, #tpu.memory_space<semaphore_mem>>)
      %dma_wait3A = arith.constant 0 : i32
      %dma_wait3A_77 = tpu.memref_slice %arg19[%add3A_19, %dma_wait3A] : memref<10112x128xf32, #tpu.memory_space<vmem_shared>> -> memref<32x128xf32, #tpu.memory_space<vmem_shared>>
      %dma_wait3A_78 = arith.constant 0 : i32
      %dma_wait3A_79 = tpu.memref_slice %arg19[%add3A_19, %dma_wait3A_78] : memref<10112x128xf32, #tpu.memory_space<vmem_shared>> -> memref<32x128xf32, #tpu.memory_space<vmem_shared>>
      tpu.wait_dma2 semaphore(%run_scoped3A : memref<!tpu.dma_semaphore, #tpu.memory_space<semaphore_mem>>) src(%arg17 : memref<32x128xf32, #tpu.memory_space<vmem>>) dst(%dma_wait3A_79 : memref<32x128xf32, #tpu.memory_space<vmem_shared>>)
      tpu.yield
    }) : () -> ()
    %add3A_20 = arith.constant 192 : i32
    %add3A_21 = arith.addi %mul3A_7, %add3A_20 : i32
    "tpu.region"() ({
      %run_scoped3A = tpu.sem_alloc : memref<!tpu.dma_semaphore, #tpu.memory_space<semaphore_mem>>
      %dma_start3A = arith.constant 0 : i32
      %dma_start3A_74 = tpu.memref_slice %arg19[%add3A_21, %dma_start3A] : memref<10112x128xf32, #tpu.memory_space<vmem_shared>> -> memref<32x128xf32, #tpu.memory_space<vmem_shared>>
      %dma_start3A_75 = arith.constant 0 : i32
      %dma_start3A_76 = tpu.memref_slice %arg19[%add3A_21, %dma_start3A_75] : memref<10112x128xf32, #tpu.memory_space<vmem_shared>> -> memref<32x128xf32, #tpu.memory_space<vmem_shared>>
      tpu.enqueue_dma source(%arg17 : memref<32x128xf32, #tpu.memory_space<vmem>>) target(%dma_start3A_76 : memref<32x128xf32, #tpu.memory_space<vmem_shared>>) target_semaphore(%run_scoped3A : memref<!tpu.dma_semaphore, #tpu.memory_space<semaphore_mem>>)
      %dma_wait3A = arith.constant 0 : i32
      %dma_wait3A_77 = tpu.memref_slice %arg19[%add3A_21, %dma_wait3A] : memref<10112x128xf32, #tpu.memory_space<vmem_shared>> -> memref<32x128xf32, #tpu.memory_space<vmem_shared>>
      %dma_wait3A_78 = arith.constant 0 : i32
      %dma_wait3A_79 = tpu.memref_slice %arg19[%add3A_21, %dma_wait3A_78] : memref<10112x128xf32, #tpu.memory_space<vmem_shared>> -> memref<32x128xf32, #tpu.memory_space<vmem_shared>>
      tpu.wait_dma2 semaphore(%run_scoped3A : memref<!tpu.dma_semaphore, #tpu.memory_space<semaphore_mem>>) src(%arg17 : memref<32x128xf32, #tpu.memory_space<vmem>>) dst(%dma_wait3A_79 : memref<32x128xf32, #tpu.memory_space<vmem_shared>>)
      tpu.yield
    }) : () -> ()
    %add3A_22 = arith.constant 224 : i32
    %add3A_23 = arith.addi %mul3A_7, %add3A_22 : i32
    "tpu.region"() ({
      %run_scoped3A = tpu.sem_alloc : memref<!tpu.dma_semaphore, #tpu.memory_space<semaphore_mem>>
      %dma_start3A = arith.constant 0 : i32
      %dma_start3A_74 = tpu.memref_slice %arg19[%add3A_23, %dma_start3A] : memref<10112x128xf32, #tpu.memory_space<vmem_shared>> -> memref<32x128xf32, #tpu.memory_space<vmem_shared>>
      %dma_start3A_75 = arith.constant 0 : i32
      %dma_start3A_76 = tpu.memref_slice %arg19[%add3A_23, %dma_start3A_75] : memref<10112x128xf32, #tpu.memory_space<vmem_shared>> -> memref<32x128xf32, #tpu.memory_space<vmem_shared>>
      tpu.enqueue_dma source(%arg17 : memref<32x128xf32, #tpu.memory_space<vmem>>) target(%dma_start3A_76 : memref<32x128xf32, #tpu.memory_space<vmem_shared>>) target_semaphore(%run_scoped3A : memref<!tpu.dma_semaphore, #tpu.memory_space<semaphore_mem>>)
      %dma_wait3A = arith.constant 0 : i32
      %dma_wait3A_77 = tpu.memref_slice %arg19[%add3A_23, %dma_wait3A] : memref<10112x128xf32, #tpu.memory_space<vmem_shared>> -> memref<32x128xf32, #tpu.memory_space<vmem_shared>>
      %dma_wait3A_78 = arith.constant 0 : i32
      %dma_wait3A_79 = tpu.memref_slice %arg19[%add3A_23, %dma_wait3A_78] : memref<10112x128xf32, #tpu.memory_space<vmem_shared>> -> memref<32x128xf32, #tpu.memory_space<vmem_shared>>
      tpu.wait_dma2 semaphore(%run_scoped3A : memref<!tpu.dma_semaphore, #tpu.memory_space<semaphore_mem>>) src(%arg17 : memref<32x128xf32, #tpu.memory_space<vmem>>) dst(%dma_wait3A_79 : memref<32x128xf32, #tpu.memory_space<vmem_shared>>)
      tpu.yield
    }) : () -> ()
    %add3A_24 = arith.constant 256 : i32
    %add3A_25 = arith.addi %mul3A_7, %add3A_24 : i32
    "tpu.region"() ({
      %run_scoped3A = tpu.sem_alloc : memref<!tpu.dma_semaphore, #tpu.memory_space<semaphore_mem>>
      %dma_start3A = arith.constant 0 : i32
      %dma_start3A_74 = tpu.memref_slice %arg19[%add3A_25, %dma_start3A] : memref<10112x128xf32, #tpu.memory_space<vmem_shared>> -> memref<32x128xf32, #tpu.memory_space<vmem_shared>>
      %dma_start3A_75 = arith.constant 0 : i32
      %dma_start3A_76 = tpu.memref_slice %arg19[%add3A_25, %dma_start3A_75] : memref<10112x128xf32, #tpu.memory_space<vmem_shared>> -> memref<32x128xf32, #tpu.memory_space<vmem_shared>>
      tpu.enqueue_dma source(%arg17 : memref<32x128xf32, #tpu.memory_space<vmem>>) target(%dma_start3A_76 : memref<32x128xf32, #tpu.memory_space<vmem_shared>>) target_semaphore(%run_scoped3A : memref<!tpu.dma_semaphore, #tpu.memory_space<semaphore_mem>>)
      %dma_wait3A = arith.constant 0 : i32
      %dma_wait3A_77 = tpu.memref_slice %arg19[%add3A_25, %dma_wait3A] : memref<10112x128xf32, #tpu.memory_space<vmem_shared>> -> memref<32x128xf32, #tpu.memory_space<vmem_shared>>
      %dma_wait3A_78 = arith.constant 0 : i32
      %dma_wait3A_79 = tpu.memref_slice %arg19[%add3A_25, %dma_wait3A_78] : memref<10112x128xf32, #tpu.memory_space<vmem_shared>> -> memref<32x128xf32, #tpu.memory_space<vmem_shared>>
      tpu.wait_dma2 semaphore(%run_scoped3A : memref<!tpu.dma_semaphore, #tpu.memory_space<semaphore_mem>>) src(%arg17 : memref<32x128xf32, #tpu.memory_space<vmem>>) dst(%dma_wait3A_79 : memref<32x128xf32, #tpu.memory_space<vmem_shared>>)
      tpu.yield
    }) : () -> ()
    %add3A_26 = arith.constant 288 : i32
    %add3A_27 = arith.addi %mul3A_7, %add3A_26 : i32
    "tpu.region"() ({
      %run_scoped3A = tpu.sem_alloc : memref<!tpu.dma_semaphore, #tpu.memory_space<semaphore_mem>>
      %dma_start3A = arith.constant 0 : i32
      %dma_start3A_74 = tpu.memref_slice %arg19[%add3A_27, %dma_start3A] : memref<10112x128xf32, #tpu.memory_space<vmem_shared>> -> memref<32x128xf32, #tpu.memory_space<vmem_shared>>
      %dma_start3A_75 = arith.constant 0 : i32
      %dma_start3A_76 = tpu.memref_slice %arg19[%add3A_27, %dma_start3A_75] : memref<10112x128xf32, #tpu.memory_space<vmem_shared>> -> memref<32x128xf32, #tpu.memory_space<vmem_shared>>
      tpu.enqueue_dma source(%arg17 : memref<32x128xf32, #tpu.memory_space<vmem>>) target(%dma_start3A_76 : memref<32x128xf32, #tpu.memory_space<vmem_shared>>) target_semaphore(%run_scoped3A : memref<!tpu.dma_semaphore, #tpu.memory_space<semaphore_mem>>)
      %dma_wait3A = arith.constant 0 : i32
      %dma_wait3A_77 = tpu.memref_slice %arg19[%add3A_27, %dma_wait3A] : memref<10112x128xf32, #tpu.memory_space<vmem_shared>> -> memref<32x128xf32, #tpu.memory_space<vmem_shared>>
      %dma_wait3A_78 = arith.constant 0 : i32
      %dma_wait3A_79 = tpu.memref_slice %arg19[%add3A_27, %dma_wait3A_78] : memref<10112x128xf32, #tpu.memory_space<vmem_shared>> -> memref<32x128xf32, #tpu.memory_space<vmem_shared>>
      tpu.wait_dma2 semaphore(%run_scoped3A : memref<!tpu.dma_semaphore, #tpu.memory_space<semaphore_mem>>) src(%arg17 : memref<32x128xf32, #tpu.memory_space<vmem>>) dst(%dma_wait3A_79 : memref<32x128xf32, #tpu.memory_space<vmem_shared>>)
      tpu.yield
    }) : () -> ()
    %add3A_28 = arith.constant 320 : i32
    %add3A_29 = arith.addi %mul3A_7, %add3A_28 : i32
    "tpu.region"() ({
      %run_scoped3A = tpu.sem_alloc : memref<!tpu.dma_semaphore, #tpu.memory_space<semaphore_mem>>
      %dma_start3A = arith.constant 0 : i32
      %dma_start3A_74 = tpu.memref_slice %arg19[%add3A_29, %dma_start3A] : memref<10112x128xf32, #tpu.memory_space<vmem_shared>> -> memref<32x128xf32, #tpu.memory_space<vmem_shared>>
      %dma_start3A_75 = arith.constant 0 : i32
      %dma_start3A_76 = tpu.memref_slice %arg19[%add3A_29, %dma_start3A_75] : memref<10112x128xf32, #tpu.memory_space<vmem_shared>> -> memref<32x128xf32, #tpu.memory_space<vmem_shared>>
      tpu.enqueue_dma source(%arg17 : memref<32x128xf32, #tpu.memory_space<vmem>>) target(%dma_start3A_76 : memref<32x128xf32, #tpu.memory_space<vmem_shared>>) target_semaphore(%run_scoped3A : memref<!tpu.dma_semaphore, #tpu.memory_space<semaphore_mem>>)
      %dma_wait3A = arith.constant 0 : i32
      %dma_wait3A_77 = tpu.memref_slice %arg19[%add3A_29, %dma_wait3A] : memref<10112x128xf32, #tpu.memory_space<vmem_shared>> -> memref<32x128xf32, #tpu.memory_space<vmem_shared>>
      %dma_wait3A_78 = arith.constant 0 : i32
      %dma_wait3A_79 = tpu.memref_slice %arg19[%add3A_29, %dma_wait3A_78] : memref<10112x128xf32, #tpu.memory_space<vmem_shared>> -> memref<32x128xf32, #tpu.memory_space<vmem_shared>>
      tpu.wait_dma2 semaphore(%run_scoped3A : memref<!tpu.dma_semaphore, #tpu.memory_space<semaphore_mem>>) src(%arg17 : memref<32x128xf32, #tpu.memory_space<vmem>>) dst(%dma_wait3A_79 : memref<32x128xf32, #tpu.memory_space<vmem_shared>>)
      tpu.yield
    }) : () -> ()
    %add3A_30 = arith.constant 352 : i32
    %add3A_31 = arith.addi %mul3A_7, %add3A_30 : i32
    "tpu.region"() ({
      %run_scoped3A = tpu.sem_alloc : memref<!tpu.dma_semaphore, #tpu.memory_space<semaphore_mem>>
      %dma_start3A = arith.constant 0 : i32
      %dma_start3A_74 = tpu.memref_slice %arg19[%add3A_31, %dma_start3A] : memref<10112x128xf32, #tpu.memory_space<vmem_shared>> -> memref<32x128xf32, #tpu.memory_space<vmem_shared>>
      %dma_start3A_75 = arith.constant 0 : i32
      %dma_start3A_76 = tpu.memref_slice %arg19[%add3A_31, %dma_start3A_75] : memref<10112x128xf32, #tpu.memory_space<vmem_shared>> -> memref<32x128xf32, #tpu.memory_space<vmem_shared>>
      tpu.enqueue_dma source(%arg17 : memref<32x128xf32, #tpu.memory_space<vmem>>) target(%dma_start3A_76 : memref<32x128xf32, #tpu.memory_space<vmem_shared>>) target_semaphore(%run_scoped3A : memref<!tpu.dma_semaphore, #tpu.memory_space<semaphore_mem>>)
      %dma_wait3A = arith.constant 0 : i32
      %dma_wait3A_77 = tpu.memref_slice %arg19[%add3A_31, %dma_wait3A] : memref<10112x128xf32, #tpu.memory_space<vmem_shared>> -> memref<32x128xf32, #tpu.memory_space<vmem_shared>>
      %dma_wait3A_78 = arith.constant 0 : i32
      %dma_wait3A_79 = tpu.memref_slice %arg19[%add3A_31, %dma_wait3A_78] : memref<10112x128xf32, #tpu.memory_space<vmem_shared>> -> memref<32x128xf32, #tpu.memory_space<vmem_shared>>
      tpu.wait_dma2 semaphore(%run_scoped3A : memref<!tpu.dma_semaphore, #tpu.memory_space<semaphore_mem>>) src(%arg17 : memref<32x128xf32, #tpu.memory_space<vmem>>) dst(%dma_wait3A_79 : memref<32x128xf32, #tpu.memory_space<vmem_shared>>)
      tpu.yield
    }) : () -> ()
    %add3A_32 = arith.constant 384 : i32
    %add3A_33 = arith.addi %mul3A_7, %add3A_32 : i32
    "tpu.region"() ({
      %run_scoped3A = tpu.sem_alloc : memref<!tpu.dma_semaphore, #tpu.memory_space<semaphore_mem>>
      %dma_start3A = arith.constant 0 : i32
      %dma_start3A_74 = tpu.memref_slice %arg19[%add3A_33, %dma_start3A] : memref<10112x128xf32, #tpu.memory_space<vmem_shared>> -> memref<32x128xf32, #tpu.memory_space<vmem_shared>>
      %dma_start3A_75 = arith.constant 0 : i32
      %dma_start3A_76 = tpu.memref_slice %arg19[%add3A_33, %dma_start3A_75] : memref<10112x128xf32, #tpu.memory_space<vmem_shared>> -> memref<32x128xf32, #tpu.memory_space<vmem_shared>>
      tpu.enqueue_dma source(%arg17 : memref<32x128xf32, #tpu.memory_space<vmem>>) target(%dma_start3A_76 : memref<32x128xf32, #tpu.memory_space<vmem_shared>>) target_semaphore(%run_scoped3A : memref<!tpu.dma_semaphore, #tpu.memory_space<semaphore_mem>>)
      %dma_wait3A = arith.constant 0 : i32
      %dma_wait3A_77 = tpu.memref_slice %arg19[%add3A_33, %dma_wait3A] : memref<10112x128xf32, #tpu.memory_space<vmem_shared>> -> memref<32x128xf32, #tpu.memory_space<vmem_shared>>
      %dma_wait3A_78 = arith.constant 0 : i32
      %dma_wait3A_79 = tpu.memref_slice %arg19[%add3A_33, %dma_wait3A_78] : memref<10112x128xf32, #tpu.memory_space<vmem_shared>> -> memref<32x128xf32, #tpu.memory_space<vmem_shared>>
      tpu.wait_dma2 semaphore(%run_scoped3A : memref<!tpu.dma_semaphore, #tpu.memory_space<semaphore_mem>>) src(%arg17 : memref<32x128xf32, #tpu.memory_space<vmem>>) dst(%dma_wait3A_79 : memref<32x128xf32, #tpu.memory_space<vmem_shared>>)
      tpu.yield
    }) : () -> ()
    %add3A_34 = arith.constant 416 : i32
    %add3A_35 = arith.addi %mul3A_7, %add3A_34 : i32
    "tpu.region"() ({
      %run_scoped3A = tpu.sem_alloc : memref<!tpu.dma_semaphore, #tpu.memory_space<semaphore_mem>>
      %dma_start3A = arith.constant 0 : i32
      %dma_start3A_74 = tpu.memref_slice %arg19[%add3A_35, %dma_start3A] : memref<10112x128xf32, #tpu.memory_space<vmem_shared>> -> memref<32x128xf32, #tpu.memory_space<vmem_shared>>
      %dma_start3A_75 = arith.constant 0 : i32
      %dma_start3A_76 = tpu.memref_slice %arg19[%add3A_35, %dma_start3A_75] : memref<10112x128xf32, #tpu.memory_space<vmem_shared>> -> memref<32x128xf32, #tpu.memory_space<vmem_shared>>
      tpu.enqueue_dma source(%arg17 : memref<32x128xf32, #tpu.memory_space<vmem>>) target(%dma_start3A_76 : memref<32x128xf32, #tpu.memory_space<vmem_shared>>) target_semaphore(%run_scoped3A : memref<!tpu.dma_semaphore, #tpu.memory_space<semaphore_mem>>)
      %dma_wait3A = arith.constant 0 : i32
      %dma_wait3A_77 = tpu.memref_slice %arg19[%add3A_35, %dma_wait3A] : memref<10112x128xf32, #tpu.memory_space<vmem_shared>> -> memref<32x128xf32, #tpu.memory_space<vmem_shared>>
      %dma_wait3A_78 = arith.constant 0 : i32
      %dma_wait3A_79 = tpu.memref_slice %arg19[%add3A_35, %dma_wait3A_78] : memref<10112x128xf32, #tpu.memory_space<vmem_shared>> -> memref<32x128xf32, #tpu.memory_space<vmem_shared>>
      tpu.wait_dma2 semaphore(%run_scoped3A : memref<!tpu.dma_semaphore, #tpu.memory_space<semaphore_mem>>) src(%arg17 : memref<32x128xf32, #tpu.memory_space<vmem>>) dst(%dma_wait3A_79 : memref<32x128xf32, #tpu.memory_space<vmem_shared>>)
      tpu.yield
    }) : () -> ()
    %add3A_36 = arith.constant 448 : i32
    %add3A_37 = arith.addi %mul3A_7, %add3A_36 : i32
    "tpu.region"() ({
      %run_scoped3A = tpu.sem_alloc : memref<!tpu.dma_semaphore, #tpu.memory_space<semaphore_mem>>
      %dma_start3A = arith.constant 0 : i32
      %dma_start3A_74 = tpu.memref_slice %arg19[%add3A_37, %dma_start3A] : memref<10112x128xf32, #tpu.memory_space<vmem_shared>> -> memref<32x128xf32, #tpu.memory_space<vmem_shared>>
      %dma_start3A_75 = arith.constant 0 : i32
      %dma_start3A_76 = tpu.memref_slice %arg19[%add3A_37, %dma_start3A_75] : memref<10112x128xf32, #tpu.memory_space<vmem_shared>> -> memref<32x128xf32, #tpu.memory_space<vmem_shared>>
      tpu.enqueue_dma source(%arg17 : memref<32x128xf32, #tpu.memory_space<vmem>>) target(%dma_start3A_76 : memref<32x128xf32, #tpu.memory_space<vmem_shared>>) target_semaphore(%run_scoped3A : memref<!tpu.dma_semaphore, #tpu.memory_space<semaphore_mem>>)
      %dma_wait3A = arith.constant 0 : i32
      %dma_wait3A_77 = tpu.memref_slice %arg19[%add3A_37, %dma_wait3A] : memref<10112x128xf32, #tpu.memory_space<vmem_shared>> -> memref<32x128xf32, #tpu.memory_space<vmem_shared>>
      %dma_wait3A_78 = arith.constant 0 : i32
      %dma_wait3A_79 = tpu.memref_slice %arg19[%add3A_37, %dma_wait3A_78] : memref<10112x128xf32, #tpu.memory_space<vmem_shared>> -> memref<32x128xf32, #tpu.memory_space<vmem_shared>>
      tpu.wait_dma2 semaphore(%run_scoped3A : memref<!tpu.dma_semaphore, #tpu.memory_space<semaphore_mem>>) src(%arg17 : memref<32x128xf32, #tpu.memory_space<vmem>>) dst(%dma_wait3A_79 : memref<32x128xf32, #tpu.memory_space<vmem_shared>>)
      tpu.yield
    }) : () -> ()
    %add3A_38 = arith.constant 480 : i32
    %add3A_39 = arith.addi %mul3A_7, %add3A_38 : i32
    "tpu.region"() ({
      %run_scoped3A = tpu.sem_alloc : memref<!tpu.dma_semaphore, #tpu.memory_space<semaphore_mem>>
      %dma_start3A = arith.constant 0 : i32
      %dma_start3A_74 = tpu.memref_slice %arg19[%add3A_39, %dma_start3A] : memref<10112x128xf32, #tpu.memory_space<vmem_shared>> -> memref<32x128xf32, #tpu.memory_space<vmem_shared>>
      %dma_start3A_75 = arith.constant 0 : i32
      %dma_start3A_76 = tpu.memref_slice %arg19[%add3A_39, %dma_start3A_75] : memref<10112x128xf32, #tpu.memory_space<vmem_shared>> -> memref<32x128xf32, #tpu.memory_space<vmem_shared>>
      tpu.enqueue_dma source(%arg17 : memref<32x128xf32, #tpu.memory_space<vmem>>) target(%dma_start3A_76 : memref<32x128xf32, #tpu.memory_space<vmem_shared>>) target_semaphore(%run_scoped3A : memref<!tpu.dma_semaphore, #tpu.memory_space<semaphore_mem>>)
      %dma_wait3A = arith.constant 0 : i32
      %dma_wait3A_77 = tpu.memref_slice %arg19[%add3A_39, %dma_wait3A] : memref<10112x128xf32, #tpu.memory_space<vmem_shared>> -> memref<32x128xf32, #tpu.memory_space<vmem_shared>>
      %dma_wait3A_78 = arith.constant 0 : i32
      %dma_wait3A_79 = tpu.memref_slice %arg19[%add3A_39, %dma_wait3A_78] : memref<10112x128xf32, #tpu.memory_space<vmem_shared>> -> memref<32x128xf32, #tpu.memory_space<vmem_shared>>
      tpu.wait_dma2 semaphore(%run_scoped3A : memref<!tpu.dma_semaphore, #tpu.memory_space<semaphore_mem>>) src(%arg17 : memref<32x128xf32, #tpu.memory_space<vmem>>) dst(%dma_wait3A_79 : memref<32x128xf32, #tpu.memory_space<vmem_shared>>)
      tpu.yield
    }) : () -> ()
    %add3A_40 = arith.constant 512 : i32
    %add3A_41 = arith.addi %mul3A_7, %add3A_40 : i32
    "tpu.region"() ({
      %run_scoped3A = tpu.sem_alloc : memref<!tpu.dma_semaphore, #tpu.memory_space<semaphore_mem>>
      %dma_start3A = arith.constant 0 : i32
      %dma_start3A_74 = tpu.memref_slice %arg19[%add3A_41, %dma_start3A] : memref<10112x128xf32, #tpu.memory_space<vmem_shared>> -> memref<32x128xf32, #tpu.memory_space<vmem_shared>>
      %dma_start3A_75 = arith.constant 0 : i32
      %dma_start3A_76 = tpu.memref_slice %arg19[%add3A_41, %dma_start3A_75] : memref<10112x128xf32, #tpu.memory_space<vmem_shared>> -> memref<32x128xf32, #tpu.memory_space<vmem_shared>>
      tpu.enqueue_dma source(%arg17 : memref<32x128xf32, #tpu.memory_space<vmem>>) target(%dma_start3A_76 : memref<32x128xf32, #tpu.memory_space<vmem_shared>>) target_semaphore(%run_scoped3A : memref<!tpu.dma_semaphore, #tpu.memory_space<semaphore_mem>>)
      %dma_wait3A = arith.constant 0 : i32
      %dma_wait3A_77 = tpu.memref_slice %arg19[%add3A_41, %dma_wait3A] : memref<10112x128xf32, #tpu.memory_space<vmem_shared>> -> memref<32x128xf32, #tpu.memory_space<vmem_shared>>
      %dma_wait3A_78 = arith.constant 0 : i32
      %dma_wait3A_79 = tpu.memref_slice %arg19[%add3A_41, %dma_wait3A_78] : memref<10112x128xf32, #tpu.memory_space<vmem_shared>> -> memref<32x128xf32, #tpu.memory_space<vmem_shared>>
      tpu.wait_dma2 semaphore(%run_scoped3A : memref<!tpu.dma_semaphore, #tpu.memory_space<semaphore_mem>>) src(%arg17 : memref<32x128xf32, #tpu.memory_space<vmem>>) dst(%dma_wait3A_79 : memref<32x128xf32, #tpu.memory_space<vmem_shared>>)
      tpu.yield
    }) : () -> ()
    %add3A_42 = arith.constant 544 : i32
    %add3A_43 = arith.addi %mul3A_7, %add3A_42 : i32
    "tpu.region"() ({
      %run_scoped3A = tpu.sem_alloc : memref<!tpu.dma_semaphore, #tpu.memory_space<semaphore_mem>>
      %dma_start3A = arith.constant 0 : i32
      %dma_start3A_74 = tpu.memref_slice %arg19[%add3A_43, %dma_start3A] : memref<10112x128xf32, #tpu.memory_space<vmem_shared>> -> memref<32x128xf32, #tpu.memory_space<vmem_shared>>
      %dma_start3A_75 = arith.constant 0 : i32
      %dma_start3A_76 = tpu.memref_slice %arg19[%add3A_43, %dma_start3A_75] : memref<10112x128xf32, #tpu.memory_space<vmem_shared>> -> memref<32x128xf32, #tpu.memory_space<vmem_shared>>
      tpu.enqueue_dma source(%arg17 : memref<32x128xf32, #tpu.memory_space<vmem>>) target(%dma_start3A_76 : memref<32x128xf32, #tpu.memory_space<vmem_shared>>) target_semaphore(%run_scoped3A : memref<!tpu.dma_semaphore, #tpu.memory_space<semaphore_mem>>)
      %dma_wait3A = arith.constant 0 : i32
      %dma_wait3A_77 = tpu.memref_slice %arg19[%add3A_43, %dma_wait3A] : memref<10112x128xf32, #tpu.memory_space<vmem_shared>> -> memref<32x128xf32, #tpu.memory_space<vmem_shared>>
      %dma_wait3A_78 = arith.constant 0 : i32
      %dma_wait3A_79 = tpu.memref_slice %arg19[%add3A_43, %dma_wait3A_78] : memref<10112x128xf32, #tpu.memory_space<vmem_shared>> -> memref<32x128xf32, #tpu.memory_space<vmem_shared>>
      tpu.wait_dma2 semaphore(%run_scoped3A : memref<!tpu.dma_semaphore, #tpu.memory_space<semaphore_mem>>) src(%arg17 : memref<32x128xf32, #tpu.memory_space<vmem>>) dst(%dma_wait3A_79 : memref<32x128xf32, #tpu.memory_space<vmem_shared>>)
      tpu.yield
    }) : () -> ()
    %add3A_44 = arith.constant 576 : i32
    %add3A_45 = arith.addi %mul3A_7, %add3A_44 : i32
    "tpu.region"() ({
      %run_scoped3A = tpu.sem_alloc : memref<!tpu.dma_semaphore, #tpu.memory_space<semaphore_mem>>
      %dma_start3A = arith.constant 0 : i32
      %dma_start3A_74 = tpu.memref_slice %arg19[%add3A_45, %dma_start3A] : memref<10112x128xf32, #tpu.memory_space<vmem_shared>> -> memref<32x128xf32, #tpu.memory_space<vmem_shared>>
      %dma_start3A_75 = arith.constant 0 : i32
      %dma_start3A_76 = tpu.memref_slice %arg19[%add3A_45, %dma_start3A_75] : memref<10112x128xf32, #tpu.memory_space<vmem_shared>> -> memref<32x128xf32, #tpu.memory_space<vmem_shared>>
      tpu.enqueue_dma source(%arg17 : memref<32x128xf32, #tpu.memory_space<vmem>>) target(%dma_start3A_76 : memref<32x128xf32, #tpu.memory_space<vmem_shared>>) target_semaphore(%run_scoped3A : memref<!tpu.dma_semaphore, #tpu.memory_space<semaphore_mem>>)
      %dma_wait3A = arith.constant 0 : i32
      %dma_wait3A_77 = tpu.memref_slice %arg19[%add3A_45, %dma_wait3A] : memref<10112x128xf32, #tpu.memory_space<vmem_shared>> -> memref<32x128xf32, #tpu.memory_space<vmem_shared>>
      %dma_wait3A_78 = arith.constant 0 : i32
      %dma_wait3A_79 = tpu.memref_slice %arg19[%add3A_45, %dma_wait3A_78] : memref<10112x128xf32, #tpu.memory_space<vmem_shared>> -> memref<32x128xf32, #tpu.memory_space<vmem_shared>>
      tpu.wait_dma2 semaphore(%run_scoped3A : memref<!tpu.dma_semaphore, #tpu.memory_space<semaphore_mem>>) src(%arg17 : memref<32x128xf32, #tpu.memory_space<vmem>>) dst(%dma_wait3A_79 : memref<32x128xf32, #tpu.memory_space<vmem_shared>>)
      tpu.yield
    }) : () -> ()
    %add3A_46 = arith.constant 608 : i32
    %add3A_47 = arith.addi %mul3A_7, %add3A_46 : i32
    "tpu.region"() ({
      %run_scoped3A = tpu.sem_alloc : memref<!tpu.dma_semaphore, #tpu.memory_space<semaphore_mem>>
      %dma_start3A = arith.constant 0 : i32
      %dma_start3A_74 = arith.constant 0 : i32
      %dma_start3A_75 = tpu.memref_slice %arg17[%dma_start3A, %dma_start3A_74] : memref<32x128xf32, #tpu.memory_space<vmem>> -> memref<24x128xf32, #tpu.memory_space<vmem>>
      %dma_start3A_76 = arith.constant 0 : i32
      %dma_start3A_77 = tpu.memref_slice %arg19[%add3A_47, %dma_start3A_76] : memref<10112x128xf32, #tpu.memory_space<vmem_shared>> -> memref<24x128xf32, #tpu.memory_space<vmem_shared>>
      %dma_start3A_78 = arith.constant 0 : i32
      %dma_start3A_79 = tpu.memref_slice %arg19[%add3A_47, %dma_start3A_78] : memref<10112x128xf32, #tpu.memory_space<vmem_shared>> -> memref<24x128xf32, #tpu.memory_space<vmem_shared>>
      %dma_start3A_80 = arith.constant 0 : i32
      %dma_start3A_81 = arith.constant 0 : i32
      %dma_start3A_82 = tpu.memref_slice %arg17[%dma_start3A_80, %dma_start3A_81] : memref<32x128xf32, #tpu.memory_space<vmem>> -> memref<24x128xf32, #tpu.memory_space<vmem>>
      tpu.enqueue_dma source(%dma_start3A_82 : memref<24x128xf32, #tpu.memory_space<vmem>>) target(%dma_start3A_79 : memref<24x128xf32, #tpu.memory_space<vmem_shared>>) target_semaphore(%run_scoped3A : memref<!tpu.dma_semaphore, #tpu.memory_space<semaphore_mem>>)
      %dma_wait3A = arith.constant 0 : i32
      %dma_wait3A_83 = arith.constant 0 : i32
      %dma_wait3A_84 = tpu.memref_slice %arg17[%dma_wait3A, %dma_wait3A_83] : memref<32x128xf32, #tpu.memory_space<vmem>> -> memref<24x128xf32, #tpu.memory_space<vmem>>
      %dma_wait3A_85 = arith.constant 0 : i32
      %dma_wait3A_86 = tpu.memref_slice %arg19[%add3A_47, %dma_wait3A_85] : memref<10112x128xf32, #tpu.memory_space<vmem_shared>> -> memref<24x128xf32, #tpu.memory_space<vmem_shared>>
      %dma_wait3A_87 = arith.constant 0 : i32
      %dma_wait3A_88 = tpu.memref_slice %arg19[%add3A_47, %dma_wait3A_87] : memref<10112x128xf32, #tpu.memory_space<vmem_shared>> -> memref<24x128xf32, #tpu.memory_space<vmem_shared>>
      %dma_wait3A_89 = arith.constant 0 : i32
      %dma_wait3A_90 = arith.constant 0 : i32
      %dma_wait3A_91 = tpu.memref_slice %arg17[%dma_wait3A_89, %dma_wait3A_90] : memref<32x128xf32, #tpu.memory_space<vmem>> -> memref<24x128xf32, #tpu.memory_space<vmem>>
      tpu.wait_dma2 semaphore(%run_scoped3A : memref<!tpu.dma_semaphore, #tpu.memory_space<semaphore_mem>>) src(%dma_wait3A_91 : memref<24x128xf32, #tpu.memory_space<vmem>>) dst(%dma_wait3A_88 : memref<24x128xf32, #tpu.memory_space<vmem_shared>>)
      tpu.yield
    }) : () -> ()
    %barrier3A = arith.constant 0 : index
    tpu.barrier barrier_id(%barrier3A)
    %eq3A = arith.constant 31 : i32
    %eq3A_48 = arith.cmpi eq, %add3A, %eq3A : i32
    %jit3A = arith.constant 5 : i32
    %jit3A_49 = arith.constant 20 : i32
    %select_n3A = arith.select %eq3A_48, %jit3A, %jit3A_49 : i32
    %mul3A_50 = arith.constant 10240 : i32
    %mul3A_51 = arith.muli %add3A, %mul3A_50 : i32
    %sub3A = arith.constant 0 : i32
    %sub3A_52 = arith.subi %select_n3A, %sub3A : i32
    %sub3A_53 = arith.constant 1 : i32
    %sub3A_54 = arith.constant 1 : i32
    %sub3A_55 = arith.subi %sub3A_53, %sub3A_54 : i32
    %add3A_56 = arith.addi %sub3A_52, %sub3A_55 : i32
    %div3A = arith.constant 1 : i32
    %div3A_57 = arith.divsi %add3A_56, %div3A : i32
    %while3A = arith.constant 1 : i32
    %while3A_58 = arith.constant 0 : i32
    %while3A_59 = arith.constant 0 : i32
    %while3A_60 = arith.subi %div3A_57, %while3A_59 : i32
    %while3A_61 = arith.addi %while3A_59, %while3A_60 : i32
    %while3A_62 = arith.constant 1 : i32
    %while3A_63 = arith.divsi %while3A_60, %while3A_62 : i32
    %while3A_64 = arith.muli %while3A_63, %while3A_62 : i32
    %while3A_65 = arith.addi %while3A_59, %while3A_64 : i32
    %while3A_66 = arith.constant 1 : i32
    scf.for %while3A_74 = %while3A_59 to %while3A_65 step %while3A_66  : i32 {
      %mul3A_75 = arith.muli %while3A_74, %while3A : i32
      %add3A_76 = arith.addi %while3A_58, %mul3A_75 : i32
      %mul3A_77 = arith.constant 512 : i32
      %mul3A_78 = arith.muli %add3A_76, %mul3A_77 : i32
      %add3A_79 = arith.addi %mul3A_51, %mul3A_78 : i32
      %run_scoped3A = arith.constant 0 : i32
      "tpu.region"() ({
        %run_scoped3A_114 = tpu.sem_alloc : memref<!tpu.dma_semaphore, #tpu.memory_space<semaphore_mem>>
        %dma_start3A_115 = tpu.memref_slice %arg4[%run_scoped3A, %add3A_79] : memref<2x320000xi32, #tpu.memory_space<hbm>> -> memref<1x512xi32, #tpu.memory_space<hbm>>
        %dma_start3A_116 = tpu.memref_squeeze %dma_start3A_115 : memref<1x512xi32, #tpu.memory_space<hbm>> -> memref<512xi32, #tpu.memory_space<hbm>>
        %dma_start3A_117 = tpu.memref_slice %arg4[%run_scoped3A, %add3A_79] : memref<2x320000xi32, #tpu.memory_space<hbm>> -> memref<1x512xi32, #tpu.memory_space<hbm>>
        %dma_start3A_118 = tpu.memref_squeeze %dma_start3A_117 : memref<1x512xi32, #tpu.memory_space<hbm>> -> memref<512xi32, #tpu.memory_space<hbm>>
        tpu.enqueue_dma source(%dma_start3A_118 : memref<512xi32, #tpu.memory_space<hbm>>) target(%arg7 : memref<512xi32, #tpu.memory_space<vmem>>) target_semaphore(%run_scoped3A_114 : memref<!tpu.dma_semaphore, #tpu.memory_space<semaphore_mem>>)
        %dma_wait3A_119 = tpu.memref_slice %arg4[%run_scoped3A, %add3A_79] : memref<2x320000xi32, #tpu.memory_space<hbm>> -> memref<1x512xi32, #tpu.memory_space<hbm>>
        %dma_wait3A_120 = tpu.memref_squeeze %dma_wait3A_119 : memref<1x512xi32, #tpu.memory_space<hbm>> -> memref<512xi32, #tpu.memory_space<hbm>>
        %dma_wait3A_121 = tpu.memref_slice %arg4[%run_scoped3A, %add3A_79] : memref<2x320000xi32, #tpu.memory_space<hbm>> -> memref<1x512xi32, #tpu.memory_space<hbm>>
        %dma_wait3A_122 = tpu.memref_squeeze %dma_wait3A_121 : memref<1x512xi32, #tpu.memory_space<hbm>> -> memref<512xi32, #tpu.memory_space<hbm>>
        tpu.wait_dma2 semaphore(%run_scoped3A_114 : memref<!tpu.dma_semaphore, #tpu.memory_space<semaphore_mem>>) src(%dma_wait3A_122 : memref<512xi32, #tpu.memory_space<hbm>>) dst(%arg7 : memref<512xi32, #tpu.memory_space<vmem>>)
        tpu.yield
      }) : () -> ()
      %run_scoped3A_80 = arith.constant 1 : i32
      "tpu.region"() ({
        %run_scoped3A_114 = tpu.sem_alloc : memref<!tpu.dma_semaphore, #tpu.memory_space<semaphore_mem>>
        %dma_start3A_115 = tpu.memref_slice %arg4[%run_scoped3A_80, %add3A_79] : memref<2x320000xi32, #tpu.memory_space<hbm>> -> memref<1x512xi32, #tpu.memory_space<hbm>>
        %dma_start3A_116 = tpu.memref_squeeze %dma_start3A_115 : memref<1x512xi32, #tpu.memory_space<hbm>> -> memref<512xi32, #tpu.memory_space<hbm>>
        %dma_start3A_117 = tpu.memref_slice %arg4[%run_scoped3A_80, %add3A_79] : memref<2x320000xi32, #tpu.memory_space<hbm>> -> memref<1x512xi32, #tpu.memory_space<hbm>>
        %dma_start3A_118 = tpu.memref_squeeze %dma_start3A_117 : memref<1x512xi32, #tpu.memory_space<hbm>> -> memref<512xi32, #tpu.memory_space<hbm>>
        tpu.enqueue_dma source(%dma_start3A_118 : memref<512xi32, #tpu.memory_space<hbm>>) target(%arg8 : memref<512xi32, #tpu.memory_space<vmem>>) target_semaphore(%run_scoped3A_114 : memref<!tpu.dma_semaphore, #tpu.memory_space<semaphore_mem>>)
        %dma_wait3A_119 = tpu.memref_slice %arg4[%run_scoped3A_80, %add3A_79] : memref<2x320000xi32, #tpu.memory_space<hbm>> -> memref<1x512xi32, #tpu.memory_space<hbm>>
        %dma_wait3A_120 = tpu.memref_squeeze %dma_wait3A_119 : memref<1x512xi32, #tpu.memory_space<hbm>> -> memref<512xi32, #tpu.memory_space<hbm>>
        %dma_wait3A_121 = tpu.memref_slice %arg4[%run_scoped3A_80, %add3A_79] : memref<2x320000xi32, #tpu.memory_space<hbm>> -> memref<1x512xi32, #tpu.memory_space<hbm>>
        %dma_wait3A_122 = tpu.memref_squeeze %dma_wait3A_121 : memref<1x512xi32, #tpu.memory_space<hbm>> -> memref<512xi32, #tpu.memory_space<hbm>>
        tpu.wait_dma2 semaphore(%run_scoped3A_114 : memref<!tpu.dma_semaphore, #tpu.memory_space<semaphore_mem>>) src(%dma_wait3A_122 : memref<512xi32, #tpu.memory_space<hbm>>) dst(%arg8 : memref<512xi32, #tpu.memory_space<vmem>>)
        tpu.yield
      }) : () -> ()
      "tpu.region"() ({
        %run_scoped3A_114 = tpu.sem_alloc : memref<!tpu.dma_semaphore, #tpu.memory_space<semaphore_mem>>
        %dma_start3A_115 = tpu.memref_slice %arg5[%add3A_79] : memref<320000xi32, #tpu.memory_space<hbm>> -> memref<512xi32, #tpu.memory_space<hbm>>
        %dma_start3A_116 = tpu.memref_slice %arg5[%add3A_79] : memref<320000xi32, #tpu.memory_space<hbm>> -> memref<512xi32, #tpu.memory_space<hbm>>
        tpu.enqueue_dma source(%dma_start3A_116 : memref<512xi32, #tpu.memory_space<hbm>>) target(%arg9 : memref<512xi32, #tpu.memory_space<vmem>>) target_semaphore(%run_scoped3A_114 : memref<!tpu.dma_semaphore, #tpu.memory_space<semaphore_mem>>)
        %dma_wait3A_117 = tpu.memref_slice %arg5[%add3A_79] : memref<320000xi32, #tpu.memory_space<hbm>> -> memref<512xi32, #tpu.memory_space<hbm>>
        %dma_wait3A_118 = tpu.memref_slice %arg5[%add3A_79] : memref<320000xi32, #tpu.memory_space<hbm>> -> memref<512xi32, #tpu.memory_space<hbm>>
        tpu.wait_dma2 semaphore(%run_scoped3A_114 : memref<!tpu.dma_semaphore, #tpu.memory_space<semaphore_mem>>) src(%dma_wait3A_118 : memref<512xi32, #tpu.memory_space<hbm>>) dst(%arg9 : memref<512xi32, #tpu.memory_space<vmem>>)
        tpu.yield
      }) : () -> ()
      %parallel_loop3A = arith.constant 0 : i32
      %parallel_loop3A_81 = arith.constant 16 : i32
      %parallel_loop3A_82 = arith.constant 1 : i32
      scf.for %parallel_loop3A_114 = %parallel_loop3A to %parallel_loop3A_81 step %parallel_loop3A_82  : i32 {
        %parallel_loop3A_115 = arith.constant 32 : i32
        %parallel_loop3A_116 = arith.muli %parallel_loop3A_114, %parallel_loop3A_115 : i32
        %parallel_loop3A_117 = arith.constant 0 : i32
        %parallel_loop3A_118 = arith.addi %parallel_loop3A_116, %parallel_loop3A_117 : i32
        %parallel_loop3A_119 = arith.index_cast %parallel_loop3A_118 : i32 to index
        %parallel_loop3A_120 = tpu.vector_load %arg9[%parallel_loop3A_119] {strides = array<i32>} : memref<512xi32, #tpu.memory_space<vmem>>, vector<16xi32>,
        %parallel_loop3A_121 = vector.shape_cast %parallel_loop3A_120 : vector<16xi32> to vector<16xi32>
        %parallel_loop3A_122 = arith.constant 10000 : i32
        %parallel_loop3A_123 = vector.broadcast %parallel_loop3A_122 : i32 to vector<16xi32>
        %parallel_loop3A_124 = arith.muli %parallel_loop3A_121, %parallel_loop3A_123 : vector<16xi32>
        %parallel_loop3A_125 = arith.index_cast %parallel_loop3A_118 : i32 to index
        %parallel_loop3A_126 = tpu.vector_load %arg8[%parallel_loop3A_125] {strides = array<i32>} : memref<512xi32, #tpu.memory_space<vmem>>, vector<16xi32>,
        %parallel_loop3A_127 = vector.shape_cast %parallel_loop3A_126 : vector<16xi32> to vector<16xi32>
        %parallel_loop3A_128 = arith.addi %parallel_loop3A_124, %parallel_loop3A_127 : vector<16xi32>
        %parallel_loop3A_129 = arith.index_cast %parallel_loop3A_114 : i32 to index
        %parallel_loop3A_130 = arith.constant 0 : index
        %parallel_loop3A_131 = tpu.vector_load %arg10[%parallel_loop3A_129, %parallel_loop3A_130] {strides = array<i32>} : memref<16x32xi32, #tpu.memory_space<vmem>>, vector<1x16xi32>,
        %parallel_loop3A_132 = vector.shape_cast %parallel_loop3A_131 : vector<1x16xi32> to vector<16xi32>
        %parallel_loop3A_133 = vector.shape_cast %parallel_loop3A_128 : vector<16xi32> to vector<1x16xi32>
        tpu.vector_store %arg10[%parallel_loop3A_129, %parallel_loop3A_130], %parallel_loop3A_133 {strides = array<i32>} : memref<16x32xi32, #tpu.memory_space<vmem>>, vector<1x16xi32>,
        %parallel_loop3A_134 = arith.index_cast %parallel_loop3A_118 : i32 to index
        %parallel_loop3A_135 = tpu.vector_load %arg7[%parallel_loop3A_134] {strides = array<i32>} : memref<512xi32, #tpu.memory_space<vmem>>, vector<16xi32>,
        %parallel_loop3A_136 = vector.shape_cast %parallel_loop3A_135 : vector<16xi32> to vector<16xi32>
        %parallel_loop3A_137 = arith.addi %parallel_loop3A_124, %parallel_loop3A_136 : vector<16xi32>
        %parallel_loop3A_138 = arith.index_cast %parallel_loop3A_114 : i32 to index
        %parallel_loop3A_139 = arith.constant 0 : index
        %parallel_loop3A_140 = tpu.vector_load %arg11[%parallel_loop3A_138, %parallel_loop3A_139] {strides = array<i32>} : memref<16x32xi32, #tpu.memory_space<vmem>>, vector<1x16xi32>,
        %parallel_loop3A_141 = vector.shape_cast %parallel_loop3A_140 : vector<1x16xi32> to vector<16xi32>
        %parallel_loop3A_142 = vector.shape_cast %parallel_loop3A_137 : vector<16xi32> to vector<1x16xi32>
        tpu.vector_store %arg11[%parallel_loop3A_138, %parallel_loop3A_139], %parallel_loop3A_142 {strides = array<i32>} : memref<16x32xi32, #tpu.memory_space<vmem>>, vector<1x16xi32>,
        %parallel_loop3A_143 = arith.index_cast %parallel_loop3A_118 : i32 to index
        %parallel_loop3A_144 = tpu.vector_load %arg8[%parallel_loop3A_143] {strides = array<i32>} : memref<512xi32, #tpu.memory_space<vmem>>, vector<16xi32>,
        %parallel_loop3A_145 = vector.shape_cast %parallel_loop3A_144 : vector<16xi32> to vector<16xi32>
        %parallel_loop3A_146 = arith.index_cast %parallel_loop3A_114 : i32 to index
        %parallel_loop3A_147 = arith.constant 0 : index
        %parallel_loop3A_148 = tpu.vector_load %arg12[%parallel_loop3A_146, %parallel_loop3A_147] {strides = array<i32>} : memref<16x32xi32, #tpu.memory_space<vmem>>, vector<1x16xi32>,
        %parallel_loop3A_149 = vector.shape_cast %parallel_loop3A_148 : vector<1x16xi32> to vector<16xi32>
        %parallel_loop3A_150 = vector.shape_cast %parallel_loop3A_145 : vector<16xi32> to vector<1x16xi32>
        tpu.vector_store %arg12[%parallel_loop3A_146, %parallel_loop3A_147], %parallel_loop3A_150 {strides = array<i32>} : memref<16x32xi32, #tpu.memory_space<vmem>>, vector<1x16xi32>,
        %parallel_loop3A_151 = arith.constant 32 : i32
        %parallel_loop3A_152 = arith.muli %parallel_loop3A_114, %parallel_loop3A_151 : i32
        %parallel_loop3A_153 = arith.constant 16 : i32
        %parallel_loop3A_154 = arith.addi %parallel_loop3A_152, %parallel_loop3A_153 : i32
        %parallel_loop3A_155 = arith.index_cast %parallel_loop3A_154 : i32 to index
        %parallel_loop3A_156 = tpu.vector_load %arg9[%parallel_loop3A_155] {strides = array<i32>} : memref<512xi32, #tpu.memory_space<vmem>>, vector<16xi32>,
        %parallel_loop3A_157 = vector.shape_cast %parallel_loop3A_156 : vector<16xi32> to vector<16xi32>
        %parallel_loop3A_158 = arith.constant 10000 : i32
        %parallel_loop3A_159 = vector.broadcast %parallel_loop3A_158 : i32 to vector<16xi32>
        %parallel_loop3A_160 = arith.muli %parallel_loop3A_157, %parallel_loop3A_159 : vector<16xi32>
        %parallel_loop3A_161 = arith.index_cast %parallel_loop3A_154 : i32 to index
        %parallel_loop3A_162 = tpu.vector_load %arg8[%parallel_loop3A_161] {strides = array<i32>} : memref<512xi32, #tpu.memory_space<vmem>>, vector<16xi32>,
        %parallel_loop3A_163 = vector.shape_cast %parallel_loop3A_162 : vector<16xi32> to vector<16xi32>
        %parallel_loop3A_164 = arith.addi %parallel_loop3A_160, %parallel_loop3A_163 : vector<16xi32>
        %parallel_loop3A_165 = arith.index_cast %parallel_loop3A_114 : i32 to index
        %parallel_loop3A_166 = arith.constant 16 : index
        %parallel_loop3A_167 = tpu.vector_load %arg10[%parallel_loop3A_165, %parallel_loop3A_166] {strides = array<i32>} : memref<16x32xi32, #tpu.memory_space<vmem>>, vector<1x16xi32>,
        %parallel_loop3A_168 = vector.shape_cast %parallel_loop3A_167 : vector<1x16xi32> to vector<16xi32>
        %parallel_loop3A_169 = vector.shape_cast %parallel_loop3A_164 : vector<16xi32> to vector<1x16xi32>
        tpu.vector_store %arg10[%parallel_loop3A_165, %parallel_loop3A_166], %parallel_loop3A_169 {strides = array<i32>} : memref<16x32xi32, #tpu.memory_space<vmem>>, vector<1x16xi32>,
        %parallel_loop3A_170 = arith.index_cast %parallel_loop3A_154 : i32 to index
        %parallel_loop3A_171 = tpu.vector_load %arg7[%parallel_loop3A_170] {strides = array<i32>} : memref<512xi32, #tpu.memory_space<vmem>>, vector<16xi32>,
        %parallel_loop3A_172 = vector.shape_cast %parallel_loop3A_171 : vector<16xi32> to vector<16xi32>
        %parallel_loop3A_173 = arith.addi %parallel_loop3A_160, %parallel_loop3A_172 : vector<16xi32>
        %parallel_loop3A_174 = arith.index_cast %parallel_loop3A_114 : i32 to index
        %parallel_loop3A_175 = arith.constant 16 : index
        %parallel_loop3A_176 = tpu.vector_load %arg11[%parallel_loop3A_174, %parallel_loop3A_175] {strides = array<i32>} : memref<16x32xi32, #tpu.memory_space<vmem>>, vector<1x16xi32>,
        %parallel_loop3A_177 = vector.shape_cast %parallel_loop3A_176 : vector<1x16xi32> to vector<16xi32>
        %parallel_loop3A_178 = vector.shape_cast %parallel_loop3A_173 : vector<16xi32> to vector<1x16xi32>
        tpu.vector_store %arg11[%parallel_loop3A_174, %parallel_loop3A_175], %parallel_loop3A_178 {strides = array<i32>} : memref<16x32xi32, #tpu.memory_space<vmem>>, vector<1x16xi32>,
        %parallel_loop3A_179 = arith.index_cast %parallel_loop3A_154 : i32 to index
        %parallel_loop3A_180 = tpu.vector_load %arg8[%parallel_loop3A_179] {strides = array<i32>} : memref<512xi32, #tpu.memory_space<vmem>>, vector<16xi32>,
        %parallel_loop3A_181 = vector.shape_cast %parallel_loop3A_180 : vector<16xi32> to vector<16xi32>
        %parallel_loop3A_182 = arith.index_cast %parallel_loop3A_114 : i32 to index
        %parallel_loop3A_183 = arith.constant 16 : index
        %parallel_loop3A_184 = tpu.vector_load %arg12[%parallel_loop3A_182, %parallel_loop3A_183] {strides = array<i32>} : memref<16x32xi32, #tpu.memory_space<vmem>>, vector<1x16xi32>,
        %parallel_loop3A_185 = vector.shape_cast %parallel_loop3A_184 : vector<1x16xi32> to vector<16xi32>
        %parallel_loop3A_186 = vector.shape_cast %parallel_loop3A_181 : vector<16xi32> to vector<1x16xi32>
        tpu.vector_store %arg12[%parallel_loop3A_182, %parallel_loop3A_183], %parallel_loop3A_186 {strides = array<i32>} : memref<16x32xi32, #tpu.memory_space<vmem>>, vector<1x16xi32>,
      } {sc.loop_unroll_factor = 2 : i64, sc.parallel_access}
      %dma_start3A = arith.constant 0 : i32
      %dma_start3A_83 = arith.constant 0 : i32
      %dma_start3A_84 = tpu.memref_slice %arg10[%dma_start3A, %dma_start3A_83] : memref<16x32xi32, #tpu.memory_space<vmem>> -> memref<1x32xi32, #tpu.memory_space<vmem>>
      %dma_start3A_85 = tpu.memref_squeeze %dma_start3A_84 : memref<1x32xi32, #tpu.memory_space<vmem>> -> memref<32xi32, #tpu.memory_space<vmem>>
      %dma_start3A_86 = arith.constant 0 : i32
      %dma_start3A_87 = arith.constant 0 : i32
      %dma_start3A_88 = tpu.memref_slice %arg2[%dma_start3A_86, %dma_start3A_87] : memref<30000x128xf32, #tpu.memory_space<hbm>> -> memref<30000x128xf32, #tpu.memory_space<hbm>>
      tpu.enqueue_indirect_dma source(%dma_start3A_88 : memref<30000x128xf32, #tpu.memory_space<hbm>>) target(%arg13 : memref<32x128xf32, #tpu.memory_space<vmem>>) offsets(%dma_start3A_85 : memref<32xi32, #tpu.memory_space<vmem>>) semaphore(%arg20 : memref<!tpu.dma_semaphore, #tpu.memory_space<semaphore_mem>>)
      %dma_start3A_89 = arith.constant 0 : i32
      %dma_start3A_90 = arith.constant 0 : i32
      %dma_start3A_91 = tpu.memref_slice %arg11[%dma_start3A_89, %dma_start3A_90] : memref<16x32xi32, #tpu.memory_space<vmem>> -> memref<1x32xi32, #tpu.memory_space<vmem>>
      %dma_start3A_92 = tpu.memref_squeeze %dma_start3A_91 : memref<1x32xi32, #tpu.memory_space<vmem>> -> memref<32xi32, #tpu.memory_space<vmem>>
      %dma_start3A_93 = arith.constant 0 : i32
      %dma_start3A_94 = arith.constant 0 : i32
      %dma_start3A_95 = tpu.memref_slice %arg3[%dma_start3A_93, %dma_start3A_94] : memref<30000x128xi32, #tpu.memory_space<hbm>> -> memref<30000x128xi32, #tpu.memory_space<hbm>>
      tpu.enqueue_indirect_dma source(%dma_start3A_95 : memref<30000x128xi32, #tpu.memory_space<hbm>>) target(%arg15 : memref<32x128xi32, #tpu.memory_space<vmem>>) offsets(%dma_start3A_92 : memref<32xi32, #tpu.memory_space<vmem>>) semaphore(%arg22 : memref<!tpu.dma_semaphore, #tpu.memory_space<semaphore_mem>>)
      %scan3A_96 = arith.constant 0 : i32
      %scan3A_97 = arith.constant 8 : i32
      %scan3A_98 = arith.addi %scan3A_96, %scan3A_97 : i32
      %scan3A_99 = arith.constant 1 : i32
      scf.for %scan3A_114 = %scan3A_96 to %scan3A_98 step %scan3A_99  : i32 {
        %mul3A_115 = arith.constant 2 : i32
        %mul3A_116 = arith.muli %scan3A_114, %mul3A_115 : i32
        %add3A_117 = arith.constant 0 : i32
        %add3A_118 = arith.addi %add3A_117, %mul3A_116 : i32
        %add3A_119 = arith.constant 1 : i32
        %add3A_120 = arith.addi %add3A_118, %add3A_119 : i32
        %dma_start3A_121 = arith.constant 0 : i32
        %dma_start3A_122 = tpu.memref_slice %arg10[%add3A_120, %dma_start3A_121] : memref<16x32xi32, #tpu.memory_space<vmem>> -> memref<1x32xi32, #tpu.memory_space<vmem>>
        %dma_start3A_123 = tpu.memref_squeeze %dma_start3A_122 : memref<1x32xi32, #tpu.memory_space<vmem>> -> memref<32xi32, #tpu.memory_space<vmem>>
        %dma_start3A_124 = arith.constant 0 : i32
        %dma_start3A_125 = arith.constant 0 : i32
        %dma_start3A_126 = tpu.memref_slice %arg2[%dma_start3A_124, %dma_start3A_125] : memref<30000x128xf32, #tpu.memory_space<hbm>> -> memref<30000x128xf32, #tpu.memory_space<hbm>>
        tpu.enqueue_indirect_dma source(%dma_start3A_126 : memref<30000x128xf32, #tpu.memory_space<hbm>>) target(%arg14 : memref<32x128xf32, #tpu.memory_space<vmem>>) offsets(%dma_start3A_123 : memref<32xi32, #tpu.memory_space<vmem>>) semaphore(%arg21 : memref<!tpu.dma_semaphore, #tpu.memory_space<semaphore_mem>>)
        %dma_start3A_127 = arith.constant 0 : i32
        %dma_start3A_128 = tpu.memref_slice %arg11[%add3A_120, %dma_start3A_127] : memref<16x32xi32, #tpu.memory_space<vmem>> -> memref<1x32xi32, #tpu.memory_space<vmem>>
        %dma_start3A_129 = tpu.memref_squeeze %dma_start3A_128 : memref<1x32xi32, #tpu.memory_space<vmem>> -> memref<32xi32, #tpu.memory_space<vmem>>
        %dma_start3A_130 = arith.constant 0 : i32
        %dma_start3A_131 = arith.constant 0 : i32
        %dma_start3A_132 = tpu.memref_slice %arg3[%dma_start3A_130, %dma_start3A_131] : memref<30000x128xi32, #tpu.memory_space<hbm>> -> memref<30000x128xi32, #tpu.memory_space<hbm>>
        tpu.enqueue_indirect_dma source(%dma_start3A_132 : memref<30000x128xi32, #tpu.memory_space<hbm>>) target(%arg16 : memref<32x128xi32, #tpu.memory_space<vmem>>) offsets(%dma_start3A_129 : memref<32xi32, #tpu.memory_space<vmem>>) semaphore(%arg23 : memref<!tpu.dma_semaphore, #tpu.memory_space<semaphore_mem>>)
        %dma_wait3A_133 = arith.constant 0 : i32
        %dma_wait3A_134 = tpu.memref_slice %arg10[%add3A_118, %dma_wait3A_133] : memref<16x32xi32, #tpu.memory_space<vmem>> -> memref<1x32xi32, #tpu.memory_space<vmem>>
        %dma_wait3A_135 = tpu.memref_squeeze %dma_wait3A_134 : memref<1x32xi32, #tpu.memory_space<vmem>> -> memref<32xi32, #tpu.memory_space<vmem>>
        %dma_wait3A_136 = arith.constant 0 : i32
        %dma_wait3A_137 = arith.constant 0 : i32
        %dma_wait3A_138 = tpu.memref_slice %arg2[%dma_wait3A_136, %dma_wait3A_137] : memref<30000x128xf32, #tpu.memory_space<hbm>> -> memref<30000x128xf32, #tpu.memory_space<hbm>>
        tpu.wait_indirect_dma semaphore(%arg20 : memref<!tpu.dma_semaphore, #tpu.memory_space<semaphore_mem>>) src(%dma_wait3A_138 : memref<30000x128xf32, #tpu.memory_space<hbm>>) dst(%arg13 : memref<32x128xf32, #tpu.memory_space<vmem>>)
        %dma_wait3A_139 = arith.constant 0 : i32
        %dma_wait3A_140 = tpu.memref_slice %arg11[%add3A_118, %dma_wait3A_139] : memref<16x32xi32, #tpu.memory_space<vmem>> -> memref<1x32xi32, #tpu.memory_space<vmem>>
        %dma_wait3A_141 = tpu.memref_squeeze %dma_wait3A_140 : memref<1x32xi32, #tpu.memory_space<vmem>> -> memref<32xi32, #tpu.memory_space<vmem>>
        %dma_wait3A_142 = arith.constant 0 : i32
        %dma_wait3A_143 = arith.constant 0 : i32
        %dma_wait3A_144 = tpu.memref_slice %arg3[%dma_wait3A_142, %dma_wait3A_143] : memref<30000x128xi32, #tpu.memory_space<hbm>> -> memref<30000x128xi32, #tpu.memory_space<hbm>>
        tpu.wait_indirect_dma semaphore(%arg22 : memref<!tpu.dma_semaphore, #tpu.memory_space<semaphore_mem>>) src(%dma_wait3A_144 : memref<30000x128xi32, #tpu.memory_space<hbm>>) dst(%arg15 : memref<32x128xi32, #tpu.memory_space<vmem>>)
        %ge3A = arith.constant 2 : i32
        %ge3A_145 = arith.cmpi sge, %add3A_118, %ge3A : i32
        %convert_element_type3A_146 = arith.extui %ge3A_145 : i1 to i32
        %cond3A_147 = arith.constant 0 : i32
        %cond3A_148 = arith.cmpi ne, %convert_element_type3A_146, %cond3A_147 : i32
        scf.if %cond3A_148 {
          %dma_wait3A_198 = arith.constant 0 : i32
          %dma_wait3A_199 = tpu.memref_slice %arg12[%add3A_118, %dma_wait3A_198] : memref<16x32xi32, #tpu.memory_space<vmem>> -> memref<1x32xi32, #tpu.memory_space<vmem>>
          %dma_wait3A_200 = tpu.memref_squeeze %dma_wait3A_199 : memref<1x32xi32, #tpu.memory_space<vmem>> -> memref<32xi32, #tpu.memory_space<vmem>>
          %dma_wait3A_201 = arith.constant 0 : i32
          %dma_wait3A_202 = arith.constant 0 : i32
          %dma_wait3A_203 = tpu.memref_slice %arg19[%dma_wait3A_201, %dma_wait3A_202] : memref<10112x128xf32, #tpu.memory_space<vmem_shared>> -> memref<10112x128xf32, #tpu.memory_space<vmem_shared>>
          tpu.wait_indirect_dma semaphore(%arg24 : memref<!tpu.dma_semaphore, #tpu.memory_space<semaphore_mem>>) src(%arg17 : memref<32x128xf32, #tpu.memory_space<vmem>>) dst(%dma_wait3A_203 : memref<10112x128xf32, #tpu.memory_space<vmem_shared>>)
        } else {
        }
        %broadcast_in_dim3A_149 = arith.constant -65536 : i32
        %broadcast_in_dim3A_150 = vector.broadcast %broadcast_in_dim3A_149 : i32 to vector<16xi32>
        %parallel_loop3A_151 = arith.constant 0 : i32
        %parallel_loop3A_152 = arith.constant 32 : i32
        %parallel_loop3A_153 = arith.constant 1 : i32
        scf.for %parallel_loop3A_198 = %parallel_loop3A_151 to %parallel_loop3A_152 step %parallel_loop3A_153  : i32 {
          %parallel_loop3A_199 = arith.index_cast %parallel_loop3A_198 : i32 to index
          %parallel_loop3A_200 = arith.constant 0 : index
          %parallel_loop3A_201 = tpu.vector_load %arg13[%parallel_loop3A_199, %parallel_loop3A_200] {strides = array<i32>} : memref<32x128xf32, #tpu.memory_space<vmem>>, vector<1x16xf32>,
          %parallel_loop3A_202 = vector.shape_cast %parallel_loop3A_201 : vector<1x16xf32> to vector<16xf32>
          %parallel_loop3A_203 = arith.index_cast %parallel_loop3A_198 : i32 to index
          %parallel_loop3A_204 = arith.constant 64 : index
          %parallel_loop3A_205 = tpu.vector_load %arg13[%parallel_loop3A_203, %parallel_loop3A_204] {strides = array<i32>} : memref<32x128xf32, #tpu.memory_space<vmem>>, vector<1x16xf32>,
          %parallel_loop3A_206 = vector.shape_cast %parallel_loop3A_205 : vector<1x16xf32> to vector<16xf32>
          %parallel_loop3A_207 = arith.index_cast %parallel_loop3A_198 : i32 to index
          %parallel_loop3A_208 = arith.constant 0 : index
          %parallel_loop3A_209 = tpu.vector_load %arg15[%parallel_loop3A_207, %parallel_loop3A_208] {strides = array<i32>} : memref<32x128xi32, #tpu.memory_space<vmem>>, vector<1x16xi32>,
          %parallel_loop3A_210 = vector.shape_cast %parallel_loop3A_209 : vector<1x16xi32> to vector<16xi32>
          %parallel_loop3A_211 = arith.constant 16 : i32
          %parallel_loop3A_212 = vector.broadcast %parallel_loop3A_211 : i32 to vector<16xi32>
          %parallel_loop3A_213 = arith.shli %parallel_loop3A_210, %parallel_loop3A_212 : vector<16xi32>
          %parallel_loop3A_214 = tpu.bitcast %parallel_loop3A_213 : vector<16xi32> -> vector<16xf32>
          %parallel_loop3A_215 = arith.andi %parallel_loop3A_210, %broadcast_in_dim3A_150 : vector<16xi32>
          %parallel_loop3A_216 = tpu.bitcast %parallel_loop3A_215 : vector<16xi32> -> vector<16xf32>
          %parallel_loop3A_217 = arith.index_cast %parallel_loop3A_198 : i32 to index
          %parallel_loop3A_218 = arith.constant 64 : index
          %parallel_loop3A_219 = tpu.vector_load %arg15[%parallel_loop3A_217, %parallel_loop3A_218] {strides = array<i32>} : memref<32x128xi32, #tpu.memory_space<vmem>>, vector<1x16xi32>,
          %parallel_loop3A_220 = vector.shape_cast %parallel_loop3A_219 : vector<1x16xi32> to vector<16xi32>
          %parallel_loop3A_221 = arith.constant 16 : i32
          %parallel_loop3A_222 = vector.broadcast %parallel_loop3A_221 : i32 to vector<16xi32>
          %parallel_loop3A_223 = arith.shli %parallel_loop3A_220, %parallel_loop3A_222 : vector<16xi32>
          %parallel_loop3A_224 = tpu.bitcast %parallel_loop3A_223 : vector<16xi32> -> vector<16xf32>
          %parallel_loop3A_225 = arith.andi %parallel_loop3A_220, %broadcast_in_dim3A_150 : vector<16xi32>
          %parallel_loop3A_226 = tpu.bitcast %parallel_loop3A_225 : vector<16xi32> -> vector<16xf32>
          %parallel_loop3A_227 = arith.addf %parallel_loop3A_202, %parallel_loop3A_214 : vector<16xf32>
          %parallel_loop3A_228 = arith.constant 0.000000e+00 : f32
          %parallel_loop3A_229 = vector.broadcast %parallel_loop3A_228 : f32 to vector<16xf32>
          %parallel_loop3A_230 = arith.subf %parallel_loop3A_229, %parallel_loop3A_227 : vector<16xf32>
          %parallel_loop3A_231 = math.exp %parallel_loop3A_230 : vector<16xf32>
          %parallel_loop3A_232 = arith.constant 1.000000e+00 : f32
          %parallel_loop3A_233 = vector.broadcast %parallel_loop3A_232 : f32 to vector<16xf32>
          %parallel_loop3A_234 = arith.addf %parallel_loop3A_233, %parallel_loop3A_231 : vector<16xf32>
          %parallel_loop3A_235 = arith.constant 1.000000e+00 : f32
          %parallel_loop3A_236 = vector.broadcast %parallel_loop3A_235 : f32 to vector<16xf32>
          %parallel_loop3A_237 = arith.divf %parallel_loop3A_236, %parallel_loop3A_234 : vector<16xf32>
          %parallel_loop3A_238 = arith.addf %parallel_loop3A_206, %parallel_loop3A_224 : vector<16xf32>
          %parallel_loop3A_239 = arith.constant 0.000000e+00 : f32
          %parallel_loop3A_240 = vector.broadcast %parallel_loop3A_239 : f32 to vector<16xf32>
          %parallel_loop3A_241 = arith.subf %parallel_loop3A_240, %parallel_loop3A_238 : vector<16xf32>
          %parallel_loop3A_242 = math.exp %parallel_loop3A_241 : vector<16xf32>
          %parallel_loop3A_243 = arith.constant 1.000000e+00 : f32
          %parallel_loop3A_244 = vector.broadcast %parallel_loop3A_243 : f32 to vector<16xf32>
          %parallel_loop3A_245 = arith.addf %parallel_loop3A_244, %parallel_loop3A_242 : vector<16xf32>
          %parallel_loop3A_246 = arith.constant 1.000000e+00 : f32
          %parallel_loop3A_247 = vector.broadcast %parallel_loop3A_246 : f32 to vector<16xf32>
          %parallel_loop3A_248 = arith.divf %parallel_loop3A_247, %parallel_loop3A_245 : vector<16xf32>
          %parallel_loop3A_249 = arith.mulf %parallel_loop3A_237, %parallel_loop3A_216 : vector<16xf32>
          %parallel_loop3A_250 = arith.index_cast %parallel_loop3A_198 : i32 to index
          %parallel_loop3A_251 = arith.constant 0 : index
          %parallel_loop3A_252 = tpu.vector_load %arg17[%parallel_loop3A_250, %parallel_loop3A_251] {strides = array<i32>} : memref<32x128xf32, #tpu.memory_space<vmem>>, vector<1x16xf32>,
          %parallel_loop3A_253 = vector.shape_cast %parallel_loop3A_252 : vector<1x16xf32> to vector<16xf32>
          %parallel_loop3A_254 = vector.shape_cast %parallel_loop3A_249 : vector<16xf32> to vector<1x16xf32>
          tpu.vector_store %arg17[%parallel_loop3A_250, %parallel_loop3A_251], %parallel_loop3A_254 {strides = array<i32>} : memref<32x128xf32, #tpu.memory_space<vmem>>, vector<1x16xf32>,
          %parallel_loop3A_255 = arith.mulf %parallel_loop3A_248, %parallel_loop3A_226 : vector<16xf32>
          %parallel_loop3A_256 = arith.index_cast %parallel_loop3A_198 : i32 to index
          %parallel_loop3A_257 = arith.constant 64 : index
          %parallel_loop3A_258 = tpu.vector_load %arg17[%parallel_loop3A_256, %parallel_loop3A_257] {strides = array<i32>} : memref<32x128xf32, #tpu.memory_space<vmem>>, vector<1x16xf32>,
          %parallel_loop3A_259 = vector.shape_cast %parallel_loop3A_258 : vector<1x16xf32> to vector<16xf32>
          %parallel_loop3A_260 = vector.shape_cast %parallel_loop3A_255 : vector<16xf32> to vector<1x16xf32>
          tpu.vector_store %arg17[%parallel_loop3A_256, %parallel_loop3A_257], %parallel_loop3A_260 {strides = array<i32>} : memref<32x128xf32, #tpu.memory_space<vmem>>, vector<1x16xf32>,
          %parallel_loop3A_261 = arith.index_cast %parallel_loop3A_198 : i32 to index
          %parallel_loop3A_262 = arith.constant 16 : index
          %parallel_loop3A_263 = tpu.vector_load %arg13[%parallel_loop3A_261, %parallel_loop3A_262] {strides = array<i32>} : memref<32x128xf32, #tpu.memory_space<vmem>>, vector<1x16xf32>,
          %parallel_loop3A_264 = vector.shape_cast %parallel_loop3A_263 : vector<1x16xf32> to vector<16xf32>
          %parallel_loop3A_265 = arith.index_cast %parallel_loop3A_198 : i32 to index
          %parallel_loop3A_266 = arith.constant 80 : index
          %parallel_loop3A_267 = tpu.vector_load %arg13[%parallel_loop3A_265, %parallel_loop3A_266] {strides = array<i32>} : memref<32x128xf32, #tpu.memory_space<vmem>>, vector<1x16xf32>,
          %parallel_loop3A_268 = vector.shape_cast %parallel_loop3A_267 : vector<1x16xf32> to vector<16xf32>
          %parallel_loop3A_269 = arith.index_cast %parallel_loop3A_198 : i32 to index
          %parallel_loop3A_270 = arith.constant 16 : index
          %parallel_loop3A_271 = tpu.vector_load %arg15[%parallel_loop3A_269, %parallel_loop3A_270] {strides = array<i32>} : memref<32x128xi32, #tpu.memory_space<vmem>>, vector<1x16xi32>,
          %parallel_loop3A_272 = vector.shape_cast %parallel_loop3A_271 : vector<1x16xi32> to vector<16xi32>
          %parallel_loop3A_273 = arith.constant 16 : i32
          %parallel_loop3A_274 = vector.broadcast %parallel_loop3A_273 : i32 to vector<16xi32>
          %parallel_loop3A_275 = arith.shli %parallel_loop3A_272, %parallel_loop3A_274 : vector<16xi32>
          %parallel_loop3A_276 = tpu.bitcast %parallel_loop3A_275 : vector<16xi32> -> vector<16xf32>
          %parallel_loop3A_277 = arith.andi %parallel_loop3A_272, %broadcast_in_dim3A_150 : vector<16xi32>
          %parallel_loop3A_278 = tpu.bitcast %parallel_loop3A_277 : vector<16xi32> -> vector<16xf32>
          %parallel_loop3A_279 = arith.index_cast %parallel_loop3A_198 : i32 to index
          %parallel_loop3A_280 = arith.constant 80 : index
          %parallel_loop3A_281 = tpu.vector_load %arg15[%parallel_loop3A_279, %parallel_loop3A_280] {strides = array<i32>} : memref<32x128xi32, #tpu.memory_space<vmem>>, vector<1x16xi32>,
          %parallel_loop3A_282 = vector.shape_cast %parallel_loop3A_281 : vector<1x16xi32> to vector<16xi32>
          %parallel_loop3A_283 = arith.constant 16 : i32
          %parallel_loop3A_284 = vector.broadcast %parallel_loop3A_283 : i32 to vector<16xi32>
          %parallel_loop3A_285 = arith.shli %parallel_loop3A_282, %parallel_loop3A_284 : vector<16xi32>
          %parallel_loop3A_286 = tpu.bitcast %parallel_loop3A_285 : vector<16xi32> -> vector<16xf32>
          %parallel_loop3A_287 = arith.andi %parallel_loop3A_282, %broadcast_in_dim3A_150 : vector<16xi32>
          %parallel_loop3A_288 = tpu.bitcast %parallel_loop3A_287 : vector<16xi32> -> vector<16xf32>
          %parallel_loop3A_289 = arith.addf %parallel_loop3A_264, %parallel_loop3A_276 : vector<16xf32>
          %parallel_loop3A_290 = arith.constant 0.000000e+00 : f32
          %parallel_loop3A_291 = vector.broadcast %parallel_loop3A_290 : f32 to vector<16xf32>
          %parallel_loop3A_292 = arith.subf %parallel_loop3A_291, %parallel_loop3A_289 : vector<16xf32>
          %parallel_loop3A_293 = math.exp %parallel_loop3A_292 : vector<16xf32>
          %parallel_loop3A_294 = arith.constant 1.000000e+00 : f32
          %parallel_loop3A_295 = vector.broadcast %parallel_loop3A_294 : f32 to vector<16xf32>
          %parallel_loop3A_296 = arith.addf %parallel_loop3A_295, %parallel_loop3A_293 : vector<16xf32>
          %parallel_loop3A_297 = arith.constant 1.000000e+00 : f32
          %parallel_loop3A_298 = vector.broadcast %parallel_loop3A_297 : f32 to vector<16xf32>
          %parallel_loop3A_299 = arith.divf %parallel_loop3A_298, %parallel_loop3A_296 : vector<16xf32>
          %parallel_loop3A_300 = arith.addf %parallel_loop3A_268, %parallel_loop3A_286 : vector<16xf32>
          %parallel_loop3A_301 = arith.constant 0.000000e+00 : f32
          %parallel_loop3A_302 = vector.broadcast %parallel_loop3A_301 : f32 to vector<16xf32>
          %parallel_loop3A_303 = arith.subf %parallel_loop3A_302, %parallel_loop3A_300 : vector<16xf32>
          %parallel_loop3A_304 = math.exp %parallel_loop3A_303 : vector<16xf32>
          %parallel_loop3A_305 = arith.constant 1.000000e+00 : f32
          %parallel_loop3A_306 = vector.broadcast %parallel_loop3A_305 : f32 to vector<16xf32>
          %parallel_loop3A_307 = arith.addf %parallel_loop3A_306, %parallel_loop3A_304 : vector<16xf32>
          %parallel_loop3A_308 = arith.constant 1.000000e+00 : f32
          %parallel_loop3A_309 = vector.broadcast %parallel_loop3A_308 : f32 to vector<16xf32>
          %parallel_loop3A_310 = arith.divf %parallel_loop3A_309, %parallel_loop3A_307 : vector<16xf32>
          %parallel_loop3A_311 = arith.mulf %parallel_loop3A_299, %parallel_loop3A_278 : vector<16xf32>
          %parallel_loop3A_312 = arith.index_cast %parallel_loop3A_198 : i32 to index
          %parallel_loop3A_313 = arith.constant 16 : index
          %parallel_loop3A_314 = tpu.vector_load %arg17[%parallel_loop3A_312, %parallel_loop3A_313] {strides = array<i32>} : memref<32x128xf32, #tpu.memory_space<vmem>>, vector<1x16xf32>,
          %parallel_loop3A_315 = vector.shape_cast %parallel_loop3A_314 : vector<1x16xf32> to vector<16xf32>
          %parallel_loop3A_316 = vector.shape_cast %parallel_loop3A_311 : vector<16xf32> to vector<1x16xf32>
          tpu.vector_store %arg17[%parallel_loop3A_312, %parallel_loop3A_313], %parallel_loop3A_316 {strides = array<i32>} : memref<32x128xf32, #tpu.memory_space<vmem>>, vector<1x16xf32>,
          %parallel_loop3A_317 = arith.mulf %parallel_loop3A_310, %parallel_loop3A_288 : vector<16xf32>
          %parallel_loop3A_318 = arith.index_cast %parallel_loop3A_198 : i32 to index
          %parallel_loop3A_319 = arith.constant 80 : index
          %parallel_loop3A_320 = tpu.vector_load %arg17[%parallel_loop3A_318, %parallel_loop3A_319] {strides = array<i32>} : memref<32x128xf32, #tpu.memory_space<vmem>>, vector<1x16xf32>,
          %parallel_loop3A_321 = vector.shape_cast %parallel_loop3A_320 : vector<1x16xf32> to vector<16xf32>
          %parallel_loop3A_322 = vector.shape_cast %parallel_loop3A_317 : vector<16xf32> to vector<1x16xf32>
          tpu.vector_store %arg17[%parallel_loop3A_318, %parallel_loop3A_319], %parallel_loop3A_322 {strides = array<i32>} : memref<32x128xf32, #tpu.memory_space<vmem>>, vector<1x16xf32>,
          %parallel_loop3A_323 = arith.index_cast %parallel_loop3A_198 : i32 to index
          %parallel_loop3A_324 = arith.constant 32 : index
          %parallel_loop3A_325 = tpu.vector_load %arg13[%parallel_loop3A_323, %parallel_loop3A_324] {strides = array<i32>} : memref<32x128xf32, #tpu.memory_space<vmem>>, vector<1x16xf32>,
          %parallel_loop3A_326 = vector.shape_cast %parallel_loop3A_325 : vector<1x16xf32> to vector<16xf32>
          %parallel_loop3A_327 = arith.index_cast %parallel_loop3A_198 : i32 to index
          %parallel_loop3A_328 = arith.constant 96 : index
          %parallel_loop3A_329 = tpu.vector_load %arg13[%parallel_loop3A_327, %parallel_loop3A_328] {strides = array<i32>} : memref<32x128xf32, #tpu.memory_space<vmem>>, vector<1x16xf32>,
          %parallel_loop3A_330 = vector.shape_cast %parallel_loop3A_329 : vector<1x16xf32> to vector<16xf32>
          %parallel_loop3A_331 = arith.index_cast %parallel_loop3A_198 : i32 to index
          %parallel_loop3A_332 = arith.constant 32 : index
          %parallel_loop3A_333 = tpu.vector_load %arg15[%parallel_loop3A_331, %parallel_loop3A_332] {strides = array<i32>} : memref<32x128xi32, #tpu.memory_space<vmem>>, vector<1x16xi32>,
          %parallel_loop3A_334 = vector.shape_cast %parallel_loop3A_333 : vector<1x16xi32> to vector<16xi32>
          %parallel_loop3A_335 = arith.constant 16 : i32
          %parallel_loop3A_336 = vector.broadcast %parallel_loop3A_335 : i32 to vector<16xi32>
          %parallel_loop3A_337 = arith.shli %parallel_loop3A_334, %parallel_loop3A_336 : vector<16xi32>
          %parallel_loop3A_338 = tpu.bitcast %parallel_loop3A_337 : vector<16xi32> -> vector<16xf32>
          %parallel_loop3A_339 = arith.andi %parallel_loop3A_334, %broadcast_in_dim3A_150 : vector<16xi32>
          %parallel_loop3A_340 = tpu.bitcast %parallel_loop3A_339 : vector<16xi32> -> vector<16xf32>
          %parallel_loop3A_341 = arith.index_cast %parallel_loop3A_198 : i32 to index
          %parallel_loop3A_342 = arith.constant 96 : index
          %parallel_loop3A_343 = tpu.vector_load %arg15[%parallel_loop3A_341, %parallel_loop3A_342] {strides = array<i32>} : memref<32x128xi32, #tpu.memory_space<vmem>>, vector<1x16xi32>,
          %parallel_loop3A_344 = vector.shape_cast %parallel_loop3A_343 : vector<1x16xi32> to vector<16xi32>
          %parallel_loop3A_345 = arith.constant 16 : i32
          %parallel_loop3A_346 = vector.broadcast %parallel_loop3A_345 : i32 to vector<16xi32>
          %parallel_loop3A_347 = arith.shli %parallel_loop3A_344, %parallel_loop3A_346 : vector<16xi32>
          %parallel_loop3A_348 = tpu.bitcast %parallel_loop3A_347 : vector<16xi32> -> vector<16xf32>
          %parallel_loop3A_349 = arith.andi %parallel_loop3A_344, %broadcast_in_dim3A_150 : vector<16xi32>
          %parallel_loop3A_350 = tpu.bitcast %parallel_loop3A_349 : vector<16xi32> -> vector<16xf32>
          %parallel_loop3A_351 = arith.addf %parallel_loop3A_326, %parallel_loop3A_338 : vector<16xf32>
          %parallel_loop3A_352 = arith.constant 0.000000e+00 : f32
          %parallel_loop3A_353 = vector.broadcast %parallel_loop3A_352 : f32 to vector<16xf32>
          %parallel_loop3A_354 = arith.subf %parallel_loop3A_353, %parallel_loop3A_351 : vector<16xf32>
          %parallel_loop3A_355 = math.exp %parallel_loop3A_354 : vector<16xf32>
          %parallel_loop3A_356 = arith.constant 1.000000e+00 : f32
          %parallel_loop3A_357 = vector.broadcast %parallel_loop3A_356 : f32 to vector<16xf32>
          %parallel_loop3A_358 = arith.addf %parallel_loop3A_357, %parallel_loop3A_355 : vector<16xf32>
          %parallel_loop3A_359 = arith.constant 1.000000e+00 : f32
          %parallel_loop3A_360 = vector.broadcast %parallel_loop3A_359 : f32 to vector<16xf32>
          %parallel_loop3A_361 = arith.divf %parallel_loop3A_360, %parallel_loop3A_358 : vector<16xf32>
          %parallel_loop3A_362 = arith.addf %parallel_loop3A_330, %parallel_loop3A_348 : vector<16xf32>
          %parallel_loop3A_363 = arith.constant 0.000000e+00 : f32
          %parallel_loop3A_364 = vector.broadcast %parallel_loop3A_363 : f32 to vector<16xf32>
          %parallel_loop3A_365 = arith.subf %parallel_loop3A_364, %parallel_loop3A_362 : vector<16xf32>
          %parallel_loop3A_366 = math.exp %parallel_loop3A_365 : vector<16xf32>
          %parallel_loop3A_367 = arith.constant 1.000000e+00 : f32
          %parallel_loop3A_368 = vector.broadcast %parallel_loop3A_367 : f32 to vector<16xf32>
          %parallel_loop3A_369 = arith.addf %parallel_loop3A_368, %parallel_loop3A_366 : vector<16xf32>
          %parallel_loop3A_370 = arith.constant 1.000000e+00 : f32
          %parallel_loop3A_371 = vector.broadcast %parallel_loop3A_370 : f32 to vector<16xf32>
          %parallel_loop3A_372 = arith.divf %parallel_loop3A_371, %parallel_loop3A_369 : vector<16xf32>
          %parallel_loop3A_373 = arith.mulf %parallel_loop3A_361, %parallel_loop3A_340 : vector<16xf32>
          %parallel_loop3A_374 = arith.index_cast %parallel_loop3A_198 : i32 to index
          %parallel_loop3A_375 = arith.constant 32 : index
          %parallel_loop3A_376 = tpu.vector_load %arg17[%parallel_loop3A_374, %parallel_loop3A_375] {strides = array<i32>} : memref<32x128xf32, #tpu.memory_space<vmem>>, vector<1x16xf32>,
          %parallel_loop3A_377 = vector.shape_cast %parallel_loop3A_376 : vector<1x16xf32> to vector<16xf32>
          %parallel_loop3A_378 = vector.shape_cast %parallel_loop3A_373 : vector<16xf32> to vector<1x16xf32>
          tpu.vector_store %arg17[%parallel_loop3A_374, %parallel_loop3A_375], %parallel_loop3A_378 {strides = array<i32>} : memref<32x128xf32, #tpu.memory_space<vmem>>, vector<1x16xf32>,
          %parallel_loop3A_379 = arith.mulf %parallel_loop3A_372, %parallel_loop3A_350 : vector<16xf32>
          %parallel_loop3A_380 = arith.index_cast %parallel_loop3A_198 : i32 to index
          %parallel_loop3A_381 = arith.constant 96 : index
          %parallel_loop3A_382 = tpu.vector_load %arg17[%parallel_loop3A_380, %parallel_loop3A_381] {strides = array<i32>} : memref<32x128xf32, #tpu.memory_space<vmem>>, vector<1x16xf32>,
          %parallel_loop3A_383 = vector.shape_cast %parallel_loop3A_382 : vector<1x16xf32> to vector<16xf32>
          %parallel_loop3A_384 = vector.shape_cast %parallel_loop3A_379 : vector<16xf32> to vector<1x16xf32>
          tpu.vector_store %arg17[%parallel_loop3A_380, %parallel_loop3A_381], %parallel_loop3A_384 {strides = array<i32>} : memref<32x128xf32, #tpu.memory_space<vmem>>, vector<1x16xf32>,
          %parallel_loop3A_385 = arith.index_cast %parallel_loop3A_198 : i32 to index
          %parallel_loop3A_386 = arith.constant 48 : index
          %parallel_loop3A_387 = tpu.vector_load %arg13[%parallel_loop3A_385, %parallel_loop3A_386] {strides = array<i32>} : memref<32x128xf32, #tpu.memory_space<vmem>>, vector<1x16xf32>,
          %parallel_loop3A_388 = vector.shape_cast %parallel_loop3A_387 : vector<1x16xf32> to vector<16xf32>
          %parallel_loop3A_389 = arith.index_cast %parallel_loop3A_198 : i32 to index
          %parallel_loop3A_390 = arith.constant 112 : index
          %parallel_loop3A_391 = tpu.vector_load %arg13[%parallel_loop3A_389, %parallel_loop3A_390] {strides = array<i32>} : memref<32x128xf32, #tpu.memory_space<vmem>>, vector<1x16xf32>,
          %parallel_loop3A_392 = vector.shape_cast %parallel_loop3A_391 : vector<1x16xf32> to vector<16xf32>
          %parallel_loop3A_393 = arith.index_cast %parallel_loop3A_198 : i32 to index
          %parallel_loop3A_394 = arith.constant 48 : index
          %parallel_loop3A_395 = tpu.vector_load %arg15[%parallel_loop3A_393, %parallel_loop3A_394] {strides = array<i32>} : memref<32x128xi32, #tpu.memory_space<vmem>>, vector<1x16xi32>,
          %parallel_loop3A_396 = vector.shape_cast %parallel_loop3A_395 : vector<1x16xi32> to vector<16xi32>
          %parallel_loop3A_397 = arith.constant 16 : i32
          %parallel_loop3A_398 = vector.broadcast %parallel_loop3A_397 : i32 to vector<16xi32>
          %parallel_loop3A_399 = arith.shli %parallel_loop3A_396, %parallel_loop3A_398 : vector<16xi32>
          %parallel_loop3A_400 = tpu.bitcast %parallel_loop3A_399 : vector<16xi32> -> vector<16xf32>
          %parallel_loop3A_401 = arith.andi %parallel_loop3A_396, %broadcast_in_dim3A_150 : vector<16xi32>
          %parallel_loop3A_402 = tpu.bitcast %parallel_loop3A_401 : vector<16xi32> -> vector<16xf32>
          %parallel_loop3A_403 = arith.index_cast %parallel_loop3A_198 : i32 to index
          %parallel_loop3A_404 = arith.constant 112 : index
          %parallel_loop3A_405 = tpu.vector_load %arg15[%parallel_loop3A_403, %parallel_loop3A_404] {strides = array<i32>} : memref<32x128xi32, #tpu.memory_space<vmem>>, vector<1x16xi32>,
          %parallel_loop3A_406 = vector.shape_cast %parallel_loop3A_405 : vector<1x16xi32> to vector<16xi32>
          %parallel_loop3A_407 = arith.constant 16 : i32
          %parallel_loop3A_408 = vector.broadcast %parallel_loop3A_407 : i32 to vector<16xi32>
          %parallel_loop3A_409 = arith.shli %parallel_loop3A_406, %parallel_loop3A_408 : vector<16xi32>
          %parallel_loop3A_410 = tpu.bitcast %parallel_loop3A_409 : vector<16xi32> -> vector<16xf32>
          %parallel_loop3A_411 = arith.andi %parallel_loop3A_406, %broadcast_in_dim3A_150 : vector<16xi32>
          %parallel_loop3A_412 = tpu.bitcast %parallel_loop3A_411 : vector<16xi32> -> vector<16xf32>
          %parallel_loop3A_413 = arith.addf %parallel_loop3A_388, %parallel_loop3A_400 : vector<16xf32>
          %parallel_loop3A_414 = arith.constant 0.000000e+00 : f32
          %parallel_loop3A_415 = vector.broadcast %parallel_loop3A_414 : f32 to vector<16xf32>
          %parallel_loop3A_416 = arith.subf %parallel_loop3A_415, %parallel_loop3A_413 : vector<16xf32>
          %parallel_loop3A_417 = math.exp %parallel_loop3A_416 : vector<16xf32>
          %parallel_loop3A_418 = arith.constant 1.000000e+00 : f32
          %parallel_loop3A_419 = vector.broadcast %parallel_loop3A_418 : f32 to vector<16xf32>
          %parallel_loop3A_420 = arith.addf %parallel_loop3A_419, %parallel_loop3A_417 : vector<16xf32>
          %parallel_loop3A_421 = arith.constant 1.000000e+00 : f32
          %parallel_loop3A_422 = vector.broadcast %parallel_loop3A_421 : f32 to vector<16xf32>
          %parallel_loop3A_423 = arith.divf %parallel_loop3A_422, %parallel_loop3A_420 : vector<16xf32>
          %parallel_loop3A_424 = arith.addf %parallel_loop3A_392, %parallel_loop3A_410 : vector<16xf32>
          %parallel_loop3A_425 = arith.constant 0.000000e+00 : f32
          %parallel_loop3A_426 = vector.broadcast %parallel_loop3A_425 : f32 to vector<16xf32>
          %parallel_loop3A_427 = arith.subf %parallel_loop3A_426, %parallel_loop3A_424 : vector<16xf32>
          %parallel_loop3A_428 = math.exp %parallel_loop3A_427 : vector<16xf32>
          %parallel_loop3A_429 = arith.constant 1.000000e+00 : f32
          %parallel_loop3A_430 = vector.broadcast %parallel_loop3A_429 : f32 to vector<16xf32>
          %parallel_loop3A_431 = arith.addf %parallel_loop3A_430, %parallel_loop3A_428 : vector<16xf32>
          %parallel_loop3A_432 = arith.constant 1.000000e+00 : f32
          %parallel_loop3A_433 = vector.broadcast %parallel_loop3A_432 : f32 to vector<16xf32>
          %parallel_loop3A_434 = arith.divf %parallel_loop3A_433, %parallel_loop3A_431 : vector<16xf32>
          %parallel_loop3A_435 = arith.mulf %parallel_loop3A_423, %parallel_loop3A_402 : vector<16xf32>
          %parallel_loop3A_436 = arith.index_cast %parallel_loop3A_198 : i32 to index
          %parallel_loop3A_437 = arith.constant 48 : index
          %parallel_loop3A_438 = tpu.vector_load %arg17[%parallel_loop3A_436, %parallel_loop3A_437] {strides = array<i32>} : memref<32x128xf32, #tpu.memory_space<vmem>>, vector<1x16xf32>,
          %parallel_loop3A_439 = vector.shape_cast %parallel_loop3A_438 : vector<1x16xf32> to vector<16xf32>
          %parallel_loop3A_440 = vector.shape_cast %parallel_loop3A_435 : vector<16xf32> to vector<1x16xf32>
          tpu.vector_store %arg17[%parallel_loop3A_436, %parallel_loop3A_437], %parallel_loop3A_440 {strides = array<i32>} : memref<32x128xf32, #tpu.memory_space<vmem>>, vector<1x16xf32>,
          %parallel_loop3A_441 = arith.mulf %parallel_loop3A_434, %parallel_loop3A_412 : vector<16xf32>
          %parallel_loop3A_442 = arith.index_cast %parallel_loop3A_198 : i32 to index
          %parallel_loop3A_443 = arith.constant 112 : index
          %parallel_loop3A_444 = tpu.vector_load %arg17[%parallel_loop3A_442, %parallel_loop3A_443] {strides = array<i32>} : memref<32x128xf32, #tpu.memory_space<vmem>>, vector<1x16xf32>,
          %parallel_loop3A_445 = vector.shape_cast %parallel_loop3A_444 : vector<1x16xf32> to vector<16xf32>
          %parallel_loop3A_446 = vector.shape_cast %parallel_loop3A_441 : vector<16xf32> to vector<1x16xf32>
          tpu.vector_store %arg17[%parallel_loop3A_442, %parallel_loop3A_443], %parallel_loop3A_446 {strides = array<i32>} : memref<32x128xf32, #tpu.memory_space<vmem>>, vector<1x16xf32>,
        } {sc.loop_unroll_factor = 4 : i64, sc.parallel_access}
        %dma_start3A_154 = arith.constant 0 : i32
        %dma_start3A_155 = tpu.memref_slice %arg12[%add3A_118, %dma_start3A_154] : memref<16x32xi32, #tpu.memory_space<vmem>> -> memref<1x32xi32, #tpu.memory_space<vmem>>
        %dma_start3A_156 = tpu.memref_squeeze %dma_start3A_155 : memref<1x32xi32, #tpu.memory_space<vmem>> -> memref<32xi32, #tpu.memory_space<vmem>>
        %dma_start3A_157 = arith.constant 0 : i32
        %dma_start3A_158 = arith.constant 0 : i32
        %dma_start3A_159 = tpu.memref_slice %arg19[%dma_start3A_157, %dma_start3A_158] : memref<10112x128xf32, #tpu.memory_space<vmem_shared>> -> memref<10112x128xf32, #tpu.memory_space<vmem_shared>>
        tpu.enqueue_indirect_dma source(%arg17 : memref<32x128xf32, #tpu.memory_space<vmem>>) target(%dma_start3A_159 : memref<10112x128xf32, #tpu.memory_space<vmem_shared>>) offsets(%dma_start3A_156 : memref<32xi32, #tpu.memory_space<vmem>>) semaphore(%arg24 : memref<!tpu.dma_semaphore, #tpu.memory_space<semaphore_mem>>) {add = true}
        %add3A_160 = arith.constant 1 : i32
        %add3A_161 = arith.addi %add3A_118, %add3A_160 : i32
        %add3A_162 = arith.constant 2 : i32
        %add3A_163 = arith.addi %add3A_118, %add3A_162 : i32
        %add3A_164 = arith.constant 2 : i32
        %add3A_165 = arith.addi %add3A_118, %add3A_164 : i32
        %lt3A = arith.constant 16 : i32
        %lt3A_166 = arith.cmpi slt, %add3A_165, %lt3A : i32
        %convert_element_type3A_167 = arith.extui %lt3A_166 : i1 to i32
        %cond3A_168 = arith.constant 0 : i32
        %cond3A_169 = arith.cmpi ne, %convert_element_type3A_167, %cond3A_168 : i32
        scf.if %cond3A_169 {
          %dma_start3A_198 = arith.constant 0 : i32
          %dma_start3A_199 = tpu.memref_slice %arg10[%add3A_163, %dma_start3A_198] : memref<16x32xi32, #tpu.memory_space<vmem>> -> memref<1x32xi32, #tpu.memory_space<vmem>>
          %dma_start3A_200 = tpu.memref_squeeze %dma_start3A_199 : memref<1x32xi32, #tpu.memory_space<vmem>> -> memref<32xi32, #tpu.memory_space<vmem>>
          %dma_start3A_201 = arith.constant 0 : i32
          %dma_start3A_202 = arith.constant 0 : i32
          %dma_start3A_203 = tpu.memref_slice %arg2[%dma_start3A_201, %dma_start3A_202] : memref<30000x128xf32, #tpu.memory_space<hbm>> -> memref<30000x128xf32, #tpu.memory_space<hbm>>
          tpu.enqueue_indirect_dma source(%dma_start3A_203 : memref<30000x128xf32, #tpu.memory_space<hbm>>) target(%arg13 : memref<32x128xf32, #tpu.memory_space<vmem>>) offsets(%dma_start3A_200 : memref<32xi32, #tpu.memory_space<vmem>>) semaphore(%arg20 : memref<!tpu.dma_semaphore, #tpu.memory_space<semaphore_mem>>)
          %dma_start3A_204 = arith.constant 0 : i32
          %dma_start3A_205 = tpu.memref_slice %arg11[%add3A_163, %dma_start3A_204] : memref<16x32xi32, #tpu.memory_space<vmem>> -> memref<1x32xi32, #tpu.memory_space<vmem>>
          %dma_start3A_206 = tpu.memref_squeeze %dma_start3A_205 : memref<1x32xi32, #tpu.memory_space<vmem>> -> memref<32xi32, #tpu.memory_space<vmem>>
          %dma_start3A_207 = arith.constant 0 : i32
          %dma_start3A_208 = arith.constant 0 : i32
          %dma_start3A_209 = tpu.memref_slice %arg3[%dma_start3A_207, %dma_start3A_208] : memref<30000x128xi32, #tpu.memory_space<hbm>> -> memref<30000x128xi32, #tpu.memory_space<hbm>>
          tpu.enqueue_indirect_dma source(%dma_start3A_209 : memref<30000x128xi32, #tpu.memory_space<hbm>>) target(%arg15 : memref<32x128xi32, #tpu.memory_space<vmem>>) offsets(%dma_start3A_206 : memref<32xi32, #tpu.memory_space<vmem>>) semaphore(%arg22 : memref<!tpu.dma_semaphore, #tpu.memory_space<semaphore_mem>>)
        } else {
        }
        %dma_wait3A_170 = arith.constant 0 : i32
        %dma_wait3A_171 = tpu.memref_slice %arg10[%add3A_161, %dma_wait3A_170] : memref<16x32xi32, #tpu.memory_space<vmem>> -> memref<1x32xi32, #tpu.memory_space<vmem>>
        %dma_wait3A_172 = tpu.memref_squeeze %dma_wait3A_171 : memref<1x32xi32, #tpu.memory_space<vmem>> -> memref<32xi32, #tpu.memory_space<vmem>>
        %dma_wait3A_173 = arith.constant 0 : i32
        %dma_wait3A_174 = arith.constant 0 : i32
        %dma_wait3A_175 = tpu.memref_slice %arg2[%dma_wait3A_173, %dma_wait3A_174] : memref<30000x128xf32, #tpu.memory_space<hbm>> -> memref<30000x128xf32, #tpu.memory_space<hbm>>
        tpu.wait_indirect_dma semaphore(%arg21 : memref<!tpu.dma_semaphore, #tpu.memory_space<semaphore_mem>>) src(%dma_wait3A_175 : memref<30000x128xf32, #tpu.memory_space<hbm>>) dst(%arg14 : memref<32x128xf32, #tpu.memory_space<vmem>>)
        %dma_wait3A_176 = arith.constant 0 : i32
        %dma_wait3A_177 = tpu.memref_slice %arg11[%add3A_161, %dma_wait3A_176] : memref<16x32xi32, #tpu.memory_space<vmem>> -> memref<1x32xi32, #tpu.memory_space<vmem>>
        %dma_wait3A_178 = tpu.memref_squeeze %dma_wait3A_177 : memref<1x32xi32, #tpu.memory_space<vmem>> -> memref<32xi32, #tpu.memory_space<vmem>>
        %dma_wait3A_179 = arith.constant 0 : i32
        %dma_wait3A_180 = arith.constant 0 : i32
        %dma_wait3A_181 = tpu.memref_slice %arg3[%dma_wait3A_179, %dma_wait3A_180] : memref<30000x128xi32, #tpu.memory_space<hbm>> -> memref<30000x128xi32, #tpu.memory_space<hbm>>
        tpu.wait_indirect_dma semaphore(%arg23 : memref<!tpu.dma_semaphore, #tpu.memory_space<semaphore_mem>>) src(%dma_wait3A_181 : memref<30000x128xi32, #tpu.memory_space<hbm>>) dst(%arg16 : memref<32x128xi32, #tpu.memory_space<vmem>>)
        %ge3A_182 = arith.constant 2 : i32
        %ge3A_183 = arith.cmpi sge, %add3A_161, %ge3A_182 : i32
        %convert_element_type3A_184 = arith.extui %ge3A_183 : i1 to i32
        %cond3A_185 = arith.constant 0 : i32
        %cond3A_186 = arith.cmpi ne, %convert_element_type3A_184, %cond3A_185 : i32
        scf.if %cond3A_186 {
          %dma_wait3A_198 = arith.constant 0 : i32
          %dma_wait3A_199 = tpu.memref_slice %arg12[%add3A_161, %dma_wait3A_198] : memref<16x32xi32, #tpu.memory_space<vmem>> -> memref<1x32xi32, #tpu.memory_space<vmem>>
          %dma_wait3A_200 = tpu.memref_squeeze %dma_wait3A_199 : memref<1x32xi32, #tpu.memory_space<vmem>> -> memref<32xi32, #tpu.memory_space<vmem>>
          %dma_wait3A_201 = arith.constant 0 : i32
          %dma_wait3A_202 = arith.constant 0 : i32
          %dma_wait3A_203 = tpu.memref_slice %arg19[%dma_wait3A_201, %dma_wait3A_202] : memref<10112x128xf32, #tpu.memory_space<vmem_shared>> -> memref<10112x128xf32, #tpu.memory_space<vmem_shared>>
          tpu.wait_indirect_dma semaphore(%arg25 : memref<!tpu.dma_semaphore, #tpu.memory_space<semaphore_mem>>) src(%arg18 : memref<32x128xf32, #tpu.memory_space<vmem>>) dst(%dma_wait3A_203 : memref<10112x128xf32, #tpu.memory_space<vmem_shared>>)
        } else {
        }
        %broadcast_in_dim3A_187 = arith.constant -65536 : i32
        %broadcast_in_dim3A_188 = vector.broadcast %broadcast_in_dim3A_187 : i32 to vector<16xi32>
        %parallel_loop3A_189 = arith.constant 0 : i32
        %parallel_loop3A_190 = arith.constant 32 : i32
        %parallel_loop3A_191 = arith.constant 1 : i32
        scf.for %parallel_loop3A_198 = %parallel_loop3A_189 to %parallel_loop3A_190 step %parallel_loop3A_191  : i32 {
          %parallel_loop3A_199 = arith.index_cast %parallel_loop3A_198 : i32 to index
          %parallel_loop3A_200 = arith.constant 0 : index
          %parallel_loop3A_201 = tpu.vector_load %arg14[%parallel_loop3A_199, %parallel_loop3A_200] {strides = array<i32>} : memref<32x128xf32, #tpu.memory_space<vmem>>, vector<1x16xf32>,
          %parallel_loop3A_202 = vector.shape_cast %parallel_loop3A_201 : vector<1x16xf32> to vector<16xf32>
          %parallel_loop3A_203 = arith.index_cast %parallel_loop3A_198 : i32 to index
          %parallel_loop3A_204 = arith.constant 64 : index
          %parallel_loop3A_205 = tpu.vector_load %arg14[%parallel_loop3A_203, %parallel_loop3A_204] {strides = array<i32>} : memref<32x128xf32, #tpu.memory_space<vmem>>, vector<1x16xf32>,
          %parallel_loop3A_206 = vector.shape_cast %parallel_loop3A_205 : vector<1x16xf32> to vector<16xf32>
          %parallel_loop3A_207 = arith.index_cast %parallel_loop3A_198 : i32 to index
          %parallel_loop3A_208 = arith.constant 0 : index
          %parallel_loop3A_209 = tpu.vector_load %arg16[%parallel_loop3A_207, %parallel_loop3A_208] {strides = array<i32>} : memref<32x128xi32, #tpu.memory_space<vmem>>, vector<1x16xi32>,
          %parallel_loop3A_210 = vector.shape_cast %parallel_loop3A_209 : vector<1x16xi32> to vector<16xi32>
          %parallel_loop3A_211 = arith.constant 16 : i32
          %parallel_loop3A_212 = vector.broadcast %parallel_loop3A_211 : i32 to vector<16xi32>
          %parallel_loop3A_213 = arith.shli %parallel_loop3A_210, %parallel_loop3A_212 : vector<16xi32>
          %parallel_loop3A_214 = tpu.bitcast %parallel_loop3A_213 : vector<16xi32> -> vector<16xf32>
          %parallel_loop3A_215 = arith.andi %parallel_loop3A_210, %broadcast_in_dim3A_188 : vector<16xi32>
          %parallel_loop3A_216 = tpu.bitcast %parallel_loop3A_215 : vector<16xi32> -> vector<16xf32>
          %parallel_loop3A_217 = arith.index_cast %parallel_loop3A_198 : i32 to index
          %parallel_loop3A_218 = arith.constant 64 : index
          %parallel_loop3A_219 = tpu.vector_load %arg16[%parallel_loop3A_217, %parallel_loop3A_218] {strides = array<i32>} : memref<32x128xi32, #tpu.memory_space<vmem>>, vector<1x16xi32>,
          %parallel_loop3A_220 = vector.shape_cast %parallel_loop3A_219 : vector<1x16xi32> to vector<16xi32>
          %parallel_loop3A_221 = arith.constant 16 : i32
          %parallel_loop3A_222 = vector.broadcast %parallel_loop3A_221 : i32 to vector<16xi32>
          %parallel_loop3A_223 = arith.shli %parallel_loop3A_220, %parallel_loop3A_222 : vector<16xi32>
          %parallel_loop3A_224 = tpu.bitcast %parallel_loop3A_223 : vector<16xi32> -> vector<16xf32>
          %parallel_loop3A_225 = arith.andi %parallel_loop3A_220, %broadcast_in_dim3A_188 : vector<16xi32>
          %parallel_loop3A_226 = tpu.bitcast %parallel_loop3A_225 : vector<16xi32> -> vector<16xf32>
          %parallel_loop3A_227 = arith.addf %parallel_loop3A_202, %parallel_loop3A_214 : vector<16xf32>
          %parallel_loop3A_228 = arith.constant 0.000000e+00 : f32
          %parallel_loop3A_229 = vector.broadcast %parallel_loop3A_228 : f32 to vector<16xf32>
          %parallel_loop3A_230 = arith.subf %parallel_loop3A_229, %parallel_loop3A_227 : vector<16xf32>
          %parallel_loop3A_231 = math.exp %parallel_loop3A_230 : vector<16xf32>
          %parallel_loop3A_232 = arith.constant 1.000000e+00 : f32
          %parallel_loop3A_233 = vector.broadcast %parallel_loop3A_232 : f32 to vector<16xf32>
          %parallel_loop3A_234 = arith.addf %parallel_loop3A_233, %parallel_loop3A_231 : vector<16xf32>
          %parallel_loop3A_235 = arith.constant 1.000000e+00 : f32
          %parallel_loop3A_236 = vector.broadcast %parallel_loop3A_235 : f32 to vector<16xf32>
          %parallel_loop3A_237 = arith.divf %parallel_loop3A_236, %parallel_loop3A_234 : vector<16xf32>
          %parallel_loop3A_238 = arith.addf %parallel_loop3A_206, %parallel_loop3A_224 : vector<16xf32>
          %parallel_loop3A_239 = arith.constant 0.000000e+00 : f32
          %parallel_loop3A_240 = vector.broadcast %parallel_loop3A_239 : f32 to vector<16xf32>
          %parallel_loop3A_241 = arith.subf %parallel_loop3A_240, %parallel_loop3A_238 : vector<16xf32>
          %parallel_loop3A_242 = math.exp %parallel_loop3A_241 : vector<16xf32>
          %parallel_loop3A_243 = arith.constant 1.000000e+00 : f32
          %parallel_loop3A_244 = vector.broadcast %parallel_loop3A_243 : f32 to vector<16xf32>
          %parallel_loop3A_245 = arith.addf %parallel_loop3A_244, %parallel_loop3A_242 : vector<16xf32>
          %parallel_loop3A_246 = arith.constant 1.000000e+00 : f32
          %parallel_loop3A_247 = vector.broadcast %parallel_loop3A_246 : f32 to vector<16xf32>
          %parallel_loop3A_248 = arith.divf %parallel_loop3A_247, %parallel_loop3A_245 : vector<16xf32>
          %parallel_loop3A_249 = arith.mulf %parallel_loop3A_237, %parallel_loop3A_216 : vector<16xf32>
          %parallel_loop3A_250 = arith.index_cast %parallel_loop3A_198 : i32 to index
          %parallel_loop3A_251 = arith.constant 0 : index
          %parallel_loop3A_252 = tpu.vector_load %arg18[%parallel_loop3A_250, %parallel_loop3A_251] {strides = array<i32>} : memref<32x128xf32, #tpu.memory_space<vmem>>, vector<1x16xf32>,
          %parallel_loop3A_253 = vector.shape_cast %parallel_loop3A_252 : vector<1x16xf32> to vector<16xf32>
          %parallel_loop3A_254 = vector.shape_cast %parallel_loop3A_249 : vector<16xf32> to vector<1x16xf32>
          tpu.vector_store %arg18[%parallel_loop3A_250, %parallel_loop3A_251], %parallel_loop3A_254 {strides = array<i32>} : memref<32x128xf32, #tpu.memory_space<vmem>>, vector<1x16xf32>,
          %parallel_loop3A_255 = arith.mulf %parallel_loop3A_248, %parallel_loop3A_226 : vector<16xf32>
          %parallel_loop3A_256 = arith.index_cast %parallel_loop3A_198 : i32 to index
          %parallel_loop3A_257 = arith.constant 64 : index
          %parallel_loop3A_258 = tpu.vector_load %arg18[%parallel_loop3A_256, %parallel_loop3A_257] {strides = array<i32>} : memref<32x128xf32, #tpu.memory_space<vmem>>, vector<1x16xf32>,
          %parallel_loop3A_259 = vector.shape_cast %parallel_loop3A_258 : vector<1x16xf32> to vector<16xf32>
          %parallel_loop3A_260 = vector.shape_cast %parallel_loop3A_255 : vector<16xf32> to vector<1x16xf32>
          tpu.vector_store %arg18[%parallel_loop3A_256, %parallel_loop3A_257], %parallel_loop3A_260 {strides = array<i32>} : memref<32x128xf32, #tpu.memory_space<vmem>>, vector<1x16xf32>,
          %parallel_loop3A_261 = arith.index_cast %parallel_loop3A_198 : i32 to index
          %parallel_loop3A_262 = arith.constant 16 : index
          %parallel_loop3A_263 = tpu.vector_load %arg14[%parallel_loop3A_261, %parallel_loop3A_262] {strides = array<i32>} : memref<32x128xf32, #tpu.memory_space<vmem>>, vector<1x16xf32>,
          %parallel_loop3A_264 = vector.shape_cast %parallel_loop3A_263 : vector<1x16xf32> to vector<16xf32>
          %parallel_loop3A_265 = arith.index_cast %parallel_loop3A_198 : i32 to index
          %parallel_loop3A_266 = arith.constant 80 : index
          %parallel_loop3A_267 = tpu.vector_load %arg14[%parallel_loop3A_265, %parallel_loop3A_266] {strides = array<i32>} : memref<32x128xf32, #tpu.memory_space<vmem>>, vector<1x16xf32>,
          %parallel_loop3A_268 = vector.shape_cast %parallel_loop3A_267 : vector<1x16xf32> to vector<16xf32>
          %parallel_loop3A_269 = arith.index_cast %parallel_loop3A_198 : i32 to index
          %parallel_loop3A_270 = arith.constant 16 : index
          %parallel_loop3A_271 = tpu.vector_load %arg16[%parallel_loop3A_269, %parallel_loop3A_270] {strides = array<i32>} : memref<32x128xi32, #tpu.memory_space<vmem>>, vector<1x16xi32>,
          %parallel_loop3A_272 = vector.shape_cast %parallel_loop3A_271 : vector<1x16xi32> to vector<16xi32>
          %parallel_loop3A_273 = arith.constant 16 : i32
          %parallel_loop3A_274 = vector.broadcast %parallel_loop3A_273 : i32 to vector<16xi32>
          %parallel_loop3A_275 = arith.shli %parallel_loop3A_272, %parallel_loop3A_274 : vector<16xi32>
          %parallel_loop3A_276 = tpu.bitcast %parallel_loop3A_275 : vector<16xi32> -> vector<16xf32>
          %parallel_loop3A_277 = arith.andi %parallel_loop3A_272, %broadcast_in_dim3A_188 : vector<16xi32>
          %parallel_loop3A_278 = tpu.bitcast %parallel_loop3A_277 : vector<16xi32> -> vector<16xf32>
          %parallel_loop3A_279 = arith.index_cast %parallel_loop3A_198 : i32 to index
          %parallel_loop3A_280 = arith.constant 80 : index
          %parallel_loop3A_281 = tpu.vector_load %arg16[%parallel_loop3A_279, %parallel_loop3A_280] {strides = array<i32>} : memref<32x128xi32, #tpu.memory_space<vmem>>, vector<1x16xi32>,
          %parallel_loop3A_282 = vector.shape_cast %parallel_loop3A_281 : vector<1x16xi32> to vector<16xi32>
          %parallel_loop3A_283 = arith.constant 16 : i32
          %parallel_loop3A_284 = vector.broadcast %parallel_loop3A_283 : i32 to vector<16xi32>
          %parallel_loop3A_285 = arith.shli %parallel_loop3A_282, %parallel_loop3A_284 : vector<16xi32>
          %parallel_loop3A_286 = tpu.bitcast %parallel_loop3A_285 : vector<16xi32> -> vector<16xf32>
          %parallel_loop3A_287 = arith.andi %parallel_loop3A_282, %broadcast_in_dim3A_188 : vector<16xi32>
          %parallel_loop3A_288 = tpu.bitcast %parallel_loop3A_287 : vector<16xi32> -> vector<16xf32>
          %parallel_loop3A_289 = arith.addf %parallel_loop3A_264, %parallel_loop3A_276 : vector<16xf32>
          %parallel_loop3A_290 = arith.constant 0.000000e+00 : f32
          %parallel_loop3A_291 = vector.broadcast %parallel_loop3A_290 : f32 to vector<16xf32>
          %parallel_loop3A_292 = arith.subf %parallel_loop3A_291, %parallel_loop3A_289 : vector<16xf32>
          %parallel_loop3A_293 = math.exp %parallel_loop3A_292 : vector<16xf32>
          %parallel_loop3A_294 = arith.constant 1.000000e+00 : f32
          %parallel_loop3A_295 = vector.broadcast %parallel_loop3A_294 : f32 to vector<16xf32>
          %parallel_loop3A_296 = arith.addf %parallel_loop3A_295, %parallel_loop3A_293 : vector<16xf32>
          %parallel_loop3A_297 = arith.constant 1.000000e+00 : f32
          %parallel_loop3A_298 = vector.broadcast %parallel_loop3A_297 : f32 to vector<16xf32>
          %parallel_loop3A_299 = arith.divf %parallel_loop3A_298, %parallel_loop3A_296 : vector<16xf32>
          %parallel_loop3A_300 = arith.addf %parallel_loop3A_268, %parallel_loop3A_286 : vector<16xf32>
          %parallel_loop3A_301 = arith.constant 0.000000e+00 : f32
          %parallel_loop3A_302 = vector.broadcast %parallel_loop3A_301 : f32 to vector<16xf32>
          %parallel_loop3A_303 = arith.subf %parallel_loop3A_302, %parallel_loop3A_300 : vector<16xf32>
          %parallel_loop3A_304 = math.exp %parallel_loop3A_303 : vector<16xf32>
          %parallel_loop3A_305 = arith.constant 1.000000e+00 : f32
          %parallel_loop3A_306 = vector.broadcast %parallel_loop3A_305 : f32 to vector<16xf32>
          %parallel_loop3A_307 = arith.addf %parallel_loop3A_306, %parallel_loop3A_304 : vector<16xf32>
          %parallel_loop3A_308 = arith.constant 1.000000e+00 : f32
          %parallel_loop3A_309 = vector.broadcast %parallel_loop3A_308 : f32 to vector<16xf32>
          %parallel_loop3A_310 = arith.divf %parallel_loop3A_309, %parallel_loop3A_307 : vector<16xf32>
          %parallel_loop3A_311 = arith.mulf %parallel_loop3A_299, %parallel_loop3A_278 : vector<16xf32>
          %parallel_loop3A_312 = arith.index_cast %parallel_loop3A_198 : i32 to index
          %parallel_loop3A_313 = arith.constant 16 : index
          %parallel_loop3A_314 = tpu.vector_load %arg18[%parallel_loop3A_312, %parallel_loop3A_313] {strides = array<i32>} : memref<32x128xf32, #tpu.memory_space<vmem>>, vector<1x16xf32>,
          %parallel_loop3A_315 = vector.shape_cast %parallel_loop3A_314 : vector<1x16xf32> to vector<16xf32>
          %parallel_loop3A_316 = vector.shape_cast %parallel_loop3A_311 : vector<16xf32> to vector<1x16xf32>
          tpu.vector_store %arg18[%parallel_loop3A_312, %parallel_loop3A_313], %parallel_loop3A_316 {strides = array<i32>} : memref<32x128xf32, #tpu.memory_space<vmem>>, vector<1x16xf32>,
          %parallel_loop3A_317 = arith.mulf %parallel_loop3A_310, %parallel_loop3A_288 : vector<16xf32>
          %parallel_loop3A_318 = arith.index_cast %parallel_loop3A_198 : i32 to index
          %parallel_loop3A_319 = arith.constant 80 : index
          %parallel_loop3A_320 = tpu.vector_load %arg18[%parallel_loop3A_318, %parallel_loop3A_319] {strides = array<i32>} : memref<32x128xf32, #tpu.memory_space<vmem>>, vector<1x16xf32>,
          %parallel_loop3A_321 = vector.shape_cast %parallel_loop3A_320 : vector<1x16xf32> to vector<16xf32>
          %parallel_loop3A_322 = vector.shape_cast %parallel_loop3A_317 : vector<16xf32> to vector<1x16xf32>
          tpu.vector_store %arg18[%parallel_loop3A_318, %parallel_loop3A_319], %parallel_loop3A_322 {strides = array<i32>} : memref<32x128xf32, #tpu.memory_space<vmem>>, vector<1x16xf32>,
          %parallel_loop3A_323 = arith.index_cast %parallel_loop3A_198 : i32 to index
          %parallel_loop3A_324 = arith.constant 32 : index
          %parallel_loop3A_325 = tpu.vector_load %arg14[%parallel_loop3A_323, %parallel_loop3A_324] {strides = array<i32>} : memref<32x128xf32, #tpu.memory_space<vmem>>, vector<1x16xf32>,
          %parallel_loop3A_326 = vector.shape_cast %parallel_loop3A_325 : vector<1x16xf32> to vector<16xf32>
          %parallel_loop3A_327 = arith.index_cast %parallel_loop3A_198 : i32 to index
          %parallel_loop3A_328 = arith.constant 96 : index
          %parallel_loop3A_329 = tpu.vector_load %arg14[%parallel_loop3A_327, %parallel_loop3A_328] {strides = array<i32>} : memref<32x128xf32, #tpu.memory_space<vmem>>, vector<1x16xf32>,
          %parallel_loop3A_330 = vector.shape_cast %parallel_loop3A_329 : vector<1x16xf32> to vector<16xf32>
          %parallel_loop3A_331 = arith.index_cast %parallel_loop3A_198 : i32 to index
          %parallel_loop3A_332 = arith.constant 32 : index
          %parallel_loop3A_333 = tpu.vector_load %arg16[%parallel_loop3A_331, %parallel_loop3A_332] {strides = array<i32>} : memref<32x128xi32, #tpu.memory_space<vmem>>, vector<1x16xi32>,
          %parallel_loop3A_334 = vector.shape_cast %parallel_loop3A_333 : vector<1x16xi32> to vector<16xi32>
          %parallel_loop3A_335 = arith.constant 16 : i32
          %parallel_loop3A_336 = vector.broadcast %parallel_loop3A_335 : i32 to vector<16xi32>
          %parallel_loop3A_337 = arith.shli %parallel_loop3A_334, %parallel_loop3A_336 : vector<16xi32>
          %parallel_loop3A_338 = tpu.bitcast %parallel_loop3A_337 : vector<16xi32> -> vector<16xf32>
          %parallel_loop3A_339 = arith.andi %parallel_loop3A_334, %broadcast_in_dim3A_188 : vector<16xi32>
          %parallel_loop3A_340 = tpu.bitcast %parallel_loop3A_339 : vector<16xi32> -> vector<16xf32>
          %parallel_loop3A_341 = arith.index_cast %parallel_loop3A_198 : i32 to index
          %parallel_loop3A_342 = arith.constant 96 : index
          %parallel_loop3A_343 = tpu.vector_load %arg16[%parallel_loop3A_341, %parallel_loop3A_342] {strides = array<i32>} : memref<32x128xi32, #tpu.memory_space<vmem>>, vector<1x16xi32>,
          %parallel_loop3A_344 = vector.shape_cast %parallel_loop3A_343 : vector<1x16xi32> to vector<16xi32>
          %parallel_loop3A_345 = arith.constant 16 : i32
          %parallel_loop3A_346 = vector.broadcast %parallel_loop3A_345 : i32 to vector<16xi32>
          %parallel_loop3A_347 = arith.shli %parallel_loop3A_344, %parallel_loop3A_346 : vector<16xi32>
          %parallel_loop3A_348 = tpu.bitcast %parallel_loop3A_347 : vector<16xi32> -> vector<16xf32>
          %parallel_loop3A_349 = arith.andi %parallel_loop3A_344, %broadcast_in_dim3A_188 : vector<16xi32>
          %parallel_loop3A_350 = tpu.bitcast %parallel_loop3A_349 : vector<16xi32> -> vector<16xf32>
          %parallel_loop3A_351 = arith.addf %parallel_loop3A_326, %parallel_loop3A_338 : vector<16xf32>
          %parallel_loop3A_352 = arith.constant 0.000000e+00 : f32
          %parallel_loop3A_353 = vector.broadcast %parallel_loop3A_352 : f32 to vector<16xf32>
          %parallel_loop3A_354 = arith.subf %parallel_loop3A_353, %parallel_loop3A_351 : vector<16xf32>
          %parallel_loop3A_355 = math.exp %parallel_loop3A_354 : vector<16xf32>
          %parallel_loop3A_356 = arith.constant 1.000000e+00 : f32
          %parallel_loop3A_357 = vector.broadcast %parallel_loop3A_356 : f32 to vector<16xf32>
          %parallel_loop3A_358 = arith.addf %parallel_loop3A_357, %parallel_loop3A_355 : vector<16xf32>
          %parallel_loop3A_359 = arith.constant 1.000000e+00 : f32
          %parallel_loop3A_360 = vector.broadcast %parallel_loop3A_359 : f32 to vector<16xf32>
          %parallel_loop3A_361 = arith.divf %parallel_loop3A_360, %parallel_loop3A_358 : vector<16xf32>
          %parallel_loop3A_362 = arith.addf %parallel_loop3A_330, %parallel_loop3A_348 : vector<16xf32>
          %parallel_loop3A_363 = arith.constant 0.000000e+00 : f32
          %parallel_loop3A_364 = vector.broadcast %parallel_loop3A_363 : f32 to vector<16xf32>
          %parallel_loop3A_365 = arith.subf %parallel_loop3A_364, %parallel_loop3A_362 : vector<16xf32>
          %parallel_loop3A_366 = math.exp %parallel_loop3A_365 : vector<16xf32>
          %parallel_loop3A_367 = arith.constant 1.000000e+00 : f32
          %parallel_loop3A_368 = vector.broadcast %parallel_loop3A_367 : f32 to vector<16xf32>
          %parallel_loop3A_369 = arith.addf %parallel_loop3A_368, %parallel_loop3A_366 : vector<16xf32>
          %parallel_loop3A_370 = arith.constant 1.000000e+00 : f32
          %parallel_loop3A_371 = vector.broadcast %parallel_loop3A_370 : f32 to vector<16xf32>
          %parallel_loop3A_372 = arith.divf %parallel_loop3A_371, %parallel_loop3A_369 : vector<16xf32>
          %parallel_loop3A_373 = arith.mulf %parallel_loop3A_361, %parallel_loop3A_340 : vector<16xf32>
          %parallel_loop3A_374 = arith.index_cast %parallel_loop3A_198 : i32 to index
          %parallel_loop3A_375 = arith.constant 32 : index
          %parallel_loop3A_376 = tpu.vector_load %arg18[%parallel_loop3A_374, %parallel_loop3A_375] {strides = array<i32>} : memref<32x128xf32, #tpu.memory_space<vmem>>, vector<1x16xf32>,
          %parallel_loop3A_377 = vector.shape_cast %parallel_loop3A_376 : vector<1x16xf32> to vector<16xf32>
          %parallel_loop3A_378 = vector.shape_cast %parallel_loop3A_373 : vector<16xf32> to vector<1x16xf32>
          tpu.vector_store %arg18[%parallel_loop3A_374, %parallel_loop3A_375], %parallel_loop3A_378 {strides = array<i32>} : memref<32x128xf32, #tpu.memory_space<vmem>>, vector<1x16xf32>,
          %parallel_loop3A_379 = arith.mulf %parallel_loop3A_372, %parallel_loop3A_350 : vector<16xf32>
          %parallel_loop3A_380 = arith.index_cast %parallel_loop3A_198 : i32 to index
          %parallel_loop3A_381 = arith.constant 96 : index
          %parallel_loop3A_382 = tpu.vector_load %arg18[%parallel_loop3A_380, %parallel_loop3A_381] {strides = array<i32>} : memref<32x128xf32, #tpu.memory_space<vmem>>, vector<1x16xf32>,
          %parallel_loop3A_383 = vector.shape_cast %parallel_loop3A_382 : vector<1x16xf32> to vector<16xf32>
          %parallel_loop3A_384 = vector.shape_cast %parallel_loop3A_379 : vector<16xf32> to vector<1x16xf32>
          tpu.vector_store %arg18[%parallel_loop3A_380, %parallel_loop3A_381], %parallel_loop3A_384 {strides = array<i32>} : memref<32x128xf32, #tpu.memory_space<vmem>>, vector<1x16xf32>,
          %parallel_loop3A_385 = arith.index_cast %parallel_loop3A_198 : i32 to index
          %parallel_loop3A_386 = arith.constant 48 : index
          %parallel_loop3A_387 = tpu.vector_load %arg14[%parallel_loop3A_385, %parallel_loop3A_386] {strides = array<i32>} : memref<32x128xf32, #tpu.memory_space<vmem>>, vector<1x16xf32>,
          %parallel_loop3A_388 = vector.shape_cast %parallel_loop3A_387 : vector<1x16xf32> to vector<16xf32>
          %parallel_loop3A_389 = arith.index_cast %parallel_loop3A_198 : i32 to index
          %parallel_loop3A_390 = arith.constant 112 : index
          %parallel_loop3A_391 = tpu.vector_load %arg14[%parallel_loop3A_389, %parallel_loop3A_390] {strides = array<i32>} : memref<32x128xf32, #tpu.memory_space<vmem>>, vector<1x16xf32>,
          %parallel_loop3A_392 = vector.shape_cast %parallel_loop3A_391 : vector<1x16xf32> to vector<16xf32>
          %parallel_loop3A_393 = arith.index_cast %parallel_loop3A_198 : i32 to index
          %parallel_loop3A_394 = arith.constant 48 : index
          %parallel_loop3A_395 = tpu.vector_load %arg16[%parallel_loop3A_393, %parallel_loop3A_394] {strides = array<i32>} : memref<32x128xi32, #tpu.memory_space<vmem>>, vector<1x16xi32>,
          %parallel_loop3A_396 = vector.shape_cast %parallel_loop3A_395 : vector<1x16xi32> to vector<16xi32>
          %parallel_loop3A_397 = arith.constant 16 : i32
          %parallel_loop3A_398 = vector.broadcast %parallel_loop3A_397 : i32 to vector<16xi32>
          %parallel_loop3A_399 = arith.shli %parallel_loop3A_396, %parallel_loop3A_398 : vector<16xi32>
          %parallel_loop3A_400 = tpu.bitcast %parallel_loop3A_399 : vector<16xi32> -> vector<16xf32>
          %parallel_loop3A_401 = arith.andi %parallel_loop3A_396, %broadcast_in_dim3A_188 : vector<16xi32>
          %parallel_loop3A_402 = tpu.bitcast %parallel_loop3A_401 : vector<16xi32> -> vector<16xf32>
          %parallel_loop3A_403 = arith.index_cast %parallel_loop3A_198 : i32 to index
          %parallel_loop3A_404 = arith.constant 112 : index
          %parallel_loop3A_405 = tpu.vector_load %arg16[%parallel_loop3A_403, %parallel_loop3A_404] {strides = array<i32>} : memref<32x128xi32, #tpu.memory_space<vmem>>, vector<1x16xi32>,
          %parallel_loop3A_406 = vector.shape_cast %parallel_loop3A_405 : vector<1x16xi32> to vector<16xi32>
          %parallel_loop3A_407 = arith.constant 16 : i32
          %parallel_loop3A_408 = vector.broadcast %parallel_loop3A_407 : i32 to vector<16xi32>
          %parallel_loop3A_409 = arith.shli %parallel_loop3A_406, %parallel_loop3A_408 : vector<16xi32>
          %parallel_loop3A_410 = tpu.bitcast %parallel_loop3A_409 : vector<16xi32> -> vector<16xf32>
          %parallel_loop3A_411 = arith.andi %parallel_loop3A_406, %broadcast_in_dim3A_188 : vector<16xi32>
          %parallel_loop3A_412 = tpu.bitcast %parallel_loop3A_411 : vector<16xi32> -> vector<16xf32>
          %parallel_loop3A_413 = arith.addf %parallel_loop3A_388, %parallel_loop3A_400 : vector<16xf32>
          %parallel_loop3A_414 = arith.constant 0.000000e+00 : f32
          %parallel_loop3A_415 = vector.broadcast %parallel_loop3A_414 : f32 to vector<16xf32>
          %parallel_loop3A_416 = arith.subf %parallel_loop3A_415, %parallel_loop3A_413 : vector<16xf32>
          %parallel_loop3A_417 = math.exp %parallel_loop3A_416 : vector<16xf32>
          %parallel_loop3A_418 = arith.constant 1.000000e+00 : f32
          %parallel_loop3A_419 = vector.broadcast %parallel_loop3A_418 : f32 to vector<16xf32>
          %parallel_loop3A_420 = arith.addf %parallel_loop3A_419, %parallel_loop3A_417 : vector<16xf32>
          %parallel_loop3A_421 = arith.constant 1.000000e+00 : f32
          %parallel_loop3A_422 = vector.broadcast %parallel_loop3A_421 : f32 to vector<16xf32>
          %parallel_loop3A_423 = arith.divf %parallel_loop3A_422, %parallel_loop3A_420 : vector<16xf32>
          %parallel_loop3A_424 = arith.addf %parallel_loop3A_392, %parallel_loop3A_410 : vector<16xf32>
          %parallel_loop3A_425 = arith.constant 0.000000e+00 : f32
          %parallel_loop3A_426 = vector.broadcast %parallel_loop3A_425 : f32 to vector<16xf32>
          %parallel_loop3A_427 = arith.subf %parallel_loop3A_426, %parallel_loop3A_424 : vector<16xf32>
          %parallel_loop3A_428 = math.exp %parallel_loop3A_427 : vector<16xf32>
          %parallel_loop3A_429 = arith.constant 1.000000e+00 : f32
          %parallel_loop3A_430 = vector.broadcast %parallel_loop3A_429 : f32 to vector<16xf32>
          %parallel_loop3A_431 = arith.addf %parallel_loop3A_430, %parallel_loop3A_428 : vector<16xf32>
          %parallel_loop3A_432 = arith.constant 1.000000e+00 : f32
          %parallel_loop3A_433 = vector.broadcast %parallel_loop3A_432 : f32 to vector<16xf32>
          %parallel_loop3A_434 = arith.divf %parallel_loop3A_433, %parallel_loop3A_431 : vector<16xf32>
          %parallel_loop3A_435 = arith.mulf %parallel_loop3A_423, %parallel_loop3A_402 : vector<16xf32>
          %parallel_loop3A_436 = arith.index_cast %parallel_loop3A_198 : i32 to index
          %parallel_loop3A_437 = arith.constant 48 : index
          %parallel_loop3A_438 = tpu.vector_load %arg18[%parallel_loop3A_436, %parallel_loop3A_437] {strides = array<i32>} : memref<32x128xf32, #tpu.memory_space<vmem>>, vector<1x16xf32>,
          %parallel_loop3A_439 = vector.shape_cast %parallel_loop3A_438 : vector<1x16xf32> to vector<16xf32>
          %parallel_loop3A_440 = vector.shape_cast %parallel_loop3A_435 : vector<16xf32> to vector<1x16xf32>
          tpu.vector_store %arg18[%parallel_loop3A_436, %parallel_loop3A_437], %parallel_loop3A_440 {strides = array<i32>} : memref<32x128xf32, #tpu.memory_space<vmem>>, vector<1x16xf32>,
          %parallel_loop3A_441 = arith.mulf %parallel_loop3A_434, %parallel_loop3A_412 : vector<16xf32>
          %parallel_loop3A_442 = arith.index_cast %parallel_loop3A_198 : i32 to index
          %parallel_loop3A_443 = arith.constant 112 : index
          %parallel_loop3A_444 = tpu.vector_load %arg18[%parallel_loop3A_442, %parallel_loop3A_443] {strides = array<i32>} : memref<32x128xf32, #tpu.memory_space<vmem>>, vector<1x16xf32>,
          %parallel_loop3A_445 = vector.shape_cast %parallel_loop3A_444 : vector<1x16xf32> to vector<16xf32>
          %parallel_loop3A_446 = vector.shape_cast %parallel_loop3A_441 : vector<16xf32> to vector<1x16xf32>
          tpu.vector_store %arg18[%parallel_loop3A_442, %parallel_loop3A_443], %parallel_loop3A_446 {strides = array<i32>} : memref<32x128xf32, #tpu.memory_space<vmem>>, vector<1x16xf32>,
        } {sc.loop_unroll_factor = 4 : i64, sc.parallel_access}
        %dma_start3A_192 = arith.constant 0 : i32
        %dma_start3A_193 = tpu.memref_slice %arg12[%add3A_161, %dma_start3A_192] : memref<16x32xi32, #tpu.memory_space<vmem>> -> memref<1x32xi32, #tpu.memory_space<vmem>>
        %dma_start3A_194 = tpu.memref_squeeze %dma_start3A_193 : memref<1x32xi32, #tpu.memory_space<vmem>> -> memref<32xi32, #tpu.memory_space<vmem>>
        %dma_start3A_195 = arith.constant 0 : i32
        %dma_start3A_196 = arith.constant 0 : i32
        %dma_start3A_197 = tpu.memref_slice %arg19[%dma_start3A_195, %dma_start3A_196] : memref<10112x128xf32, #tpu.memory_space<vmem_shared>> -> memref<10112x128xf32, #tpu.memory_space<vmem_shared>>
        tpu.enqueue_indirect_dma source(%arg18 : memref<32x128xf32, #tpu.memory_space<vmem>>) target(%dma_start3A_197 : memref<10112x128xf32, #tpu.memory_space<vmem_shared>>) offsets(%dma_start3A_194 : memref<32xi32, #tpu.memory_space<vmem>>) semaphore(%arg25 : memref<!tpu.dma_semaphore, #tpu.memory_space<semaphore_mem>>) {add = true}
      }
      %scan3A_100 = arith.constant 8 : i32
      %dma_wait3A = arith.constant 14 : i32
      %dma_wait3A_101 = arith.constant 0 : i32
      %dma_wait3A_102 = tpu.memref_slice %arg12[%dma_wait3A, %dma_wait3A_101] : memref<16x32xi32, #tpu.memory_space<vmem>> -> memref<1x32xi32, #tpu.memory_space<vmem>>
      %dma_wait3A_103 = tpu.memref_squeeze %dma_wait3A_102 : memref<1x32xi32, #tpu.memory_space<vmem>> -> memref<32xi32, #tpu.memory_space<vmem>>
      %dma_wait3A_104 = arith.constant 0 : i32
      %dma_wait3A_105 = arith.constant 0 : i32
      %dma_wait3A_106 = tpu.memref_slice %arg19[%dma_wait3A_104, %dma_wait3A_105] : memref<10112x128xf32, #tpu.memory_space<vmem_shared>> -> memref<10112x128xf32, #tpu.memory_space<vmem_shared>>
      tpu.wait_indirect_dma semaphore(%arg24 : memref<!tpu.dma_semaphore, #tpu.memory_space<semaphore_mem>>) src(%arg17 : memref<32x128xf32, #tpu.memory_space<vmem>>) dst(%dma_wait3A_106 : memref<10112x128xf32, #tpu.memory_space<vmem_shared>>)
      %dma_wait3A_107 = arith.constant 15 : i32
      %dma_wait3A_108 = arith.constant 0 : i32
      %dma_wait3A_109 = tpu.memref_slice %arg12[%dma_wait3A_107, %dma_wait3A_108] : memref<16x32xi32, #tpu.memory_space<vmem>> -> memref<1x32xi32, #tpu.memory_space<vmem>>
      %dma_wait3A_110 = tpu.memref_squeeze %dma_wait3A_109 : memref<1x32xi32, #tpu.memory_space<vmem>> -> memref<32xi32, #tpu.memory_space<vmem>>
      %dma_wait3A_111 = arith.constant 0 : i32
      %dma_wait3A_112 = arith.constant 0 : i32
      %dma_wait3A_113 = tpu.memref_slice %arg19[%dma_wait3A_111, %dma_wait3A_112] : memref<10112x128xf32, #tpu.memory_space<vmem_shared>> -> memref<10112x128xf32, #tpu.memory_space<vmem_shared>>
      tpu.wait_indirect_dma semaphore(%arg25 : memref<!tpu.dma_semaphore, #tpu.memory_space<semaphore_mem>>) src(%arg18 : memref<32x128xf32, #tpu.memory_space<vmem>>) dst(%dma_wait3A_113 : memref<10112x128xf32, #tpu.memory_space<vmem_shared>>)
    }
    %while3A_67 = arith.constant 1 : i32
    scf.for %while3A_74 = %while3A_65 to %while3A_61 step %while3A_67  : i32 {
      %mul3A_75 = arith.muli %while3A_74, %while3A : i32
      %add3A_76 = arith.addi %while3A_58, %mul3A_75 : i32
      %mul3A_77 = arith.constant 512 : i32
      %mul3A_78 = arith.muli %add3A_76, %mul3A_77 : i32
      %add3A_79 = arith.addi %mul3A_51, %mul3A_78 : i32
      %run_scoped3A = arith.constant 0 : i32
      "tpu.region"() ({
        %run_scoped3A_114 = tpu.sem_alloc : memref<!tpu.dma_semaphore, #tpu.memory_space<semaphore_mem>>
        %dma_start3A_115 = tpu.memref_slice %arg4[%run_scoped3A, %add3A_79] : memref<2x320000xi32, #tpu.memory_space<hbm>> -> memref<1x512xi32, #tpu.memory_space<hbm>>
        %dma_start3A_116 = tpu.memref_squeeze %dma_start3A_115 : memref<1x512xi32, #tpu.memory_space<hbm>> -> memref<512xi32, #tpu.memory_space<hbm>>
        %dma_start3A_117 = tpu.memref_slice %arg4[%run_scoped3A, %add3A_79] : memref<2x320000xi32, #tpu.memory_space<hbm>> -> memref<1x512xi32, #tpu.memory_space<hbm>>
        %dma_start3A_118 = tpu.memref_squeeze %dma_start3A_117 : memref<1x512xi32, #tpu.memory_space<hbm>> -> memref<512xi32, #tpu.memory_space<hbm>>
        tpu.enqueue_dma source(%dma_start3A_118 : memref<512xi32, #tpu.memory_space<hbm>>) target(%arg7 : memref<512xi32, #tpu.memory_space<vmem>>) target_semaphore(%run_scoped3A_114 : memref<!tpu.dma_semaphore, #tpu.memory_space<semaphore_mem>>)
        %dma_wait3A_119 = tpu.memref_slice %arg4[%run_scoped3A, %add3A_79] : memref<2x320000xi32, #tpu.memory_space<hbm>> -> memref<1x512xi32, #tpu.memory_space<hbm>>
        %dma_wait3A_120 = tpu.memref_squeeze %dma_wait3A_119 : memref<1x512xi32, #tpu.memory_space<hbm>> -> memref<512xi32, #tpu.memory_space<hbm>>
        %dma_wait3A_121 = tpu.memref_slice %arg4[%run_scoped3A, %add3A_79] : memref<2x320000xi32, #tpu.memory_space<hbm>> -> memref<1x512xi32, #tpu.memory_space<hbm>>
        %dma_wait3A_122 = tpu.memref_squeeze %dma_wait3A_121 : memref<1x512xi32, #tpu.memory_space<hbm>> -> memref<512xi32, #tpu.memory_space<hbm>>
        tpu.wait_dma2 semaphore(%run_scoped3A_114 : memref<!tpu.dma_semaphore, #tpu.memory_space<semaphore_mem>>) src(%dma_wait3A_122 : memref<512xi32, #tpu.memory_space<hbm>>) dst(%arg7 : memref<512xi32, #tpu.memory_space<vmem>>)
        tpu.yield
      }) : () -> ()
      %run_scoped3A_80 = arith.constant 1 : i32
      "tpu.region"() ({
        %run_scoped3A_114 = tpu.sem_alloc : memref<!tpu.dma_semaphore, #tpu.memory_space<semaphore_mem>>
        %dma_start3A_115 = tpu.memref_slice %arg4[%run_scoped3A_80, %add3A_79] : memref<2x320000xi32, #tpu.memory_space<hbm>> -> memref<1x512xi32, #tpu.memory_space<hbm>>
        %dma_start3A_116 = tpu.memref_squeeze %dma_start3A_115 : memref<1x512xi32, #tpu.memory_space<hbm>> -> memref<512xi32, #tpu.memory_space<hbm>>
        %dma_start3A_117 = tpu.memref_slice %arg4[%run_scoped3A_80, %add3A_79] : memref<2x320000xi32, #tpu.memory_space<hbm>> -> memref<1x512xi32, #tpu.memory_space<hbm>>
        %dma_start3A_118 = tpu.memref_squeeze %dma_start3A_117 : memref<1x512xi32, #tpu.memory_space<hbm>> -> memref<512xi32, #tpu.memory_space<hbm>>
        tpu.enqueue_dma source(%dma_start3A_118 : memref<512xi32, #tpu.memory_space<hbm>>) target(%arg8 : memref<512xi32, #tpu.memory_space<vmem>>) target_semaphore(%run_scoped3A_114 : memref<!tpu.dma_semaphore, #tpu.memory_space<semaphore_mem>>)
        %dma_wait3A_119 = tpu.memref_slice %arg4[%run_scoped3A_80, %add3A_79] : memref<2x320000xi32, #tpu.memory_space<hbm>> -> memref<1x512xi32, #tpu.memory_space<hbm>>
        %dma_wait3A_120 = tpu.memref_squeeze %dma_wait3A_119 : memref<1x512xi32, #tpu.memory_space<hbm>> -> memref<512xi32, #tpu.memory_space<hbm>>
        %dma_wait3A_121 = tpu.memref_slice %arg4[%run_scoped3A_80, %add3A_79] : memref<2x320000xi32, #tpu.memory_space<hbm>> -> memref<1x512xi32, #tpu.memory_space<hbm>>
        %dma_wait3A_122 = tpu.memref_squeeze %dma_wait3A_121 : memref<1x512xi32, #tpu.memory_space<hbm>> -> memref<512xi32, #tpu.memory_space<hbm>>
        tpu.wait_dma2 semaphore(%run_scoped3A_114 : memref<!tpu.dma_semaphore, #tpu.memory_space<semaphore_mem>>) src(%dma_wait3A_122 : memref<512xi32, #tpu.memory_space<hbm>>) dst(%arg8 : memref<512xi32, #tpu.memory_space<vmem>>)
        tpu.yield
      }) : () -> ()
      "tpu.region"() ({
        %run_scoped3A_114 = tpu.sem_alloc : memref<!tpu.dma_semaphore, #tpu.memory_space<semaphore_mem>>
        %dma_start3A_115 = tpu.memref_slice %arg5[%add3A_79] : memref<320000xi32, #tpu.memory_space<hbm>> -> memref<512xi32, #tpu.memory_space<hbm>>
        %dma_start3A_116 = tpu.memref_slice %arg5[%add3A_79] : memref<320000xi32, #tpu.memory_space<hbm>> -> memref<512xi32, #tpu.memory_space<hbm>>
        tpu.enqueue_dma source(%dma_start3A_116 : memref<512xi32, #tpu.memory_space<hbm>>) target(%arg9 : memref<512xi32, #tpu.memory_space<vmem>>) target_semaphore(%run_scoped3A_114 : memref<!tpu.dma_semaphore, #tpu.memory_space<semaphore_mem>>)
        %dma_wait3A_117 = tpu.memref_slice %arg5[%add3A_79] : memref<320000xi32, #tpu.memory_space<hbm>> -> memref<512xi32, #tpu.memory_space<hbm>>
        %dma_wait3A_118 = tpu.memref_slice %arg5[%add3A_79] : memref<320000xi32, #tpu.memory_space<hbm>> -> memref<512xi32, #tpu.memory_space<hbm>>
        tpu.wait_dma2 semaphore(%run_scoped3A_114 : memref<!tpu.dma_semaphore, #tpu.memory_space<semaphore_mem>>) src(%dma_wait3A_118 : memref<512xi32, #tpu.memory_space<hbm>>) dst(%arg9 : memref<512xi32, #tpu.memory_space<vmem>>)
        tpu.yield
      }) : () -> ()
      %parallel_loop3A = arith.constant 0 : i32
      %parallel_loop3A_81 = arith.constant 16 : i32
      %parallel_loop3A_82 = arith.constant 1 : i32
      scf.for %parallel_loop3A_114 = %parallel_loop3A to %parallel_loop3A_81 step %parallel_loop3A_82  : i32 {
        %parallel_loop3A_115 = arith.constant 32 : i32
        %parallel_loop3A_116 = arith.muli %parallel_loop3A_114, %parallel_loop3A_115 : i32
        %parallel_loop3A_117 = arith.constant 0 : i32
        %parallel_loop3A_118 = arith.addi %parallel_loop3A_116, %parallel_loop3A_117 : i32
        %parallel_loop3A_119 = arith.index_cast %parallel_loop3A_118 : i32 to index
        %parallel_loop3A_120 = tpu.vector_load %arg9[%parallel_loop3A_119] {strides = array<i32>} : memref<512xi32, #tpu.memory_space<vmem>>, vector<16xi32>,
        %parallel_loop3A_121 = vector.shape_cast %parallel_loop3A_120 : vector<16xi32> to vector<16xi32>
        %parallel_loop3A_122 = arith.constant 10000 : i32
        %parallel_loop3A_123 = vector.broadcast %parallel_loop3A_122 : i32 to vector<16xi32>
        %parallel_loop3A_124 = arith.muli %parallel_loop3A_121, %parallel_loop3A_123 : vector<16xi32>
        %parallel_loop3A_125 = arith.index_cast %parallel_loop3A_118 : i32 to index
        %parallel_loop3A_126 = tpu.vector_load %arg8[%parallel_loop3A_125] {strides = array<i32>} : memref<512xi32, #tpu.memory_space<vmem>>, vector<16xi32>,
        %parallel_loop3A_127 = vector.shape_cast %parallel_loop3A_126 : vector<16xi32> to vector<16xi32>
        %parallel_loop3A_128 = arith.addi %parallel_loop3A_124, %parallel_loop3A_127 : vector<16xi32>
        %parallel_loop3A_129 = arith.index_cast %parallel_loop3A_114 : i32 to index
        %parallel_loop3A_130 = arith.constant 0 : index
        %parallel_loop3A_131 = tpu.vector_load %arg10[%parallel_loop3A_129, %parallel_loop3A_130] {strides = array<i32>} : memref<16x32xi32, #tpu.memory_space<vmem>>, vector<1x16xi32>,
        %parallel_loop3A_132 = vector.shape_cast %parallel_loop3A_131 : vector<1x16xi32> to vector<16xi32>
        %parallel_loop3A_133 = vector.shape_cast %parallel_loop3A_128 : vector<16xi32> to vector<1x16xi32>
        tpu.vector_store %arg10[%parallel_loop3A_129, %parallel_loop3A_130], %parallel_loop3A_133 {strides = array<i32>} : memref<16x32xi32, #tpu.memory_space<vmem>>, vector<1x16xi32>,
        %parallel_loop3A_134 = arith.index_cast %parallel_loop3A_118 : i32 to index
        %parallel_loop3A_135 = tpu.vector_load %arg7[%parallel_loop3A_134] {strides = array<i32>} : memref<512xi32, #tpu.memory_space<vmem>>, vector<16xi32>,
        %parallel_loop3A_136 = vector.shape_cast %parallel_loop3A_135 : vector<16xi32> to vector<16xi32>
        %parallel_loop3A_137 = arith.addi %parallel_loop3A_124, %parallel_loop3A_136 : vector<16xi32>
        %parallel_loop3A_138 = arith.index_cast %parallel_loop3A_114 : i32 to index
        %parallel_loop3A_139 = arith.constant 0 : index
        %parallel_loop3A_140 = tpu.vector_load %arg11[%parallel_loop3A_138, %parallel_loop3A_139] {strides = array<i32>} : memref<16x32xi32, #tpu.memory_space<vmem>>, vector<1x16xi32>,
        %parallel_loop3A_141 = vector.shape_cast %parallel_loop3A_140 : vector<1x16xi32> to vector<16xi32>
        %parallel_loop3A_142 = vector.shape_cast %parallel_loop3A_137 : vector<16xi32> to vector<1x16xi32>
        tpu.vector_store %arg11[%parallel_loop3A_138, %parallel_loop3A_139], %parallel_loop3A_142 {strides = array<i32>} : memref<16x32xi32, #tpu.memory_space<vmem>>, vector<1x16xi32>,
        %parallel_loop3A_143 = arith.index_cast %parallel_loop3A_118 : i32 to index
        %parallel_loop3A_144 = tpu.vector_load %arg8[%parallel_loop3A_143] {strides = array<i32>} : memref<512xi32, #tpu.memory_space<vmem>>, vector<16xi32>,
        %parallel_loop3A_145 = vector.shape_cast %parallel_loop3A_144 : vector<16xi32> to vector<16xi32>
        %parallel_loop3A_146 = arith.index_cast %parallel_loop3A_114 : i32 to index
        %parallel_loop3A_147 = arith.constant 0 : index
        %parallel_loop3A_148 = tpu.vector_load %arg12[%parallel_loop3A_146, %parallel_loop3A_147] {strides = array<i32>} : memref<16x32xi32, #tpu.memory_space<vmem>>, vector<1x16xi32>,
        %parallel_loop3A_149 = vector.shape_cast %parallel_loop3A_148 : vector<1x16xi32> to vector<16xi32>
        %parallel_loop3A_150 = vector.shape_cast %parallel_loop3A_145 : vector<16xi32> to vector<1x16xi32>
        tpu.vector_store %arg12[%parallel_loop3A_146, %parallel_loop3A_147], %parallel_loop3A_150 {strides = array<i32>} : memref<16x32xi32, #tpu.memory_space<vmem>>, vector<1x16xi32>,
        %parallel_loop3A_151 = arith.constant 32 : i32
        %parallel_loop3A_152 = arith.muli %parallel_loop3A_114, %parallel_loop3A_151 : i32
        %parallel_loop3A_153 = arith.constant 16 : i32
        %parallel_loop3A_154 = arith.addi %parallel_loop3A_152, %parallel_loop3A_153 : i32
        %parallel_loop3A_155 = arith.index_cast %parallel_loop3A_154 : i32 to index
        %parallel_loop3A_156 = tpu.vector_load %arg9[%parallel_loop3A_155] {strides = array<i32>} : memref<512xi32, #tpu.memory_space<vmem>>, vector<16xi32>,
        %parallel_loop3A_157 = vector.shape_cast %parallel_loop3A_156 : vector<16xi32> to vector<16xi32>
        %parallel_loop3A_158 = arith.constant 10000 : i32
        %parallel_loop3A_159 = vector.broadcast %parallel_loop3A_158 : i32 to vector<16xi32>
        %parallel_loop3A_160 = arith.muli %parallel_loop3A_157, %parallel_loop3A_159 : vector<16xi32>
        %parallel_loop3A_161 = arith.index_cast %parallel_loop3A_154 : i32 to index
        %parallel_loop3A_162 = tpu.vector_load %arg8[%parallel_loop3A_161] {strides = array<i32>} : memref<512xi32, #tpu.memory_space<vmem>>, vector<16xi32>,
        %parallel_loop3A_163 = vector.shape_cast %parallel_loop3A_162 : vector<16xi32> to vector<16xi32>
        %parallel_loop3A_164 = arith.addi %parallel_loop3A_160, %parallel_loop3A_163 : vector<16xi32>
        %parallel_loop3A_165 = arith.index_cast %parallel_loop3A_114 : i32 to index
        %parallel_loop3A_166 = arith.constant 16 : index
        %parallel_loop3A_167 = tpu.vector_load %arg10[%parallel_loop3A_165, %parallel_loop3A_166] {strides = array<i32>} : memref<16x32xi32, #tpu.memory_space<vmem>>, vector<1x16xi32>,
        %parallel_loop3A_168 = vector.shape_cast %parallel_loop3A_167 : vector<1x16xi32> to vector<16xi32>
        %parallel_loop3A_169 = vector.shape_cast %parallel_loop3A_164 : vector<16xi32> to vector<1x16xi32>
        tpu.vector_store %arg10[%parallel_loop3A_165, %parallel_loop3A_166], %parallel_loop3A_169 {strides = array<i32>} : memref<16x32xi32, #tpu.memory_space<vmem>>, vector<1x16xi32>,
        %parallel_loop3A_170 = arith.index_cast %parallel_loop3A_154 : i32 to index
        %parallel_loop3A_171 = tpu.vector_load %arg7[%parallel_loop3A_170] {strides = array<i32>} : memref<512xi32, #tpu.memory_space<vmem>>, vector<16xi32>,
        %parallel_loop3A_172 = vector.shape_cast %parallel_loop3A_171 : vector<16xi32> to vector<16xi32>
        %parallel_loop3A_173 = arith.addi %parallel_loop3A_160, %parallel_loop3A_172 : vector<16xi32>
        %parallel_loop3A_174 = arith.index_cast %parallel_loop3A_114 : i32 to index
        %parallel_loop3A_175 = arith.constant 16 : index
        %parallel_loop3A_176 = tpu.vector_load %arg11[%parallel_loop3A_174, %parallel_loop3A_175] {strides = array<i32>} : memref<16x32xi32, #tpu.memory_space<vmem>>, vector<1x16xi32>,
        %parallel_loop3A_177 = vector.shape_cast %parallel_loop3A_176 : vector<1x16xi32> to vector<16xi32>
        %parallel_loop3A_178 = vector.shape_cast %parallel_loop3A_173 : vector<16xi32> to vector<1x16xi32>
        tpu.vector_store %arg11[%parallel_loop3A_174, %parallel_loop3A_175], %parallel_loop3A_178 {strides = array<i32>} : memref<16x32xi32, #tpu.memory_space<vmem>>, vector<1x16xi32>,
        %parallel_loop3A_179 = arith.index_cast %parallel_loop3A_154 : i32 to index
        %parallel_loop3A_180 = tpu.vector_load %arg8[%parallel_loop3A_179] {strides = array<i32>} : memref<512xi32, #tpu.memory_space<vmem>>, vector<16xi32>,
        %parallel_loop3A_181 = vector.shape_cast %parallel_loop3A_180 : vector<16xi32> to vector<16xi32>
        %parallel_loop3A_182 = arith.index_cast %parallel_loop3A_114 : i32 to index
        %parallel_loop3A_183 = arith.constant 16 : index
        %parallel_loop3A_184 = tpu.vector_load %arg12[%parallel_loop3A_182, %parallel_loop3A_183] {strides = array<i32>} : memref<16x32xi32, #tpu.memory_space<vmem>>, vector<1x16xi32>,
        %parallel_loop3A_185 = vector.shape_cast %parallel_loop3A_184 : vector<1x16xi32> to vector<16xi32>
        %parallel_loop3A_186 = vector.shape_cast %parallel_loop3A_181 : vector<16xi32> to vector<1x16xi32>
        tpu.vector_store %arg12[%parallel_loop3A_182, %parallel_loop3A_183], %parallel_loop3A_186 {strides = array<i32>} : memref<16x32xi32, #tpu.memory_space<vmem>>, vector<1x16xi32>,
      } {sc.loop_unroll_factor = 2 : i64, sc.parallel_access}
      %dma_start3A = arith.constant 0 : i32
      %dma_start3A_83 = arith.constant 0 : i32
      %dma_start3A_84 = tpu.memref_slice %arg10[%dma_start3A, %dma_start3A_83] : memref<16x32xi32, #tpu.memory_space<vmem>> -> memref<1x32xi32, #tpu.memory_space<vmem>>
      %dma_start3A_85 = tpu.memref_squeeze %dma_start3A_84 : memref<1x32xi32, #tpu.memory_space<vmem>> -> memref<32xi32, #tpu.memory_space<vmem>>
      %dma_start3A_86 = arith.constant 0 : i32
      %dma_start3A_87 = arith.constant 0 : i32
      %dma_start3A_88 = tpu.memref_slice %arg2[%dma_start3A_86, %dma_start3A_87] : memref<30000x128xf32, #tpu.memory_space<hbm>> -> memref<30000x128xf32, #tpu.memory_space<hbm>>
      tpu.enqueue_indirect_dma source(%dma_start3A_88 : memref<30000x128xf32, #tpu.memory_space<hbm>>) target(%arg13 : memref<32x128xf32, #tpu.memory_space<vmem>>) offsets(%dma_start3A_85 : memref<32xi32, #tpu.memory_space<vmem>>) semaphore(%arg20 : memref<!tpu.dma_semaphore, #tpu.memory_space<semaphore_mem>>)
      %dma_start3A_89 = arith.constant 0 : i32
      %dma_start3A_90 = arith.constant 0 : i32
      %dma_start3A_91 = tpu.memref_slice %arg11[%dma_start3A_89, %dma_start3A_90] : memref<16x32xi32, #tpu.memory_space<vmem>> -> memref<1x32xi32, #tpu.memory_space<vmem>>
      %dma_start3A_92 = tpu.memref_squeeze %dma_start3A_91 : memref<1x32xi32, #tpu.memory_space<vmem>> -> memref<32xi32, #tpu.memory_space<vmem>>
      %dma_start3A_93 = arith.constant 0 : i32
      %dma_start3A_94 = arith.constant 0 : i32
      %dma_start3A_95 = tpu.memref_slice %arg3[%dma_start3A_93, %dma_start3A_94] : memref<30000x128xi32, #tpu.memory_space<hbm>> -> memref<30000x128xi32, #tpu.memory_space<hbm>>
      tpu.enqueue_indirect_dma source(%dma_start3A_95 : memref<30000x128xi32, #tpu.memory_space<hbm>>) target(%arg15 : memref<32x128xi32, #tpu.memory_space<vmem>>) offsets(%dma_start3A_92 : memref<32xi32, #tpu.memory_space<vmem>>) semaphore(%arg22 : memref<!tpu.dma_semaphore, #tpu.memory_space<semaphore_mem>>)
      %scan3A_96 = arith.constant 0 : i32
      %scan3A_97 = arith.constant 8 : i32
      %scan3A_98 = arith.addi %scan3A_96, %scan3A_97 : i32
      %scan3A_99 = arith.constant 1 : i32
      scf.for %scan3A_114 = %scan3A_96 to %scan3A_98 step %scan3A_99  : i32 {
        %mul3A_115 = arith.constant 2 : i32
        %mul3A_116 = arith.muli %scan3A_114, %mul3A_115 : i32
        %add3A_117 = arith.constant 0 : i32
        %add3A_118 = arith.addi %add3A_117, %mul3A_116 : i32
        %add3A_119 = arith.constant 1 : i32
        %add3A_120 = arith.addi %add3A_118, %add3A_119 : i32
        %dma_start3A_121 = arith.constant 0 : i32
        %dma_start3A_122 = tpu.memref_slice %arg10[%add3A_120, %dma_start3A_121] : memref<16x32xi32, #tpu.memory_space<vmem>> -> memref<1x32xi32, #tpu.memory_space<vmem>>
        %dma_start3A_123 = tpu.memref_squeeze %dma_start3A_122 : memref<1x32xi32, #tpu.memory_space<vmem>> -> memref<32xi32, #tpu.memory_space<vmem>>
        %dma_start3A_124 = arith.constant 0 : i32
        %dma_start3A_125 = arith.constant 0 : i32
        %dma_start3A_126 = tpu.memref_slice %arg2[%dma_start3A_124, %dma_start3A_125] : memref<30000x128xf32, #tpu.memory_space<hbm>> -> memref<30000x128xf32, #tpu.memory_space<hbm>>
        tpu.enqueue_indirect_dma source(%dma_start3A_126 : memref<30000x128xf32, #tpu.memory_space<hbm>>) target(%arg14 : memref<32x128xf32, #tpu.memory_space<vmem>>) offsets(%dma_start3A_123 : memref<32xi32, #tpu.memory_space<vmem>>) semaphore(%arg21 : memref<!tpu.dma_semaphore, #tpu.memory_space<semaphore_mem>>)
        %dma_start3A_127 = arith.constant 0 : i32
        %dma_start3A_128 = tpu.memref_slice %arg11[%add3A_120, %dma_start3A_127] : memref<16x32xi32, #tpu.memory_space<vmem>> -> memref<1x32xi32, #tpu.memory_space<vmem>>
        %dma_start3A_129 = tpu.memref_squeeze %dma_start3A_128 : memref<1x32xi32, #tpu.memory_space<vmem>> -> memref<32xi32, #tpu.memory_space<vmem>>
        %dma_start3A_130 = arith.constant 0 : i32
        %dma_start3A_131 = arith.constant 0 : i32
        %dma_start3A_132 = tpu.memref_slice %arg3[%dma_start3A_130, %dma_start3A_131] : memref<30000x128xi32, #tpu.memory_space<hbm>> -> memref<30000x128xi32, #tpu.memory_space<hbm>>
        tpu.enqueue_indirect_dma source(%dma_start3A_132 : memref<30000x128xi32, #tpu.memory_space<hbm>>) target(%arg16 : memref<32x128xi32, #tpu.memory_space<vmem>>) offsets(%dma_start3A_129 : memref<32xi32, #tpu.memory_space<vmem>>) semaphore(%arg23 : memref<!tpu.dma_semaphore, #tpu.memory_space<semaphore_mem>>)
        %dma_wait3A_133 = arith.constant 0 : i32
        %dma_wait3A_134 = tpu.memref_slice %arg10[%add3A_118, %dma_wait3A_133] : memref<16x32xi32, #tpu.memory_space<vmem>> -> memref<1x32xi32, #tpu.memory_space<vmem>>
        %dma_wait3A_135 = tpu.memref_squeeze %dma_wait3A_134 : memref<1x32xi32, #tpu.memory_space<vmem>> -> memref<32xi32, #tpu.memory_space<vmem>>
        %dma_wait3A_136 = arith.constant 0 : i32
        %dma_wait3A_137 = arith.constant 0 : i32
        %dma_wait3A_138 = tpu.memref_slice %arg2[%dma_wait3A_136, %dma_wait3A_137] : memref<30000x128xf32, #tpu.memory_space<hbm>> -> memref<30000x128xf32, #tpu.memory_space<hbm>>
        tpu.wait_indirect_dma semaphore(%arg20 : memref<!tpu.dma_semaphore, #tpu.memory_space<semaphore_mem>>) src(%dma_wait3A_138 : memref<30000x128xf32, #tpu.memory_space<hbm>>) dst(%arg13 : memref<32x128xf32, #tpu.memory_space<vmem>>)
        %dma_wait3A_139 = arith.constant 0 : i32
        %dma_wait3A_140 = tpu.memref_slice %arg11[%add3A_118, %dma_wait3A_139] : memref<16x32xi32, #tpu.memory_space<vmem>> -> memref<1x32xi32, #tpu.memory_space<vmem>>
        %dma_wait3A_141 = tpu.memref_squeeze %dma_wait3A_140 : memref<1x32xi32, #tpu.memory_space<vmem>> -> memref<32xi32, #tpu.memory_space<vmem>>
        %dma_wait3A_142 = arith.constant 0 : i32
        %dma_wait3A_143 = arith.constant 0 : i32
        %dma_wait3A_144 = tpu.memref_slice %arg3[%dma_wait3A_142, %dma_wait3A_143] : memref<30000x128xi32, #tpu.memory_space<hbm>> -> memref<30000x128xi32, #tpu.memory_space<hbm>>
        tpu.wait_indirect_dma semaphore(%arg22 : memref<!tpu.dma_semaphore, #tpu.memory_space<semaphore_mem>>) src(%dma_wait3A_144 : memref<30000x128xi32, #tpu.memory_space<hbm>>) dst(%arg15 : memref<32x128xi32, #tpu.memory_space<vmem>>)
        %ge3A = arith.constant 2 : i32
        %ge3A_145 = arith.cmpi sge, %add3A_118, %ge3A : i32
        %convert_element_type3A_146 = arith.extui %ge3A_145 : i1 to i32
        %cond3A_147 = arith.constant 0 : i32
        %cond3A_148 = arith.cmpi ne, %convert_element_type3A_146, %cond3A_147 : i32
        scf.if %cond3A_148 {
          %dma_wait3A_198 = arith.constant 0 : i32
          %dma_wait3A_199 = tpu.memref_slice %arg12[%add3A_118, %dma_wait3A_198] : memref<16x32xi32, #tpu.memory_space<vmem>> -> memref<1x32xi32, #tpu.memory_space<vmem>>
          %dma_wait3A_200 = tpu.memref_squeeze %dma_wait3A_199 : memref<1x32xi32, #tpu.memory_space<vmem>> -> memref<32xi32, #tpu.memory_space<vmem>>
          %dma_wait3A_201 = arith.constant 0 : i32
          %dma_wait3A_202 = arith.constant 0 : i32
          %dma_wait3A_203 = tpu.memref_slice %arg19[%dma_wait3A_201, %dma_wait3A_202] : memref<10112x128xf32, #tpu.memory_space<vmem_shared>> -> memref<10112x128xf32, #tpu.memory_space<vmem_shared>>
          tpu.wait_indirect_dma semaphore(%arg24 : memref<!tpu.dma_semaphore, #tpu.memory_space<semaphore_mem>>) src(%arg17 : memref<32x128xf32, #tpu.memory_space<vmem>>) dst(%dma_wait3A_203 : memref<10112x128xf32, #tpu.memory_space<vmem_shared>>)
        } else {
        }
        %broadcast_in_dim3A_149 = arith.constant -65536 : i32
        %broadcast_in_dim3A_150 = vector.broadcast %broadcast_in_dim3A_149 : i32 to vector<16xi32>
        %parallel_loop3A_151 = arith.constant 0 : i32
        %parallel_loop3A_152 = arith.constant 32 : i32
        %parallel_loop3A_153 = arith.constant 1 : i32
        scf.for %parallel_loop3A_198 = %parallel_loop3A_151 to %parallel_loop3A_152 step %parallel_loop3A_153  : i32 {
          %parallel_loop3A_199 = arith.index_cast %parallel_loop3A_198 : i32 to index
          %parallel_loop3A_200 = arith.constant 0 : index
          %parallel_loop3A_201 = tpu.vector_load %arg13[%parallel_loop3A_199, %parallel_loop3A_200] {strides = array<i32>} : memref<32x128xf32, #tpu.memory_space<vmem>>, vector<1x16xf32>,
          %parallel_loop3A_202 = vector.shape_cast %parallel_loop3A_201 : vector<1x16xf32> to vector<16xf32>
          %parallel_loop3A_203 = arith.index_cast %parallel_loop3A_198 : i32 to index
          %parallel_loop3A_204 = arith.constant 64 : index
          %parallel_loop3A_205 = tpu.vector_load %arg13[%parallel_loop3A_203, %parallel_loop3A_204] {strides = array<i32>} : memref<32x128xf32, #tpu.memory_space<vmem>>, vector<1x16xf32>,
          %parallel_loop3A_206 = vector.shape_cast %parallel_loop3A_205 : vector<1x16xf32> to vector<16xf32>
          %parallel_loop3A_207 = arith.index_cast %parallel_loop3A_198 : i32 to index
          %parallel_loop3A_208 = arith.constant 0 : index
          %parallel_loop3A_209 = tpu.vector_load %arg15[%parallel_loop3A_207, %parallel_loop3A_208] {strides = array<i32>} : memref<32x128xi32, #tpu.memory_space<vmem>>, vector<1x16xi32>,
          %parallel_loop3A_210 = vector.shape_cast %parallel_loop3A_209 : vector<1x16xi32> to vector<16xi32>
          %parallel_loop3A_211 = arith.constant 16 : i32
          %parallel_loop3A_212 = vector.broadcast %parallel_loop3A_211 : i32 to vector<16xi32>
          %parallel_loop3A_213 = arith.shli %parallel_loop3A_210, %parallel_loop3A_212 : vector<16xi32>
          %parallel_loop3A_214 = tpu.bitcast %parallel_loop3A_213 : vector<16xi32> -> vector<16xf32>
          %parallel_loop3A_215 = arith.andi %parallel_loop3A_210, %broadcast_in_dim3A_150 : vector<16xi32>
          %parallel_loop3A_216 = tpu.bitcast %parallel_loop3A_215 : vector<16xi32> -> vector<16xf32>
          %parallel_loop3A_217 = arith.index_cast %parallel_loop3A_198 : i32 to index
          %parallel_loop3A_218 = arith.constant 64 : index
          %parallel_loop3A_219 = tpu.vector_load %arg15[%parallel_loop3A_217, %parallel_loop3A_218] {strides = array<i32>} : memref<32x128xi32, #tpu.memory_space<vmem>>, vector<1x16xi32>,
          %parallel_loop3A_220 = vector.shape_cast %parallel_loop3A_219 : vector<1x16xi32> to vector<16xi32>
          %parallel_loop3A_221 = arith.constant 16 : i32
          %parallel_loop3A_222 = vector.broadcast %parallel_loop3A_221 : i32 to vector<16xi32>
          %parallel_loop3A_223 = arith.shli %parallel_loop3A_220, %parallel_loop3A_222 : vector<16xi32>
          %parallel_loop3A_224 = tpu.bitcast %parallel_loop3A_223 : vector<16xi32> -> vector<16xf32>
          %parallel_loop3A_225 = arith.andi %parallel_loop3A_220, %broadcast_in_dim3A_150 : vector<16xi32>
          %parallel_loop3A_226 = tpu.bitcast %parallel_loop3A_225 : vector<16xi32> -> vector<16xf32>
          %parallel_loop3A_227 = arith.addf %parallel_loop3A_202, %parallel_loop3A_214 : vector<16xf32>
          %parallel_loop3A_228 = arith.constant 0.000000e+00 : f32
          %parallel_loop3A_229 = vector.broadcast %parallel_loop3A_228 : f32 to vector<16xf32>
          %parallel_loop3A_230 = arith.subf %parallel_loop3A_229, %parallel_loop3A_227 : vector<16xf32>
          %parallel_loop3A_231 = math.exp %parallel_loop3A_230 : vector<16xf32>
          %parallel_loop3A_232 = arith.constant 1.000000e+00 : f32
          %parallel_loop3A_233 = vector.broadcast %parallel_loop3A_232 : f32 to vector<16xf32>
          %parallel_loop3A_234 = arith.addf %parallel_loop3A_233, %parallel_loop3A_231 : vector<16xf32>
          %parallel_loop3A_235 = arith.constant 1.000000e+00 : f32
          %parallel_loop3A_236 = vector.broadcast %parallel_loop3A_235 : f32 to vector<16xf32>
          %parallel_loop3A_237 = arith.divf %parallel_loop3A_236, %parallel_loop3A_234 : vector<16xf32>
          %parallel_loop3A_238 = arith.addf %parallel_loop3A_206, %parallel_loop3A_224 : vector<16xf32>
          %parallel_loop3A_239 = arith.constant 0.000000e+00 : f32
          %parallel_loop3A_240 = vector.broadcast %parallel_loop3A_239 : f32 to vector<16xf32>
          %parallel_loop3A_241 = arith.subf %parallel_loop3A_240, %parallel_loop3A_238 : vector<16xf32>
          %parallel_loop3A_242 = math.exp %parallel_loop3A_241 : vector<16xf32>
          %parallel_loop3A_243 = arith.constant 1.000000e+00 : f32
          %parallel_loop3A_244 = vector.broadcast %parallel_loop3A_243 : f32 to vector<16xf32>
          %parallel_loop3A_245 = arith.addf %parallel_loop3A_244, %parallel_loop3A_242 : vector<16xf32>
          %parallel_loop3A_246 = arith.constant 1.000000e+00 : f32
          %parallel_loop3A_247 = vector.broadcast %parallel_loop3A_246 : f32 to vector<16xf32>
          %parallel_loop3A_248 = arith.divf %parallel_loop3A_247, %parallel_loop3A_245 : vector<16xf32>
          %parallel_loop3A_249 = arith.mulf %parallel_loop3A_237, %parallel_loop3A_216 : vector<16xf32>
          %parallel_loop3A_250 = arith.index_cast %parallel_loop3A_198 : i32 to index
          %parallel_loop3A_251 = arith.constant 0 : index
          %parallel_loop3A_252 = tpu.vector_load %arg17[%parallel_loop3A_250, %parallel_loop3A_251] {strides = array<i32>} : memref<32x128xf32, #tpu.memory_space<vmem>>, vector<1x16xf32>,
          %parallel_loop3A_253 = vector.shape_cast %parallel_loop3A_252 : vector<1x16xf32> to vector<16xf32>
          %parallel_loop3A_254 = vector.shape_cast %parallel_loop3A_249 : vector<16xf32> to vector<1x16xf32>
          tpu.vector_store %arg17[%parallel_loop3A_250, %parallel_loop3A_251], %parallel_loop3A_254 {strides = array<i32>} : memref<32x128xf32, #tpu.memory_space<vmem>>, vector<1x16xf32>,
          %parallel_loop3A_255 = arith.mulf %parallel_loop3A_248, %parallel_loop3A_226 : vector<16xf32>
          %parallel_loop3A_256 = arith.index_cast %parallel_loop3A_198 : i32 to index
          %parallel_loop3A_257 = arith.constant 64 : index
          %parallel_loop3A_258 = tpu.vector_load %arg17[%parallel_loop3A_256, %parallel_loop3A_257] {strides = array<i32>} : memref<32x128xf32, #tpu.memory_space<vmem>>, vector<1x16xf32>,
          %parallel_loop3A_259 = vector.shape_cast %parallel_loop3A_258 : vector<1x16xf32> to vector<16xf32>
          %parallel_loop3A_260 = vector.shape_cast %parallel_loop3A_255 : vector<16xf32> to vector<1x16xf32>
          tpu.vector_store %arg17[%parallel_loop3A_256, %parallel_loop3A_257], %parallel_loop3A_260 {strides = array<i32>} : memref<32x128xf32, #tpu.memory_space<vmem>>, vector<1x16xf32>,
          %parallel_loop3A_261 = arith.index_cast %parallel_loop3A_198 : i32 to index
          %parallel_loop3A_262 = arith.constant 16 : index
          %parallel_loop3A_263 = tpu.vector_load %arg13[%parallel_loop3A_261, %parallel_loop3A_262] {strides = array<i32>} : memref<32x128xf32, #tpu.memory_space<vmem>>, vector<1x16xf32>,
          %parallel_loop3A_264 = vector.shape_cast %parallel_loop3A_263 : vector<1x16xf32> to vector<16xf32>
          %parallel_loop3A_265 = arith.index_cast %parallel_loop3A_198 : i32 to index
          %parallel_loop3A_266 = arith.constant 80 : index
          %parallel_loop3A_267 = tpu.vector_load %arg13[%parallel_loop3A_265, %parallel_loop3A_266] {strides = array<i32>} : memref<32x128xf32, #tpu.memory_space<vmem>>, vector<1x16xf32>,
          %parallel_loop3A_268 = vector.shape_cast %parallel_loop3A_267 : vector<1x16xf32> to vector<16xf32>
          %parallel_loop3A_269 = arith.index_cast %parallel_loop3A_198 : i32 to index
          %parallel_loop3A_270 = arith.constant 16 : index
          %parallel_loop3A_271 = tpu.vector_load %arg15[%parallel_loop3A_269, %parallel_loop3A_270] {strides = array<i32>} : memref<32x128xi32, #tpu.memory_space<vmem>>, vector<1x16xi32>,
          %parallel_loop3A_272 = vector.shape_cast %parallel_loop3A_271 : vector<1x16xi32> to vector<16xi32>
          %parallel_loop3A_273 = arith.constant 16 : i32
          %parallel_loop3A_274 = vector.broadcast %parallel_loop3A_273 : i32 to vector<16xi32>
          %parallel_loop3A_275 = arith.shli %parallel_loop3A_272, %parallel_loop3A_274 : vector<16xi32>
          %parallel_loop3A_276 = tpu.bitcast %parallel_loop3A_275 : vector<16xi32> -> vector<16xf32>
          %parallel_loop3A_277 = arith.andi %parallel_loop3A_272, %broadcast_in_dim3A_150 : vector<16xi32>
          %parallel_loop3A_278 = tpu.bitcast %parallel_loop3A_277 : vector<16xi32> -> vector<16xf32>
          %parallel_loop3A_279 = arith.index_cast %parallel_loop3A_198 : i32 to index
          %parallel_loop3A_280 = arith.constant 80 : index
          %parallel_loop3A_281 = tpu.vector_load %arg15[%parallel_loop3A_279, %parallel_loop3A_280] {strides = array<i32>} : memref<32x128xi32, #tpu.memory_space<vmem>>, vector<1x16xi32>,
          %parallel_loop3A_282 = vector.shape_cast %parallel_loop3A_281 : vector<1x16xi32> to vector<16xi32>
          %parallel_loop3A_283 = arith.constant 16 : i32
          %parallel_loop3A_284 = vector.broadcast %parallel_loop3A_283 : i32 to vector<16xi32>
          %parallel_loop3A_285 = arith.shli %parallel_loop3A_282, %parallel_loop3A_284 : vector<16xi32>
          %parallel_loop3A_286 = tpu.bitcast %parallel_loop3A_285 : vector<16xi32> -> vector<16xf32>
          %parallel_loop3A_287 = arith.andi %parallel_loop3A_282, %broadcast_in_dim3A_150 : vector<16xi32>
          %parallel_loop3A_288 = tpu.bitcast %parallel_loop3A_287 : vector<16xi32> -> vector<16xf32>
          %parallel_loop3A_289 = arith.addf %parallel_loop3A_264, %parallel_loop3A_276 : vector<16xf32>
          %parallel_loop3A_290 = arith.constant 0.000000e+00 : f32
          %parallel_loop3A_291 = vector.broadcast %parallel_loop3A_290 : f32 to vector<16xf32>
          %parallel_loop3A_292 = arith.subf %parallel_loop3A_291, %parallel_loop3A_289 : vector<16xf32>
          %parallel_loop3A_293 = math.exp %parallel_loop3A_292 : vector<16xf32>
          %parallel_loop3A_294 = arith.constant 1.000000e+00 : f32
          %parallel_loop3A_295 = vector.broadcast %parallel_loop3A_294 : f32 to vector<16xf32>
          %parallel_loop3A_296 = arith.addf %parallel_loop3A_295, %parallel_loop3A_293 : vector<16xf32>
          %parallel_loop3A_297 = arith.constant 1.000000e+00 : f32
          %parallel_loop3A_298 = vector.broadcast %parallel_loop3A_297 : f32 to vector<16xf32>
          %parallel_loop3A_299 = arith.divf %parallel_loop3A_298, %parallel_loop3A_296 : vector<16xf32>
          %parallel_loop3A_300 = arith.addf %parallel_loop3A_268, %parallel_loop3A_286 : vector<16xf32>
          %parallel_loop3A_301 = arith.constant 0.000000e+00 : f32
          %parallel_loop3A_302 = vector.broadcast %parallel_loop3A_301 : f32 to vector<16xf32>
          %parallel_loop3A_303 = arith.subf %parallel_loop3A_302, %parallel_loop3A_300 : vector<16xf32>
          %parallel_loop3A_304 = math.exp %parallel_loop3A_303 : vector<16xf32>
          %parallel_loop3A_305 = arith.constant 1.000000e+00 : f32
          %parallel_loop3A_306 = vector.broadcast %parallel_loop3A_305 : f32 to vector<16xf32>
          %parallel_loop3A_307 = arith.addf %parallel_loop3A_306, %parallel_loop3A_304 : vector<16xf32>
          %parallel_loop3A_308 = arith.constant 1.000000e+00 : f32
          %parallel_loop3A_309 = vector.broadcast %parallel_loop3A_308 : f32 to vector<16xf32>
          %parallel_loop3A_310 = arith.divf %parallel_loop3A_309, %parallel_loop3A_307 : vector<16xf32>
          %parallel_loop3A_311 = arith.mulf %parallel_loop3A_299, %parallel_loop3A_278 : vector<16xf32>
          %parallel_loop3A_312 = arith.index_cast %parallel_loop3A_198 : i32 to index
          %parallel_loop3A_313 = arith.constant 16 : index
          %parallel_loop3A_314 = tpu.vector_load %arg17[%parallel_loop3A_312, %parallel_loop3A_313] {strides = array<i32>} : memref<32x128xf32, #tpu.memory_space<vmem>>, vector<1x16xf32>,
          %parallel_loop3A_315 = vector.shape_cast %parallel_loop3A_314 : vector<1x16xf32> to vector<16xf32>
          %parallel_loop3A_316 = vector.shape_cast %parallel_loop3A_311 : vector<16xf32> to vector<1x16xf32>
          tpu.vector_store %arg17[%parallel_loop3A_312, %parallel_loop3A_313], %parallel_loop3A_316 {strides = array<i32>} : memref<32x128xf32, #tpu.memory_space<vmem>>, vector<1x16xf32>,
          %parallel_loop3A_317 = arith.mulf %parallel_loop3A_310, %parallel_loop3A_288 : vector<16xf32>
          %parallel_loop3A_318 = arith.index_cast %parallel_loop3A_198 : i32 to index
          %parallel_loop3A_319 = arith.constant 80 : index
          %parallel_loop3A_320 = tpu.vector_load %arg17[%parallel_loop3A_318, %parallel_loop3A_319] {strides = array<i32>} : memref<32x128xf32, #tpu.memory_space<vmem>>, vector<1x16xf32>,
          %parallel_loop3A_321 = vector.shape_cast %parallel_loop3A_320 : vector<1x16xf32> to vector<16xf32>
          %parallel_loop3A_322 = vector.shape_cast %parallel_loop3A_317 : vector<16xf32> to vector<1x16xf32>
          tpu.vector_store %arg17[%parallel_loop3A_318, %parallel_loop3A_319], %parallel_loop3A_322 {strides = array<i32>} : memref<32x128xf32, #tpu.memory_space<vmem>>, vector<1x16xf32>,
          %parallel_loop3A_323 = arith.index_cast %parallel_loop3A_198 : i32 to index
          %parallel_loop3A_324 = arith.constant 32 : index
          %parallel_loop3A_325 = tpu.vector_load %arg13[%parallel_loop3A_323, %parallel_loop3A_324] {strides = array<i32>} : memref<32x128xf32, #tpu.memory_space<vmem>>, vector<1x16xf32>,
          %parallel_loop3A_326 = vector.shape_cast %parallel_loop3A_325 : vector<1x16xf32> to vector<16xf32>
          %parallel_loop3A_327 = arith.index_cast %parallel_loop3A_198 : i32 to index
          %parallel_loop3A_328 = arith.constant 96 : index
          %parallel_loop3A_329 = tpu.vector_load %arg13[%parallel_loop3A_327, %parallel_loop3A_328] {strides = array<i32>} : memref<32x128xf32, #tpu.memory_space<vmem>>, vector<1x16xf32>,
          %parallel_loop3A_330 = vector.shape_cast %parallel_loop3A_329 : vector<1x16xf32> to vector<16xf32>
          %parallel_loop3A_331 = arith.index_cast %parallel_loop3A_198 : i32 to index
          %parallel_loop3A_332 = arith.constant 32 : index
          %parallel_loop3A_333 = tpu.vector_load %arg15[%parallel_loop3A_331, %parallel_loop3A_332] {strides = array<i32>} : memref<32x128xi32, #tpu.memory_space<vmem>>, vector<1x16xi32>,
          %parallel_loop3A_334 = vector.shape_cast %parallel_loop3A_333 : vector<1x16xi32> to vector<16xi32>
          %parallel_loop3A_335 = arith.constant 16 : i32
          %parallel_loop3A_336 = vector.broadcast %parallel_loop3A_335 : i32 to vector<16xi32>
          %parallel_loop3A_337 = arith.shli %parallel_loop3A_334, %parallel_loop3A_336 : vector<16xi32>
          %parallel_loop3A_338 = tpu.bitcast %parallel_loop3A_337 : vector<16xi32> -> vector<16xf32>
          %parallel_loop3A_339 = arith.andi %parallel_loop3A_334, %broadcast_in_dim3A_150 : vector<16xi32>
          %parallel_loop3A_340 = tpu.bitcast %parallel_loop3A_339 : vector<16xi32> -> vector<16xf32>
          %parallel_loop3A_341 = arith.index_cast %parallel_loop3A_198 : i32 to index
          %parallel_loop3A_342 = arith.constant 96 : index
          %parallel_loop3A_343 = tpu.vector_load %arg15[%parallel_loop3A_341, %parallel_loop3A_342] {strides = array<i32>} : memref<32x128xi32, #tpu.memory_space<vmem>>, vector<1x16xi32>,
          %parallel_loop3A_344 = vector.shape_cast %parallel_loop3A_343 : vector<1x16xi32> to vector<16xi32>
          %parallel_loop3A_345 = arith.constant 16 : i32
          %parallel_loop3A_346 = vector.broadcast %parallel_loop3A_345 : i32 to vector<16xi32>
          %parallel_loop3A_347 = arith.shli %parallel_loop3A_344, %parallel_loop3A_346 : vector<16xi32>
          %parallel_loop3A_348 = tpu.bitcast %parallel_loop3A_347 : vector<16xi32> -> vector<16xf32>
          %parallel_loop3A_349 = arith.andi %parallel_loop3A_344, %broadcast_in_dim3A_150 : vector<16xi32>
          %parallel_loop3A_350 = tpu.bitcast %parallel_loop3A_349 : vector<16xi32> -> vector<16xf32>
          %parallel_loop3A_351 = arith.addf %parallel_loop3A_326, %parallel_loop3A_338 : vector<16xf32>
          %parallel_loop3A_352 = arith.constant 0.000000e+00 : f32
          %parallel_loop3A_353 = vector.broadcast %parallel_loop3A_352 : f32 to vector<16xf32>
          %parallel_loop3A_354 = arith.subf %parallel_loop3A_353, %parallel_loop3A_351 : vector<16xf32>
          %parallel_loop3A_355 = math.exp %parallel_loop3A_354 : vector<16xf32>
          %parallel_loop3A_356 = arith.constant 1.000000e+00 : f32
          %parallel_loop3A_357 = vector.broadcast %parallel_loop3A_356 : f32 to vector<16xf32>
          %parallel_loop3A_358 = arith.addf %parallel_loop3A_357, %parallel_loop3A_355 : vector<16xf32>
          %parallel_loop3A_359 = arith.constant 1.000000e+00 : f32
          %parallel_loop3A_360 = vector.broadcast %parallel_loop3A_359 : f32 to vector<16xf32>
          %parallel_loop3A_361 = arith.divf %parallel_loop3A_360, %parallel_loop3A_358 : vector<16xf32>
          %parallel_loop3A_362 = arith.addf %parallel_loop3A_330, %parallel_loop3A_348 : vector<16xf32>
          %parallel_loop3A_363 = arith.constant 0.000000e+00 : f32
          %parallel_loop3A_364 = vector.broadcast %parallel_loop3A_363 : f32 to vector<16xf32>
          %parallel_loop3A_365 = arith.subf %parallel_loop3A_364, %parallel_loop3A_362 : vector<16xf32>
          %parallel_loop3A_366 = math.exp %parallel_loop3A_365 : vector<16xf32>
          %parallel_loop3A_367 = arith.constant 1.000000e+00 : f32
          %parallel_loop3A_368 = vector.broadcast %parallel_loop3A_367 : f32 to vector<16xf32>
          %parallel_loop3A_369 = arith.addf %parallel_loop3A_368, %parallel_loop3A_366 : vector<16xf32>
          %parallel_loop3A_370 = arith.constant 1.000000e+00 : f32
          %parallel_loop3A_371 = vector.broadcast %parallel_loop3A_370 : f32 to vector<16xf32>
          %parallel_loop3A_372 = arith.divf %parallel_loop3A_371, %parallel_loop3A_369 : vector<16xf32>
          %parallel_loop3A_373 = arith.mulf %parallel_loop3A_361, %parallel_loop3A_340 : vector<16xf32>
          %parallel_loop3A_374 = arith.index_cast %parallel_loop3A_198 : i32 to index
          %parallel_loop3A_375 = arith.constant 32 : index
          %parallel_loop3A_376 = tpu.vector_load %arg17[%parallel_loop3A_374, %parallel_loop3A_375] {strides = array<i32>} : memref<32x128xf32, #tpu.memory_space<vmem>>, vector<1x16xf32>,
          %parallel_loop3A_377 = vector.shape_cast %parallel_loop3A_376 : vector<1x16xf32> to vector<16xf32>
          %parallel_loop3A_378 = vector.shape_cast %parallel_loop3A_373 : vector<16xf32> to vector<1x16xf32>
          tpu.vector_store %arg17[%parallel_loop3A_374, %parallel_loop3A_375], %parallel_loop3A_378 {strides = array<i32>} : memref<32x128xf32, #tpu.memory_space<vmem>>, vector<1x16xf32>,
          %parallel_loop3A_379 = arith.mulf %parallel_loop3A_372, %parallel_loop3A_350 : vector<16xf32>
          %parallel_loop3A_380 = arith.index_cast %parallel_loop3A_198 : i32 to index
          %parallel_loop3A_381 = arith.constant 96 : index
          %parallel_loop3A_382 = tpu.vector_load %arg17[%parallel_loop3A_380, %parallel_loop3A_381] {strides = array<i32>} : memref<32x128xf32, #tpu.memory_space<vmem>>, vector<1x16xf32>,
          %parallel_loop3A_383 = vector.shape_cast %parallel_loop3A_382 : vector<1x16xf32> to vector<16xf32>
          %parallel_loop3A_384 = vector.shape_cast %parallel_loop3A_379 : vector<16xf32> to vector<1x16xf32>
          tpu.vector_store %arg17[%parallel_loop3A_380, %parallel_loop3A_381], %parallel_loop3A_384 {strides = array<i32>} : memref<32x128xf32, #tpu.memory_space<vmem>>, vector<1x16xf32>,
          %parallel_loop3A_385 = arith.index_cast %parallel_loop3A_198 : i32 to index
          %parallel_loop3A_386 = arith.constant 48 : index
          %parallel_loop3A_387 = tpu.vector_load %arg13[%parallel_loop3A_385, %parallel_loop3A_386] {strides = array<i32>} : memref<32x128xf32, #tpu.memory_space<vmem>>, vector<1x16xf32>,
          %parallel_loop3A_388 = vector.shape_cast %parallel_loop3A_387 : vector<1x16xf32> to vector<16xf32>
          %parallel_loop3A_389 = arith.index_cast %parallel_loop3A_198 : i32 to index
          %parallel_loop3A_390 = arith.constant 112 : index
          %parallel_loop3A_391 = tpu.vector_load %arg13[%parallel_loop3A_389, %parallel_loop3A_390] {strides = array<i32>} : memref<32x128xf32, #tpu.memory_space<vmem>>, vector<1x16xf32>,
          %parallel_loop3A_392 = vector.shape_cast %parallel_loop3A_391 : vector<1x16xf32> to vector<16xf32>
          %parallel_loop3A_393 = arith.index_cast %parallel_loop3A_198 : i32 to index
          %parallel_loop3A_394 = arith.constant 48 : index
          %parallel_loop3A_395 = tpu.vector_load %arg15[%parallel_loop3A_393, %parallel_loop3A_394] {strides = array<i32>} : memref<32x128xi32, #tpu.memory_space<vmem>>, vector<1x16xi32>,
          %parallel_loop3A_396 = vector.shape_cast %parallel_loop3A_395 : vector<1x16xi32> to vector<16xi32>
          %parallel_loop3A_397 = arith.constant 16 : i32
          %parallel_loop3A_398 = vector.broadcast %parallel_loop3A_397 : i32 to vector<16xi32>
          %parallel_loop3A_399 = arith.shli %parallel_loop3A_396, %parallel_loop3A_398 : vector<16xi32>
          %parallel_loop3A_400 = tpu.bitcast %parallel_loop3A_399 : vector<16xi32> -> vector<16xf32>
          %parallel_loop3A_401 = arith.andi %parallel_loop3A_396, %broadcast_in_dim3A_150 : vector<16xi32>
          %parallel_loop3A_402 = tpu.bitcast %parallel_loop3A_401 : vector<16xi32> -> vector<16xf32>
          %parallel_loop3A_403 = arith.index_cast %parallel_loop3A_198 : i32 to index
          %parallel_loop3A_404 = arith.constant 112 : index
          %parallel_loop3A_405 = tpu.vector_load %arg15[%parallel_loop3A_403, %parallel_loop3A_404] {strides = array<i32>} : memref<32x128xi32, #tpu.memory_space<vmem>>, vector<1x16xi32>,
          %parallel_loop3A_406 = vector.shape_cast %parallel_loop3A_405 : vector<1x16xi32> to vector<16xi32>
          %parallel_loop3A_407 = arith.constant 16 : i32
          %parallel_loop3A_408 = vector.broadcast %parallel_loop3A_407 : i32 to vector<16xi32>
          %parallel_loop3A_409 = arith.shli %parallel_loop3A_406, %parallel_loop3A_408 : vector<16xi32>
          %parallel_loop3A_410 = tpu.bitcast %parallel_loop3A_409 : vector<16xi32> -> vector<16xf32>
          %parallel_loop3A_411 = arith.andi %parallel_loop3A_406, %broadcast_in_dim3A_150 : vector<16xi32>
          %parallel_loop3A_412 = tpu.bitcast %parallel_loop3A_411 : vector<16xi32> -> vector<16xf32>
          %parallel_loop3A_413 = arith.addf %parallel_loop3A_388, %parallel_loop3A_400 : vector<16xf32>
          %parallel_loop3A_414 = arith.constant 0.000000e+00 : f32
          %parallel_loop3A_415 = vector.broadcast %parallel_loop3A_414 : f32 to vector<16xf32>
          %parallel_loop3A_416 = arith.subf %parallel_loop3A_415, %parallel_loop3A_413 : vector<16xf32>
          %parallel_loop3A_417 = math.exp %parallel_loop3A_416 : vector<16xf32>
          %parallel_loop3A_418 = arith.constant 1.000000e+00 : f32
          %parallel_loop3A_419 = vector.broadcast %parallel_loop3A_418 : f32 to vector<16xf32>
          %parallel_loop3A_420 = arith.addf %parallel_loop3A_419, %parallel_loop3A_417 : vector<16xf32>
          %parallel_loop3A_421 = arith.constant 1.000000e+00 : f32
          %parallel_loop3A_422 = vector.broadcast %parallel_loop3A_421 : f32 to vector<16xf32>
          %parallel_loop3A_423 = arith.divf %parallel_loop3A_422, %parallel_loop3A_420 : vector<16xf32>
          %parallel_loop3A_424 = arith.addf %parallel_loop3A_392, %parallel_loop3A_410 : vector<16xf32>
          %parallel_loop3A_425 = arith.constant 0.000000e+00 : f32
          %parallel_loop3A_426 = vector.broadcast %parallel_loop3A_425 : f32 to vector<16xf32>
          %parallel_loop3A_427 = arith.subf %parallel_loop3A_426, %parallel_loop3A_424 : vector<16xf32>
          %parallel_loop3A_428 = math.exp %parallel_loop3A_427 : vector<16xf32>
          %parallel_loop3A_429 = arith.constant 1.000000e+00 : f32
          %parallel_loop3A_430 = vector.broadcast %parallel_loop3A_429 : f32 to vector<16xf32>
          %parallel_loop3A_431 = arith.addf %parallel_loop3A_430, %parallel_loop3A_428 : vector<16xf32>
          %parallel_loop3A_432 = arith.constant 1.000000e+00 : f32
          %parallel_loop3A_433 = vector.broadcast %parallel_loop3A_432 : f32 to vector<16xf32>
          %parallel_loop3A_434 = arith.divf %parallel_loop3A_433, %parallel_loop3A_431 : vector<16xf32>
          %parallel_loop3A_435 = arith.mulf %parallel_loop3A_423, %parallel_loop3A_402 : vector<16xf32>
          %parallel_loop3A_436 = arith.index_cast %parallel_loop3A_198 : i32 to index
          %parallel_loop3A_437 = arith.constant 48 : index
          %parallel_loop3A_438 = tpu.vector_load %arg17[%parallel_loop3A_436, %parallel_loop3A_437] {strides = array<i32>} : memref<32x128xf32, #tpu.memory_space<vmem>>, vector<1x16xf32>,
          %parallel_loop3A_439 = vector.shape_cast %parallel_loop3A_438 : vector<1x16xf32> to vector<16xf32>
          %parallel_loop3A_440 = vector.shape_cast %parallel_loop3A_435 : vector<16xf32> to vector<1x16xf32>
          tpu.vector_store %arg17[%parallel_loop3A_436, %parallel_loop3A_437], %parallel_loop3A_440 {strides = array<i32>} : memref<32x128xf32, #tpu.memory_space<vmem>>, vector<1x16xf32>,
          %parallel_loop3A_441 = arith.mulf %parallel_loop3A_434, %parallel_loop3A_412 : vector<16xf32>
          %parallel_loop3A_442 = arith.index_cast %parallel_loop3A_198 : i32 to index
          %parallel_loop3A_443 = arith.constant 112 : index
          %parallel_loop3A_444 = tpu.vector_load %arg17[%parallel_loop3A_442, %parallel_loop3A_443] {strides = array<i32>} : memref<32x128xf32, #tpu.memory_space<vmem>>, vector<1x16xf32>,
          %parallel_loop3A_445 = vector.shape_cast %parallel_loop3A_444 : vector<1x16xf32> to vector<16xf32>
          %parallel_loop3A_446 = vector.shape_cast %parallel_loop3A_441 : vector<16xf32> to vector<1x16xf32>
          tpu.vector_store %arg17[%parallel_loop3A_442, %parallel_loop3A_443], %parallel_loop3A_446 {strides = array<i32>} : memref<32x128xf32, #tpu.memory_space<vmem>>, vector<1x16xf32>,
        } {sc.loop_unroll_factor = 4 : i64, sc.parallel_access}
        %dma_start3A_154 = arith.constant 0 : i32
        %dma_start3A_155 = tpu.memref_slice %arg12[%add3A_118, %dma_start3A_154] : memref<16x32xi32, #tpu.memory_space<vmem>> -> memref<1x32xi32, #tpu.memory_space<vmem>>
        %dma_start3A_156 = tpu.memref_squeeze %dma_start3A_155 : memref<1x32xi32, #tpu.memory_space<vmem>> -> memref<32xi32, #tpu.memory_space<vmem>>
        %dma_start3A_157 = arith.constant 0 : i32
        %dma_start3A_158 = arith.constant 0 : i32
        %dma_start3A_159 = tpu.memref_slice %arg19[%dma_start3A_157, %dma_start3A_158] : memref<10112x128xf32, #tpu.memory_space<vmem_shared>> -> memref<10112x128xf32, #tpu.memory_space<vmem_shared>>
        tpu.enqueue_indirect_dma source(%arg17 : memref<32x128xf32, #tpu.memory_space<vmem>>) target(%dma_start3A_159 : memref<10112x128xf32, #tpu.memory_space<vmem_shared>>) offsets(%dma_start3A_156 : memref<32xi32, #tpu.memory_space<vmem>>) semaphore(%arg24 : memref<!tpu.dma_semaphore, #tpu.memory_space<semaphore_mem>>) {add = true}
        %add3A_160 = arith.constant 1 : i32
        %add3A_161 = arith.addi %add3A_118, %add3A_160 : i32
        %add3A_162 = arith.constant 2 : i32
        %add3A_163 = arith.addi %add3A_118, %add3A_162 : i32
        %add3A_164 = arith.constant 2 : i32
        %add3A_165 = arith.addi %add3A_118, %add3A_164 : i32
        %lt3A = arith.constant 16 : i32
        %lt3A_166 = arith.cmpi slt, %add3A_165, %lt3A : i32
        %convert_element_type3A_167 = arith.extui %lt3A_166 : i1 to i32
        %cond3A_168 = arith.constant 0 : i32
        %cond3A_169 = arith.cmpi ne, %convert_element_type3A_167, %cond3A_168 : i32
        scf.if %cond3A_169 {
          %dma_start3A_198 = arith.constant 0 : i32
          %dma_start3A_199 = tpu.memref_slice %arg10[%add3A_163, %dma_start3A_198] : memref<16x32xi32, #tpu.memory_space<vmem>> -> memref<1x32xi32, #tpu.memory_space<vmem>>
          %dma_start3A_200 = tpu.memref_squeeze %dma_start3A_199 : memref<1x32xi32, #tpu.memory_space<vmem>> -> memref<32xi32, #tpu.memory_space<vmem>>
          %dma_start3A_201 = arith.constant 0 : i32
          %dma_start3A_202 = arith.constant 0 : i32
          %dma_start3A_203 = tpu.memref_slice %arg2[%dma_start3A_201, %dma_start3A_202] : memref<30000x128xf32, #tpu.memory_space<hbm>> -> memref<30000x128xf32, #tpu.memory_space<hbm>>
          tpu.enqueue_indirect_dma source(%dma_start3A_203 : memref<30000x128xf32, #tpu.memory_space<hbm>>) target(%arg13 : memref<32x128xf32, #tpu.memory_space<vmem>>) offsets(%dma_start3A_200 : memref<32xi32, #tpu.memory_space<vmem>>) semaphore(%arg20 : memref<!tpu.dma_semaphore, #tpu.memory_space<semaphore_mem>>)
          %dma_start3A_204 = arith.constant 0 : i32
          %dma_start3A_205 = tpu.memref_slice %arg11[%add3A_163, %dma_start3A_204] : memref<16x32xi32, #tpu.memory_space<vmem>> -> memref<1x32xi32, #tpu.memory_space<vmem>>
          %dma_start3A_206 = tpu.memref_squeeze %dma_start3A_205 : memref<1x32xi32, #tpu.memory_space<vmem>> -> memref<32xi32, #tpu.memory_space<vmem>>
          %dma_start3A_207 = arith.constant 0 : i32
          %dma_start3A_208 = arith.constant 0 : i32
          %dma_start3A_209 = tpu.memref_slice %arg3[%dma_start3A_207, %dma_start3A_208] : memref<30000x128xi32, #tpu.memory_space<hbm>> -> memref<30000x128xi32, #tpu.memory_space<hbm>>
          tpu.enqueue_indirect_dma source(%dma_start3A_209 : memref<30000x128xi32, #tpu.memory_space<hbm>>) target(%arg15 : memref<32x128xi32, #tpu.memory_space<vmem>>) offsets(%dma_start3A_206 : memref<32xi32, #tpu.memory_space<vmem>>) semaphore(%arg22 : memref<!tpu.dma_semaphore, #tpu.memory_space<semaphore_mem>>)
        } else {
        }
        %dma_wait3A_170 = arith.constant 0 : i32
        %dma_wait3A_171 = tpu.memref_slice %arg10[%add3A_161, %dma_wait3A_170] : memref<16x32xi32, #tpu.memory_space<vmem>> -> memref<1x32xi32, #tpu.memory_space<vmem>>
        %dma_wait3A_172 = tpu.memref_squeeze %dma_wait3A_171 : memref<1x32xi32, #tpu.memory_space<vmem>> -> memref<32xi32, #tpu.memory_space<vmem>>
        %dma_wait3A_173 = arith.constant 0 : i32
        %dma_wait3A_174 = arith.constant 0 : i32
        %dma_wait3A_175 = tpu.memref_slice %arg2[%dma_wait3A_173, %dma_wait3A_174] : memref<30000x128xf32, #tpu.memory_space<hbm>> -> memref<30000x128xf32, #tpu.memory_space<hbm>>
        tpu.wait_indirect_dma semaphore(%arg21 : memref<!tpu.dma_semaphore, #tpu.memory_space<semaphore_mem>>) src(%dma_wait3A_175 : memref<30000x128xf32, #tpu.memory_space<hbm>>) dst(%arg14 : memref<32x128xf32, #tpu.memory_space<vmem>>)
        %dma_wait3A_176 = arith.constant 0 : i32
        %dma_wait3A_177 = tpu.memref_slice %arg11[%add3A_161, %dma_wait3A_176] : memref<16x32xi32, #tpu.memory_space<vmem>> -> memref<1x32xi32, #tpu.memory_space<vmem>>
        %dma_wait3A_178 = tpu.memref_squeeze %dma_wait3A_177 : memref<1x32xi32, #tpu.memory_space<vmem>> -> memref<32xi32, #tpu.memory_space<vmem>>
        %dma_wait3A_179 = arith.constant 0 : i32
        %dma_wait3A_180 = arith.constant 0 : i32
        %dma_wait3A_181 = tpu.memref_slice %arg3[%dma_wait3A_179, %dma_wait3A_180] : memref<30000x128xi32, #tpu.memory_space<hbm>> -> memref<30000x128xi32, #tpu.memory_space<hbm>>
        tpu.wait_indirect_dma semaphore(%arg23 : memref<!tpu.dma_semaphore, #tpu.memory_space<semaphore_mem>>) src(%dma_wait3A_181 : memref<30000x128xi32, #tpu.memory_space<hbm>>) dst(%arg16 : memref<32x128xi32, #tpu.memory_space<vmem>>)
        %ge3A_182 = arith.constant 2 : i32
        %ge3A_183 = arith.cmpi sge, %add3A_161, %ge3A_182 : i32
        %convert_element_type3A_184 = arith.extui %ge3A_183 : i1 to i32
        %cond3A_185 = arith.constant 0 : i32
        %cond3A_186 = arith.cmpi ne, %convert_element_type3A_184, %cond3A_185 : i32
        scf.if %cond3A_186 {
          %dma_wait3A_198 = arith.constant 0 : i32
          %dma_wait3A_199 = tpu.memref_slice %arg12[%add3A_161, %dma_wait3A_198] : memref<16x32xi32, #tpu.memory_space<vmem>> -> memref<1x32xi32, #tpu.memory_space<vmem>>
          %dma_wait3A_200 = tpu.memref_squeeze %dma_wait3A_199 : memref<1x32xi32, #tpu.memory_space<vmem>> -> memref<32xi32, #tpu.memory_space<vmem>>
          %dma_wait3A_201 = arith.constant 0 : i32
          %dma_wait3A_202 = arith.constant 0 : i32
          %dma_wait3A_203 = tpu.memref_slice %arg19[%dma_wait3A_201, %dma_wait3A_202] : memref<10112x128xf32, #tpu.memory_space<vmem_shared>> -> memref<10112x128xf32, #tpu.memory_space<vmem_shared>>
          tpu.wait_indirect_dma semaphore(%arg25 : memref<!tpu.dma_semaphore, #tpu.memory_space<semaphore_mem>>) src(%arg18 : memref<32x128xf32, #tpu.memory_space<vmem>>) dst(%dma_wait3A_203 : memref<10112x128xf32, #tpu.memory_space<vmem_shared>>)
        } else {
        }
        %broadcast_in_dim3A_187 = arith.constant -65536 : i32
        %broadcast_in_dim3A_188 = vector.broadcast %broadcast_in_dim3A_187 : i32 to vector<16xi32>
        %parallel_loop3A_189 = arith.constant 0 : i32
        %parallel_loop3A_190 = arith.constant 32 : i32
        %parallel_loop3A_191 = arith.constant 1 : i32
        scf.for %parallel_loop3A_198 = %parallel_loop3A_189 to %parallel_loop3A_190 step %parallel_loop3A_191  : i32 {
          %parallel_loop3A_199 = arith.index_cast %parallel_loop3A_198 : i32 to index
          %parallel_loop3A_200 = arith.constant 0 : index
          %parallel_loop3A_201 = tpu.vector_load %arg14[%parallel_loop3A_199, %parallel_loop3A_200] {strides = array<i32>} : memref<32x128xf32, #tpu.memory_space<vmem>>, vector<1x16xf32>,
          %parallel_loop3A_202 = vector.shape_cast %parallel_loop3A_201 : vector<1x16xf32> to vector<16xf32>
          %parallel_loop3A_203 = arith.index_cast %parallel_loop3A_198 : i32 to index
          %parallel_loop3A_204 = arith.constant 64 : index
          %parallel_loop3A_205 = tpu.vector_load %arg14[%parallel_loop3A_203, %parallel_loop3A_204] {strides = array<i32>} : memref<32x128xf32, #tpu.memory_space<vmem>>, vector<1x16xf32>,
          %parallel_loop3A_206 = vector.shape_cast %parallel_loop3A_205 : vector<1x16xf32> to vector<16xf32>
          %parallel_loop3A_207 = arith.index_cast %parallel_loop3A_198 : i32 to index
          %parallel_loop3A_208 = arith.constant 0 : index
          %parallel_loop3A_209 = tpu.vector_load %arg16[%parallel_loop3A_207, %parallel_loop3A_208] {strides = array<i32>} : memref<32x128xi32, #tpu.memory_space<vmem>>, vector<1x16xi32>,
          %parallel_loop3A_210 = vector.shape_cast %parallel_loop3A_209 : vector<1x16xi32> to vector<16xi32>
          %parallel_loop3A_211 = arith.constant 16 : i32
          %parallel_loop3A_212 = vector.broadcast %parallel_loop3A_211 : i32 to vector<16xi32>
          %parallel_loop3A_213 = arith.shli %parallel_loop3A_210, %parallel_loop3A_212 : vector<16xi32>
          %parallel_loop3A_214 = tpu.bitcast %parallel_loop3A_213 : vector<16xi32> -> vector<16xf32>
          %parallel_loop3A_215 = arith.andi %parallel_loop3A_210, %broadcast_in_dim3A_188 : vector<16xi32>
          %parallel_loop3A_216 = tpu.bitcast %parallel_loop3A_215 : vector<16xi32> -> vector<16xf32>
          %parallel_loop3A_217 = arith.index_cast %parallel_loop3A_198 : i32 to index
          %parallel_loop3A_218 = arith.constant 64 : index
          %parallel_loop3A_219 = tpu.vector_load %arg16[%parallel_loop3A_217, %parallel_loop3A_218] {strides = array<i32>} : memref<32x128xi32, #tpu.memory_space<vmem>>, vector<1x16xi32>,
          %parallel_loop3A_220 = vector.shape_cast %parallel_loop3A_219 : vector<1x16xi32> to vector<16xi32>
          %parallel_loop3A_221 = arith.constant 16 : i32
          %parallel_loop3A_222 = vector.broadcast %parallel_loop3A_221 : i32 to vector<16xi32>
          %parallel_loop3A_223 = arith.shli %parallel_loop3A_220, %parallel_loop3A_222 : vector<16xi32>
          %parallel_loop3A_224 = tpu.bitcast %parallel_loop3A_223 : vector<16xi32> -> vector<16xf32>
          %parallel_loop3A_225 = arith.andi %parallel_loop3A_220, %broadcast_in_dim3A_188 : vector<16xi32>
          %parallel_loop3A_226 = tpu.bitcast %parallel_loop3A_225 : vector<16xi32> -> vector<16xf32>
          %parallel_loop3A_227 = arith.addf %parallel_loop3A_202, %parallel_loop3A_214 : vector<16xf32>
          %parallel_loop3A_228 = arith.constant 0.000000e+00 : f32
          %parallel_loop3A_229 = vector.broadcast %parallel_loop3A_228 : f32 to vector<16xf32>
          %parallel_loop3A_230 = arith.subf %parallel_loop3A_229, %parallel_loop3A_227 : vector<16xf32>
          %parallel_loop3A_231 = math.exp %parallel_loop3A_230 : vector<16xf32>
          %parallel_loop3A_232 = arith.constant 1.000000e+00 : f32
          %parallel_loop3A_233 = vector.broadcast %parallel_loop3A_232 : f32 to vector<16xf32>
          %parallel_loop3A_234 = arith.addf %parallel_loop3A_233, %parallel_loop3A_231 : vector<16xf32>
          %parallel_loop3A_235 = arith.constant 1.000000e+00 : f32
          %parallel_loop3A_236 = vector.broadcast %parallel_loop3A_235 : f32 to vector<16xf32>
          %parallel_loop3A_237 = arith.divf %parallel_loop3A_236, %parallel_loop3A_234 : vector<16xf32>
          %parallel_loop3A_238 = arith.addf %parallel_loop3A_206, %parallel_loop3A_224 : vector<16xf32>
          %parallel_loop3A_239 = arith.constant 0.000000e+00 : f32
          %parallel_loop3A_240 = vector.broadcast %parallel_loop3A_239 : f32 to vector<16xf32>
          %parallel_loop3A_241 = arith.subf %parallel_loop3A_240, %parallel_loop3A_238 : vector<16xf32>
          %parallel_loop3A_242 = math.exp %parallel_loop3A_241 : vector<16xf32>
          %parallel_loop3A_243 = arith.constant 1.000000e+00 : f32
          %parallel_loop3A_244 = vector.broadcast %parallel_loop3A_243 : f32 to vector<16xf32>
          %parallel_loop3A_245 = arith.addf %parallel_loop3A_244, %parallel_loop3A_242 : vector<16xf32>
          %parallel_loop3A_246 = arith.constant 1.000000e+00 : f32
          %parallel_loop3A_247 = vector.broadcast %parallel_loop3A_246 : f32 to vector<16xf32>
          %parallel_loop3A_248 = arith.divf %parallel_loop3A_247, %parallel_loop3A_245 : vector<16xf32>
          %parallel_loop3A_249 = arith.mulf %parallel_loop3A_237, %parallel_loop3A_216 : vector<16xf32>
          %parallel_loop3A_250 = arith.index_cast %parallel_loop3A_198 : i32 to index
          %parallel_loop3A_251 = arith.constant 0 : index
          %parallel_loop3A_252 = tpu.vector_load %arg18[%parallel_loop3A_250, %parallel_loop3A_251] {strides = array<i32>} : memref<32x128xf32, #tpu.memory_space<vmem>>, vector<1x16xf32>,
          %parallel_loop3A_253 = vector.shape_cast %parallel_loop3A_252 : vector<1x16xf32> to vector<16xf32>
          %parallel_loop3A_254 = vector.shape_cast %parallel_loop3A_249 : vector<16xf32> to vector<1x16xf32>
          tpu.vector_store %arg18[%parallel_loop3A_250, %parallel_loop3A_251], %parallel_loop3A_254 {strides = array<i32>} : memref<32x128xf32, #tpu.memory_space<vmem>>, vector<1x16xf32>,
          %parallel_loop3A_255 = arith.mulf %parallel_loop3A_248, %parallel_loop3A_226 : vector<16xf32>
          %parallel_loop3A_256 = arith.index_cast %parallel_loop3A_198 : i32 to index
          %parallel_loop3A_257 = arith.constant 64 : index
          %parallel_loop3A_258 = tpu.vector_load %arg18[%parallel_loop3A_256, %parallel_loop3A_257] {strides = array<i32>} : memref<32x128xf32, #tpu.memory_space<vmem>>, vector<1x16xf32>,
          %parallel_loop3A_259 = vector.shape_cast %parallel_loop3A_258 : vector<1x16xf32> to vector<16xf32>
          %parallel_loop3A_260 = vector.shape_cast %parallel_loop3A_255 : vector<16xf32> to vector<1x16xf32>
          tpu.vector_store %arg18[%parallel_loop3A_256, %parallel_loop3A_257], %parallel_loop3A_260 {strides = array<i32>} : memref<32x128xf32, #tpu.memory_space<vmem>>, vector<1x16xf32>,
          %parallel_loop3A_261 = arith.index_cast %parallel_loop3A_198 : i32 to index
          %parallel_loop3A_262 = arith.constant 16 : index
          %parallel_loop3A_263 = tpu.vector_load %arg14[%parallel_loop3A_261, %parallel_loop3A_262] {strides = array<i32>} : memref<32x128xf32, #tpu.memory_space<vmem>>, vector<1x16xf32>,
          %parallel_loop3A_264 = vector.shape_cast %parallel_loop3A_263 : vector<1x16xf32> to vector<16xf32>
          %parallel_loop3A_265 = arith.index_cast %parallel_loop3A_198 : i32 to index
          %parallel_loop3A_266 = arith.constant 80 : index
          %parallel_loop3A_267 = tpu.vector_load %arg14[%parallel_loop3A_265, %parallel_loop3A_266] {strides = array<i32>} : memref<32x128xf32, #tpu.memory_space<vmem>>, vector<1x16xf32>,
          %parallel_loop3A_268 = vector.shape_cast %parallel_loop3A_267 : vector<1x16xf32> to vector<16xf32>
          %parallel_loop3A_269 = arith.index_cast %parallel_loop3A_198 : i32 to index
          %parallel_loop3A_270 = arith.constant 16 : index
          %parallel_loop3A_271 = tpu.vector_load %arg16[%parallel_loop3A_269, %parallel_loop3A_270] {strides = array<i32>} : memref<32x128xi32, #tpu.memory_space<vmem>>, vector<1x16xi32>,
          %parallel_loop3A_272 = vector.shape_cast %parallel_loop3A_271 : vector<1x16xi32> to vector<16xi32>
          %parallel_loop3A_273 = arith.constant 16 : i32
          %parallel_loop3A_274 = vector.broadcast %parallel_loop3A_273 : i32 to vector<16xi32>
          %parallel_loop3A_275 = arith.shli %parallel_loop3A_272, %parallel_loop3A_274 : vector<16xi32>
          %parallel_loop3A_276 = tpu.bitcast %parallel_loop3A_275 : vector<16xi32> -> vector<16xf32>
          %parallel_loop3A_277 = arith.andi %parallel_loop3A_272, %broadcast_in_dim3A_188 : vector<16xi32>
          %parallel_loop3A_278 = tpu.bitcast %parallel_loop3A_277 : vector<16xi32> -> vector<16xf32>
          %parallel_loop3A_279 = arith.index_cast %parallel_loop3A_198 : i32 to index
          %parallel_loop3A_280 = arith.constant 80 : index
          %parallel_loop3A_281 = tpu.vector_load %arg16[%parallel_loop3A_279, %parallel_loop3A_280] {strides = array<i32>} : memref<32x128xi32, #tpu.memory_space<vmem>>, vector<1x16xi32>,
          %parallel_loop3A_282 = vector.shape_cast %parallel_loop3A_281 : vector<1x16xi32> to vector<16xi32>
          %parallel_loop3A_283 = arith.constant 16 : i32
          %parallel_loop3A_284 = vector.broadcast %parallel_loop3A_283 : i32 to vector<16xi32>
          %parallel_loop3A_285 = arith.shli %parallel_loop3A_282, %parallel_loop3A_284 : vector<16xi32>
          %parallel_loop3A_286 = tpu.bitcast %parallel_loop3A_285 : vector<16xi32> -> vector<16xf32>
          %parallel_loop3A_287 = arith.andi %parallel_loop3A_282, %broadcast_in_dim3A_188 : vector<16xi32>
          %parallel_loop3A_288 = tpu.bitcast %parallel_loop3A_287 : vector<16xi32> -> vector<16xf32>
          %parallel_loop3A_289 = arith.addf %parallel_loop3A_264, %parallel_loop3A_276 : vector<16xf32>
          %parallel_loop3A_290 = arith.constant 0.000000e+00 : f32
          %parallel_loop3A_291 = vector.broadcast %parallel_loop3A_290 : f32 to vector<16xf32>
          %parallel_loop3A_292 = arith.subf %parallel_loop3A_291, %parallel_loop3A_289 : vector<16xf32>
          %parallel_loop3A_293 = math.exp %parallel_loop3A_292 : vector<16xf32>
          %parallel_loop3A_294 = arith.constant 1.000000e+00 : f32
          %parallel_loop3A_295 = vector.broadcast %parallel_loop3A_294 : f32 to vector<16xf32>
          %parallel_loop3A_296 = arith.addf %parallel_loop3A_295, %parallel_loop3A_293 : vector<16xf32>
          %parallel_loop3A_297 = arith.constant 1.000000e+00 : f32
          %parallel_loop3A_298 = vector.broadcast %parallel_loop3A_297 : f32 to vector<16xf32>
          %parallel_loop3A_299 = arith.divf %parallel_loop3A_298, %parallel_loop3A_296 : vector<16xf32>
          %parallel_loop3A_300 = arith.addf %parallel_loop3A_268, %parallel_loop3A_286 : vector<16xf32>
          %parallel_loop3A_301 = arith.constant 0.000000e+00 : f32
          %parallel_loop3A_302 = vector.broadcast %parallel_loop3A_301 : f32 to vector<16xf32>
          %parallel_loop3A_303 = arith.subf %parallel_loop3A_302, %parallel_loop3A_300 : vector<16xf32>
          %parallel_loop3A_304 = math.exp %parallel_loop3A_303 : vector<16xf32>
          %parallel_loop3A_305 = arith.constant 1.000000e+00 : f32
          %parallel_loop3A_306 = vector.broadcast %parallel_loop3A_305 : f32 to vector<16xf32>
          %parallel_loop3A_307 = arith.addf %parallel_loop3A_306, %parallel_loop3A_304 : vector<16xf32>
          %parallel_loop3A_308 = arith.constant 1.000000e+00 : f32
          %parallel_loop3A_309 = vector.broadcast %parallel_loop3A_308 : f32 to vector<16xf32>
          %parallel_loop3A_310 = arith.divf %parallel_loop3A_309, %parallel_loop3A_307 : vector<16xf32>
          %parallel_loop3A_311 = arith.mulf %parallel_loop3A_299, %parallel_loop3A_278 : vector<16xf32>
          %parallel_loop3A_312 = arith.index_cast %parallel_loop3A_198 : i32 to index
          %parallel_loop3A_313 = arith.constant 16 : index
          %parallel_loop3A_314 = tpu.vector_load %arg18[%parallel_loop3A_312, %parallel_loop3A_313] {strides = array<i32>} : memref<32x128xf32, #tpu.memory_space<vmem>>, vector<1x16xf32>,
          %parallel_loop3A_315 = vector.shape_cast %parallel_loop3A_314 : vector<1x16xf32> to vector<16xf32>
          %parallel_loop3A_316 = vector.shape_cast %parallel_loop3A_311 : vector<16xf32> to vector<1x16xf32>
          tpu.vector_store %arg18[%parallel_loop3A_312, %parallel_loop3A_313], %parallel_loop3A_316 {strides = array<i32>} : memref<32x128xf32, #tpu.memory_space<vmem>>, vector<1x16xf32>,
          %parallel_loop3A_317 = arith.mulf %parallel_loop3A_310, %parallel_loop3A_288 : vector<16xf32>
          %parallel_loop3A_318 = arith.index_cast %parallel_loop3A_198 : i32 to index
          %parallel_loop3A_319 = arith.constant 80 : index
          %parallel_loop3A_320 = tpu.vector_load %arg18[%parallel_loop3A_318, %parallel_loop3A_319] {strides = array<i32>} : memref<32x128xf32, #tpu.memory_space<vmem>>, vector<1x16xf32>,
          %parallel_loop3A_321 = vector.shape_cast %parallel_loop3A_320 : vector<1x16xf32> to vector<16xf32>
          %parallel_loop3A_322 = vector.shape_cast %parallel_loop3A_317 : vector<16xf32> to vector<1x16xf32>
          tpu.vector_store %arg18[%parallel_loop3A_318, %parallel_loop3A_319], %parallel_loop3A_322 {strides = array<i32>} : memref<32x128xf32, #tpu.memory_space<vmem>>, vector<1x16xf32>,
          %parallel_loop3A_323 = arith.index_cast %parallel_loop3A_198 : i32 to index
          %parallel_loop3A_324 = arith.constant 32 : index
          %parallel_loop3A_325 = tpu.vector_load %arg14[%parallel_loop3A_323, %parallel_loop3A_324] {strides = array<i32>} : memref<32x128xf32, #tpu.memory_space<vmem>>, vector<1x16xf32>,
          %parallel_loop3A_326 = vector.shape_cast %parallel_loop3A_325 : vector<1x16xf32> to vector<16xf32>
          %parallel_loop3A_327 = arith.index_cast %parallel_loop3A_198 : i32 to index
          %parallel_loop3A_328 = arith.constant 96 : index
          %parallel_loop3A_329 = tpu.vector_load %arg14[%parallel_loop3A_327, %parallel_loop3A_328] {strides = array<i32>} : memref<32x128xf32, #tpu.memory_space<vmem>>, vector<1x16xf32>,
          %parallel_loop3A_330 = vector.shape_cast %parallel_loop3A_329 : vector<1x16xf32> to vector<16xf32>
          %parallel_loop3A_331 = arith.index_cast %parallel_loop3A_198 : i32 to index
          %parallel_loop3A_332 = arith.constant 32 : index
          %parallel_loop3A_333 = tpu.vector_load %arg16[%parallel_loop3A_331, %parallel_loop3A_332] {strides = array<i32>} : memref<32x128xi32, #tpu.memory_space<vmem>>, vector<1x16xi32>,
          %parallel_loop3A_334 = vector.shape_cast %parallel_loop3A_333 : vector<1x16xi32> to vector<16xi32>
          %parallel_loop3A_335 = arith.constant 16 : i32
          %parallel_loop3A_336 = vector.broadcast %parallel_loop3A_335 : i32 to vector<16xi32>
          %parallel_loop3A_337 = arith.shli %parallel_loop3A_334, %parallel_loop3A_336 : vector<16xi32>
          %parallel_loop3A_338 = tpu.bitcast %parallel_loop3A_337 : vector<16xi32> -> vector<16xf32>
          %parallel_loop3A_339 = arith.andi %parallel_loop3A_334, %broadcast_in_dim3A_188 : vector<16xi32>
          %parallel_loop3A_340 = tpu.bitcast %parallel_loop3A_339 : vector<16xi32> -> vector<16xf32>
          %parallel_loop3A_341 = arith.index_cast %parallel_loop3A_198 : i32 to index
          %parallel_loop3A_342 = arith.constant 96 : index
          %parallel_loop3A_343 = tpu.vector_load %arg16[%parallel_loop3A_341, %parallel_loop3A_342] {strides = array<i32>} : memref<32x128xi32, #tpu.memory_space<vmem>>, vector<1x16xi32>,
          %parallel_loop3A_344 = vector.shape_cast %parallel_loop3A_343 : vector<1x16xi32> to vector<16xi32>
          %parallel_loop3A_345 = arith.constant 16 : i32
          %parallel_loop3A_346 = vector.broadcast %parallel_loop3A_345 : i32 to vector<16xi32>
          %parallel_loop3A_347 = arith.shli %parallel_loop3A_344, %parallel_loop3A_346 : vector<16xi32>
          %parallel_loop3A_348 = tpu.bitcast %parallel_loop3A_347 : vector<16xi32> -> vector<16xf32>
          %parallel_loop3A_349 = arith.andi %parallel_loop3A_344, %broadcast_in_dim3A_188 : vector<16xi32>
          %parallel_loop3A_350 = tpu.bitcast %parallel_loop3A_349 : vector<16xi32> -> vector<16xf32>
          %parallel_loop3A_351 = arith.addf %parallel_loop3A_326, %parallel_loop3A_338 : vector<16xf32>
          %parallel_loop3A_352 = arith.constant 0.000000e+00 : f32
          %parallel_loop3A_353 = vector.broadcast %parallel_loop3A_352 : f32 to vector<16xf32>
          %parallel_loop3A_354 = arith.subf %parallel_loop3A_353, %parallel_loop3A_351 : vector<16xf32>
          %parallel_loop3A_355 = math.exp %parallel_loop3A_354 : vector<16xf32>
          %parallel_loop3A_356 = arith.constant 1.000000e+00 : f32
          %parallel_loop3A_357 = vector.broadcast %parallel_loop3A_356 : f32 to vector<16xf32>
          %parallel_loop3A_358 = arith.addf %parallel_loop3A_357, %parallel_loop3A_355 : vector<16xf32>
          %parallel_loop3A_359 = arith.constant 1.000000e+00 : f32
          %parallel_loop3A_360 = vector.broadcast %parallel_loop3A_359 : f32 to vector<16xf32>
          %parallel_loop3A_361 = arith.divf %parallel_loop3A_360, %parallel_loop3A_358 : vector<16xf32>
          %parallel_loop3A_362 = arith.addf %parallel_loop3A_330, %parallel_loop3A_348 : vector<16xf32>
          %parallel_loop3A_363 = arith.constant 0.000000e+00 : f32
          %parallel_loop3A_364 = vector.broadcast %parallel_loop3A_363 : f32 to vector<16xf32>
          %parallel_loop3A_365 = arith.subf %parallel_loop3A_364, %parallel_loop3A_362 : vector<16xf32>
          %parallel_loop3A_366 = math.exp %parallel_loop3A_365 : vector<16xf32>
          %parallel_loop3A_367 = arith.constant 1.000000e+00 : f32
          %parallel_loop3A_368 = vector.broadcast %parallel_loop3A_367 : f32 to vector<16xf32>
          %parallel_loop3A_369 = arith.addf %parallel_loop3A_368, %parallel_loop3A_366 : vector<16xf32>
          %parallel_loop3A_370 = arith.constant 1.000000e+00 : f32
          %parallel_loop3A_371 = vector.broadcast %parallel_loop3A_370 : f32 to vector<16xf32>
          %parallel_loop3A_372 = arith.divf %parallel_loop3A_371, %parallel_loop3A_369 : vector<16xf32>
          %parallel_loop3A_373 = arith.mulf %parallel_loop3A_361, %parallel_loop3A_340 : vector<16xf32>
          %parallel_loop3A_374 = arith.index_cast %parallel_loop3A_198 : i32 to index
          %parallel_loop3A_375 = arith.constant 32 : index
          %parallel_loop3A_376 = tpu.vector_load %arg18[%parallel_loop3A_374, %parallel_loop3A_375] {strides = array<i32>} : memref<32x128xf32, #tpu.memory_space<vmem>>, vector<1x16xf32>,
          %parallel_loop3A_377 = vector.shape_cast %parallel_loop3A_376 : vector<1x16xf32> to vector<16xf32>
          %parallel_loop3A_378 = vector.shape_cast %parallel_loop3A_373 : vector<16xf32> to vector<1x16xf32>
          tpu.vector_store %arg18[%parallel_loop3A_374, %parallel_loop3A_375], %parallel_loop3A_378 {strides = array<i32>} : memref<32x128xf32, #tpu.memory_space<vmem>>, vector<1x16xf32>,
          %parallel_loop3A_379 = arith.mulf %parallel_loop3A_372, %parallel_loop3A_350 : vector<16xf32>
          %parallel_loop3A_380 = arith.index_cast %parallel_loop3A_198 : i32 to index
          %parallel_loop3A_381 = arith.constant 96 : index
          %parallel_loop3A_382 = tpu.vector_load %arg18[%parallel_loop3A_380, %parallel_loop3A_381] {strides = array<i32>} : memref<32x128xf32, #tpu.memory_space<vmem>>, vector<1x16xf32>,
          %parallel_loop3A_383 = vector.shape_cast %parallel_loop3A_382 : vector<1x16xf32> to vector<16xf32>
          %parallel_loop3A_384 = vector.shape_cast %parallel_loop3A_379 : vector<16xf32> to vector<1x16xf32>
          tpu.vector_store %arg18[%parallel_loop3A_380, %parallel_loop3A_381], %parallel_loop3A_384 {strides = array<i32>} : memref<32x128xf32, #tpu.memory_space<vmem>>, vector<1x16xf32>,
          %parallel_loop3A_385 = arith.index_cast %parallel_loop3A_198 : i32 to index
          %parallel_loop3A_386 = arith.constant 48 : index
          %parallel_loop3A_387 = tpu.vector_load %arg14[%parallel_loop3A_385, %parallel_loop3A_386] {strides = array<i32>} : memref<32x128xf32, #tpu.memory_space<vmem>>, vector<1x16xf32>,
          %parallel_loop3A_388 = vector.shape_cast %parallel_loop3A_387 : vector<1x16xf32> to vector<16xf32>
          %parallel_loop3A_389 = arith.index_cast %parallel_loop3A_198 : i32 to index
          %parallel_loop3A_390 = arith.constant 112 : index
          %parallel_loop3A_391 = tpu.vector_load %arg14[%parallel_loop3A_389, %parallel_loop3A_390] {strides = array<i32>} : memref<32x128xf32, #tpu.memory_space<vmem>>, vector<1x16xf32>,
          %parallel_loop3A_392 = vector.shape_cast %parallel_loop3A_391 : vector<1x16xf32> to vector<16xf32>
          %parallel_loop3A_393 = arith.index_cast %parallel_loop3A_198 : i32 to index
          %parallel_loop3A_394 = arith.constant 48 : index
          %parallel_loop3A_395 = tpu.vector_load %arg16[%parallel_loop3A_393, %parallel_loop3A_394] {strides = array<i32>} : memref<32x128xi32, #tpu.memory_space<vmem>>, vector<1x16xi32>,
          %parallel_loop3A_396 = vector.shape_cast %parallel_loop3A_395 : vector<1x16xi32> to vector<16xi32>
          %parallel_loop3A_397 = arith.constant 16 : i32
          %parallel_loop3A_398 = vector.broadcast %parallel_loop3A_397 : i32 to vector<16xi32>
          %parallel_loop3A_399 = arith.shli %parallel_loop3A_396, %parallel_loop3A_398 : vector<16xi32>
          %parallel_loop3A_400 = tpu.bitcast %parallel_loop3A_399 : vector<16xi32> -> vector<16xf32>
          %parallel_loop3A_401 = arith.andi %parallel_loop3A_396, %broadcast_in_dim3A_188 : vector<16xi32>
          %parallel_loop3A_402 = tpu.bitcast %parallel_loop3A_401 : vector<16xi32> -> vector<16xf32>
          %parallel_loop3A_403 = arith.index_cast %parallel_loop3A_198 : i32 to index
          %parallel_loop3A_404 = arith.constant 112 : index
          %parallel_loop3A_405 = tpu.vector_load %arg16[%parallel_loop3A_403, %parallel_loop3A_404] {strides = array<i32>} : memref<32x128xi32, #tpu.memory_space<vmem>>, vector<1x16xi32>,
          %parallel_loop3A_406 = vector.shape_cast %parallel_loop3A_405 : vector<1x16xi32> to vector<16xi32>
          %parallel_loop3A_407 = arith.constant 16 : i32
          %parallel_loop3A_408 = vector.broadcast %parallel_loop3A_407 : i32 to vector<16xi32>
          %parallel_loop3A_409 = arith.shli %parallel_loop3A_406, %parallel_loop3A_408 : vector<16xi32>
          %parallel_loop3A_410 = tpu.bitcast %parallel_loop3A_409 : vector<16xi32> -> vector<16xf32>
          %parallel_loop3A_411 = arith.andi %parallel_loop3A_406, %broadcast_in_dim3A_188 : vector<16xi32>
          %parallel_loop3A_412 = tpu.bitcast %parallel_loop3A_411 : vector<16xi32> -> vector<16xf32>
          %parallel_loop3A_413 = arith.addf %parallel_loop3A_388, %parallel_loop3A_400 : vector<16xf32>
          %parallel_loop3A_414 = arith.constant 0.000000e+00 : f32
          %parallel_loop3A_415 = vector.broadcast %parallel_loop3A_414 : f32 to vector<16xf32>
          %parallel_loop3A_416 = arith.subf %parallel_loop3A_415, %parallel_loop3A_413 : vector<16xf32>
          %parallel_loop3A_417 = math.exp %parallel_loop3A_416 : vector<16xf32>
          %parallel_loop3A_418 = arith.constant 1.000000e+00 : f32
          %parallel_loop3A_419 = vector.broadcast %parallel_loop3A_418 : f32 to vector<16xf32>
          %parallel_loop3A_420 = arith.addf %parallel_loop3A_419, %parallel_loop3A_417 : vector<16xf32>
          %parallel_loop3A_421 = arith.constant 1.000000e+00 : f32
          %parallel_loop3A_422 = vector.broadcast %parallel_loop3A_421 : f32 to vector<16xf32>
          %parallel_loop3A_423 = arith.divf %parallel_loop3A_422, %parallel_loop3A_420 : vector<16xf32>
          %parallel_loop3A_424 = arith.addf %parallel_loop3A_392, %parallel_loop3A_410 : vector<16xf32>
          %parallel_loop3A_425 = arith.constant 0.000000e+00 : f32
          %parallel_loop3A_426 = vector.broadcast %parallel_loop3A_425 : f32 to vector<16xf32>
          %parallel_loop3A_427 = arith.subf %parallel_loop3A_426, %parallel_loop3A_424 : vector<16xf32>
          %parallel_loop3A_428 = math.exp %parallel_loop3A_427 : vector<16xf32>
          %parallel_loop3A_429 = arith.constant 1.000000e+00 : f32
          %parallel_loop3A_430 = vector.broadcast %parallel_loop3A_429 : f32 to vector<16xf32>
          %parallel_loop3A_431 = arith.addf %parallel_loop3A_430, %parallel_loop3A_428 : vector<16xf32>
          %parallel_loop3A_432 = arith.constant 1.000000e+00 : f32
          %parallel_loop3A_433 = vector.broadcast %parallel_loop3A_432 : f32 to vector<16xf32>
          %parallel_loop3A_434 = arith.divf %parallel_loop3A_433, %parallel_loop3A_431 : vector<16xf32>
          %parallel_loop3A_435 = arith.mulf %parallel_loop3A_423, %parallel_loop3A_402 : vector<16xf32>
          %parallel_loop3A_436 = arith.index_cast %parallel_loop3A_198 : i32 to index
          %parallel_loop3A_437 = arith.constant 48 : index
          %parallel_loop3A_438 = tpu.vector_load %arg18[%parallel_loop3A_436, %parallel_loop3A_437] {strides = array<i32>} : memref<32x128xf32, #tpu.memory_space<vmem>>, vector<1x16xf32>,
          %parallel_loop3A_439 = vector.shape_cast %parallel_loop3A_438 : vector<1x16xf32> to vector<16xf32>
          %parallel_loop3A_440 = vector.shape_cast %parallel_loop3A_435 : vector<16xf32> to vector<1x16xf32>
          tpu.vector_store %arg18[%parallel_loop3A_436, %parallel_loop3A_437], %parallel_loop3A_440 {strides = array<i32>} : memref<32x128xf32, #tpu.memory_space<vmem>>, vector<1x16xf32>,
          %parallel_loop3A_441 = arith.mulf %parallel_loop3A_434, %parallel_loop3A_412 : vector<16xf32>
          %parallel_loop3A_442 = arith.index_cast %parallel_loop3A_198 : i32 to index
          %parallel_loop3A_443 = arith.constant 112 : index
          %parallel_loop3A_444 = tpu.vector_load %arg18[%parallel_loop3A_442, %parallel_loop3A_443] {strides = array<i32>} : memref<32x128xf32, #tpu.memory_space<vmem>>, vector<1x16xf32>,
          %parallel_loop3A_445 = vector.shape_cast %parallel_loop3A_444 : vector<1x16xf32> to vector<16xf32>
          %parallel_loop3A_446 = vector.shape_cast %parallel_loop3A_441 : vector<16xf32> to vector<1x16xf32>
          tpu.vector_store %arg18[%parallel_loop3A_442, %parallel_loop3A_443], %parallel_loop3A_446 {strides = array<i32>} : memref<32x128xf32, #tpu.memory_space<vmem>>, vector<1x16xf32>,
        } {sc.loop_unroll_factor = 4 : i64, sc.parallel_access}
        %dma_start3A_192 = arith.constant 0 : i32
        %dma_start3A_193 = tpu.memref_slice %arg12[%add3A_161, %dma_start3A_192] : memref<16x32xi32, #tpu.memory_space<vmem>> -> memref<1x32xi32, #tpu.memory_space<vmem>>
        %dma_start3A_194 = tpu.memref_squeeze %dma_start3A_193 : memref<1x32xi32, #tpu.memory_space<vmem>> -> memref<32xi32, #tpu.memory_space<vmem>>
        %dma_start3A_195 = arith.constant 0 : i32
        %dma_start3A_196 = arith.constant 0 : i32
        %dma_start3A_197 = tpu.memref_slice %arg19[%dma_start3A_195, %dma_start3A_196] : memref<10112x128xf32, #tpu.memory_space<vmem_shared>> -> memref<10112x128xf32, #tpu.memory_space<vmem_shared>>
        tpu.enqueue_indirect_dma source(%arg18 : memref<32x128xf32, #tpu.memory_space<vmem>>) target(%dma_start3A_197 : memref<10112x128xf32, #tpu.memory_space<vmem_shared>>) offsets(%dma_start3A_194 : memref<32xi32, #tpu.memory_space<vmem>>) semaphore(%arg25 : memref<!tpu.dma_semaphore, #tpu.memory_space<semaphore_mem>>) {add = true}
      }
      %scan3A_100 = arith.constant 8 : i32
      %dma_wait3A = arith.constant 14 : i32
      %dma_wait3A_101 = arith.constant 0 : i32
      %dma_wait3A_102 = tpu.memref_slice %arg12[%dma_wait3A, %dma_wait3A_101] : memref<16x32xi32, #tpu.memory_space<vmem>> -> memref<1x32xi32, #tpu.memory_space<vmem>>
      %dma_wait3A_103 = tpu.memref_squeeze %dma_wait3A_102 : memref<1x32xi32, #tpu.memory_space<vmem>> -> memref<32xi32, #tpu.memory_space<vmem>>
      %dma_wait3A_104 = arith.constant 0 : i32
      %dma_wait3A_105 = arith.constant 0 : i32
      %dma_wait3A_106 = tpu.memref_slice %arg19[%dma_wait3A_104, %dma_wait3A_105] : memref<10112x128xf32, #tpu.memory_space<vmem_shared>> -> memref<10112x128xf32, #tpu.memory_space<vmem_shared>>
      tpu.wait_indirect_dma semaphore(%arg24 : memref<!tpu.dma_semaphore, #tpu.memory_space<semaphore_mem>>) src(%arg17 : memref<32x128xf32, #tpu.memory_space<vmem>>) dst(%dma_wait3A_106 : memref<10112x128xf32, #tpu.memory_space<vmem_shared>>)
      %dma_wait3A_107 = arith.constant 15 : i32
      %dma_wait3A_108 = arith.constant 0 : i32
      %dma_wait3A_109 = tpu.memref_slice %arg12[%dma_wait3A_107, %dma_wait3A_108] : memref<16x32xi32, #tpu.memory_space<vmem>> -> memref<1x32xi32, #tpu.memory_space<vmem>>
      %dma_wait3A_110 = tpu.memref_squeeze %dma_wait3A_109 : memref<1x32xi32, #tpu.memory_space<vmem>> -> memref<32xi32, #tpu.memory_space<vmem>>
      %dma_wait3A_111 = arith.constant 0 : i32
      %dma_wait3A_112 = arith.constant 0 : i32
      %dma_wait3A_113 = tpu.memref_slice %arg19[%dma_wait3A_111, %dma_wait3A_112] : memref<10112x128xf32, #tpu.memory_space<vmem_shared>> -> memref<10112x128xf32, #tpu.memory_space<vmem_shared>>
      tpu.wait_indirect_dma semaphore(%arg25 : memref<!tpu.dma_semaphore, #tpu.memory_space<semaphore_mem>>) src(%arg18 : memref<32x128xf32, #tpu.memory_space<vmem>>) dst(%dma_wait3A_113 : memref<10112x128xf32, #tpu.memory_space<vmem_shared>>)
    }
    %barrier3A_68 = arith.constant 0 : index
    tpu.barrier barrier_id(%barrier3A_68)
    %mul3A_69 = arith.constant 10000 : i32
    %mul3A_70 = arith.muli %arg0, %mul3A_69 : i32
    %add3A_71 = arith.addi %mul3A_70, %mul3A_7 : i32
    "tpu.region"() ({
      %run_scoped3A = tpu.sem_alloc : memref<!tpu.dma_semaphore, #tpu.memory_space<semaphore_mem>>
      %dma_start3A = arith.constant 0 : i32
      %dma_start3A_74 = tpu.memref_slice %arg6[%add3A_71, %dma_start3A] : memref<20000x128xf32, #tpu.memory_space<hbm>> -> memref<520x128xf32, #tpu.memory_space<hbm>>
      %dma_start3A_75 = arith.constant 0 : i32
      %dma_start3A_76 = tpu.memref_slice %arg19[%mul3A_7, %dma_start3A_75] : memref<10112x128xf32, #tpu.memory_space<vmem_shared>> -> memref<520x128xf32, #tpu.memory_space<vmem_shared>>
      tpu.enqueue_dma source(%dma_start3A_76 : memref<520x128xf32, #tpu.memory_space<vmem_shared>>) target(%dma_start3A_74 : memref<520x128xf32, #tpu.memory_space<hbm>>) target_semaphore(%run_scoped3A : memref<!tpu.dma_semaphore, #tpu.memory_space<semaphore_mem>>)
      %dma_wait3A = arith.constant 0 : i32
      %dma_wait3A_77 = tpu.memref_slice %arg6[%add3A_71, %dma_wait3A] : memref<20000x128xf32, #tpu.memory_space<hbm>> -> memref<520x128xf32, #tpu.memory_space<hbm>>
      %dma_wait3A_78 = arith.constant 0 : i32
      %dma_wait3A_79 = tpu.memref_slice %arg19[%mul3A_7, %dma_wait3A_78] : memref<10112x128xf32, #tpu.memory_space<vmem_shared>> -> memref<520x128xf32, #tpu.memory_space<vmem_shared>>
      tpu.wait_dma2 semaphore(%run_scoped3A : memref<!tpu.dma_semaphore, #tpu.memory_space<semaphore_mem>>) src(%dma_wait3A_79 : memref<520x128xf32, #tpu.memory_space<vmem_shared>>) dst(%dma_wait3A_77 : memref<520x128xf32, #tpu.memory_space<hbm>>)
      tpu.yield
    }) : () -> ()
    %ne3A = arith.constant 15 : i32
    %ne3A_72 = arith.cmpi ne, %arg1, %ne3A : i32
    %convert_element_type3A = arith.extui %ne3A_72 : i1 to i32
    %cond3A = arith.constant 0 : i32
    %cond3A_73 = arith.cmpi ne, %convert_element_type3A, %cond3A : i32
    scf.if %cond3A_73 {
      %add3A_74 = arith.constant 520 : i32
      %add3A_75 = arith.addi %mul3A_7, %add3A_74 : i32
      %add3A_76 = arith.constant 520 : i32
      %add3A_77 = arith.addi %add3A_71, %add3A_76 : i32
      "tpu.region"() ({
        %run_scoped3A = tpu.sem_alloc : memref<!tpu.dma_semaphore, #tpu.memory_space<semaphore_mem>>
        %dma_start3A = arith.constant 0 : i32
        %dma_start3A_78 = tpu.memref_slice %arg6[%add3A_77, %dma_start3A] : memref<20000x128xf32, #tpu.memory_space<hbm>> -> memref<112x128xf32, #tpu.memory_space<hbm>>
        %dma_start3A_79 = arith.constant 0 : i32
        %dma_start3A_80 = tpu.memref_slice %arg19[%add3A_75, %dma_start3A_79] : memref<10112x128xf32, #tpu.memory_space<vmem_shared>> -> memref<112x128xf32, #tpu.memory_space<vmem_shared>>
        tpu.enqueue_dma source(%dma_start3A_80 : memref<112x128xf32, #tpu.memory_space<vmem_shared>>) target(%dma_start3A_78 : memref<112x128xf32, #tpu.memory_space<hbm>>) target_semaphore(%run_scoped3A : memref<!tpu.dma_semaphore, #tpu.memory_space<semaphore_mem>>)
        %dma_wait3A = arith.constant 0 : i32
        %dma_wait3A_81 = tpu.memref_slice %arg6[%add3A_77, %dma_wait3A] : memref<20000x128xf32, #tpu.memory_space<hbm>> -> memref<112x128xf32, #tpu.memory_space<hbm>>
        %dma_wait3A_82 = arith.constant 0 : i32
        %dma_wait3A_83 = tpu.memref_slice %arg19[%add3A_75, %dma_wait3A_82] : memref<10112x128xf32, #tpu.memory_space<vmem_shared>> -> memref<112x128xf32, #tpu.memory_space<vmem_shared>>
        tpu.wait_dma2 semaphore(%run_scoped3A : memref<!tpu.dma_semaphore, #tpu.memory_space<semaphore_mem>>) src(%dma_wait3A_83 : memref<112x128xf32, #tpu.memory_space<vmem_shared>>) dst(%dma_wait3A_81 : memref<112x128xf32, #tpu.memory_space<hbm>>)
        tpu.yield
      }) : () -> ()
    } else {
    }
    return
  }
}

module attributes {stable_mosaic.version = 14 : i64} {
  func.func @_combine_body(%arg0: i32, %arg1: memref<1000x128xf32, #tpu.memory_space<vmem>>, %arg2: memref<1000x128xf32, #tpu.memory_space<vmem>>, %arg3: memref<1000x128xf32, #tpu.memory_space<vmem>>, %arg4: memref<1000x128xf32, #tpu.memory_space<vmem>>) attributes {dimension_semantics = [#tpu.dimension_semantics<arbitrary>], iteration_bounds = array<i64: 10>, scalar_prefetch = 0 : i64, scratch_operands = 0 : i64, tpu.core_type = #tpu.core_type<tc>, window_params = [{transform_indices = @transform_0, window_bounds = array<i64: 1000, 128>}, {transform_indices = @transform_1, window_bounds = array<i64: 1000, 128>}, {transform_indices = @transform_2, window_bounds = array<i64: 1000, 128>}, {transform_indices = @transform_3, window_bounds = array<i64: 1000, 128>}]} {
    %get3A = arith.constant 0 : index
    %get3A_0 = arith.constant 0 : index
    %get3A_1 = vector.load %arg1[%get3A, %get3A_0] : memref<1000x128xf32, #tpu.memory_space<vmem>>, vector<1000x128xf32>
    %get3A_2 = arith.constant 0 : index
    %get3A_3 = arith.constant 0 : index
    %get3A_4 = vector.load %arg2[%get3A_2, %get3A_3] : memref<1000x128xf32, #tpu.memory_space<vmem>>, vector<1000x128xf32>
    %add3A = arith.addf %get3A_1, %get3A_4 : vector<1000x128xf32>
    %mul3A = arith.constant 0.333333343 : f32
    %mul3A_5 = vector.broadcast %mul3A : f32 to vector<1000x128xf32>
    %mul3A_6 = arith.mulf %add3A, %mul3A_5 : vector<1000x128xf32>
    %get3A_7 = arith.constant 0 : index
    %get3A_8 = arith.constant 0 : index
    %get3A_9 = vector.load %arg3[%get3A_7, %get3A_8] : memref<1000x128xf32, #tpu.memory_space<vmem>>, vector<1000x128xf32>
    %add3A_10 = arith.addf %mul3A_6, %get3A_9 : vector<1000x128xf32>
    %swap3A = arith.constant 0 : index
    %swap3A_11 = arith.constant 0 : index
    %swap3A_12 = vector.load %arg4[%swap3A, %swap3A_11] : memref<1000x128xf32, #tpu.memory_space<vmem>>, vector<1000x128xf32>
    tpu.vector_store %arg4[%swap3A, %swap3A_11], %add3A_10 {strides = array<i32>} : memref<1000x128xf32, #tpu.memory_space<vmem>>, vector<1000x128xf32>,
    return
  }
  func.func @transform_0(%arg0: i32) -> (i32, i32) {
    %c0_i32 = arith.constant 0 : i32
    %c0_i32_0 = arith.constant 0 : i32
    return %arg0, %c0_i32 : i32, i32
  }
  func.func @transform_1(%arg0: i32) -> (i32, i32) {
    %add3A = arith.constant 10 : i32
    %add3A_0 = arith.addi %arg0, %add3A : i32
    %c0_i32 = arith.constant 0 : i32
    %c0_i32_1 = arith.constant 0 : i32
    return %add3A_0, %c0_i32 : i32, i32
  }
  func.func @transform_2(%arg0: i32) -> (i32, i32) {
    %c0_i32 = arith.constant 0 : i32
    %c0_i32_0 = arith.constant 0 : i32
    return %arg0, %c0_i32 : i32, i32
  }
  func.func @transform_3(%arg0: i32) -> (i32, i32) {
    %c0_i32 = arith.constant 0 : i32
    %c0_i32_0 = arith.constant 0 : i32
    return %arg0, %c0_i32 : i32, i32
  }
}

module attributes {stable_mosaic.version = 14 : i64} {
  func.func @_tables_body(%arg0: i32, %arg1: memref<1000x128xf32, #tpu.memory_space<vmem>>, %arg2: memref<128x1536xf32, #tpu.memory_space<vmem>>, %arg3: memref<12x128xf32, #tpu.memory_space<vmem>>, %arg4: memref<3x1000x128xf32, #tpu.memory_space<vmem>>, %arg5: memref<3x1000x128xi32, #tpu.memory_space<vmem>>, %arg6: memref<1000x128xf32, #tpu.memory_space<vmem>>) attributes {dimension_semantics = [#tpu.dimension_semantics<arbitrary>], iteration_bounds = array<i64: 10>, scalar_prefetch = 0 : i64, scratch_operands = 0 : i64, tpu.core_type = #tpu.core_type<tc>, window_params = [{transform_indices = @transform_0, window_bounds = array<i64: 1000, 128>}, {pipeline_mode = #tpu.pipeline_mode<synchronous>, transform_indices = @transform_1, window_bounds = array<i64: 128, 1536>}, {pipeline_mode = #tpu.pipeline_mode<synchronous>, transform_indices = @transform_2, window_bounds = array<i64: 12, 128>}, {transform_indices = @transform_3, window_bounds = array<i64: 3, 1000, 128>}, {transform_indices = @transform_4, window_bounds = array<i64: 3, 1000, 128>}, {transform_indices = @transform_5, window_bounds = array<i64: 1000, 128>}]} {
    %get3A = arith.constant 0 : index
    %get3A_0 = arith.constant 0 : index
    %get3A_1 = vector.load %arg1[%get3A, %get3A_0] : memref<1000x128xf32, #tpu.memory_space<vmem>>, vector<1000x128xf32>
    %get3A_2 = arith.constant 0 : index
    %get3A_3 = arith.constant 0 : index
    %get3A_4 = vector.load %arg2[%get3A_2, %get3A_3] : memref<128x1536xf32, #tpu.memory_space<vmem>>, vector<128x1536xf32>
    %dot_general3A = arith.constant dense<0.000000e+00> : vector<1000x1536xf32>
    %dot_general3A_5 = tpu.matmul %get3A_1, %get3A_4, %dot_general3A {dimension_numbers = #tpu.dot_dimension_numbers<[1], [0], [0], [1], [0, 0, 1, 1], [], []>, transpose_lhs_hint = false} : vector<1000x128xf32>, vector<128x1536xf32>, vector<1000x1536xf32> -> vector<1000x1536xf32>
    %slice3A = vector.extract_strided_slice %dot_general3A_5 {offsets = [0, 0], sizes = [1000, 128], strides = [1, 1]} : vector<1000x1536xf32> to vector<1000x128xf32>
    %get3A_6 = arith.constant 0 : index
    %get3A_7 = arith.constant 0 : index
    %get3A_8 = vector.load %arg3[%get3A_6, %get3A_7] : memref<12x128xf32, #tpu.memory_space<vmem>>, vector<1x128xf32>
    %get3A_9 = vector.shape_cast %get3A_8 : vector<1x128xf32> to vector<128xf32>
    %broadcast_in_dim3A = vector.shape_cast %get3A_9 : vector<128xf32> to vector<1x128xf32>
    %add3A = vector.broadcast %broadcast_in_dim3A : vector<1x128xf32> to vector<1000x128xf32>
    %add3A_10 = arith.addf %slice3A, %add3A : vector<1000x128xf32>
    %swap3A = arith.constant 0 : index
    %swap3A_11 = arith.constant 0 : index
    %swap3A_12 = arith.constant 0 : index
    %swap3A_13 = vector.load %arg4[%swap3A, %swap3A_11, %swap3A_12] : memref<3x1000x128xf32, #tpu.memory_space<vmem>>, vector<1x1000x128xf32>
    %swap3A_14 = vector.shape_cast %swap3A_13 : vector<1x1000x128xf32> to vector<1000x128xf32>
    %swap3A_15 = vector.shape_cast %add3A_10 : vector<1000x128xf32> to vector<1x1000x128xf32>
    tpu.vector_store %arg4[%swap3A, %swap3A_11, %swap3A_12], %swap3A_15 {strides = array<i32>} : memref<3x1000x128xf32, #tpu.memory_space<vmem>>, vector<1x1000x128xf32>,
    %slice3A_16 = vector.extract_strided_slice %dot_general3A_5 {offsets = [0, 384], sizes = [1000, 128], strides = [1, 1]} : vector<1000x1536xf32> to vector<1000x128xf32>
    %get3A_17 = arith.constant 3 : index
    %get3A_18 = arith.constant 0 : index
    %get3A_19 = vector.load %arg3[%get3A_17, %get3A_18] : memref<12x128xf32, #tpu.memory_space<vmem>>, vector<1x128xf32>
    %get3A_20 = vector.shape_cast %get3A_19 : vector<1x128xf32> to vector<128xf32>
    %broadcast_in_dim3A_21 = vector.shape_cast %get3A_20 : vector<128xf32> to vector<1x128xf32>
    %add3A_22 = vector.broadcast %broadcast_in_dim3A_21 : vector<1x128xf32> to vector<1000x128xf32>
    %add3A_23 = arith.addf %slice3A_16, %add3A_22 : vector<1000x128xf32>
    %slice3A_24 = vector.extract_strided_slice %dot_general3A_5 {offsets = [0, 512], sizes = [1000, 128], strides = [1, 1]} : vector<1000x1536xf32> to vector<1000x128xf32>
    %get3A_25 = arith.constant 4 : index
    %get3A_26 = arith.constant 0 : index
    %get3A_27 = vector.load %arg3[%get3A_25, %get3A_26] : memref<12x128xf32, #tpu.memory_space<vmem>>, vector<1x128xf32>
    %get3A_28 = vector.shape_cast %get3A_27 : vector<1x128xf32> to vector<128xf32>
    %broadcast_in_dim3A_29 = vector.shape_cast %get3A_28 : vector<128xf32> to vector<1x128xf32>
    %add3A_30 = vector.broadcast %broadcast_in_dim3A_29 : vector<1x128xf32> to vector<1000x128xf32>
    %add3A_31 = arith.addf %slice3A_24, %add3A_30 : vector<1000x128xf32>
    %bitcast3A = tpu.bitcast %add3A_23 : vector<1000x128xf32> -> vector<1000x128xi32>
    %add3A_32 = arith.constant 32767 : i32
    %add3A_33 = vector.broadcast %add3A_32 : i32 to vector<1000x128xi32>
    %add3A_34 = arith.addi %bitcast3A, %add3A_33 : vector<1000x128xi32>
    %shift_right_arithmetic3A = arith.constant 16 : i32
    %shift_right_arithmetic3A_35 = vector.broadcast %shift_right_arithmetic3A : i32 to vector<1000x128xi32>
    %shift_right_arithmetic3A_36 = arith.shrsi %bitcast3A, %shift_right_arithmetic3A_35 : vector<1000x128xi32>
    %and3A = arith.constant 1 : i32
    %and3A_37 = vector.broadcast %and3A : i32 to vector<1000x128xi32>
    %and3A_38 = arith.andi %shift_right_arithmetic3A_36, %and3A_37 : vector<1000x128xi32>
    %add3A_39 = arith.addi %add3A_34, %and3A_38 : vector<1000x128xi32>
    %and3A_40 = arith.constant -65536 : i32
    %and3A_41 = vector.broadcast %and3A_40 : i32 to vector<1000x128xi32>
    %and3A_42 = arith.andi %add3A_39, %and3A_41 : vector<1000x128xi32>
    %shift_right_logical3A = arith.constant 16 : i32
    %shift_right_logical3A_43 = vector.broadcast %shift_right_logical3A : i32 to vector<1000x128xi32>
    %shift_right_logical3A_44 = arith.shrui %and3A_42, %shift_right_logical3A_43 : vector<1000x128xi32>
    %bitcast3A_45 = tpu.bitcast %add3A_31 : vector<1000x128xf32> -> vector<1000x128xi32>
    %add3A_46 = arith.constant 32767 : i32
    %add3A_47 = vector.broadcast %add3A_46 : i32 to vector<1000x128xi32>
    %add3A_48 = arith.addi %bitcast3A_45, %add3A_47 : vector<1000x128xi32>
    %shift_right_arithmetic3A_49 = arith.constant 16 : i32
    %shift_right_arithmetic3A_50 = vector.broadcast %shift_right_arithmetic3A_49 : i32 to vector<1000x128xi32>
    %shift_right_arithmetic3A_51 = arith.shrsi %bitcast3A_45, %shift_right_arithmetic3A_50 : vector<1000x128xi32>
    %and3A_52 = arith.constant 1 : i32
    %and3A_53 = vector.broadcast %and3A_52 : i32 to vector<1000x128xi32>
    %and3A_54 = arith.andi %shift_right_arithmetic3A_51, %and3A_53 : vector<1000x128xi32>
    %add3A_55 = arith.addi %add3A_48, %and3A_54 : vector<1000x128xi32>
    %and3A_56 = arith.constant -65536 : i32
    %and3A_57 = vector.broadcast %and3A_56 : i32 to vector<1000x128xi32>
    %and3A_58 = arith.andi %add3A_55, %and3A_57 : vector<1000x128xi32>
    %or3A = arith.ori %shift_right_logical3A_44, %and3A_58 : vector<1000x128xi32>
    %swap3A_59 = arith.constant 0 : index
    %swap3A_60 = arith.constant 0 : index
    %swap3A_61 = arith.constant 0 : index
    %swap3A_62 = vector.load %arg5[%swap3A_59, %swap3A_60, %swap3A_61] : memref<3x1000x128xi32, #tpu.memory_space<vmem>>, vector<1x1000x128xi32>
    %swap3A_63 = vector.shape_cast %swap3A_62 : vector<1x1000x128xi32> to vector<1000x128xi32>
    %swap3A_64 = vector.shape_cast %or3A : vector<1000x128xi32> to vector<1x1000x128xi32>
    tpu.vector_store %arg5[%swap3A_59, %swap3A_60, %swap3A_61], %swap3A_64 {strides = array<i32>} : memref<3x1000x128xi32, #tpu.memory_space<vmem>>, vector<1x1000x128xi32>,
    %slice3A_65 = vector.extract_strided_slice %dot_general3A_5 {offsets = [0, 128], sizes = [1000, 128], strides = [1, 1]} : vector<1000x1536xf32> to vector<1000x128xf32>
    %get3A_66 = arith.constant 1 : index
    %get3A_67 = arith.constant 0 : index
    %get3A_68 = vector.load %arg3[%get3A_66, %get3A_67] : memref<12x128xf32, #tpu.memory_space<vmem>>, vector<1x128xf32>
    %get3A_69 = vector.shape_cast %get3A_68 : vector<1x128xf32> to vector<128xf32>
    %broadcast_in_dim3A_70 = vector.shape_cast %get3A_69 : vector<128xf32> to vector<1x128xf32>
    %add3A_71 = vector.broadcast %broadcast_in_dim3A_70 : vector<1x128xf32> to vector<1000x128xf32>
    %add3A_72 = arith.addf %slice3A_65, %add3A_71 : vector<1000x128xf32>
    %swap3A_73 = arith.constant 1 : index
    %swap3A_74 = arith.constant 0 : index
    %swap3A_75 = arith.constant 0 : index
    %swap3A_76 = vector.load %arg4[%swap3A_73, %swap3A_74, %swap3A_75] : memref<3x1000x128xf32, #tpu.memory_space<vmem>>, vector<1x1000x128xf32>
    %swap3A_77 = vector.shape_cast %swap3A_76 : vector<1x1000x128xf32> to vector<1000x128xf32>
    %swap3A_78 = vector.shape_cast %add3A_72 : vector<1000x128xf32> to vector<1x1000x128xf32>
    tpu.vector_store %arg4[%swap3A_73, %swap3A_74, %swap3A_75], %swap3A_78 {strides = array<i32>} : memref<3x1000x128xf32, #tpu.memory_space<vmem>>, vector<1x1000x128xf32>,
    %slice3A_79 = vector.extract_strided_slice %dot_general3A_5 {offsets = [0, 640], sizes = [1000, 128], strides = [1, 1]} : vector<1000x1536xf32> to vector<1000x128xf32>
    %get3A_80 = arith.constant 5 : index
    %get3A_81 = arith.constant 0 : index
    %get3A_82 = vector.load %arg3[%get3A_80, %get3A_81] : memref<12x128xf32, #tpu.memory_space<vmem>>, vector<1x128xf32>
    %get3A_83 = vector.shape_cast %get3A_82 : vector<1x128xf32> to vector<128xf32>
    %broadcast_in_dim3A_84 = vector.shape_cast %get3A_83 : vector<128xf32> to vector<1x128xf32>
    %add3A_85 = vector.broadcast %broadcast_in_dim3A_84 : vector<1x128xf32> to vector<1000x128xf32>
    %add3A_86 = arith.addf %slice3A_79, %add3A_85 : vector<1000x128xf32>
    %slice3A_87 = vector.extract_strided_slice %dot_general3A_5 {offsets = [0, 768], sizes = [1000, 128], strides = [1, 1]} : vector<1000x1536xf32> to vector<1000x128xf32>
    %get3A_88 = arith.constant 6 : index
    %get3A_89 = arith.constant 0 : index
    %get3A_90 = vector.load %arg3[%get3A_88, %get3A_89] : memref<12x128xf32, #tpu.memory_space<vmem>>, vector<1x128xf32>
    %get3A_91 = vector.shape_cast %get3A_90 : vector<1x128xf32> to vector<128xf32>
    %broadcast_in_dim3A_92 = vector.shape_cast %get3A_91 : vector<128xf32> to vector<1x128xf32>
    %add3A_93 = vector.broadcast %broadcast_in_dim3A_92 : vector<1x128xf32> to vector<1000x128xf32>
    %add3A_94 = arith.addf %slice3A_87, %add3A_93 : vector<1000x128xf32>
    %bitcast3A_95 = tpu.bitcast %add3A_86 : vector<1000x128xf32> -> vector<1000x128xi32>
    %add3A_96 = arith.constant 32767 : i32
    %add3A_97 = vector.broadcast %add3A_96 : i32 to vector<1000x128xi32>
    %add3A_98 = arith.addi %bitcast3A_95, %add3A_97 : vector<1000x128xi32>
    %shift_right_arithmetic3A_99 = arith.constant 16 : i32
    %shift_right_arithmetic3A_100 = vector.broadcast %shift_right_arithmetic3A_99 : i32 to vector<1000x128xi32>
    %shift_right_arithmetic3A_101 = arith.shrsi %bitcast3A_95, %shift_right_arithmetic3A_100 : vector<1000x128xi32>
    %and3A_102 = arith.constant 1 : i32
    %and3A_103 = vector.broadcast %and3A_102 : i32 to vector<1000x128xi32>
    %and3A_104 = arith.andi %shift_right_arithmetic3A_101, %and3A_103 : vector<1000x128xi32>
    %add3A_105 = arith.addi %add3A_98, %and3A_104 : vector<1000x128xi32>
    %and3A_106 = arith.constant -65536 : i32
    %and3A_107 = vector.broadcast %and3A_106 : i32 to vector<1000x128xi32>
    %and3A_108 = arith.andi %add3A_105, %and3A_107 : vector<1000x128xi32>
    %shift_right_logical3A_109 = arith.constant 16 : i32
    %shift_right_logical3A_110 = vector.broadcast %shift_right_logical3A_109 : i32 to vector<1000x128xi32>
    %shift_right_logical3A_111 = arith.shrui %and3A_108, %shift_right_logical3A_110 : vector<1000x128xi32>
    %bitcast3A_112 = tpu.bitcast %add3A_94 : vector<1000x128xf32> -> vector<1000x128xi32>
    %add3A_113 = arith.constant 32767 : i32
    %add3A_114 = vector.broadcast %add3A_113 : i32 to vector<1000x128xi32>
    %add3A_115 = arith.addi %bitcast3A_112, %add3A_114 : vector<1000x128xi32>
    %shift_right_arithmetic3A_116 = arith.constant 16 : i32
    %shift_right_arithmetic3A_117 = vector.broadcast %shift_right_arithmetic3A_116 : i32 to vector<1000x128xi32>
    %shift_right_arithmetic3A_118 = arith.shrsi %bitcast3A_112, %shift_right_arithmetic3A_117 : vector<1000x128xi32>
    %and3A_119 = arith.constant 1 : i32
    %and3A_120 = vector.broadcast %and3A_119 : i32 to vector<1000x128xi32>
    %and3A_121 = arith.andi %shift_right_arithmetic3A_118, %and3A_120 : vector<1000x128xi32>
    %add3A_122 = arith.addi %add3A_115, %and3A_121 : vector<1000x128xi32>
    %and3A_123 = arith.constant -65536 : i32
    %and3A_124 = vector.broadcast %and3A_123 : i32 to vector<1000x128xi32>
    %and3A_125 = arith.andi %add3A_122, %and3A_124 : vector<1000x128xi32>
    %or3A_126 = arith.ori %shift_right_logical3A_111, %and3A_125 : vector<1000x128xi32>
    %swap3A_127 = arith.constant 1 : index
    %swap3A_128 = arith.constant 0 : index
    %swap3A_129 = arith.constant 0 : index
    %swap3A_130 = vector.load %arg5[%swap3A_127, %swap3A_128, %swap3A_129] : memref<3x1000x128xi32, #tpu.memory_space<vmem>>, vector<1x1000x128xi32>
    %swap3A_131 = vector.shape_cast %swap3A_130 : vector<1x1000x128xi32> to vector<1000x128xi32>
    %swap3A_132 = vector.shape_cast %or3A_126 : vector<1000x128xi32> to vector<1x1000x128xi32>
    tpu.vector_store %arg5[%swap3A_127, %swap3A_128, %swap3A_129], %swap3A_132 {strides = array<i32>} : memref<3x1000x128xi32, #tpu.memory_space<vmem>>, vector<1x1000x128xi32>,
    %slice3A_133 = vector.extract_strided_slice %dot_general3A_5 {offsets = [0, 256], sizes = [1000, 128], strides = [1, 1]} : vector<1000x1536xf32> to vector<1000x128xf32>
    %get3A_134 = arith.constant 2 : index
    %get3A_135 = arith.constant 0 : index
    %get3A_136 = vector.load %arg3[%get3A_134, %get3A_135] : memref<12x128xf32, #tpu.memory_space<vmem>>, vector<1x128xf32>
    %get3A_137 = vector.shape_cast %get3A_136 : vector<1x128xf32> to vector<128xf32>
    %broadcast_in_dim3A_138 = vector.shape_cast %get3A_137 : vector<128xf32> to vector<1x128xf32>
    %add3A_139 = vector.broadcast %broadcast_in_dim3A_138 : vector<1x128xf32> to vector<1000x128xf32>
    %add3A_140 = arith.addf %slice3A_133, %add3A_139 : vector<1000x128xf32>
    %swap3A_141 = arith.constant 2 : index
    %swap3A_142 = arith.constant 0 : index
    %swap3A_143 = arith.constant 0 : index
    %swap3A_144 = vector.load %arg4[%swap3A_141, %swap3A_142, %swap3A_143] : memref<3x1000x128xf32, #tpu.memory_space<vmem>>, vector<1x1000x128xf32>
    %swap3A_145 = vector.shape_cast %swap3A_144 : vector<1x1000x128xf32> to vector<1000x128xf32>
    %swap3A_146 = vector.shape_cast %add3A_140 : vector<1000x128xf32> to vector<1x1000x128xf32>
    tpu.vector_store %arg4[%swap3A_141, %swap3A_142, %swap3A_143], %swap3A_146 {strides = array<i32>} : memref<3x1000x128xf32, #tpu.memory_space<vmem>>, vector<1x1000x128xf32>,
    %slice3A_147 = vector.extract_strided_slice %dot_general3A_5 {offsets = [0, 896], sizes = [1000, 128], strides = [1, 1]} : vector<1000x1536xf32> to vector<1000x128xf32>
    %get3A_148 = arith.constant 7 : index
    %get3A_149 = arith.constant 0 : index
    %get3A_150 = vector.load %arg3[%get3A_148, %get3A_149] : memref<12x128xf32, #tpu.memory_space<vmem>>, vector<1x128xf32>
    %get3A_151 = vector.shape_cast %get3A_150 : vector<1x128xf32> to vector<128xf32>
    %broadcast_in_dim3A_152 = vector.shape_cast %get3A_151 : vector<128xf32> to vector<1x128xf32>
    %add3A_153 = vector.broadcast %broadcast_in_dim3A_152 : vector<1x128xf32> to vector<1000x128xf32>
    %add3A_154 = arith.addf %slice3A_147, %add3A_153 : vector<1000x128xf32>
    %slice3A_155 = vector.extract_strided_slice %dot_general3A_5 {offsets = [0, 1024], sizes = [1000, 128], strides = [1, 1]} : vector<1000x1536xf32> to vector<1000x128xf32>
    %get3A_156 = arith.constant 8 : index
    %get3A_157 = arith.constant 0 : index
    %get3A_158 = vector.load %arg3[%get3A_156, %get3A_157] : memref<12x128xf32, #tpu.memory_space<vmem>>, vector<1x128xf32>
    %get3A_159 = vector.shape_cast %get3A_158 : vector<1x128xf32> to vector<128xf32>
    %broadcast_in_dim3A_160 = vector.shape_cast %get3A_159 : vector<128xf32> to vector<1x128xf32>
    %add3A_161 = vector.broadcast %broadcast_in_dim3A_160 : vector<1x128xf32> to vector<1000x128xf32>
    %add3A_162 = arith.addf %slice3A_155, %add3A_161 : vector<1000x128xf32>
    %bitcast3A_163 = tpu.bitcast %add3A_154 : vector<1000x128xf32> -> vector<1000x128xi32>
    %add3A_164 = arith.constant 32767 : i32
    %add3A_165 = vector.broadcast %add3A_164 : i32 to vector<1000x128xi32>
    %add3A_166 = arith.addi %bitcast3A_163, %add3A_165 : vector<1000x128xi32>
    %shift_right_arithmetic3A_167 = arith.constant 16 : i32
    %shift_right_arithmetic3A_168 = vector.broadcast %shift_right_arithmetic3A_167 : i32 to vector<1000x128xi32>
    %shift_right_arithmetic3A_169 = arith.shrsi %bitcast3A_163, %shift_right_arithmetic3A_168 : vector<1000x128xi32>
    %and3A_170 = arith.constant 1 : i32
    %and3A_171 = vector.broadcast %and3A_170 : i32 to vector<1000x128xi32>
    %and3A_172 = arith.andi %shift_right_arithmetic3A_169, %and3A_171 : vector<1000x128xi32>
    %add3A_173 = arith.addi %add3A_166, %and3A_172 : vector<1000x128xi32>
    %and3A_174 = arith.constant -65536 : i32
    %and3A_175 = vector.broadcast %and3A_174 : i32 to vector<1000x128xi32>
    %and3A_176 = arith.andi %add3A_173, %and3A_175 : vector<1000x128xi32>
    %shift_right_logical3A_177 = arith.constant 16 : i32
    %shift_right_logical3A_178 = vector.broadcast %shift_right_logical3A_177 : i32 to vector<1000x128xi32>
    %shift_right_logical3A_179 = arith.shrui %and3A_176, %shift_right_logical3A_178 : vector<1000x128xi32>
    %bitcast3A_180 = tpu.bitcast %add3A_162 : vector<1000x128xf32> -> vector<1000x128xi32>
    %add3A_181 = arith.constant 32767 : i32
    %add3A_182 = vector.broadcast %add3A_181 : i32 to vector<1000x128xi32>
    %add3A_183 = arith.addi %bitcast3A_180, %add3A_182 : vector<1000x128xi32>
    %shift_right_arithmetic3A_184 = arith.constant 16 : i32
    %shift_right_arithmetic3A_185 = vector.broadcast %shift_right_arithmetic3A_184 : i32 to vector<1000x128xi32>
    %shift_right_arithmetic3A_186 = arith.shrsi %bitcast3A_180, %shift_right_arithmetic3A_185 : vector<1000x128xi32>
    %and3A_187 = arith.constant 1 : i32
    %and3A_188 = vector.broadcast %and3A_187 : i32 to vector<1000x128xi32>
    %and3A_189 = arith.andi %shift_right_arithmetic3A_186, %and3A_188 : vector<1000x128xi32>
    %add3A_190 = arith.addi %add3A_183, %and3A_189 : vector<1000x128xi32>
    %and3A_191 = arith.constant -65536 : i32
    %and3A_192 = vector.broadcast %and3A_191 : i32 to vector<1000x128xi32>
    %and3A_193 = arith.andi %add3A_190, %and3A_192 : vector<1000x128xi32>
    %or3A_194 = arith.ori %shift_right_logical3A_179, %and3A_193 : vector<1000x128xi32>
    %swap3A_195 = arith.constant 2 : index
    %swap3A_196 = arith.constant 0 : index
    %swap3A_197 = arith.constant 0 : index
    %swap3A_198 = vector.load %arg5[%swap3A_195, %swap3A_196, %swap3A_197] : memref<3x1000x128xi32, #tpu.memory_space<vmem>>, vector<1x1000x128xi32>
    %swap3A_199 = vector.shape_cast %swap3A_198 : vector<1x1000x128xi32> to vector<1000x128xi32>
    %swap3A_200 = vector.shape_cast %or3A_194 : vector<1000x128xi32> to vector<1x1000x128xi32>
    tpu.vector_store %arg5[%swap3A_195, %swap3A_196, %swap3A_197], %swap3A_200 {strides = array<i32>} : memref<3x1000x128xi32, #tpu.memory_space<vmem>>, vector<1x1000x128xi32>,
    %slice3A_201 = vector.extract_strided_slice %dot_general3A_5 {offsets = [0, 1152], sizes = [1000, 128], strides = [1, 1]} : vector<1000x1536xf32> to vector<1000x128xf32>
    %slice3A_202 = vector.extract_strided_slice %dot_general3A_5 {offsets = [0, 1280], sizes = [1000, 128], strides = [1, 1]} : vector<1000x1536xf32> to vector<1000x128xf32>
    %add3A_203 = arith.addf %slice3A_201, %slice3A_202 : vector<1000x128xf32>
    %slice3A_204 = vector.extract_strided_slice %dot_general3A_5 {offsets = [0, 1408], sizes = [1000, 128], strides = [1, 1]} : vector<1000x1536xf32> to vector<1000x128xf32>
    %add3A_205 = arith.addf %add3A_203, %slice3A_204 : vector<1000x128xf32>
    %get3A_206 = arith.constant 9 : index
    %get3A_207 = arith.constant 0 : index
    %get3A_208 = vector.load %arg3[%get3A_206, %get3A_207] : memref<12x128xf32, #tpu.memory_space<vmem>>, vector<1x128xf32>
    %get3A_209 = vector.shape_cast %get3A_208 : vector<1x128xf32> to vector<128xf32>
    %get3A_210 = arith.constant 10 : index
    %get3A_211 = arith.constant 0 : index
    %get3A_212 = vector.load %arg3[%get3A_210, %get3A_211] : memref<12x128xf32, #tpu.memory_space<vmem>>, vector<1x128xf32>
    %get3A_213 = vector.shape_cast %get3A_212 : vector<1x128xf32> to vector<128xf32>
    %add3A_214 = arith.addf %get3A_209, %get3A_213 : vector<128xf32>
    %get3A_215 = arith.constant 11 : index
    %get3A_216 = arith.constant 0 : index
    %get3A_217 = vector.load %arg3[%get3A_215, %get3A_216] : memref<12x128xf32, #tpu.memory_space<vmem>>, vector<1x128xf32>
    %get3A_218 = vector.shape_cast %get3A_217 : vector<1x128xf32> to vector<128xf32>
    %add3A_219 = arith.addf %add3A_214, %get3A_218 : vector<128xf32>
    %mul3A = arith.constant 0.333333343 : f32
    %mul3A_220 = vector.broadcast %mul3A : f32 to vector<1000x128xf32>
    %mul3A_221 = arith.mulf %add3A_205, %mul3A_220 : vector<1000x128xf32>
    %mul3A_222 = arith.constant 0.333333343 : f32
    %mul3A_223 = vector.broadcast %mul3A_222 : f32 to vector<128xf32>
    %mul3A_224 = arith.mulf %add3A_219, %mul3A_223 : vector<128xf32>
    %broadcast_in_dim3A_225 = vector.shape_cast %mul3A_224 : vector<128xf32> to vector<1x128xf32>
    %add3A_226 = vector.broadcast %broadcast_in_dim3A_225 : vector<1x128xf32> to vector<1000x128xf32>
    %add3A_227 = arith.addf %mul3A_221, %add3A_226 : vector<1000x128xf32>
    %swap3A_228 = arith.constant 0 : index
    %swap3A_229 = arith.constant 0 : index
    %swap3A_230 = vector.load %arg6[%swap3A_228, %swap3A_229] : memref<1000x128xf32, #tpu.memory_space<vmem>>, vector<1000x128xf32>
    tpu.vector_store %arg6[%swap3A_228, %swap3A_229], %add3A_227 {strides = array<i32>} : memref<1000x128xf32, #tpu.memory_space<vmem>>, vector<1000x128xf32>,
    return
  }
  func.func @transform_0(%arg0: i32) -> (i32, i32) {
    %c0_i32 = arith.constant 0 : i32
    %c0_i32_0 = arith.constant 0 : i32
    return %arg0, %c0_i32 : i32, i32
  }
  func.func @transform_1(%arg0: i32) -> (i32, i32) {
    %c0_i32 = arith.constant 0 : i32
    %c0_i32_0 = arith.constant 0 : i32
    %c0_i32_1 = arith.constant 0 : i32
    return %c0_i32, %c0_i32_0 : i32, i32
  }
  func.func @transform_2(%arg0: i32) -> (i32, i32) {
    %c0_i32 = arith.constant 0 : i32
    %c0_i32_0 = arith.constant 0 : i32
    %c0_i32_1 = arith.constant 0 : i32
    return %c0_i32, %c0_i32_0 : i32, i32
  }
  func.func @transform_3(%arg0: i32) -> (i32, i32, i32) {
    %c0_i32 = arith.constant 0 : i32
    %c0_i32_0 = arith.constant 0 : i32
    %c0_i32_1 = arith.constant 0 : i32
    return %c0_i32, %arg0, %c0_i32_0 : i32, i32, i32
  }
  func.func @transform_4(%arg0: i32) -> (i32, i32, i32) {
    %c0_i32 = arith.constant 0 : i32
    %c0_i32_0 = arith.constant 0 : i32
    %c0_i32_1 = arith.constant 0 : i32
    return %c0_i32, %arg0, %c0_i32_0 : i32, i32, i32
  }
  func.func @transform_5(%arg0: i32) -> (i32, i32) {
    %c0_i32 = arith.constant 0 : i32
    %c0_i32_0 = arith.constant 0 : i32
    return %arg0, %c0_i32 : i32, i32
  }
}

</mosaic_0001>

<sc_bundles>
// kernel: kernel.5.cloned.1.call-start
scs
__scs_entry_jumppad:
0x0: {  	(pc) =	sbr.rel $0x88, $3  }
0x1: {  	(tag) =	ssettag $0x0;
	lr =	simm.s32 $0x1  }
0x2: {  	[smem:$0x3F96] =	sst lr;
	_ =	strace $0xD0000000  }
0x3: {  	_ = 	snop  }
0x4: {  	_ = 	snop  }
0x5: {  	_ = 	snop  }
0x6: {  	_ = 	snop  }
0x7: {  	_ = 	snop  }
__scs_overlays_trampoline_lowered:
0x8: {  	[smem:$0x3FA5] =	sst s0  }
0x9: {  	[smem:$0x3FA6] =	sst s1  }
0xa: {  	[smem:$0x3FA7] =	sst s2  }
0xb: {  	[smem:$0x3FA8] =	sst s3  }
0xc: {  	[smem:$0x3FA9] =	sst s4  }
0xd: {  	[smem:$0x3FAA] =	sst s5  }
0xe: {  	[smem:$0x3FAB] =	sst s6  }
0xf: {  	[smem:$0x3FAC] =	sst s7  }
0x10: {  	[smem:$0x3FAD] =	sst s8  }
0x11: {  	[smem:$0x3FAE] =	sst s9;
	s0 =	simm.s32 @!p0 $0x0  }
0x12: {  	s1 =	sld [smem:$0x3F94];
	s0 =	simm.s32 @p0 $0x1  }
0x13: {  	[smem:$0x3FAF] =	sst s0;
	s0 =	simm.s32 @!p1 $0x0  }
0x14: {  	s2 =	sld [smem:$0x3F93];
	s0 =	simm.s32 @p1 $0x1  }
0x15: {  	[smem:$0x3FB0] =	sst s0;
	s0 =	simm.s32 @!p2 $0x0  }
0x16: {  	s3 =	sld [smem:$0x3FDB];
	s0 =	simm.s32 @p2 $0x1  }
0x17: {  	s4 =	simm.s32 $0x1BF5;
	[smem:$0x3FB2] =	sst s0  }
0x18: {  	s0 =	sld [smem:$0x3F95];
	_ =	swait.ge [sflag:s4], $0x0  }
0x19: {  	s7 =	sld [smem:$0x3F96]  }
0x1a: {  	s8 =	sadd.s32 $0xFFFFE003, lr  }
0x1b: {  	s9 =	sadd.s32 $0xFFFFFEF7, lr;
	s5 =	simm.s32 $0xFFFFFFFF;
	p2 =	slt.u32 s8, $0xFFFFF086  }
0x1c: {  	p1 =	slt.u32 s9, $0xF7A;
	s5 =	simm.s32 @!p2 $0x0  }
0x1d: {  	s5 =	simm.s32 @p1 $0x1;
	p0 =	seq.s32 s7, s2  }
0x1e: {  	s7 =	smul.u32 @!p0 $0xF7A, s2;
	p2 =	seq.s32 @!p0 s5, $0x0  }
0x1f: {  	s9 =	smul.u32 $0xF7A, s1;
	s8 =	simm.s32 @!p0 $0x1BF5;
	p2 =	por !p2, p0  }
0x20: {  	[sflag:s8] =	ssyncset.s32 @!p0 $0xFFFFF086;
	s6 =	sadd.s32 @!p0 s3, s7;
	s7 =	simm.s32 @!p0 $0x108  }
0x21: {  	s3 =	sadd.s32 s3, s9;
	s6 =	sadd.s32 @!p0 $0x88, s6;
	s7 =	simm.s32 @p2 $0x1082  }
0x22: {  	[simem:s7], [sflag:s8] =	dma.local @!p0 [hbm:s6], $0xF7A  }
0x23: {  	s9 =	sor.u32 $0xD0000000, s2;
	s6 =	simm.s32 $0x108;
	_ =	swait.ge @!p0 [sflag:s8], $0x0  }
0x24: {  	s3 =	sadd.s32 $0x88, s3;
	s6 =	simm.s32 @!p1 $0x1082;
	[sflag:s4] =	ssyncset.s32 $0xFFFFF086  }
0x25: {  	[simem:s6], [sflag:s4] =	dma.local [hbm:s3], $0xF7A  }
0x26: {  	[smem:$0x3F96] =	sst s1;
	(tag) =	ssettag s2;
	_ =	strace s9  }
0x27: {  	s1 =	sld [smem:$0x3FA6]  }
0x28: {  	s2 =	sld [smem:$0x3FA7]  }
0x29: {  	s4 =	sld [smem:$0x3FA9]  }
0x2a: {  	p0 =	seq.s32 s5, $0x0;
	s5 =	sld [smem:$0x3FAA]  }
0x2b: {  	s6 =	sld [smem:$0x3FAB]  }
0x2c: {  	s7 =	sld [smem:$0x3FAC]  }
0x2d: {  	s3 =	simm.s32 $0x108;
	s8 =	sld [smem:$0x3FAD]  }
0x2e: {  	s3 =	simm.s32 @!p0 $0x1082;
	s9 =	sld [smem:$0x3FAE]  }
0x2f: {  	lr =	sadd.s32 s0, s3;
	s0 =	sld [smem:$0x3FA5]  }
0x30: {  	s3 =	sld [smem:$0x3FA8]  }
0x31: {  	[smem:$0x3FB1] =	sst s10  }
0x32: {  	s10 =	sld [smem:$0x3FAF];
	_ =	sdelay $0x3  }
0x33: {  	p0 =	seq.s32 s10, $0x1;
	s10 =	sld [smem:$0x3FB1];
	_ =	sdelay $0x3  }
0x34: {  	[smem:$0x3FB1] =	sst s10  }
0x35: {  	s10 =	sld [smem:$0x3FB0];
	_ =	sdelay $0x3  }
0x36: {  	p1 =	seq.s32 s10, $0x1;
	s10 =	sld [smem:$0x3FB1];
	_ =	sdelay $0x3  }
0x37: {  	[smem:$0x3FB1] =	sst s10  }
0x38: {  	s10 =	sld [smem:$0x3FB2]  }
0x39: {  	_ = 	snop;
	(pc) =	sbr.ind lr, $3  }
0x3a: {  	_ = 	snop  }
0x3b: {  	_ = 	snop  }
0x3c: {  	p2 =	seq.s32 s10, $0x1;
	s10 =	sld [smem:$0x3FB1]  }
0x3d: {  	_ =	shalt  }
0x3e: {  	_ =	shalt  }
0x3f: {  	_ =	shalt  }
0x40: {  	_ =	shalt  }
0x41: {  	_ =	shalt  }
0x42: {  	_ =	shalt  }
0x43: {  	_ =	shalt  }
0x44: {  	_ =	shalt  }
0x45: {  	_ =	shalt  }
0x46: {  	_ =	shalt  }
0x47: {  	_ =	shalt  }
0x48: {  	_ =	shalt  }
0x49: {  	_ =	shalt  }
0x4a: {  	_ =	shalt  }
0x4b: {  	_ =	shalt  }
0x4c: {  	_ =	shalt  }
0x4d: {  	_ =	shalt  }
0x4e: {  	_ =	shalt  }
0x4f: {  	_ =	shalt  }
0x50: {  	_ =	shalt  }
0x51: {  	_ =	shalt  }
0x52: {  	_ =	shalt  }
0x53: {  	_ =	shalt  }
0x54: {  	_ =	shalt  }
0x55: {  	_ =	shalt  }
0x56: {  	_ =	shalt  }
0x57: {  	_ =	shalt  }
0x58: {  	_ =	shalt  }
0x59: {  	_ =	shalt  }
0x5a: {  	_ =	shalt  }
0x5b: {  	_ =	shalt  }
0x5c: {  	_ =	shalt  }
0x5d: {  	_ =	shalt  }
0x5e: {  	_ =	shalt  }
0x5f: {  	_ =	shalt  }
0x60: {  	_ =	shalt  }
0x61: {  	_ =	shalt  }
0x62: {  	_ =	shalt  }
0x63: {  	_ =	shalt  }
0x64: {  	_ =	shalt  }
0x65: {  	_ =	shalt  }
0x66: {  	_ =	shalt  }
0x67: {  	_ =	shalt  }
0x68: {  	_ =	shalt  }
0x69: {  	_ =	shalt  }
0x6a: {  	_ =	shalt  }
0x6b: {  	_ =	shalt  }
0x6c: {  	_ =	shalt  }
0x6d: {  	_ =	shalt  }
0x6e: {  	_ =	shalt  }
0x6f: {  	_ =	shalt  }
0x70: {  	_ =	shalt  }
0x71: {  	_ =	shalt  }
0x72: {  	_ =	shalt  }
0x73: {  	_ =	shalt  }
0x74: {  	_ =	shalt  }
0x75: {  	_ =	shalt  }
0x76: {  	_ =	shalt  }
0x77: {  	_ =	shalt  }
0x78: {  	_ =	shalt  }
0x79: {  	_ =	shalt  }
0x7a: {  	_ =	shalt  }
0x7b: {  	_ =	shalt  }
0x7c: {  	_ =	shalt  }
0x7d: {  	_ =	shalt  }
0x7e: {  	_ =	shalt  }
0x7f: {  	_ =	shalt  }
0x80: {  	_ =	shalt  }
0x81: {  	_ =	shalt  }
0x82: {  	_ =	shalt  }
0x83: {  	_ =	shalt  }
0x84: {  	_ =	shalt  }
0x85: {  	_ =	shalt  }
0x86: {  	_ =	shalt  }
0x87: {  	_ =	shalt  }
.Lfunc_end0:
.L_simem_size_0:
called_computation_lowered:
.L_overlay_start_0:
0x88: {  	s2 =	sld [smem:$0x3FD9]  }
0x89: {  	s3 =	sld [smem:$0x3FFE];
	_ =	sdelay $0x1  }
0x8a: {  	s1 =	srdreg.scid  }
0x8b: {  	s0 =	sand.u32 $0x1, s1  }
0x8c: {  	s17 =	sshll.u32 s0, $0xA;
	s2 =	sadd.s32 s3, s2  }
0x8d: {  	s2 =	sadd.s32 s2, s17  }
0x8e: {  	[smem:$0x3FBD] =	sst s2  }
0x8f: {  	_ = 	snop  }
0x90: {  	s2 =	sld [smem:$0x3FC8]  }
0x91: {  	s18 =	sld [smem:$0x3FC7];
	(tm) =	ssettm $0x1  }
0x92: {  	s4 =	sld [smem:$0x3FFB];
	_ =	sdelay $0x3  }
0x93: {  	_ =	strace s4  }
0x94: {  	s4 =	sld [smem:$0x3FFC];
	_ =	sdelay $0x3  }
0x95: {  	_ =	strace s4  }
0x96: {  	s4 =	sld [smem:$0x3FFD];
	_ =	sdelay $0x3  }
0x97: {  	_ =	strace s4  }
0x98: {  	_ =	strace $0x8FFFFFFF  }
0x99: {  	s19 =	sld [smem:$0x3FDB];
	_ =	sdelay $0x1  }
0x9a: {  	s5 =	simm.s32 $_scs_section_size  }
0x9b: {  	s6 =	simm.s32 $_size__tile_overlayer_lowered;
	s7 =	simm.s32 $_tile_overlayer_lowered  }
0x9c: {  	s22 =	simm.s32 $0x1BFF;
	s21 =	sshll.u32 s7, $0x1;
	s4 =	sadd.s32 s5, s19  }
0x9d: {  	s8 =	simm.s32 $0x0;
	s20 =	sshll.u32 s6, $0x1;
	s6 =	sadd.s32 s21, s4  }
0x9e: {  	[timem:s8], [sflag:s22] =	dma.local [hbm:s6], s20  }
0x9f: {  	_ =	swait.ge [sflag:s22], s20  }
0xa0: {  	s5 =	ssub.s32 $0x0, s20;
	[sflag:s22] =	ssyncset.done $0x0  }
0xa1: {  	[sflag:s22] =	ssyncadd.s32 s5;
	_ =	sdelay $0x1  }
0xa2: {  	s23 =	simm.s32 $0x1B8B  }
0xa3: {  	_ =	swait.ge [sflag:s23], $0x1  }
0xa4: {  	[sflag:s23] =	ssyncset.done $0x0  }
0xa5: {  	s25 =	simm.s32 $0x1B8E;
	s24 =	sld [smem:$0x3FFE];
	[sflag:s23] =	ssyncadd.s32 $0xFFFFFFFF  }
0xa6: {  	s26 =	simm.s32 $execute0_lowered;
	[smem:$0x3FD2] =	sst s25  }
0xa7: {  	s6 =	sshll.u32 s26, $0x1;
	_ =	strace $0x80000046;
	[dreg:$0x1] =	wrdreg $0xFFFFFFFF  }
0xa8: {  	s28 =	simm.s32 $_size_execute0_lowered;
	s4 =	sadd.s32 s4, s6;
	[dreg:$0x0] =	wrdreg $0x0  }
0xa9: {  	s6 =	sshll.u32 s28, $0x1;
	[dreg:$0x2] =	wrdreg s4  }
0xaa: {  	[dreg:$0x3] =	wrdreg s6  }
0xab: {  	[dreg:$0x4] =	wrdreg $0xC0  }
0xac: {  	_ =	task [dreg:s8], $0x5FFFF  }
0xad: {  	[dreg:$0x1] =	wrdreg $0xFFFFFFFF  }
0xae: {  	[dreg:$0x0] =	wrdreg $0x60  }
0xaf: {  	[dreg:$0x2] =	wrdreg s24  }
0xb0: {  	[dreg:$0x3] =	wrdreg s2  }
0xb1: {  	[dreg:$0x4] =	wrdreg s18  }
0xb2: {  	[dreg:$0x5] =	wrdreg $0x7E000  }
0xb3: {  	[dreg:$0x6] =	wrdreg $0x9  }
0xb4: {  	_ =	task.clear_ibuf [dreg:s8], $0x7FFFF;
	_ =	strace $0x90000046  }
0xb5: {  	s29 =	simm.s32 $0x9;
	_ =	strace $0x80000048  }
0xb6: {  	_ =	swait.ge [sflag:s29], $0x1  }
0xb7: {  	[sflag:s29] =	ssyncadd.s32 $0xFFFFFFFF  }
0xb8: {  	_ =	strace $0x90000048  }
0xb9: {  	_ =	sfence  }
0xba: {  	s30 =	sld [smem:$0x0];
	_ =	sdelay $0x2  }
0xbb: {  	s31 =	sshll.u32 s1, $0xD;
	s1 =	sshrl.u32 s1, $0x2  }
0xbc: {  	s3 =	sand.u32 $0x4000, s31;
	s1 =	sadd.s32 s1, s30  }
0xbd: {  	s0 =	sor.u32 s3, s0;
	s1 =	sshll.u32 s1, $0x11  }
0xbe: {  	s0 =	sor.u32 s1, s0  }
0xbf: {  	s0 =	sadd.s32 $0x8F2B, s0  }
0xc0: {  	[sflag:s0] =	ssyncadd.remote.s32 $0x1  }
0xc1: {  	_ =	sfence.sel $0xFFFF  }
0xc2: {  	[dreg:$0x0] =	wrdreg $0xFFFFFFFF;
	(pc) =	sbr.abs _section_cstart, $3  }
0xc3: {  	[dreg:$0x1] =	wrdreg $0xFFFFFFFF  }
0xc4: {  	_ =	task.clear_ibuf [dreg:s8], $0x2FFFF;
	_ =	strace $0x9FFFFFFF  }
0xc5: {  	(tm) =	ssettm $0x7FFFFFFF  }
tec
execute0_lowered:
.L_overlay_start_1:
0x0: {  	(tag) =	ssettag $0x1  }
0x1: {  	s0 =	rddreg [dreg:$0x0]  }
0x2: {  	s11 =	rddreg [dreg:$0x1]  }
0x3: {  	s1 =	srdreg.scid;
	s9 =	stileid.u32  }
0x4: {  	s4 =	rddreg [dreg:$0x3];
	s2 =	smul.u32 $0x278, s9  }
0x5: {  	s1 =	sand.u32 $0x1, s1;
	s19 =	smul.u32 $0x4F000, s9;
	s8 =	sshll.u32 s9, $0x1  }
0x6: {  	s3 =	smul.u32 $0x2710, s1;
	s20 =	ssub.s32 $0x2, s1;
	s1 =	sor.u32 s1, s8  }
0x7: {  	s5 =	simm.s32 $0x0;
	p0 =	seq.s32 s1, $0x1F;
	s1 =	smul.u32 $0x2800, s1  }
0x8: {  	[smem:$0x7FF] =	sst s5;
	s2 =	sadd.s32 s2, s3;
	s3 =	sshrl.u32 s19, $0x2  }
0x9: {  	_ =	strace $0x80000047;
	s5 =	sadd.s32 s3, s4;
	[dreg:$0x11] =	wrdreg s1  }
0xa: {  	s3 =	sadd.s32 $0x1000, s5;
	[dreg:$0x5] =	wrdreg s5  }
0xb: {  	s22 =	sadd.s32 $0x2000, s5;
	[dreg:$0x6] =	wrdreg s3  }
0xc: {  	s23 =	sadd.s32 $0x3000, s5;
	[dreg:$0x7] =	wrdreg s22  }
0xd: {  	s15 =	simm.s32 $0x5;
	s24 =	sadd.s32 $0x4000, s5;
	[dreg:$0x8] =	wrdreg s23  }
0xe: {  	s28 =	simm.s32 $0x1;
	s25 =	sadd.s32 $0x5000, s5;
	[dreg:$0x9] =	wrdreg s24  }
0xf: {  	s29 =	simm.s32 $0x3;
	s26 =	sadd.s32 $0x6000, s5;
	[dreg:$0xa] =	wrdreg s25  }
0x10: {  	s30 =	simm.s32 $0x2;
	s8 =	sadd.s32 $0x7000, s5;
	[dreg:$0xb] =	wrdreg s26  }
0x11: {  	s31 =	simm.s32 $0x4;
	s10 =	sadd.s32 $0x8000, s5;
	[dreg:$0xc] =	wrdreg s8  }
0x12: {  	s6 =	sadd.s32 $0xC00, s0;
	s12 =	sadd.s32 $0x9000, s5;
	[dreg:$0xd] =	wrdreg s10  }
0x13: {  	s7 =	sadd.s32 $0x76000, s0;
	s13 =	sadd.s32 $0xA000, s5;
	[dreg:$0xe] =	wrdreg s12  }
0x14: {  	s21 =	sshrl.u32 s20, $0x1;
	s14 =	sadd.s32 $0xB000, s5;
	[dreg:$0xf] =	wrdreg s13  }
0x15: {  	s2 =	sshll.u32 s2, $0x4;
	s18 =	sadd.s32 $0xC000, s5;
	[dreg:$0x10] =	wrdreg s14  }
0x16: {  	s0 =	sadd.s32 s2, s0;
	s19 =	sadd.s32 $0xD000, s5;
	[dreg:$0x16] =	wrdreg s18  }
0x17: {  	s2 =	ssub.s32 s20, s21;
	s20 =	sadd.s32 $0xE000, s5;
	[dreg:$0x17] =	wrdreg s19  }
0x18: {  	s15 =	simm.s32 @!p0 $0x14;
	s21 =	sadd.s32 $0xF000, s5;
	[dreg:$0x18] =	wrdreg s20  }
0x19: {  	p0 =	seq.s32 s9, $0xF;
	s16 =	sadd.s32 $0xEB400, s0;
	[dreg:$0x19] =	wrdreg s21  }
0x1a: {  	s1 =	sadd.s32 $0x10400, s5;
	s0 =	sadd.s32 $0xED480, s0;
	[dreg:$0x12] =	wrdreg s16  }
0x1b: {  	s17 =	smax.u32 s2, $0x1;
	s22 =	sadd.s32 $0x10000, s5;
	[dreg:$0x13] =	wrdreg s0  }
0x1c: {  	s23 =	sadd.s32 $0x11000, s5;
	s24 =	sadd.s32 $0x12000, s5;
	[dreg:$0x14] =	wrdreg s17  }
0x1d: {  	s25 =	sadd.s32 $0x13000, s5;
	s10 =	simm.s32 $0x5;
	[dreg:$0x1a] =	wrdreg s22  }
0x1e: {  	s26 =	sadd.s32 $0x10, s11;
	s12 =	simm.s32 $0x5E00;
	[dreg:$0x1b] =	wrdreg s23  }
0x1f: {  	s13 =	simm.s32 $0x7;
	s18 =	simm.s32 $0x20;
	[dreg:$0x1c] =	wrdreg s24  }
0x20: {  	s2 =	simm.s32 $0x6E00;
	s8 =	simm.s32 $0x0;
	[dreg:$0x1d] =	wrdreg s25  }
0x21: {  	s0 =	sshrl.u32 @!p0 s1, $0x3;
	[dreg:$0x1e] =	wrdreg s26;
	s25 =	simm.s32 $0x2E00  }
0x22: {  	v0 =	vimm.f32 $0.0e+00;
	s26 =	simm.s32 $0x4E00;
	[dreg:$0x15] =	wrdreg s0;
	s0 =	simm.s32 $0x6  }
.LBB2_1:
0x23: {  	[dreg:$0x1f] =	wrdreg s8;
	s1 =	simm.s32 $0x0;
	s3 =	simm.s32 $0x200  }
.LBB2_2:
0x24: {  	p1 =	sne.s32 s3, $0x3E00;
	[tilespmem:s1+$0x5E70] =	vst v0  }
0x25: {  	[tilespmem:s1+$0x5E00] =	vst v0  }
0x26: {  	[tilespmem:s1+$0x5E10] =	vst v0  }
.Ltmp0:
0x27: {  	[tilespmem:s1+$0x5E20] =	vst v0;
	(pc) =	sbr.rel @p1 .LBB2_2-.Ltmp0, $4  }
0x28: {  	[tilespmem:s1+$0x5E30] =	vst v0  }
0x29: {  	[tilespmem:s1+$0x5E40] =	vst v0  }
0x2a: {  	[tilespmem:s1+$0x5E50] =	vst v0  }
0x2b: {  	[tilespmem:s1+$0x5E60] =	vst v0;
	s1 =	sshra.s32 s3, $0x2;
	s3 =	sadd.s32 $0x200, s3  }
0x2c: {  	[tilespmem:s1+$0x5E70] =	vst v0  }
0x2d: {  	[tilespmem:s1+$0x5E00] =	vst v0  }
0x2e: {  	[tilespmem:s1+$0x5E10] =	vst v0  }
0x2f: {  	[tilespmem:s1+$0x5E20] =	vst v0  }
0x30: {  	[tilespmem:s1+$0x5E30] =	vst v0  }
0x31: {  	[tilespmem:s1+$0x5E40] =	vst v0  }
0x32: {  	[tilespmem:s1+$0x5E50] =	vst v0  }
0x33: {  	[tilespmem:s1+$0x5E60] =	vst v0  }
0x34: {  	[spmem:s5] =	stream.linear.scatter [tilespmem:s12], [sflag:$0x7], $0x1000, $0x38;
	[tilespmem:$0x1BA00] =	vst v63  }
0x35: {  	_ =	swait.ge [sflag:s13], $0x1000  }
0x36: {  	[sflag:s13] =	ssyncset.done $0x0  }
0x37: {  	s20 =	rddreg [dreg:$0x6];
	[sflag:s13] =	ssyncadd.s32 $0xFFFFF000  }
0x38: {  	[spmem:s20] =	stream.linear.scatter [tilespmem:s12], [sflag:$0x7], $0x1000, $0x38;
	[tilespmem:$0x1BA00] =	vst v63  }
0x39: {  	_ =	swait.ge [sflag:s13], $0x1000  }
0x3a: {  	[sflag:s13] =	ssyncset.done $0x0  }
0x3b: {  	s21 =	rddreg [dreg:$0x7];
	[sflag:s13] =	ssyncadd.s32 $0xFFFFF000  }
0x3c: {  	[spmem:s21] =	stream.linear.scatter [tilespmem:s12], [sflag:$0x7], $0x1000, $0x38;
	[tilespmem:$0x1BA00] =	vst v63  }
0x3d: {  	_ =	swait.ge [sflag:s13], $0x1000  }
0x3e: {  	[sflag:s13] =	ssyncset.done $0x0  }
0x3f: {  	s22 =	rddreg [dreg:$0x8];
	[sflag:s13] =	ssyncadd.s32 $0xFFFFF000  }
0x40: {  	[spmem:s22] =	stream.linear.scatter [tilespmem:s12], [sflag:$0x7], $0x1000, $0x38;
	[tilespmem:$0x1BA00] =	vst v63  }
0x41: {  	_ =	swait.ge [sflag:s13], $0x1000  }
0x42: {  	[sflag:s13] =	ssyncset.done $0x0  }
0x43: {  	s23 =	rddreg [dreg:$0x9];
	[sflag:s13] =	ssyncadd.s32 $0xFFFFF000  }
0x44: {  	[spmem:s23] =	stream.linear.scatter [tilespmem:s12], [sflag:$0x7], $0x1000, $0x38;
	[tilespmem:$0x1BA00] =	vst v63  }
0x45: {  	_ =	swait.ge [sflag:s13], $0x1000  }
0x46: {  	[sflag:s13] =	ssyncset.done $0x0  }
0x47: {  	s24 =	rddreg [dreg:$0xa];
	[sflag:s13] =	ssyncadd.s32 $0xFFFFF000  }
0x48: {  	[spmem:s24] =	stream.linear.scatter [tilespmem:s12], [sflag:$0x7], $0x1000, $0x38;
	[tilespmem:$0x1BA00] =	vst v63  }
0x49: {  	_ =	swait.ge [sflag:s13], $0x1000  }
0x4a: {  	[sflag:s13] =	ssyncset.done $0x0  }
0x4b: {  	s3 =	rddreg [dreg:$0xb];
	[sflag:s13] =	ssyncadd.s32 $0xFFFFF000  }
0x4c: {  	[spmem:s3] =	stream.linear.scatter [tilespmem:s12], [sflag:$0x7], $0x1000, $0x38;
	[tilespmem:$0x1BA00] =	vst v63  }
0x4d: {  	_ =	swait.ge [sflag:s13], $0x1000  }
0x4e: {  	[sflag:s13] =	ssyncset.done $0x0  }
0x4f: {  	s5 =	rddreg [dreg:$0xc];
	[sflag:s13] =	ssyncadd.s32 $0xFFFFF000  }
0x50: {  	[spmem:s5] =	stream.linear.scatter [tilespmem:s12], [sflag:$0x7], $0x1000, $0x38;
	[tilespmem:$0x1BA00] =	vst v63  }
0x51: {  	_ =	swait.ge [sflag:s13], $0x1000  }
0x52: {  	[sflag:s13] =	ssyncset.done $0x0  }
0x53: {  	s8 =	rddreg [dreg:$0xd];
	[sflag:s13] =	ssyncadd.s32 $0xFFFFF000  }
0x54: {  	[spmem:s8] =	stream.linear.scatter [tilespmem:s12], [sflag:$0x7], $0x1000, $0x38;
	[tilespmem:$0x1BA00] =	vst v63  }
0x55: {  	_ =	swait.ge [sflag:s13], $0x1000  }
0x56: {  	[sflag:s13] =	ssyncset.done $0x0  }
0x57: {  	s9 =	rddreg [dreg:$0xe];
	[sflag:s13] =	ssyncadd.s32 $0xFFFFF000  }
0x58: {  	[spmem:s9] =	stream.linear.scatter [tilespmem:s12], [sflag:$0x7], $0x1000, $0x38;
	[tilespmem:$0x1BA00] =	vst v63  }
0x59: {  	_ =	swait.ge [sflag:s13], $0x1000  }
0x5a: {  	[sflag:s13] =	ssyncset.done $0x0  }
0x5b: {  	s11 =	rddreg [dreg:$0xf];
	[sflag:s13] =	ssyncadd.s32 $0xFFFFF000  }
0x5c: {  	[spmem:s11] =	stream.linear.scatter [tilespmem:s12], [sflag:$0x7], $0x1000, $0x38;
	[tilespmem:$0x1BA00] =	vst v63  }
0x5d: {  	_ =	swait.ge [sflag:s13], $0x1000  }
0x5e: {  	[sflag:s13] =	ssyncset.done $0x0  }
0x5f: {  	s14 =	rddreg [dreg:$0x10];
	[sflag:s13] =	ssyncadd.s32 $0xFFFFF000  }
0x60: {  	[spmem:s14] =	stream.linear.scatter [tilespmem:s12], [sflag:$0x7], $0x1000, $0x38;
	[tilespmem:$0x1BA00] =	vst v63  }
0x61: {  	_ =	swait.ge [sflag:s13], $0x1000  }
0x62: {  	[sflag:s13] =	ssyncset.done $0x0  }
0x63: {  	s16 =	rddreg [dreg:$0x16];
	[sflag:s13] =	ssyncadd.s32 $0xFFFFF000  }
0x64: {  	[spmem:s16] =	stream.linear.scatter [tilespmem:s12], [sflag:$0x7], $0x1000, $0x38;
	[tilespmem:$0x1BA00] =	vst v63  }
0x65: {  	_ =	swait.ge [sflag:s13], $0x1000  }
0x66: {  	[sflag:s13] =	ssyncset.done $0x0  }
0x67: {  	s17 =	rddreg [dreg:$0x17];
	[sflag:s13] =	ssyncadd.s32 $0xFFFFF000  }
0x68: {  	[spmem:s17] =	stream.linear.scatter [tilespmem:s12], [sflag:$0x7], $0x1000, $0x38;
	[tilespmem:$0x1BA00] =	vst v63  }
0x69: {  	_ =	swait.ge [sflag:s13], $0x1000  }
0x6a: {  	[sflag:s13] =	ssyncset.done $0x0  }
0x6b: {  	s19 =	rddreg [dreg:$0x18];
	[sflag:s13] =	ssyncadd.s32 $0xFFFFF000  }
0x6c: {  	[spmem:s19] =	stream.linear.scatter [tilespmem:s12], [sflag:$0x7], $0x1000, $0x38;
	[tilespmem:$0x1BA00] =	vst v63  }
0x6d: {  	_ =	swait.ge [sflag:s13], $0x1000  }
0x6e: {  	[sflag:s13] =	ssyncset.done $0x0  }
0x6f: {  	s20 =	rddreg [dreg:$0x19];
	[sflag:s13] =	ssyncadd.s32 $0xFFFFF000  }
0x70: {  	[spmem:s20] =	stream.linear.scatter [tilespmem:s12], [sflag:$0x7], $0x1000, $0x38;
	[tilespmem:$0x1BA00] =	vst v63  }
0x71: {  	_ =	swait.ge [sflag:s13], $0x1000  }
0x72: {  	[sflag:s13] =	ssyncset.done $0x0  }
0x73: {  	s21 =	rddreg [dreg:$0x1a];
	[sflag:s13] =	ssyncadd.s32 $0xFFFFF000  }
0x74: {  	[spmem:s21] =	stream.linear.scatter [tilespmem:s12], [sflag:$0x7], $0x1000, $0x38;
	[tilespmem:$0x1BA00] =	vst v63  }
0x75: {  	_ =	swait.ge [sflag:s13], $0x1000  }
0x76: {  	[sflag:s13] =	ssyncset.done $0x0  }
0x77: {  	s22 =	rddreg [dreg:$0x1b];
	[sflag:s13] =	ssyncadd.s32 $0xFFFFF000  }
0x78: {  	[spmem:s22] =	stream.linear.scatter [tilespmem:s12], [sflag:$0x7], $0x1000, $0x38;
	[tilespmem:$0x1BA00] =	vst v63  }
0x79: {  	_ =	swait.ge [sflag:s13], $0x1000  }
0x7a: {  	[sflag:s13] =	ssyncset.done $0x0  }
0x7b: {  	s23 =	rddreg [dreg:$0x1c];
	[sflag:s13] =	ssyncadd.s32 $0xFFFFF000  }
0x7c: {  	[spmem:s23] =	stream.linear.scatter [tilespmem:s12], [sflag:$0x7], $0x1000, $0x38;
	[tilespmem:$0x1BA00] =	vst v63  }
0x7d: {  	_ =	swait.ge [sflag:s13], $0x1000  }
0x7e: {  	[sflag:s13] =	ssyncset.done $0x0  }
0x7f: {  	s24 =	rddreg [dreg:$0x1d];
	[sflag:s13] =	ssyncadd.s32 $0xFFFFF000  }
0x80: {  	[spmem:s24] =	stream.linear.scatter [tilespmem:s12], [sflag:$0x7], $0xC00, $0x38;
	[tilespmem:$0x1BA00] =	vst v63  }
0x81: {  	_ =	swait.ge [sflag:s13], $0xC00  }
0x82: {  	[sflag:s13] =	ssyncset.done $0x0  }
0x83: {  	[sflag:s13] =	ssyncadd.s32 $0xFFFFF400  }
0x84: {  	s8 =	simm.s32 $0x0;
	[bflag:$0x0] =	sbarrier.arrive $0xFFFF  }
.LBB2_4:
0x85: {  	s1 =	sshll.u32 s8, $0x9;
	s3 =	rddreg [dreg:$0x11]  }
0x86: {  	s1 =	sadd.s32 s3, s1  }
0x87: {  	s5 =	rddreg [dreg:$0x1];
	s9 =	simm.s32 $0x0;
	s3 =	sshrl.u32 s1, $0x2  }
0x88: {  	s11 =	simm.s32 $0x80;
	s14 =	simm.s32 $0x100;
	s5 =	sadd.s32 s5, s3  }
0x89: {  	[tilespmem:s9], [sflag:$0x7] =	stream.strided.gather [hbm4b:s5+s11], $0x200, s14, s11, $0x38;
	[tilespmem:$0x1BA00] =	vst v63  }
0x8a: {  	_ =	swait.ge [sflag:s13], $0x200  }
0x8b: {  	[sflag:s13] =	ssyncset.done $0x0;
	s19 =	rddreg [dreg:$0x1e]  }
0x8c: {  	s20 =	simm.s32 $0x200;
	[sflag:s13] =	ssyncadd.s32 $0xFFFFFE00;
	s3 =	sadd.s32 s3, s19  }
0x8d: {  	[tilespmem:s20], [sflag:$0x7] =	stream.strided.gather [hbm4b:s3+s11], $0x200, s14, s11, $0x38;
	[tilespmem:$0x1BA00] =	vst v63  }
0x8e: {  	_ =	swait.ge [sflag:s13], $0x200  }
0x8f: {  	[sflag:s13] =	ssyncset.done $0x0  }
0x90: {  	[sflag:s13] =	ssyncadd.s32 $0xFFFFFE00  }
0x91: {  	s1 =	sshrl.u32 s1, $0x3;
	s21 =	rddreg [dreg:$0x2]  }
0x92: {  	s22 =	simm.s32 $0x400;
	s1 =	sadd.s32 s21, s1  }
0x93: {  	[tilespmem:s22], [sflag:$0x7] =	stream.linear.gather [hbm4b:s1+s9], $0x200, $0x38;
	[tilespmem:$0x1BA00] =	vst v63  }
0x94: {  	_ =	swait.ge [sflag:s13], $0x200  }
0x95: {  	[sflag:s13] =	ssyncset.done $0x0  }
0x96: {  	s16 =	simm.s32 $0x420;
	[sflag:s13] =	ssyncadd.s32 $0xFFFFFE00  }
0x97: {  	v1 =	vld [tilespmem:s16+$0x0]  }
0x98: {  	s24 =	simm.s32 $0x220  }
0x99: {  	v2 =	vld [tilespmem:s24+$0x0];
	_ =	sdelay $0x1  }
0x9a: {  	v3 =	vld [tilespmem:s16+$0xFFFFFFE0]  }
0x9b: {  	v1 =	vmul.u32 $0x2710, v1  }
0x9c: {  	v4 =	vld [tilespmem:s24+$0xFFFFFFE0]  }
0x9d: {  	s19 =	simm.s32 $0x680;
	v2 =	vadd.s32 v2, v1  }
0x9e: {  	s21 =	simm.s32 $0x20;
	[tilespmem:s19+$0x0] =	vst v2  }
0x9f: {  	v3 =	vmul.u32 $0x2710, v3;
	v2 =	vld [tilespmem:s21+$0x0];
	_ =	sdelay $0x1  }
0xa0: {  	v4 =	vadd.s32 v4, v3  }
0xa1: {  	[tilespmem:s19+$0xFFFFFF80] =	vst v4  }
0xa2: {  	s23 =	simm.s32 $0x460;
	v4 =	vld [tilespmem:s21+$0xFFFFFFE0]  }
0xa3: {  	s11 =	simm.s32 $0xE80;
	s1 =	simm.s32 $0x260;
	v1 =	vadd.s32 v1, v2;
	v2 =	vld [tilespmem:s23+$0x0]  }
0xa4: {  	v5 =	vld [tilespmem:s1+$0x0];
	[tilespmem:s11+$0x0] =	vst v1  }
0xa5: {  	v1 =	vld [tilespmem:s24+$0x0];
	_ =	sdelay $0x1  }
0xa6: {  	v3 =	vadd.s32 v3, v4;
	v4 =	vld [tilespmem:s23+$0xFFFFFFE0]  }
0xa7: {  	[tilespmem:s11+$0xFFFFFF80] =	vst v3;
	v3 =	vld [tilespmem:s1+$0xFFFFFFE0];
	v2 =	vmul.u32 $0x2710, v2  }
0xa8: {  	s3 =	simm.s32 $0x1680;
	v6 =	vld [tilespmem:s24+$0xFFFFFFE0]  }
0xa9: {  	s5 =	simm.s32 $0x780;
	[tilespmem:s3+$0x0] =	vst v1;
	v1 =	vadd.s32 v5, v2  }
0xaa: {  	s9 =	simm.s32 $0x60;
	v5 =	vld [tilespmem:s16+$0x10];
	[tilespmem:s5+$0x0] =	vst v1  }
0xab: {  	v1 =	vmul.u32 $0x2710, v4;
	v4 =	vld [tilespmem:s9+$0x0];
	_ =	sdelay $0x1  }
0xac: {  	[tilespmem:s3+$0xFFFFFF80] =	vst v6;
	v7 =	vld [tilespmem:s24+$0x10];
	v3 =	vadd.s32 v3, v1  }
0xad: {  	[tilespmem:s5+$0xFFFFFF80] =	vst v3;
	v3 =	vld [tilespmem:s16+$0xFFFFFFF0]  }
0xae: {  	v8 =	vld [tilespmem:s24+$0xFFFFFFF0]  }
0xaf: {  	s17 =	simm.s32 $0xF80;
	s20 =	simm.s32 $0x4A0;
	v6 =	vld [tilespmem:s9+$0xFFFFFFE0];
	v5 =	vmul.u32 $0x2710, v5;
	v2 =	vadd.s32 v2, v4  }
0xb0: {  	v4 =	vld [tilespmem:s20+$0x0];
	[tilespmem:s17+$0x0] =	vst v2  }
0xb1: {  	s16 =	simm.s32 $0x2A0;
	v2 =	vadd.s32 v7, v5;
	v7 =	vld [tilespmem:s1+$0x0]  }
0xb2: {  	[tilespmem:s19+$0x10] =	vst v2;
	v9 =	vmul.u32 $0x2710, v3;
	v3 =	vld [tilespmem:s16+$0x0]  }
0xb3: {  	v2 =	vld [tilespmem:s21+$0x10]  }
0xb4: {  	v1 =	vadd.s32 v1, v6;
	v6 =	vld [tilespmem:s20+$0xFFFFFFE0]  }
0xb5: {  	[tilespmem:s17+$0xFFFFFF80] =	vst v1;
	v1 =	vadd.s32 v8, v9;
	v8 =	vld [tilespmem:s16+$0xFFFFFFE0];
	v10 =	vmul.u32 $0x2710, v4  }
0xb6: {  	[tilespmem:s19+$0xFFFFFF90] =	vst v1;
	v1 =	vld [tilespmem:s1+$0xFFFFFFE0];
	s19 =	simm.s32 $0x1780  }
0xb7: {  	[tilespmem:s19+$0x0] =	vst v7;
	v7 =	vld [tilespmem:s21+$0xFFFFFFF0];
	v4 =	vadd.s32 v3, v10;
	s21 =	simm.s32 $0x880  }
0xb8: {  	s22 =	simm.s32 $0xA0;
	v2 =	vadd.s32 v5, v2;
	v11 =	vld [tilespmem:s23+$0x10];
	[tilespmem:s21+$0x0] =	vst v4  }
0xb9: {  	v3 =	vmul.u32 $0x2710, v6;
	[tilespmem:s11+$0x10] =	vst v2;
	v12 =	vld [tilespmem:s22+$0x0]  }
0xba: {  	v2 =	vld [tilespmem:s24+$0x10]  }
0xbb: {  	v4 =	vld [tilespmem:s1+$0x10];
	v5 =	vadd.s32 v8, v3;
	[tilespmem:s19+$0xFFFFFF80] =	vst v1  }
0xbc: {  	[tilespmem:s21+$0xFFFFFF80] =	vst v5;
	v6 =	vld [tilespmem:s23+$0xFFFFFFF0]  }
0xbd: {  	v1 =	vadd.s32 v9, v7;
	v7 =	vld [tilespmem:s22+$0xFFFFFFE0]  }
0xbe: {  	v5 =	vld [tilespmem:s1+$0xFFFFFFF0];
	[tilespmem:s11+$0xFFFFFF90] =	vst v1;
	v1 =	vmul.u32 $0x2710, v11  }
0xbf: {  	s14 =	simm.s32 $0x4E0;
	s23 =	simm.s32 $0x1080;
	s11 =	simm.s32 $0x4;
	v8 =	vadd.s32 v10, v12;
	[tilespmem:s3+$0x10] =	vst v2;
	v2 =	vld [tilespmem:s24+$0xFFFFFFF0]  }
.LBB2_5:
0xc0: {  	v9 =	vld [tilespmem:s14+$0x0];
	[tilespmem:s23+$0x0] =	vst v8;
	v4 =	vadd.s32 v4, v1;
	s24 =	smov.u32 s16  }
0xc1: {  	v8 =	vld [tilespmem:s16+$0x0];
	v10 =	vmul.u32 $0x2710, v6;
	[tilespmem:s5+$0x10] =	vst v4  }
0xc2: {  	s16 =	sadd.s32 $0x40, s16;
	v3 =	vadd.s32 v3, v7;
	v4 =	vld [tilespmem:s9+$0x10]  }
0xc3: {  	s11 =	sadd.s32 $0x2, s11;
	v6 =	vld [tilespmem:s16+$0x0];
	[tilespmem:s23+$0xFFFFFF80] =	vst v3;
	v3 =	vadd.s32 v5, v10  }
0xc4: {  	p1 =	slt.u32 s11, $0xE;
	v5 =	vld [tilespmem:s14+$0xFFFFFFE0];
	[tilespmem:s5+$0xFFFFFF90] =	vst v3;
	s5 =	smov.u32 s21  }
0xc5: {  	v7 =	vld [tilespmem:s16+$0xFFFFFFE0];
	[tilespmem:s3+$0xFFFFFF90] =	vst v2;
	s3 =	smov.u32 s19  }
0xc6: {  	v2 =	vmul.u32 $0x2710, v9;
	s19 =	sadd.s32 $0x100, s19;
	v9 =	vld [tilespmem:s24+$0xFFFFFFE0]  }
0xc7: {  	[tilespmem:s19+$0x0] =	vst v8;
	v8 =	vld [tilespmem:s9+$0xFFFFFFF0];
	v1 =	vadd.s32 v1, v4;
	s9 =	smov.u32 s22  }
0xc8: {  	s21 =	sadd.s32 $0x100, s21;
	v4 =	vadd.s32 v6, v2;
	v11 =	vld [tilespmem:s20+$0x10];
	[tilespmem:s17+$0x10] =	vst v1  }
0xc9: {  	s22 =	sadd.s32 $0x40, s22;
	v3 =	vmul.u32 $0x2710, v5;
	[tilespmem:s21+$0x0] =	vst v4;
	v12 =	vld [tilespmem:s1+$0x10]  }
0xca: {  	v13 =	vld [tilespmem:s22+$0x0]  }
.Ltmp1:
0xcb: {  	v1 =	vadd.s32 v7, v3;
	[tilespmem:s19+$0xFFFFFF80] =	vst v9;
	v4 =	vld [tilespmem:s24+$0x10];
	(pc) =	sbr.rel @p1 .LBB2_5-.Ltmp1, $4  }
0xcc: {  	[tilespmem:s21+$0xFFFFFF80] =	vst v1;
	v6 =	vld [tilespmem:s20+$0xFFFFFFF0];
	v1 =	vadd.s32 v10, v8;
	s20 =	smov.u32 s14  }
0xcd: {  	v7 =	vld [tilespmem:s22+$0xFFFFFFE0];
	[tilespmem:s17+$0xFFFFFF90] =	vst v1;
	s17 =	smov.u32 s23  }
0xce: {  	v1 =	vmul.u32 $0x2710, v11;
	v5 =	vld [tilespmem:s24+$0xFFFFFFF0];
	[tilespmem:s3+$0x10] =	vst v12  }
0xcf: {  	s14 =	sadd.s32 $0x40, s14;
	s23 =	sadd.s32 $0x100, s23;
	v8 =	vadd.s32 v2, v13;
	v2 =	vld [tilespmem:s1+$0xFFFFFFF0];
	s1 =	smov.u32 s24  }
0xd0: {  	_ =	sdelay $0x1  }
0xd1: {  	[tilespmem:s23+$0x0] =	vst v8;
	v3 =	vadd.s32 v3, v7  }
0xd2: {  	v55 =	vld [tilespmem:s16+$0x0];
	[tilespmem:s23+$0xFFFFFF80] =	vst v3  }
0xd3: {  	v3 =	vld [tilespmem:s16+$0xFFFFFFE0];
	_ =	sdelay $0x2  }
0xd4: {  	s11 =	sadd.s32 $0x100, s19  }
0xd5: {  	[tilespmem:s11+$0x0] =	vst v55  }
0xd6: {  	v7 =	vld [tilespmem:s20+$0x10];
	[tilespmem:s11+$0xFFFFFF80] =	vst v3  }
0xd7: {  	v3 =	vld [tilespmem:s20+$0xFFFFFFF0]  }
0xd8: {  	v8 =	vld [tilespmem:s16+$0x10]  }
0xd9: {  	v9 =	vld [tilespmem:s16+$0xFFFFFFF0]  }
0xda: {  	v6 =	vmul.u32 $0x2710, v6  }
0xdb: {  	v4 =	vadd.s32 v4, v1;
	v7 =	vmul.u32 $0x2710, v7  }
0xdc: {  	[tilespmem:s5+$0x10] =	vst v4;
	v56 =	vadd.s32 v5, v6;
	v3 =	vmul.u32 $0x2710, v3  }
0xdd: {  	v57 =	vld [tilespmem:s9+$0x10];
	[tilespmem:s5+$0xFFFFFF90] =	vst v56;
	v58 =	vadd.s32 v8, v7  }
0xde: {  	v59 =	vld [tilespmem:s9+$0xFFFFFFF0];
	[tilespmem:s21+$0x10] =	vst v58;
	v60 =	vadd.s32 v9, v3  }
0xdf: {  	v61 =	vld [tilespmem:s22+$0x10];
	[tilespmem:s21+$0xFFFFFF90] =	vst v60  }
0xe0: {  	v4 =	vld [tilespmem:s22+$0xFFFFFFF0];
	_ =	sdelay $0x1  }
0xe1: {  	v1 =	vadd.s32 v1, v57  }
0xe2: {  	[tilespmem:s17+$0x10] =	vst v1;
	v1 =	vadd.s32 v6, v59  }
0xe3: {  	v62 =	vld [tilespmem:s1+$0x10];
	[tilespmem:s17+$0xFFFFFF90] =	vst v1;
	v1 =	vadd.s32 v7, v61  }
0xe4: {  	v63 =	vld [tilespmem:s1+$0xFFFFFFF0];
	[tilespmem:s23+$0x10] =	vst v1;
	v1 =	vadd.s32 v3, v4  }
0xe5: {  	v3 =	vld [tilespmem:s16+$0x10];
	[tilespmem:s23+$0xFFFFFF90] =	vst v1  }
0xe6: {  	v1 =	vld [tilespmem:s16+$0xFFFFFFF0]  }
0xe7: {  	[tilespmem:s3+$0xFFFFFF90] =	vst v2  }
0xe8: {  	[tilespmem:s19+$0x10] =	vst v62  }
0xe9: {  	[tilespmem:s19+$0xFFFFFF90] =	vst v63  }
0xea: {  	[tilespmem:s11+$0x10] =	vst v3  }
0xeb: {  	s21 =	simm.s32 $0x600;
	s22 =	simm.s32 $0x1E00;
	[tilespmem:s11+$0xFFFFFF90] =	vst v1  }
0xec: {  	[tilespmem:s22], [sflag:$0x1] =	stream.indirect.gather [hbm4b:s6+s18], $0x80, s21, s18, $0xb8;
	[tilespmem:$0x1BA00] =	vst v63  }
0xed: {  	s24 =	simm.s32 $0x3E00;
	s9 =	simm.s32 $0x0;
	s23 =	simm.s32 $0xE00  }
0xee: {  	[tilespmem:s24], [sflag:$0x3] =	stream.indirect.gather [hbm4b:s7+s18], $0x80, s23, s18, $0xb8;
	[tilespmem:$0x1BA00] =	vst v63  }
.LBB2_7:
0xef: {  	s1 =	sshll.u32 s9, $0x8  }
0xf0: {  	s3 =	sadd.s32 $0x680, s1  }
0xf1: {  	[tilespmem:s25], [sflag:$0x2] =	stream.indirect.gather [hbm4b:s6+s18], $0x80, s3, s18, $0xb8;
	[tilespmem:$0x1BA00] =	vst v63  }
0xf2: {  	s20 =	sadd.s32 $0xE80, s1  }
0xf3: {  	[tilespmem:s26], [sflag:$0x4] =	stream.indirect.gather [hbm4b:s7+s18], $0x80, s20, s18, $0xb8;
	[tilespmem:$0x1BA00] =	vst v63  }
0xf4: {  	_ =	swait.ge [sflag:s28], $0x1000  }
0xf5: {  	[sflag:s28] =	ssyncset.done $0x0  }
0xf6: {  	[sflag:s28] =	ssyncadd.s32 $0xFFFFF000  }
0xf7: {  	_ =	swait.ge [sflag:s29], $0x1000  }
0xf8: {  	p1 =	seq.s32 s9, $0x0;
	[sflag:s29] =	ssyncset.done $0x0  }
0xf9: {  	s3 =	simm.s32 @!p1 $0x5;
	[sflag:s29] =	ssyncadd.s32 $0xFFFFF000  }
0xfa: {  	_ =	swait.ge @!p1 [sflag:s3], $0x1000  }
0xfb: {  	[sflag:s3] =	ssyncset.done @!p1 $0x0  }
0xfc: {  	s5 =	simm.s32 $0x1F00;
	[sflag:s3] =	ssyncadd.s32 @!p1 $0xFFFFF000  }
0xfd: {  	s20 =	simm.s32 $0x3F00;
	v1 =	vld [tilespmem:s5+$0x80]  }
0xfe: {  	v2 =	vld [tilespmem:s20+$0x80]  }
0xff: {  	v3 =	vld [tilespmem:s20+$0xC0]  }
0x100: {  	v4 =	vld [tilespmem:s5+$0xC0];
	_ =	sdelay $0x2  }
0x101: {  	v5 =	vshll.u32 v2, $0x10  }
0x102: {  	v6 =	vshll.u32 v3, $0x10;
	v1 =	vadd.f32 v5, v1  }
0x103: {  	v4 =	vadd.f32 v6, v4  }
0x104: {  	v1 =	vsub.f32 $0.0e+00, v1  }
0x105: {  	v7 =	vld [tilespmem:s5+$0xFFFFFF40];
	v4 =	vsub.f32 $0.0e+00, v4  }
0x106: {  	v5 =	vld [tilespmem:s20+$0xFFFFFF40];
	v1 =	vmul.f32 $1.442695020e+00, v1  }
0x107: {  	v6 =	vld [tilespmem:s20+$0xFFFFFF80];
	v4 =	vmul.f32 $1.442695020e+00, v4  }
0x108: {  	v8 =	vld [tilespmem:s5+$0xFFFFFF80];
	(erf) = vpow2.f32 v1  }
0x109: {  	(erf) = vpow2.f32 v4  }
0x10a: {  	v9 =	vld [tilespmem:s20+$0xFFFFFFC0]  }
0x10b: {  	v11 =	vld [tilespmem:s5+$0xFFFFFFC0];
	v4 =	vshll.u32 v5, $0x10  }
0x10c: {  	v10 =	vshll.u32 v6, $0x10;
	v1 =	vld [tilespmem:s20+$0xFFFFFF00];
	v4 =	vadd.f32 v4, v7  }
0x10d: {  	v8 =	vadd.f32 v10, v8;
	v10 =	vld [tilespmem:s5+$0xFFFFFF00]  }
0x10e: {  	v7 =	vld [tilespmem:s20+$0x0];
	v4 =	vsub.f32 $0.0e+00, v4  }
0x10f: {  	v12 =	vld [tilespmem:s5+$0x0];
	v8 =	vsub.f32 $0.0e+00, v8  }
0x110: {  	v14 =	vld [tilespmem:s20+$0x40];
	v4 =	vmul.f32 $1.442695020e+00, v4  }
0x111: {  	v17 =	vld [tilespmem:s5+$0x40];
	v16 =	vshll.u32 v9, $0x10;
	v8 =	vmul.f32 $1.442695020e+00, v8;
	v13 =	vshll.u32 v1, $0x10;
	v15 =	vpop (erf)  }
0x112: {  	v10 =	vadd.f32 v13, v10;
	(erf) = vpow2.f32 v4;
	v4 =	vadd.f32 $1.000000000e+00, v15;
	v15 =	vpop (erf)  }
0x113: {  	v13 =	vshll.u32 v7, $0x10;
	(erf) = vpow2.f32 v8;
	v8 =	vadd.f32 $1.000000000e+00, v15  }
0x114: {  	v11 =	vadd.f32 v16, v11;
	(erf) = vrcp.f32 v4;
	v4 =	vadd.f32 v13, v12  }
0x115: {  	v10 =	vsub.f32 $0.0e+00, v10;
	(erf) = vrcp.f32 v8;
	v8 =	vshll.u32 v14, $0x10  }
0x116: {  	v8 =	vadd.f32 v8, v17;
	v4 =	vsub.f32 $0.0e+00, v4  }
0x117: {  	v11 =	vsub.f32 $0.0e+00, v11  }
0x118: {  	v10 =	vmul.f32 $1.442695020e+00, v10;
	v8 =	vsub.f32 $0.0e+00, v8;
	v4 =	vmul.f32 $1.442695020e+00, v4  }
0x119: {  	v11 =	vmul.f32 $1.442695020e+00, v11  }
0x11a: {  	(erf) = vpow2.f32 v10;
	v8 =	vmul.f32 $1.442695020e+00, v8  }
0x11b: {  	(erf) = vpow2.f32 v11  }
0x11c: {  	(erf) = vpow2.f32 v4;
	v4 =	vpop (erf)  }
0x11d: {  	v10 =	vpop (erf)  }
0x11e: {  	v2 =	vand.u32 $0xFFFF0000, v2;
	(erf) = vpow2.f32 v8;
	v8 =	vpop (erf)  }
0x11f: {  	v3 =	vand.u32 $0xFFFF0000, v3;
	v2 =	vmul.f32 v2, v8;
	v8 =	vpop (erf)  }
0x120: {  	v3 =	vmul.f32 v3, v8  }
0x121: {  	s16 =	simm.s32 $0x5F00  }
0x122: {  	[tilespmem:s16+$0xC0] =	vst v3;
	v3 =	vadd.f32 $1.000000000e+00, v10  }
0x123: {  	[tilespmem:s16+$0x80] =	vst v2;
	v2 =	vadd.f32 $1.000000000e+00, v4  }
0x124: {  	v4 =	vpop (erf);
	v8 =	vld [tilespmem:s5+$0x90]  }
0x125: {  	(erf) = vrcp.f32 v2;
	v2 =	vadd.f32 $1.000000000e+00, v4;
	v4 =	vld [tilespmem:s20+$0x90]  }
0x126: {  	v10 =	vld [tilespmem:s20+$0xD0];
	(erf) = vrcp.f32 v3;
	v3 =	vpop (erf)  }
0x127: {  	(erf) = vrcp.f32 v2;
	v2 =	vld [tilespmem:s5+$0xD0];
	v3 =	vadd.f32 $1.000000000e+00, v3;
	v11 =	vpop (erf)  }
0x128: {  	v11 =	vadd.f32 $1.000000000e+00, v11;
	v12 =	vpop (erf)  }
0x129: {  	(erf) = vrcp.f32 v3;
	v3 =	vadd.f32 $1.000000000e+00, v12  }
0x12a: {  	(erf) = vrcp.f32 v11;
	v11 =	vshll.u32 v4, $0x10  }
0x12b: {  	(erf) = vrcp.f32 v3;
	v3 =	vshll.u32 v10, $0x10;
	v8 =	vadd.f32 v11, v8  }
0x12c: {  	v2 =	vadd.f32 v3, v2  }
0x12d: {  	v3 =	vsub.f32 $0.0e+00, v8  }
0x12e: {  	v2 =	vsub.f32 $0.0e+00, v2  }
0x12f: {  	v3 =	vmul.f32 $1.442695020e+00, v3  }
0x130: {  	v5 =	vand.u32 $0xFFFF0000, v5;
	v8 =	vpop (erf);
	v2 =	vmul.f32 $1.442695020e+00, v2  }
0x131: {  	v11 =	vpop (erf);
	v5 =	vmul.f32 v5, v8;
	(erf) = vpow2.f32 v3  }
0x132: {  	v1 =	vand.u32 $0xFFFF0000, v1;
	v8 =	vpop (erf);
	(erf) = vpow2.f32 v2  }
0x133: {  	v6 =	vand.u32 $0xFFFF0000, v6;
	v1 =	vmul.f32 v1, v8  }
0x134: {  	v6 =	vmul.f32 v6, v11;
	[tilespmem:s16+$0xFFFFFF40] =	vst v5  }
0x135: {  	v3 =	vand.u32 $0xFFFF0000, v9;
	v5 =	vpop (erf);
	[tilespmem:s16+$0xFFFFFF00] =	vst v1  }
0x136: {  	v2 =	vand.u32 $0xFFFF0000, v7;
	v3 =	vmul.f32 v3, v5;
	v5 =	vpop (erf);
	v7 =	vld [tilespmem:s5+$0xFFFFFF50]  }
0x137: {  	[tilespmem:s16+$0xFFFFFF80] =	vst v6;
	v2 =	vmul.f32 v2, v5;
	v5 =	vld [tilespmem:s20+$0xFFFFFF10]  }
0x138: {  	v1 =	vand.u32 $0xFFFF0000, v14;
	v6 =	vpop (erf);
	[tilespmem:s16+$0xFFFFFFC0] =	vst v3;
	v3 =	vld [tilespmem:s20+$0xFFFFFF50]  }
0x139: {  	v1 =	vmul.f32 v1, v6;
	v6 =	vld [tilespmem:s5+$0xFFFFFF10]  }
0x13a: {  	[tilespmem:s16+$0x0] =	vst v2;
	v2 =	vld [tilespmem:s20+$0xFFFFFF90];
	v8 =	vpop (erf)  }
0x13b: {  	v11 =	vld [tilespmem:s5+$0xFFFFFF90];
	v8 =	vadd.f32 $1.000000000e+00, v8;
	v12 =	vpop (erf)  }
0x13c: {  	v13 =	vld [tilespmem:s5+$0xFFFFFFD0];
	v12 =	vadd.f32 $1.000000000e+00, v12  }
0x13d: {  	[tilespmem:s16+$0x40] =	vst v1;
	v1 =	vld [tilespmem:s20+$0xFFFFFFD0];
	(erf) = vrcp.f32 v8  }
0x13e: {  	v9 =	vld [tilespmem:s20+$0x10];
	v8 =	vshll.u32 v5, $0x10;
	(erf) = vrcp.f32 v12;
	v12 =	vshll.u32 v3, $0x10  }
0x13f: {  	v14 =	vld [tilespmem:s20+$0x50];
	v16 =	vshll.u32 v2, $0x10;
	v6 =	vadd.f32 v8, v6;
	v7 =	vadd.f32 v12, v7  }
0x140: {  	v15 =	vld [tilespmem:s5+$0x10];
	v11 =	vadd.f32 v16, v11  }
0x141: {  	v8 =	vld [tilespmem:s5+$0x50];
	v6 =	vsub.f32 $0.0e+00, v6;
	v7 =	vsub.f32 $0.0e+00, v7  }
0x142: {  	v4 =	vand.u32 $0xFFFF0000, v4;
	v17 =	vshll.u32 v1, $0x10  }
0x143: {  	v11 =	vsub.f32 $0.0e+00, v11;
	v6 =	vmul.f32 $1.442695020e+00, v6;
	v7 =	vmul.f32 $1.442695020e+00, v7  }
0x144: {  	v12 =	vshll.u32 v9, $0x10;
	v13 =	vadd.f32 v17, v13;
	v16 =	vshll.u32 v14, $0x10  }
0x145: {  	v12 =	vadd.f32 v12, v15;
	v11 =	vmul.f32 $1.442695020e+00, v11;
	(erf) = vpow2.f32 v6  }
0x146: {  	v13 =	vsub.f32 $0.0e+00, v13;
	v8 =	vadd.f32 v16, v8;
	(erf) = vpow2.f32 v7  }
0x147: {  	v10 =	vand.u32 $0xFFFF0000, v10;
	v12 =	vsub.f32 $0.0e+00, v12;
	(erf) = vpow2.f32 v11;
	v7 =	vpop (erf)  }
0x148: {  	v6 =	vmul.f32 $1.442695020e+00, v13;
	v8 =	vsub.f32 $0.0e+00, v8;
	v4 =	vmul.f32 v4, v7;
	v7 =	vpop (erf)  }
0x149: {  	v11 =	vmul.f32 $1.442695020e+00, v12;
	v7 =	vmul.f32 v10, v7  }
0x14a: {  	v8 =	vmul.f32 $1.442695020e+00, v8;
	(erf) = vpow2.f32 v6;
	[tilespmem:s16+$0x90] =	vst v4  }
0x14b: {  	(erf) = vpow2.f32 v11;
	[tilespmem:s16+$0xD0] =	vst v7  }
0x14c: {  	(erf) = vpow2.f32 v8;
	v4 =	vld [tilespmem:s5+$0xA0]  }
0x14d: {  	v10 =	vld [tilespmem:s20+$0xA0]  }
0x14e: {  	v11 =	vld [tilespmem:s20+$0xE0];
	v6 =	vpop (erf)  }
0x14f: {  	v7 =	vld [tilespmem:s5+$0xE0];
	v8 =	vpop (erf);
	v6 =	vadd.f32 $1.000000000e+00, v6  }
0x150: {  	v12 =	vpop (erf);
	v8 =	vadd.f32 $1.000000000e+00, v8  }
0x151: {  	v12 =	vadd.f32 $1.000000000e+00, v12  }
0x152: {  	v13 =	vshll.u32 v10, $0x10  }
0x153: {  	(erf) = vrcp.f32 v6;
	v15 =	vshll.u32 v11, $0x10;
	v6 =	vpop (erf);
	v4 =	vadd.f32 v13, v4  }
0x154: {  	(erf) = vrcp.f32 v8;
	v7 =	vadd.f32 v15, v7;
	v6 =	vadd.f32 $1.000000000e+00, v6;
	v8 =	vpop (erf)  }
0x155: {  	(erf) = vrcp.f32 v12;
	v8 =	vadd.f32 $1.000000000e+00, v8;
	v12 =	vpop (erf);
	v4 =	vsub.f32 $0.0e+00, v4  }
0x156: {  	v12 =	vadd.f32 $1.000000000e+00, v12;
	(erf) = vrcp.f32 v6;
	v6 =	vsub.f32 $0.0e+00, v7  }
0x157: {  	(erf) = vrcp.f32 v8;
	v4 =	vmul.f32 $1.442695020e+00, v4  }
0x158: {  	(erf) = vrcp.f32 v12;
	v6 =	vmul.f32 $1.442695020e+00, v6  }
0x159: {  	(erf) = vpow2.f32 v4  }
0x15a: {  	(erf) = vpow2.f32 v6;
	_ =	sdelay $0x1  }
0x15b: {  	v4 =	vpop (erf)  }
0x15c: {  	v12 =	vpop (erf)  }
0x15d: {  	v13 =	vpop (erf)  }
0x15e: {  	s24 =	simm.s32 $0x4100;
	v15 =	vpop (erf)  }
0x15f: {  	v18 =	vld [tilespmem:s24+$0x80];
	v16 =	vpop (erf)  }
0x160: {  	s21 =	simm.s32 $0x2100;
	v19 =	vld [tilespmem:s24+$0xC0];
	v17 =	vpop (erf)  }
0x161: {  	v6 =	vld [tilespmem:s21+$0x80];
	v7 =	vpop (erf)  }
0x162: {  	v20 =	vld [tilespmem:s21+$0xC0];
	v7 =	vadd.f32 $1.000000000e+00, v7;
	v8 =	vpop (erf)  }
0x163: {  	v8 =	vadd.f32 $1.000000000e+00, v8  }
0x164: {  	(erf) = vrcp.f32 v7  }
0x165: {  	v7 =	vshll.u32 v18, $0x10;
	(erf) = vrcp.f32 v8  }
0x166: {  	v8 =	vshll.u32 v19, $0x10;
	v6 =	vadd.f32 v7, v6  }
0x167: {  	v21 =	vld [tilespmem:s24+$0xFFFFFF00];
	v20 =	vadd.f32 v8, v20  }
0x168: {  	v22 =	vld [tilespmem:s24+$0xFFFFFF40];
	v23 =	vsub.f32 $0.0e+00, v6  }
0x169: {  	v24 =	vld [tilespmem:s21+$0xFFFFFF40];
	v5 =	vand.u32 $0xFFFF0000, v5;
	v20 =	vsub.f32 $0.0e+00, v20  }
0x16a: {  	v26 =	vld [tilespmem:s21+$0xFFFFFF80];
	v2 =	vand.u32 $0xFFFF0000, v2;
	v3 =	vand.u32 $0xFFFF0000, v3;
	v23 =	vmul.f32 $1.442695020e+00, v23  }
0x16b: {  	v1 =	vand.u32 $0xFFFF0000, v1;
	v4 =	vmul.f32 v5, v4;
	v8 =	vld [tilespmem:s24+$0xFFFFFF80];
	v20 =	vmul.f32 $1.442695020e+00, v20  }
0x16c: {  	v5 =	vand.u32 $0xFFFF0000, v10;
	v3 =	vmul.f32 v3, v12;
	v7 =	vld [tilespmem:s24+$0xFFFFFFC0];
	(erf) = vpow2.f32 v23  }
0x16d: {  	v12 =	vld [tilespmem:s21+$0xFFFFFFC0];
	v2 =	vmul.f32 v2, v13;
	v13 =	vshll.u32 v22, $0x10;
	(erf) = vpow2.f32 v20;
	v10 =	vpop (erf)  }
0x16e: {  	v11 =	vand.u32 $0xFFFF0000, v11;
	v13 =	vadd.f32 v13, v24;
	v6 =	vld [tilespmem:s24+$0x0];
	v5 =	vmul.f32 v5, v10;
	v10 =	vpop (erf)  }
0x16f: {  	v25 =	vand.u32 $0xFFFF0000, v9;
	v14 =	vand.u32 $0xFFFF0000, v14;
	v20 =	vld [tilespmem:s21+$0xFFFFFF00];
	v10 =	vmul.f32 v11, v10  }
0x170: {  	v15 =	vmul.f32 v1, v15;
	v13 =	vsub.f32 $0.0e+00, v13;
	v1 =	vshll.u32 v8, $0x10;
	v11 =	vld [tilespmem:s21+$0x0];
	[tilespmem:s16+$0xA0] =	vst v5  }
0x171: {  	v9 =	vld [tilespmem:s24+$0x40];
	v14 =	vmul.f32 v14, v17;
	v23 =	vshll.u32 v7, $0x10;
	v17 =	vadd.f32 v1, v26;
	[tilespmem:s16+$0xE0] =	vst v10  }
0x172: {  	[tilespmem:s16+$0xFFFFFF10] =	vst v4;
	v4 =	vmul.f32 $1.442695020e+00, v13;
	v12 =	vadd.f32 v23, v12;
	v1 =	vld [tilespmem:s20+$0xF0]  }
0x173: {  	v24 =	vshll.u32 v6, $0x10;
	v17 =	vsub.f32 $0.0e+00, v17;
	v10 =	vshll.u32 v21, $0x10;
	v23 =	vld [tilespmem:s5+$0xF0]  }
0x174: {  	[tilespmem:s16+$0xFFFFFF50] =	vst v3;
	(erf) = vpow2.f32 v4;
	v12 =	vsub.f32 $0.0e+00, v12;
	v13 =	vadd.f32 v10, v20  }
0x175: {  	[tilespmem:s16+$0xFFFFFF90] =	vst v2;
	v5 =	vmul.f32 v25, v16;
	v16 =	vld [tilespmem:s21+$0x40];
	v17 =	vmul.f32 $1.442695020e+00, v17;
	v3 =	vadd.f32 v24, v11;
	v11 =	vpop (erf)  }
0x176: {  	[tilespmem:s16+$0x50] =	vst v14;
	v14 =	vld [tilespmem:s5+$0xFFFFFF20];
	v25 =	vshll.u32 v9, $0x10;
	v13 =	vsub.f32 $0.0e+00, v13;
	v2 =	vadd.f32 $1.000000000e+00, v11;
	v4 =	vpop (erf)  }
0x177: {  	[tilespmem:s16+$0xFFFFFFD0] =	vst v15;
	v10 =	vld [tilespmem:s20+$0xFFFFFF20];
	(erf) = vpow2.f32 v17;
	v17 =	vadd.f32 $1.000000000e+00, v4;
	v15 =	vshll.u32 v1, $0x10  }
0x178: {  	v11 =	vld [tilespmem:s20+$0xFFFFFF60];
	v13 =	vmul.f32 $1.442695020e+00, v13;
	(erf) = vrcp.f32 v2;
	v15 =	vadd.f32 v15, v23  }
0x179: {  	v12 =	vmul.f32 $1.442695020e+00, v12;
	[tilespmem:s16+$0x10] =	vst v5;
	v4 =	vld [tilespmem:s20+$0xFFFFFFA0];
	v5 =	vsub.f32 $0.0e+00, v3;
	(erf) = vrcp.f32 v17  }
0x17a: {  	v16 =	vadd.f32 v25, v16;
	v2 =	vld [tilespmem:s20+$0xFFFFFFE0];
	(erf) = vpow2.f32 v13;
	v15 =	vsub.f32 $0.0e+00, v15  }
0x17b: {  	v5 =	vmul.f32 $1.442695020e+00, v5;
	v17 =	vld [tilespmem:s5+$0xFFFFFFA0];
	(erf) = vpow2.f32 v12  }
0x17c: {  	v16 =	vsub.f32 $0.0e+00, v16;
	v13 =	vld [tilespmem:s5+$0xFFFFFF60];
	v12 =	vmul.f32 $1.442695020e+00, v15;
	v15 =	vshll.u32 v10, $0x10  }
0x17d: {  	(erf) = vpow2.f32 v5  }
0x17e: {  	v16 =	vmul.f32 $1.442695020e+00, v16;
	v20 =	vshll.u32 v11, $0x10;
	(erf) = vpow2.f32 v12;
	v12 =	vld [tilespmem:s5+$0xFFFFFFE0]  }
0x17f: {  	v14 =	vadd.f32 v15, v14;
	v15 =	vpop (erf)  }
0x180: {  	v23 =	vshll.u32 v2, $0x10;
	(erf) = vpow2.f32 v16;
	v16 =	vshll.u32 v4, $0x10;
	v26 =	vpop (erf)  }
0x181: {  	v18 =	vand.u32 $0xFFFF0000, v18;
	v3 =	vld [tilespmem:s20+$0x20];
	v13 =	vadd.f32 v20, v13;
	v16 =	vadd.f32 v16, v17;
	v20 =	vpop (erf)  }
0x182: {  	v17 =	vand.u32 $0xFFFF0000, v19;
	v15 =	vadd.f32 $1.000000000e+00, v15;
	v18 =	vmul.f32 v18, v20;
	v19 =	vpop (erf)  }
0x183: {  	v24 =	vld [tilespmem:s5+$0x20];
	v17 =	vmul.f32 v17, v19;
	v20 =	vadd.f32 v23, v12;
	v12 =	vadd.f32 $1.000000000e+00, v26;
	v23 =	vpop (erf)  }
0x184: {  	s17 =	simm.s32 $0x6100;
	(erf) = vrcp.f32 v15;
	v15 =	vadd.f32 $1.000000000e+00, v23;
	v23 =	vpop (erf)  }
0x185: {  	v22 =	vand.u32 $0xFFFF0000, v22;
	v5 =	vld [tilespmem:s20+$0x60];
	v14 =	vsub.f32 $0.0e+00, v14;
	[tilespmem:s17+$0xC0] =	vst v17;
	v17 =	vadd.f32 $1.000000000e+00, v23  }
0x186: {  	v8 =	vand.u32 $0xFFFF0000, v8;
	v27 =	vld [tilespmem:s5+$0x60];
	v25 =	vshll.u32 v3, $0x10;
	v13 =	vsub.f32 $0.0e+00, v13  }
0x187: {  	v14 =	vmul.f32 $1.442695020e+00, v14;
	v16 =	vsub.f32 $0.0e+00, v16;
	[tilespmem:s17+$0x80] =	vst v18;
	(erf) = vrcp.f32 v12;
	v12 =	vpop (erf)  }
0x188: {  	v18 =	vadd.f32 v25, v24;
	(erf) = vrcp.f32 v15;
	v24 =	vadd.f32 $1.000000000e+00, v12;
	v15 =	vpop (erf);
	v12 =	vld [tilespmem:s24+$0x90]  }
0x189: {  	v13 =	vmul.f32 $1.442695020e+00, v13;
	v23 =	vld [tilespmem:s21+$0x90];
	(erf) = vrcp.f32 v17;
	v17 =	vpop (erf);
	v15 =	vadd.f32 $1.000000000e+00, v15  }
0x18a: {  	v19 =	vshll.u32 v5, $0x10;
	v25 =	vld [tilespmem:s24+$0xD0];
	v17 =	vadd.f32 $1.000000000e+00, v17;
	(erf) = vrcp.f32 v24  }
0x18b: {  	v19 =	vadd.f32 v19, v27;
	v16 =	vmul.f32 $1.442695020e+00, v16;
	v24 =	vld [tilespmem:s21+$0xD0];
	(erf) = vrcp.f32 v15  }
0x18c: {  	v20 =	vsub.f32 $0.0e+00, v20;
	v18 =	vsub.f32 $0.0e+00, v18;
	(erf) = vrcp.f32 v17  }
0x18d: {  	v15 =	vsub.f32 $0.0e+00, v19;
	(erf) = vpow2.f32 v14;
	v14 =	vshll.u32 v12, $0x10  }
0x18e: {  	v18 =	vmul.f32 $1.442695020e+00, v18;
	v17 =	vmul.f32 $1.442695020e+00, v20;
	v14 =	vadd.f32 v14, v23  }
0x18f: {  	v15 =	vmul.f32 $1.442695020e+00, v15;
	(erf) = vpow2.f32 v13;
	v13 =	vshll.u32 v25, $0x10  }
0x190: {  	v19 =	vpop (erf);
	(erf) = vpow2.f32 v16;
	v13 =	vadd.f32 v13, v24;
	v14 =	vsub.f32 $0.0e+00, v14  }
0x191: {  	v21 =	vand.u32 $0xFFFF0000, v21;
	v16 =	vpop (erf);
	(erf) = vpow2.f32 v17;
	v17 =	vmul.f32 v22, v19  }
0x192: {  	v19 =	vpop (erf);
	v8 =	vmul.f32 v8, v16;
	v13 =	vsub.f32 $0.0e+00, v13;
	v14 =	vmul.f32 $1.442695020e+00, v14  }
0x193: {  	(erf) = vpow2.f32 v18;
	v18 =	vmul.f32 v21, v19;
	v19 =	vpop (erf)  }
0x194: {  	v6 =	vand.u32 $0xFFFF0000, v6;
	(erf) = vpow2.f32 v15;
	v15 =	vpop (erf);
	v13 =	vmul.f32 $1.442695020e+00, v13  }
0x195: {  	v16 =	vpop (erf);
	(erf) = vpow2.f32 v14;
	v6 =	vmul.f32 v6, v15  }
0x196: {  	[tilespmem:s17+$0xFFFFFF40] =	vst v17;
	v14 =	vpop (erf);
	(erf) = vpow2.f32 v13  }
0x197: {  	v7 =	vand.u32 $0xFFFF0000, v7;
	[tilespmem:s17+$0xFFFFFF00] =	vst v18  }
0x198: {  	v7 =	vmul.f32 v7, v19;
	[tilespmem:s17+$0xFFFFFF80] =	vst v8;
	v15 =	vld [tilespmem:s24+$0xFFFFFF10];
	v8 =	vpop (erf)  }
0x199: {  	v9 =	vand.u32 $0xFFFF0000, v9;
	v20 =	vld [tilespmem:s21+$0xFFFFFF10];
	[tilespmem:s17+$0x0] =	vst v6;
	v8 =	vadd.f32 $1.000000000e+00, v8;
	v6 =	vpop (erf)  }
0x19a: {  	[tilespmem:s17+$0xFFFFFFC0] =	vst v7;
	v7 =	vmul.f32 v9, v14;
	v9 =	vld [tilespmem:s24+$0xFFFFFF50];
	v6 =	vadd.f32 $1.000000000e+00, v6;
	v13 =	vpop (erf)  }
0x19b: {  	v14 =	vld [tilespmem:s24+$0xFFFFFF90];
	(erf) = vrcp.f32 v8;
	v17 =	vpop (erf);
	v13 =	vadd.f32 $1.000000000e+00, v13  }
0x19c: {  	[tilespmem:s17+$0x40] =	vst v7;
	v7 =	vld [tilespmem:s24+$0xFFFFFFD0];
	v18 =	vpop (erf);
	(erf) = vrcp.f32 v6  }
0x19d: {  	v17 =	vadd.f32 $1.000000000e+00, v17;
	v19 =	vpop (erf);
	(erf) = vrcp.f32 v13;
	v13 =	vld [tilespmem:s21+$0xFFFFFF50]  }
0x19e: {  	v8 =	vld [tilespmem:s24+$0x10];
	v18 =	vadd.f32 $1.000000000e+00, v18;
	v21 =	vpop (erf)  }
0x19f: {  	v11 =	vand.u32 $0xFFFF0000, v11;
	v6 =	vld [tilespmem:s24+$0x50];
	(erf) = vrcp.f32 v17;
	v21 =	vadd.f32 $1.000000000e+00, v21;
	v22 =	vpop (erf)  }
0x1a0: {  	v10 =	vand.u32 $0xFFFF0000, v10;
	v17 =	vld [tilespmem:s21+$0xFFFFFF90];
	(erf) = vrcp.f32 v18;
	v22 =	vadd.f32 $1.000000000e+00, v22  }
0x1a1: {  	v23 =	vshll.u32 v15, $0x10;
	v24 =	vshll.u32 v9, $0x10;
	v18 =	vld [tilespmem:s21+$0xFFFFFFD0];
	(erf) = vrcp.f32 v21  }
0x1a2: {  	v27 =	vld [tilespmem:s21+$0x10];
	v20 =	vadd.f32 v23, v20;
	v13 =	vadd.f32 v24, v13;
	(erf) = vrcp.f32 v22  }
0x1a3: {  	v12 =	vand.u32 $0xFFFF0000, v12;
	v23 =	vld [tilespmem:s21+$0x50];
	v19 =	vadd.f32 $1.000000000e+00, v19;
	v26 =	vshll.u32 v7, $0x10  }
0x1a4: {  	v21 =	vshll.u32 v14, $0x10;
	v28 =	vshll.u32 v6, $0x10;
	v13 =	vsub.f32 $0.0e+00, v13  }
0x1a5: {  	v22 =	vshll.u32 v8, $0x10;
	v29 =	vpop (erf);
	(erf) = vrcp.f32 v19;
	v19 =	vsub.f32 $0.0e+00, v20  }
0x1a6: {  	v17 =	vadd.f32 v21, v17;
	v18 =	vadd.f32 v26, v18;
	v20 =	vpop (erf);
	v13 =	vmul.f32 $1.442695020e+00, v13  }
0x1a7: {  	v21 =	vadd.f32 v22, v27;
	v22 =	vld [tilespmem:s20+$0xB0];
	v11 =	vmul.f32 v11, v20;
	v20 =	vpop (erf);
	v19 =	vmul.f32 $1.442695020e+00, v19  }
0x1a8: {  	v23 =	vadd.f32 v28, v23;
	v26 =	vld [tilespmem:s5+$0xB0];
	v10 =	vmul.f32 v10, v29;
	v17 =	vsub.f32 $0.0e+00, v17;
	v24 =	vpop (erf)  }
0x1a9: {  	v18 =	vsub.f32 $0.0e+00, v18;
	v21 =	vsub.f32 $0.0e+00, v21;
	v27 =	vpop (erf);
	(erf) = vpow2.f32 v19  }
0x1aa: {  	v17 =	vmul.f32 $1.442695020e+00, v17;
	[tilespmem:s16+$0xFFFFFF20] =	vst v10;
	v10 =	vand.u32 $0xFFFF0000, v25;
	(erf) = vpow2.f32 v13;
	v13 =	vpop (erf)  }
0x1ab: {  	v18 =	vmul.f32 $1.442695020e+00, v18;
	v19 =	vsub.f32 $0.0e+00, v23;
	v12 =	vmul.f32 v12, v13;
	v13 =	vpop (erf)  }
0x1ac: {  	[tilespmem:s16+$0xFFFFFF60] =	vst v11;
	(erf) = vpow2.f32 v17;
	v10 =	vmul.f32 v10, v13;
	v13 =	vshll.u32 v22, $0x10  }
0x1ad: {  	v11 =	vmul.f32 $1.442695020e+00, v21;
	[tilespmem:s17+$0x90] =	vst v12;
	v12 =	vadd.f32 v13, v26  }
0x1ae: {  	v1 =	vand.u32 $0xFFFF0000, v1;
	v19 =	vmul.f32 $1.442695020e+00, v19;
	(erf) = vpow2.f32 v18  }
0x1af: {  	v17 =	vld [tilespmem:s20+$0xFFFFFF30];
	(erf) = vpow2.f32 v11;
	v11 =	vmul.f32 v1, v16;
	v1 =	vsub.f32 $0.0e+00, v12  }
0x1b0: {  	v18 =	vld [tilespmem:s20+$0xFFFFFF70];
	[tilespmem:s17+$0xD0] =	vst v10  }
0x1b1: {  	(erf) = vpow2.f32 v19;
	v10 =	vld [tilespmem:s21+$0xA0];
	v1 =	vmul.f32 $1.442695020e+00, v1  }
0x1b2: {  	v3 =	vand.u32 $0xFFFF0000, v3;
	v4 =	vand.u32 $0xFFFF0000, v4;
	v13 =	vld [tilespmem:s24+$0xA0];
	v12 =	vand.u32 $0xFFFF0000, v15;
	v15 =	vpop (erf)  }
0x1b3: {  	v2 =	vand.u32 $0xFFFF0000, v2;
	v4 =	vmul.f32 v4, v20;
	v19 =	vand.u32 $0xFFFF0000, v14;
	v14 =	vld [tilespmem:s24+$0xE0];
	v20 =	vpop (erf)  }
0x1b4: {  	v5 =	vand.u32 $0xFFFF0000, v5;
	v9 =	vand.u32 $0xFFFF0000, v9;
	v2 =	vmul.f32 v2, v24;
	v21 =	vld [tilespmem:s21+$0xE0];
	v24 =	vpop (erf)  }
0x1b5: {  	v3 =	vmul.f32 v3, v27;
	[tilespmem:s16+$0xFFFFFFA0] =	vst v4;
	v4 =	vadd.f32 $1.000000000e+00, v24;
	(erf) = vpow2.f32 v1;
	v1 =	vpop (erf)  }
0x1b6: {  	v5 =	vmul.f32 v5, v15;
	v15 =	vadd.f32 $1.000000000e+00, v20;
	v1 =	vadd.f32 $1.000000000e+00, v1  }
0x1b7: {  	v16 =	vshll.u32 v17, $0x10;
	v23 =	vshll.u32 v18, $0x10;
	v20 =	vld [tilespmem:s5+$0xFFFFFF30];
	v24 =	vshll.u32 v13, $0x10  }
0x1b8: {  	v25 =	vld [tilespmem:s5+$0xFFFFFF70];
	[tilespmem:s16+$0xFFFFFFE0] =	vst v2;
	(erf) = vrcp.f32 v15;
	v15 =	vshll.u32 v14, $0x10;
	v10 =	vadd.f32 v24, v10;
	v2 =	vpop (erf)  }
0x1b9: {  	[tilespmem:s16+$0x20] =	vst v3;
	v3 =	vld [tilespmem:s20+$0xFFFFFFB0];
	(erf) = vrcp.f32 v4;
	v15 =	vadd.f32 v15, v21;
	v2 =	vadd.f32 $1.000000000e+00, v2;
	v4 =	vpop (erf)  }
0x1ba: {  	[tilespmem:s16+$0x60] =	vst v5;
	v5 =	vld [tilespmem:s20+$0xFFFFFFF0];
	v10 =	vsub.f32 $0.0e+00, v10;
	v4 =	vadd.f32 $1.000000000e+00, v4;
	(erf) = vrcp.f32 v1;
	v1 =	vpop (erf)  }
0x1bb: {  	v21 =	vld [tilespmem:s20+$0x30];
	(erf) = vrcp.f32 v2;
	v2 =	vsub.f32 $0.0e+00, v15;
	v1 =	vadd.f32 $1.000000000e+00, v1  }
0x1bc: {  	v15 =	vadd.f32 v16, v20;
	v20 =	vld [tilespmem:s20+$0x70];
	(erf) = vrcp.f32 v4;
	v4 =	vmul.f32 $1.442695020e+00, v10  }
0x1bd: {  	v10 =	vadd.f32 v23, v25;
	(erf) = vrcp.f32 v1;
	v1 =	vmul.f32 $1.442695020e+00, v2;
	v2 =	vld [tilespmem:s5+$0xFFFFFFF0]  }
0x1be: {  	v7 =	vand.u32 $0xFFFF0000, v7;
	v8 =	vand.u32 $0xFFFF0000, v8;
	v16 =	vld [tilespmem:s5+$0xFFFFFFB0];
	v23 =	vand.u32 $0xFFFF0000, v6  }
0x1bf: {  	v10 =	vsub.f32 $0.0e+00, v10;
	(erf) = vpow2.f32 v4;
	v4 =	vsub.f32 $0.0e+00, v15  }
0x1c0: {  	v24 =	vld [tilespmem:s5+$0x30];
	(erf) = vpow2.f32 v1;
	v1 =	vand.u32 $0xFFFF0000, v18;
	v18 =	vshll.u32 v3, $0x10  }
0x1c1: {  	v26 =	vld [tilespmem:s5+$0x70];
	v6 =	vand.u32 $0xFFFF0000, v22;
	v22 =	vshll.u32 v5, $0x10;
	v27 =	vshll.u32 v21, $0x10;
	v15 =	vpop (erf)  }
0x1c2: {  	v10 =	vmul.f32 $1.442695020e+00, v10;
	v25 =	vpop (erf);
	v4 =	vmul.f32 $1.442695020e+00, v4;
	v22 =	vadd.f32 v22, v2  }
0x1c3: {  	v28 =	vshll.u32 v20, $0x10;
	v30 =	vadd.f32 $1.000000000e+00, v15;
	v16 =	vadd.f32 v18, v16;
	v18 =	vpop (erf)  }
0x1c4: {  	s20 =	simm.s32 $0x2300;
	v12 =	vmul.f32 v12, v25;
	v2 =	vand.u32 $0xFFFF0000, v3;
	v29 =	vpop (erf);
	v15 =	vsub.f32 $0.0e+00, v22  }
0x1c5: {  	s22 =	simm.s32 $0x4300;
	v3 =	vsub.f32 $0.0e+00, v16;
	(erf) = vpow2.f32 v4;
	v16 =	vadd.f32 v27, v24;
	v31 =	vpop (erf);
	v22 =	vld [tilespmem:s20+$0x80]  }
0x1c6: {  	v24 =	vadd.f32 v28, v26;
	v9 =	vmul.f32 v9, v18;
	v4 =	vpop (erf);
	v25 =	vmul.f32 $1.442695020e+00, v15;
	v15 =	vld [tilespmem:s22+$0x80]  }
0x1c7: {  	[tilespmem:s17+$0xFFFFFF10] =	vst v12;
	(erf) = vpow2.f32 v10;
	v3 =	vmul.f32 $1.442695020e+00, v3;
	v12 =	vsub.f32 $0.0e+00, v16;
	v16 =	vld [tilespmem:s22+$0xC0];
	v18 =	vpop (erf)  }
0x1c8: {  	v19 =	vmul.f32 v19, v29;
	v24 =	vsub.f32 $0.0e+00, v24;
	[tilespmem:s17+$0xFFFFFF50] =	vst v9;
	v9 =	vld [tilespmem:s20+$0xC0];
	v26 =	vmul.f32 v7, v31;
	v10 =	vpop (erf)  }
0x1c9: {  	(erf) = vpow2.f32 v3;
	v7 =	vmul.f32 $1.442695020e+00, v12;
	v3 =	vadd.f32 $1.000000000e+00, v10;
	v10 =	vpop (erf)  }
0x1ca: {  	v27 =	vmul.f32 v8, v4;
	(erf) = vpow2.f32 v25;
	v10 =	vadd.f32 $1.000000000e+00, v10  }
0x1cb: {  	v25 =	vld [tilespmem:s24+$0xFFFFFF20];
	(erf) = vrcp.f32 v3;
	v3 =	vand.u32 $0xFFFF0000, v5;
	v5 =	vshll.u32 v15, $0x10  }
0x1cc: {  	(erf) = vrcp.f32 v10;
	v10 =	vshll.u32 v16, $0x10;
	v22 =	vadd.f32 v5, v22  }
0x1cd: {  	v35 =	vld [tilespmem:s20+$0xFFFFFF80];
	v4 =	vand.u32 $0xFFFF0000, v21;
	v8 =	vmul.f32 $1.442695020e+00, v24;
	v9 =	vadd.f32 v10, v9  }
0x1ce: {  	v12 =	vld [tilespmem:s24+$0xFFFFFF60];
	v28 =	vmul.f32 v23, v18;
	v18 =	vpop (erf);
	v5 =	vand.u32 $0xFFFF0000, v20;
	v22 =	vsub.f32 $0.0e+00, v22  }
0x1cf: {  	v21 =	vld [tilespmem:s22+$0xFFFFFF00];
	v18 =	vadd.f32 $1.000000000e+00, v18;
	(erf) = vpow2.f32 v7;
	v32 =	vsub.f32 $0.0e+00, v9  }
0x1d0: {  	v24 =	vld [tilespmem:s22+$0xFFFFFF40];
	v29 =	vshll.u32 v25, $0x10;
	(erf) = vpow2.f32 v8;
	v22 =	vmul.f32 $1.442695020e+00, v22  }
0x1d1: {  	v20 =	vld [tilespmem:s22+$0xFFFFFF80];
	v7 =	vpop (erf);
	v10 =	vand.u32 $0xFFFF0000, v25;
	(erf) = vrcp.f32 v18;
	v25 =	vmul.f32 $1.442695020e+00, v32  }
0x1d2: {  	v13 =	vand.u32 $0xFFFF0000, v13;
	v18 =	vld [tilespmem:s20+$0xFFFFFF40];
	v8 =	vpop (erf)  }
0x1d3: {  	v23 =	vld [tilespmem:s22+$0xFFFFFFC0];
	v33 =	vshll.u32 v12, $0x10;
	v9 =	vand.u32 $0xFFFF0000, v12;
	v12 =	vpop (erf);
	(erf) = vpow2.f32 v22  }
0x1d4: {  	v14 =	vand.u32 $0xFFFF0000, v14;
	v58 =	vshll.u32 v21, $0x10;
	v22 =	vpop (erf);
	(erf) = vpow2.f32 v25  }
0x1d5: {  	v36 =	vld [tilespmem:s20+$0xFFFFFFC0];
	v13 =	vmul.f32 v13, v22;
	v25 =	vpop (erf);
	v22 =	vand.u32 $0xFFFF0000, v21;
	v21 =	vshll.u32 v24, $0x10  }
0x1d6: {  	v34 =	vld [tilespmem:s22+$0x40];
	v38 =	vmul.f32 v14, v25;
	v25 =	vand.u32 $0xFFFF0000, v24;
	v24 =	vshll.u32 v20, $0x10  }
0x1d7: {  	v39 =	vld [tilespmem:s20+$0xFFFFFF00];
	v18 =	vadd.f32 v21, v18  }
0x1d8: {  	v31 =	vld [tilespmem:s22+$0x0];
	v21 =	vshll.u32 v23, $0x10;
	v14 =	vand.u32 $0xFFFF0000, v23;
	v23 =	vpop (erf);
	[tilespmem:s17+$0xA0] =	vst v13;
	v35 =	vadd.f32 v24, v35  }
0x1d9: {  	v17 =	vand.u32 $0xFFFF0000, v17;
	v37 =	vld [tilespmem:s20+$0x0];
	[tilespmem:s17+$0xE0] =	vst v38;
	v18 =	vsub.f32 $0.0e+00, v18;
	v24 =	vpop (erf)  }
0x1da: {  	[tilespmem:s17+$0xFFFFFFD0] =	vst v26;
	(erf) = vrcp.f32 v30;
	v21 =	vadd.f32 v21, v36;
	v13 =	vld [tilespmem:s24+$0xF0];
	v35 =	vsub.f32 $0.0e+00, v35;
	v26 =	vpop (erf)  }
0x1db: {  	v30 =	vld [tilespmem:s21+$0xF0];
	v61 =	vmul.f32 $1.442695020e+00, v18;
	v18 =	vmul.f32 v17, v26  }
0x1dc: {  	v40 =	vld [tilespmem:s20+$0x40];
	[tilespmem:s17+$0x50] =	vst v28;
	v17 =	vsub.f32 $0.0e+00, v21;
	v21 =	vadd.f32 v58, v39;
	v28 =	vmul.f32 $1.442695020e+00, v35;
	v62 =	vpop (erf)  }
0x1dd: {  	v59 =	vshll.u32 v31, $0x10;
	(erf) = vpow2.f32 v61;
	v32 =	vadd.f32 $1.000000000e+00, v62  }
0x1de: {  	v60 =	vadd.f32 v59, v37;
	v21 =	vsub.f32 $0.0e+00, v21;
	v42 =	vpop (erf);
	(erf) = vpow2.f32 v28  }
0x1df: {  	v45 =	vld [tilespmem:s21+$0xFFFFFF20];
	[tilespmem:s17+$0x10] =	vst v27;
	v43 =	vshll.u32 v13, $0x10;
	v28 =	vadd.f32 $1.000000000e+00, v42;
	(erf) = vrcp.f32 v32  }
0x1e0: {  	[tilespmem:s17+$0xFFFFFF90] =	vst v19;
	v19 =	vshll.u32 v34, $0x10;
	v63 =	vld [tilespmem:s24+$0x20];
	v30 =	vadd.f32 v43, v30;
	v21 =	vmul.f32 $1.442695020e+00, v21  }
0x1e1: {  	v19 =	vadd.f32 v19, v40;
	v36 =	vsub.f32 $0.0e+00, v60;
	v26 =	vld [tilespmem:s24+$0xFFFFFFE0];
	(erf) = vrcp.f32 v28  }
0x1e2: {  	v17 =	vmul.f32 $1.442695020e+00, v17;
	v28 =	vsub.f32 $0.0e+00, v30;
	(erf) = vpow2.f32 v21;
	v21 =	vld [tilespmem:s21+$0xFFFFFFE0]  }
0x1e3: {  	v19 =	vsub.f32 $0.0e+00, v19;
	v48 =	vand.u32 $0xFFFF0000, v31;
	v31 =	vld [tilespmem:s21+$0x20];
	v30 =	vmul.f32 $1.442695020e+00, v36  }
0x1e4: {  	(erf) = vpow2.f32 v17;
	v17 =	vmul.f32 $1.442695020e+00, v28  }
0x1e5: {  	v19 =	vmul.f32 $1.442695020e+00, v19;
	v49 =	vpop (erf);
	(erf) = vpow2.f32 v30  }
0x1e6: {  	v46 =	vld [tilespmem:s21+$0xFFFFFF60];
	v29 =	vadd.f32 v29, v45;
	(erf) = vpow2.f32 v17;
	v17 =	vshll.u32 v26, $0x10;
	v51 =	vpop (erf)  }
0x1e7: {  	v27 =	vld [tilespmem:s24+$0xFFFFFFA0];
	(erf) = vpow2.f32 v19;
	v19 =	vshll.u32 v63, $0x10;
	v17 =	vadd.f32 v17, v21;
	v21 =	vpop (erf)  }
0x1e8: {  	v47 =	vld [tilespmem:s21+$0xFFFFFFA0];
	v15 =	vand.u32 $0xFFFF0000, v15;
	v29 =	vsub.f32 $0.0e+00, v29;
	v19 =	vadd.f32 v19, v31;
	v31 =	vpop (erf)  }
0x1e9: {  	v15 =	vmul.f32 v15, v31  }
0x1ea: {  	v44 =	vld [tilespmem:s24+$0x60]  }
0x1eb: {  	v50 =	vld [tilespmem:s21+$0x60];
	v16 =	vand.u32 $0xFFFF0000, v16;
	v53 =	vmul.f32 $1.442695020e+00, v29;
	v32 =	vadd.f32 v33, v46;
	v31 =	vpop (erf)  }
0x1ec: {  	s23 =	simm.s32 $0x6300;
	v30 =	vshll.u32 v27, $0x10;
	v33 =	vadd.f32 $1.000000000e+00, v51;
	v16 =	vmul.f32 v16, v31;
	v29 =	vpop (erf)  }
0x1ed: {  	v30 =	vadd.f32 v30, v47;
	v21 =	vadd.f32 $1.000000000e+00, v21;
	[tilespmem:s23+$0x80] =	vst v15;
	v15 =	vpop (erf)  }
0x1ee: {  	(erf) = vrcp.f32 v33;
	v29 =	vadd.f32 $1.000000000e+00, v29;
	v15 =	vadd.f32 $1.000000000e+00, v15  }
0x1ef: {  	v52 =	vshll.u32 v44, $0x10;
	v32 =	vsub.f32 $0.0e+00, v32;
	(erf) = vrcp.f32 v21;
	[tilespmem:s23+$0xC0] =	vst v16  }
0x1f0: {  	v36 =	vadd.f32 v52, v50;
	v30 =	vsub.f32 $0.0e+00, v30;
	v54 =	vld [tilespmem:s20+$0x90];
	v16 =	vpop (erf);
	(erf) = vrcp.f32 v29  }
0x1f1: {  	v32 =	vmul.f32 $1.442695020e+00, v32;
	v31 =	vsub.f32 $0.0e+00, v19;
	v21 =	vld [tilespmem:s22+$0x90];
	v16 =	vadd.f32 $1.000000000e+00, v16;
	v19 =	vpop (erf)  }
0x1f2: {  	v17 =	vsub.f32 $0.0e+00, v17;
	v29 =	vld [tilespmem:s22+$0xD0];
	(erf) = vrcp.f32 v15;
	v19 =	vadd.f32 $1.000000000e+00, v19;
	v15 =	vpop (erf)  }
0x1f3: {  	v30 =	vmul.f32 $1.442695020e+00, v30;
	v56 =	vld [tilespmem:s20+$0xD0];
	(erf) = vrcp.f32 v16;
	v15 =	vadd.f32 $1.000000000e+00, v15  }
0x1f4: {  	v55 =	vmul.f32 $1.442695020e+00, v17;
	v17 =	vand.u32 $0xFFFF0000, v26;
	(erf) = vrcp.f32 v19  }
0x1f5: {  	v16 =	vsub.f32 $0.0e+00, v36;
	v19 =	vand.u32 $0xFFFF0000, v27;
	(erf) = vrcp.f32 v15  }
0x1f6: {  	v27 =	vmul.f32 $1.442695020e+00, v31;
	v26 =	vshll.u32 v21, $0x10;
	(erf) = vpow2.f32 v53  }
0x1f7: {  	v31 =	vpop (erf);
	v57 =	vshll.u32 v29, $0x10;
	v33 =	vadd.f32 v26, v54;
	(erf) = vpow2.f32 v32  }
0x1f8: {  	v16 =	vmul.f32 $1.442695020e+00, v16;
	v32 =	vadd.f32 v57, v56;
	(erf) = vpow2.f32 v30;
	v30 =	vpop (erf)  }
0x1f9: {  	v25 =	vmul.f32 v25, v31;
	v31 =	vsub.f32 $0.0e+00, v33;
	(erf) = vpow2.f32 v55;
	v58 =	vpop (erf)  }
0x1fa: {  	(erf) = vpow2.f32 v27;
	v22 =	vmul.f32 v22, v58;
	v27 =	vsub.f32 $0.0e+00, v32  }
0x1fb: {  	v59 =	vpop (erf);
	(erf) = vpow2.f32 v16  }
0x1fc: {  	v20 =	vand.u32 $0xFFFF0000, v20;
	v16 =	vmul.f32 $1.442695020e+00, v31;
	[tilespmem:s23+$0xFFFFFF00] =	vst v22;
	v22 =	vmul.f32 $1.442695020e+00, v27  }
0x1fd: {  	v7 =	vadd.f32 $1.000000000e+00, v7;
	v8 =	vadd.f32 $1.000000000e+00, v8;
	[tilespmem:s23+$0xFFFFFF40] =	vst v25;
	v20 =	vmul.f32 v20, v30;
	v25 =	vpop (erf)  }
0x1fe: {  	v28 =	vand.u32 $0xFFFF0000, v34;
	v14 =	vmul.f32 v14, v59;
	(erf) = vpow2.f32 v16;
	v27 =	vpop (erf)  }
0x1ff: {  	v30 =	vadd.f32 $1.000000000e+00, v23;
	[tilespmem:s23+$0xFFFFFF80] =	vst v20;
	v20 =	vmul.f32 v48, v25;
	(erf) = vpow2.f32 v22;
	v60 =	vpop (erf)  }
0x200: {  	v31 =	vadd.f32 $1.000000000e+00, v24;
	v23 =	vld [tilespmem:s22+$0xFFFFFF10];
	[tilespmem:s23+$0xFFFFFFC0] =	vst v14;
	(erf) = vrcp.f32 v7;
	v22 =	vpop (erf);
	v14 =	vmul.f32 v28, v60  }
0x201: {  	v7 =	vld [tilespmem:s22+$0xFFFFFF50];
	v24 =	vadd.f32 $1.000000000e+00, v22;
	v25 =	vpop (erf);
	v22 =	vmul.f32 v6, v49;
	v6 =	vand.u32 $0xFFFF0000, v13  }
0x202: {  	v16 =	vld [tilespmem:s24+$0xB0];
	[tilespmem:s23+$0x0] =	vst v20;
	v20 =	vmul.f32 v6, v27;
	v6 =	vadd.f32 $1.000000000e+00, v25  }
0x203: {  	(erf) = vrcp.f32 v8;
	v8 =	vld [tilespmem:s22+$0xFFFFFF90];
	v13 =	vpop (erf)  }
0x204: {  	v12 =	vadd.f32 $1.000000000e+00, v12;
	v50 =	vld [tilespmem:s20+$0xFFFFFF50];
	[tilespmem:s23+$0x40] =	vst v14;
	(erf) = vrcp.f32 v24;
	v14 =	vpop (erf)  }
0x205: {  	v52 =	vld [tilespmem:s20+$0xFFFFFF90];
	v61 =	vshll.u32 v23, $0x10;
	v25 =	vand.u32 $0xFFFF0000, v23;
	v13 =	vadd.f32 $1.000000000e+00, v13;
	v23 =	vpop (erf)  }
0x206: {  	v21 =	vand.u32 $0xFFFF0000, v21;
	v24 =	vld [tilespmem:s22+$0xFFFFFFD0];
	v49 =	vshll.u32 v7, $0x10;
	(erf) = vrcp.f32 v6;
	v6 =	vpop (erf)  }
0x207: {  	v28 =	vand.u32 $0xFFFF0000, v7;
	v14 =	vadd.f32 $1.000000000e+00, v14;
	(erf) = vrcp.f32 v13;
	v13 =	vld [tilespmem:s20+$0xFFFFFF10];
	v7 =	vpop (erf)  }
0x208: {  	v62 =	vld [tilespmem:s22+$0x10];
	v51 =	vshll.u32 v8, $0x10;
	v27 =	vand.u32 $0xFFFF0000, v8;
	v8 =	vadd.f32 $1.000000000e+00, v7  }
0x209: {  	v26 =	vand.u32 $0xFFFF0000, v44;
	v15 =	vand.u32 $0xFFFF0000, v63;
	v23 =	vadd.f32 $1.000000000e+00, v23  }
0x20a: {  	v41 =	vld [tilespmem:s20+$0xFFFFFFD0];
	v48 =	vshll.u32 v16, $0x10;
	v56 =	vadd.f32 v49, v50;
	(erf) = vrcp.f32 v14;
	v7 =	vpop (erf)  }
0x20b: {  	v63 =	vld [tilespmem:s22+$0x50];
	v58 =	vadd.f32 v51, v52;
	(erf) = vrcp.f32 v23;
	v54 =	vadd.f32 $1.000000000e+00, v7;
	v7 =	vpop (erf)  }
0x20c: {  	v43 =	vld [tilespmem:s20+$0x10];
	v6 =	vadd.f32 $1.000000000e+00, v6;
	(erf) = vrcp.f32 v8;
	v13 =	vadd.f32 v61, v13;
	v8 =	vpop (erf)  }
0x20d: {  	v53 =	vshll.u32 v24, $0x10;
	v42 =	vshll.u32 v62, $0x10;
	(erf) = vrcp.f32 v54;
	v57 =	vpop (erf)  }
0x20e: {  	(erf) = vrcp.f32 v6;
	v6 =	vsub.f32 $0.0e+00, v13;
	v10 =	vmul.f32 v10, v57  }
0x20f: {  	v55 =	vld [tilespmem:s20+$0x50];
	v60 =	vadd.f32 v53, v41;
	v59 =	vpop (erf);
	(erf) = vrcp.f32 v12;
	v12 =	vsub.f32 $0.0e+00, v56  }
0x210: {  	v13 =	vld [tilespmem:s21+$0xB0];
	v9 =	vmul.f32 v9, v59;
	v6 =	vmul.f32 $1.442695020e+00, v6;
	[tilespmem:s17+$0xFFFFFF20] =	vst v10;
	v10 =	vsub.f32 $0.0e+00, v58  }
0x211: {  	v23 =	vand.u32 $0xFFFF0000, v62;
	v44 =	vshll.u32 v63, $0x10;
	v61 =	vadd.f32 v42, v43  }
0x212: {  	v33 =	vsub.f32 $0.0e+00, v60;
	v12 =	vmul.f32 $1.442695020e+00, v12;
	[tilespmem:s17+$0xFFFFFF60] =	vst v9;
	v9 =	vmul.f32 $1.442695020e+00, v10  }
0x213: {  	v14 =	vand.u32 $0xFFFF0000, v63;
	v62 =	vpop (erf);
	(erf) = vpow2.f32 v6;
	v10 =	vsub.f32 $0.0e+00, v61  }
0x214: {  	v32 =	vadd.f32 v44, v55;
	v33 =	vmul.f32 $1.442695020e+00, v33;
	v63 =	vld [tilespmem:s24+$0xFFFFFF30];
	v6 =	vpop (erf);
	(erf) = vpow2.f32 v12  }
0x215: {  	v40 =	vld [tilespmem:s24+$0xFFFFFF70];
	v12 =	vadd.f32 v48, v13;
	v13 =	vpop (erf);
	v10 =	vmul.f32 $1.442695020e+00, v10;
	(erf) = vpow2.f32 v9  }
0x216: {  	v32 =	vsub.f32 $0.0e+00, v32;
	v41 =	vld [tilespmem:s21+$0xFFFFFF30];
	(erf) = vpow2.f32 v33;
	v9 =	vpop (erf)  }
0x217: {  	v29 =	vand.u32 $0xFFFF0000, v29;
	v42 =	vld [tilespmem:s21+$0xFFFFFF70];
	(erf) = vpow2.f32 v10;
	v9 =	vmul.f32 v21, v9;
	v21 =	vpop (erf)  }
0x218: {  	v32 =	vmul.f32 $1.442695020e+00, v32;
	v21 =	vmul.f32 v29, v21;
	v29 =	vsub.f32 $0.0e+00, v12  }
0x219: {  	v6 =	vmul.f32 v17, v6;
	v13 =	vmul.f32 v15, v13;
	[tilespmem:s23+$0x90] =	vst v9  }
0x21a: {  	v10 =	vmul.f32 v19, v62;
	v19 =	vpop (erf);
	(erf) = vpow2.f32 v32;
	v9 =	vshll.u32 v63, $0x10;
	[tilespmem:s23+$0xD0] =	vst v21  }
0x21b: {  	v12 =	vpop (erf);
	v15 =	vmul.f32 v26, v19;
	v21 =	vshll.u32 v40, $0x10;
	v9 =	vadd.f32 v9, v41;
	v19 =	vld [tilespmem:s22+$0xE0]  }
0x21c: {  	(erf) = vrcp.f32 v30;
	v26 =	vmul.f32 $1.442695020e+00, v29;
	v17 =	vld [tilespmem:s22+$0xA0];
	v21 =	vadd.f32 v21, v42;
	v29 =	vpop (erf)  }
0x21d: {  	[tilespmem:s17+$0xFFFFFFE0] =	vst v6;
	(erf) = vrcp.f32 v31;
	v6 =	vsub.f32 $0.0e+00, v9;
	v9 =	vld [tilespmem:s20+$0xE0];
	v29 =	vadd.f32 $1.000000000e+00, v29;
	v30 =	vpop (erf)  }
0x21e: {  	[tilespmem:s17+$0xFFFFFFA0] =	vst v10;
	v43 =	vld [tilespmem:s20+$0xA0];
	(erf) = vpow2.f32 v26;
	v21 =	vsub.f32 $0.0e+00, v21;
	v26 =	vadd.f32 $1.000000000e+00, v30;
	v30 =	vpop (erf)  }
0x21f: {  	[tilespmem:s17+$0x60] =	vst v15;
	(erf) = vrcp.f32 v29;
	v29 =	vmul.f32 $1.442695020e+00, v6;
	v6 =	vadd.f32 $1.000000000e+00, v30;
	v15 =	vpop (erf)  }
0x220: {  	v48 =	vld [tilespmem:s21+$0xFFFFFFB0];
	(erf) = vrcp.f32 v26;
	v26 =	vmul.f32 $1.442695020e+00, v21;
	v45 =	vshll.u32 v19, $0x10;
	v46 =	vpop (erf)  }
0x221: {  	[tilespmem:s17+$0x20] =	vst v13;
	v31 =	vld [tilespmem:s24+$0xFFFFFFB0];
	(erf) = vrcp.f32 v6;
	v6 =	vand.u32 $0xFFFF0000, v16;
	v16 =	vadd.f32 $1.000000000e+00, v46  }
0x222: {  	v33 =	vld [tilespmem:s24+$0x30];
	v21 =	vshll.u32 v17, $0x10;
	v44 =	vadd.f32 $1.000000000e+00, v15;
	v9 =	vadd.f32 v45, v9  }
0x223: {  	v30 =	vld [tilespmem:s24+$0xFFFFFFF0];
	v21 =	vadd.f32 v21, v43  }
0x224: {  	v24 =	vand.u32 $0xFFFF0000, v24;
	v13 =	vand.u32 $0xFFFF0000, v40;
	v49 =	vld [tilespmem:s21+$0xFFFFFFF0];
	v47 =	vpop (erf);
	(erf) = vrcp.f32 v44  }
0x225: {  	v52 =	vld [tilespmem:s21+$0x30];
	v32 =	vadd.f32 $1.000000000e+00, v47;
	v21 =	vsub.f32 $0.0e+00, v21;
	(erf) = vrcp.f32 v16;
	v16 =	vpop (erf)  }
0x226: {  	v10 =	vand.u32 $0xFFFF0000, v63;
	v15 =	vld [tilespmem:s24+$0x70];
	v51 =	vshll.u32 v31, $0x10;
	v50 =	vsub.f32 $0.0e+00, v9;
	v9 =	vpop (erf)  }
0x227: {  	v54 =	vld [tilespmem:s21+$0x70];
	v55 =	vshll.u32 v33, $0x10;
	v21 =	vmul.f32 $1.442695020e+00, v21;
	(erf) = vrcp.f32 v32;
	v57 =	vpop (erf)  }
0x228: {  	[tilespmem:s16+$0xF0] =	vst v11;
	v11 =	vadd.f32 v51, v48;
	v53 =	vshll.u32 v30, $0x10;
	v36 =	vmul.f32 $1.442695020e+00, v50;
	v58 =	vpop (erf)  }
0x229: {  	[tilespmem:s16+$0xFFFFFF30] =	vst v18;
	v18 =	vadd.f32 v53, v49;
	(erf) = vpow2.f32 v21;
	v25 =	vmul.f32 v25, v58  }
0x22a: {  	[tilespmem:s16+$0xB0] =	vst v22;
	v60 =	vadd.f32 v55, v52;
	v22 =	vsub.f32 $0.0e+00, v11;
	(erf) = vpow2.f32 v36  }
0x22b: {  	v11 =	vand.u32 $0xFFFF0000, v31;
	v56 =	vshll.u32 v15, $0x10;
	v18 =	vsub.f32 $0.0e+00, v18;
	v59 =	vpop (erf)  }
0x22c: {  	[tilespmem:s17+$0xF0] =	vst v20;
	v61 =	vadd.f32 v56, v54;
	v21 =	vadd.f32 $1.000000000e+00, v57;
	v32 =	vmul.f32 v28, v59  }
0x22d: {  	(erf) = vpow2.f32 v29;
	v28 =	vmul.f32 $1.442695020e+00, v22;
	v22 =	vsub.f32 $0.0e+00, v60;
	[tilespmem:s23+$0xFFFFFF10] =	vst v25;
	v25 =	vpop (erf)  }
0x22e: {  	v63 =	vsub.f32 $0.0e+00, v61;
	v31 =	vmul.f32 $1.442695020e+00, v18;
	[tilespmem:s23+$0xFFFFFF50] =	vst v32;
	v62 =	vmul.f32 v27, v25;
	v20 =	vpop (erf)  }
0x22f: {  	s19 =	simm.s32 $0x2500;
	s5 =	simm.s32 $0x4300;
	v25 =	vld [tilespmem:s22+$0xFFFFFF20];
	v27 =	vmul.f32 $1.442695020e+00, v22;
	v29 =	vmul.f32 v24, v20;
	v18 =	vpop (erf);
	v20 =	vand.u32 $0xFFFF0000, v30  }
0x230: {  	s3 =	sor.u32 $0x80, s1;
	s21 =	simm.s32 $0x8;
	s24 =	simm.s32 $0x6300;
	v24 =	vld [tilespmem:s22+$0xFFFFFF60];
	[tilespmem:s23+$0xFFFFFF90] =	vst v62;
	v30 =	vmul.f32 v23, v18;
	v32 =	vpop (erf);
	v18 =	vand.u32 $0xFFFF0000, v33;
	v23 =	vmul.f32 $1.442695020e+00, v63  }
.LBB2_8:
0x231: {  	v33 =	vld [tilespmem:s19+$0x80];
	[tilespmem:s23+$0xFFFFFFD0] =	vst v29;
	v32 =	vmul.f32 v14, v32;
	s22 =	sadd.s32 $0x200, s22;
	v14 =	vand.u32 $0xFFFF0000, v15;
	(erf) = vpow2.f32 v26  }
0x232: {  	v7 =	vmul.f32 v1, v7;
	v1 =	vmov v13;
	v15 =	vld [tilespmem:s22+$0x80];
	[tilespmem:s23+$0x10] =	vst v30;
	v26 =	vpop (erf);
	(erf) = vpow2.f32 v28  }
0x233: {  	v8 =	vmul.f32 v2, v8;
	v22 =	vld [tilespmem:s22+$0xC0];
	[tilespmem:s23+$0x50] =	vst v32;
	v28 =	vadd.f32 $1.000000000e+00, v26;
	v29 =	vpop (erf);
	(erf) = vpow2.f32 v31  }
0x234: {  	v2 =	vmovc v11;
	v31 =	vld [tilespmem:s19+$0xC0];
	v26 =	vshll.u32 v25, $0x10;
	v13 =	vand.u32 $0xFFFF0000, v25;
	v25 =	vadd.f32 $1.000000000e+00, v29;
	[tilespmem:s16+$0xFFFFFF70] =	vst v7  }
0x235: {  	v7 =	vld [tilespmem:s22+$0xFFFFFF00];
	v30 =	vshll.u32 v24, $0x10;
	v11 =	vand.u32 $0xFFFF0000, v24;
	(erf) = vrcp.f32 v28;
	[tilespmem:s16+$0xFFFFFFB0] =	vst v8  }
0x236: {  	v12 =	vmul.f32 v3, v12;
	v3 =	vmov v20;
	v8 =	vld [tilespmem:s22+$0xFFFFFF40];
	(erf) = vrcp.f32 v25;
	v24 =	vpop (erf)  }
0x237: {  	s21 =	sadd.s32 $0x4, s21;
	v28 =	vld [tilespmem:s22+$0xFFFFFF80];
	v20 =	vshll.u32 v15, $0x10;
	v24 =	vadd.f32 $1.000000000e+00, v24;
	(erf) = vpow2.f32 v27  }
0x238: {  	p2 =	slt.u32 s21, $0x1C;
	v27 =	vld [tilespmem:s22+$0xFFFFFFC0];
	v25 =	vshll.u32 v22, $0x10;
	v32 =	vadd.f32 v20, v33;
	(erf) = vpow2.f32 v23;
	[tilespmem:s16+$0xFFFFFFF0] =	vst v12  }
0x239: {  	v16 =	vmul.f32 v4, v16;
	v4 =	vmovc v18;
	v12 =	vld [tilespmem:s22+$0x0];
	v35 =	vadd.f32 v25, v31;
	(erf) = vrcp.f32 v24  }
0x23a: {  	v31 =	vshll.u32 v7, $0x10;
	v7 =	vand.u32 $0xFFFF0000, v7;
	v29 =	vld [tilespmem:s22+$0x40];
	v18 =	vsub.f32 $0.0e+00, v32;
	v20 =	vpop (erf)  }
0x23b: {  	v32 =	vld [tilespmem:s19+$0xFFFFFF40];
	v33 =	vshll.u32 v8, $0x10;
	v23 =	vand.u32 $0xFFFF0000, v8;
	v34 =	vsub.f32 $0.0e+00, v35;
	v25 =	vpop (erf);
	[tilespmem:s16+$0x30] =	vst v16  }
0x23c: {  	v16 =	vld [tilespmem:s19+$0xFFFFFF80];
	v35 =	vshll.u32 v28, $0x10;
	v24 =	vand.u32 $0xFFFF0000, v28;
	v39 =	vmul.f32 $1.442695020e+00, v18;
	v28 =	vpop (erf)  }
0x23d: {  	v36 =	vld [tilespmem:s19+$0xFFFFFFC0];
	v37 =	vshll.u32 v27, $0x10;
	v8 =	vand.u32 $0xFFFF0000, v27;
	v27 =	vmul.f32 $1.442695020e+00, v34  }
0x23e: {  	v17 =	vand.u32 $0xFFFF0000, v17;
	v34 =	vld [tilespmem:s19+$0x0];
	v38 =	vshll.u32 v12, $0x10;
	(erf) = vpow2.f32 v39;
	v18 =	vpop (erf)  }
0x23f: {  	v41 =	vand.u32 $0xFFFF0000, v19;
	v39 =	vld [tilespmem:s19+$0x40];
	(erf) = vpow2.f32 v27;
	v17 =	vmul.f32 v17, v18;
	v18 =	vpop (erf)  }
0x240: {  	v40 =	vld [tilespmem:s19+$0xFFFFFF00];
	v27 =	vadd.f32 v33, v32;
	v32 =	vshll.u32 v29, $0x10;
	v41 =	vmul.f32 v41, v18;
	v19 =	vpop (erf)  }
0x241: {  	v18 =	vand.u32 $0xFFFF0000, v12;
	v12 =	vand.u32 $0xFFFF0000, v29;
	v16 =	vadd.f32 v35, v16;
	v35 =	vld [tilespmem:s5+$0xFFFFFFA0];
	[tilespmem:s23+$0xA0] =	vst v17;
	v29 =	vpop (erf)  }
0x242: {  	v17 =	vsub.f32 $0.0e+00, v27;
	v36 =	vadd.f32 v37, v36;
	v37 =	vld [tilespmem:s5+$0xFFFFFFE0];
	[tilespmem:s23+$0xE0] =	vst v41;
	v33 =	vpop (erf);
	(erf) = vrcp.f32 v21  }
0x243: {  	v16 =	vsub.f32 $0.0e+00, v16;
	v21 =	vadd.f32 v38, v34;
	v27 =	vld [tilespmem:s5+$0xF0];
	v10 =	vmul.f32 v10, v33  }
0x244: {  	v17 =	vmul.f32 $1.442695020e+00, v17;
	v33 =	vsub.f32 $0.0e+00, v36;
	v32 =	vadd.f32 v32, v39;
	v34 =	vld [tilespmem:s20+$0xF0]  }
0x245: {  	v31 =	vadd.f32 v31, v40;
	v39 =	vmul.f32 $1.442695020e+00, v16;
	v21 =	vsub.f32 $0.0e+00, v21;
	v36 =	vld [tilespmem:s5+$0x20];
	[tilespmem:s17+$0xFFFFFF30] =	vst v10  }
0x246: {  	v10 =	vmul.f32 $1.442695020e+00, v33;
	v32 =	vsub.f32 $0.0e+00, v32;
	(erf) = vpow2.f32 v17;
	v17 =	vld [tilespmem:s5+$0x60]  }
0x247: {  	v31 =	vsub.f32 $0.0e+00, v31;
	v21 =	vmul.f32 $1.442695020e+00, v21;
	(erf) = vpow2.f32 v39;
	v16 =	vpop (erf);
	v33 =	vld [tilespmem:s20+$0xFFFFFF20]  }
0x248: {  	v32 =	vmul.f32 $1.442695020e+00, v32;
	v16 =	vadd.f32 $1.000000000e+00, v16;
	v38 =	vpop (erf);
	v39 =	vld [tilespmem:s20+$0xFFFFFF60];
	v40 =	vshll.u32 v27, $0x10  }
0x249: {  	v31 =	vmul.f32 $1.442695020e+00, v31;
	v38 =	vadd.f32 $1.000000000e+00, v38;
	v41 =	vld [tilespmem:s20+$0xFFFFFFA0];
	v34 =	vadd.f32 v40, v34  }
0x24a: {  	v42 =	vshll.u32 v37, $0x10;
	v40 =	vshll.u32 v35, $0x10;
	(erf) = vrcp.f32 v16;
	v16 =	vld [tilespmem:s20+$0xFFFFFFE0]  }
0x24b: {  	v43 =	vshll.u32 v36, $0x10;
	(erf) = vrcp.f32 v38;
	v38 =	vld [tilespmem:s20+$0x20];
	v34 =	vsub.f32 $0.0e+00, v34;
	v44 =	vpop (erf)  }
0x24c: {  	(erf) = vpow2.f32 v31;
	v26 =	vadd.f32 v26, v33;
	v31 =	vld [tilespmem:s20+$0x60];
	v33 =	vshll.u32 v17, $0x10  }
0x24d: {  	(erf) = vpow2.f32 v10;
	v10 =	vadd.f32 v30, v39;
	v30 =	vmul.f32 $1.442695020e+00, v34  }
0x24e: {  	(erf) = vpow2.f32 v21;
	v21 =	vsub.f32 $0.0e+00, v26;
	v26 =	vadd.f32 v40, v41  }
0x24f: {  	v34 =	vpop (erf);
	v10 =	vsub.f32 $0.0e+00, v10;
	v16 =	vadd.f32 v42, v16;
	(erf) = vpow2.f32 v30  }
0x250: {  	v39 =	vadd.f32 $1.000000000e+00, v34;
	v34 =	vpop (erf);
	(erf) = vpow2.f32 v32;
	v32 =	vadd.f32 v43, v38  }
0x251: {  	v38 =	vmul.f32 $1.442695020e+00, v21;
	v34 =	vadd.f32 $1.000000000e+00, v34;
	v21 =	vadd.f32 v33, v31  }
0x252: {  	v26 =	vsub.f32 $0.0e+00, v26;
	v16 =	vsub.f32 $0.0e+00, v16;
	(erf) = vrcp.f32 v39  }
0x253: {  	v15 =	vand.u32 $0xFFFF0000, v15;
	v31 =	vsub.f32 $0.0e+00, v32;
	(erf) = vrcp.f32 v34;
	v30 =	vpop (erf)  }
0x254: {  	v22 =	vand.u32 $0xFFFF0000, v22;
	v21 =	vsub.f32 $0.0e+00, v21;
	v33 =	vmul.f32 v15, v30;
	v30 =	vpop (erf)  }
0x255: {  	s23 =	sadd.s32 $0x200, s23;
	v32 =	vmul.f32 $1.442695020e+00, v10;
	v10 =	vand.u32 $0xFFFF0000, v35;
	v22 =	vmul.f32 v22, v30;
	v30 =	vpop (erf)  }
0x256: {  	v34 =	vmul.f32 $1.442695020e+00, v16;
	v40 =	vadd.f32 $1.000000000e+00, v30;
	[tilespmem:s23+$0x80] =	vst v33;
	v15 =	vpop (erf);
	v33 =	vmul.f32 $1.442695020e+00, v26  }
0x257: {  	v16 =	vadd.f32 $1.000000000e+00, v15;
	[tilespmem:s23+$0xC0] =	vst v22;
	v15 =	vpop (erf);
	v22 =	vmul.f32 $1.442695020e+00, v31;
	v31 =	vmul.f32 $1.442695020e+00, v21  }
0x258: {  	v35 =	vadd.f32 $1.000000000e+00, v15;
	v39 =	vld [tilespmem:s19+$0x90];
	(erf) = vrcp.f32 v40;
	v15 =	vand.u32 $0xFFFF0000, v37;
	v26 =	vpop (erf)  }
0x259: {  	v21 =	vld [tilespmem:s22+$0x90];
	(erf) = vrcp.f32 v16;
	v30 =	vpop (erf);
	v16 =	vand.u32 $0xFFFF0000, v36;
	v36 =	vadd.f32 $1.000000000e+00, v26  }
0x25a: {  	v17 =	vand.u32 $0xFFFF0000, v17;
	v30 =	vadd.f32 $1.000000000e+00, v30;
	v26 =	vld [tilespmem:s22+$0xD0];
	(erf) = vrcp.f32 v35  }
0x25b: {  	v25 =	vadd.f32 $1.000000000e+00, v25;
	v35 =	vld [tilespmem:s19+$0xD0];
	v37 =	vpop (erf);
	(erf) = vrcp.f32 v36;
	v36 =	vadd.f32 $1.000000000e+00, v20  }
0x25c: {  	v28 =	vadd.f32 $1.000000000e+00, v28;
	v20 =	vmul.f32 v23, v37;
	v23 =	vpop (erf);
	(erf) = vrcp.f32 v30  }
0x25d: {  	v19 =	vadd.f32 $1.000000000e+00, v19;
	v23 =	vmul.f32 v24, v23;
	(erf) = vpow2.f32 v38  }
0x25e: {  	[tilespmem:s23+$0xFFFFFF40] =	vst v20;
	v24 =	vshll.u32 v21, $0x10;
	(erf) = vpow2.f32 v32;
	v20 =	vadd.f32 $1.000000000e+00, v29  }
0x25f: {  	[tilespmem:s23+$0xFFFFFF80] =	vst v23;
	v23 =	vshll.u32 v26, $0x10;
	v29 =	vadd.f32 v24, v39;
	(erf) = vpow2.f32 v33  }
0x260: {  	v9 =	vmul.f32 v5, v9;
	v5 =	vmovc v14;
	v30 =	vadd.f32 v23, v35;
	(erf) = vpow2.f32 v34  }
0x261: {  	v6 =	vmul.f32 v6, v44;
	v29 =	vsub.f32 $0.0e+00, v29;
	v24 =	vpop (erf);
	(erf) = vpow2.f32 v22  }
0x262: {  	v7 =	vmul.f32 v7, v24;
	v22 =	vsub.f32 $0.0e+00, v30;
	v23 =	vpop (erf);
	(erf) = vpow2.f32 v31;
	[tilespmem:s16+$0x70] =	vst v9;
	s16 =	smov.u32 s17;
	s17 =	smov.u32 s24;
	s24 =	smov.u32 s23  }
0x263: {  	v23 =	vmul.f32 v8, v23;
	v9 =	vmul.f32 $1.442695020e+00, v29;
	v14 =	vpop (erf);
	[tilespmem:s16+$0xB0] =	vst v6  }
0x264: {  	[tilespmem:s23+$0xFFFFFF00] =	vst v7;
	v24 =	vmul.f32 v18, v14;
	v7 =	vmul.f32 $1.442695020e+00, v22;
	v14 =	vand.u32 $0xFFFF0000, v27;
	v18 =	vpop (erf)  }
0x265: {  	v22 =	vld [tilespmem:s22+$0xFFFFFF10];
	[tilespmem:s23+$0xFFFFFFC0] =	vst v23;
	v8 =	vpop (erf);
	(erf) = vpow2.f32 v9;
	v14 =	vmul.f32 v14, v18  }
0x266: {  	[tilespmem:s23+$0x0] =	vst v24;
	v8 =	vmul.f32 v12, v8;
	(erf) = vpow2.f32 v7;
	v12 =	vld [tilespmem:s20+$0xB0];
	v6 =	vpop (erf)  }
0x267: {  	v18 =	vadd.f32 $1.000000000e+00, v6;
	v6 =	vld [tilespmem:s5+$0xB0];
	[tilespmem:s17+$0xF0] =	vst v14;
	v9 =	vpop (erf);
	(erf) = vrcp.f32 v36  }
0x268: {  	v14 =	vld [tilespmem:s22+$0xFFFFFF50];
	[tilespmem:s23+$0x40] =	vst v8;
	v30 =	vadd.f32 $1.000000000e+00, v9;
	v9 =	vpop (erf);
	(erf) = vrcp.f32 v25  }
0x269: {  	v23 =	vld [tilespmem:s22+$0xFFFFFF90];
	v9 =	vadd.f32 $1.000000000e+00, v9;
	(erf) = vrcp.f32 v18;
	v7 =	vpop (erf)  }
0x26a: {  	v27 =	vshll.u32 v22, $0x10;
	v18 =	vand.u32 $0xFFFF0000, v22;
	v22 =	vld [tilespmem:s22+$0xFFFFFFD0];
	v7 =	vadd.f32 $1.000000000e+00, v7;
	v24 =	vpop (erf)  }
0x26b: {  	v29 =	vld [tilespmem:s22+$0x10];
	v24 =	vadd.f32 $1.000000000e+00, v24;
	(erf) = vrcp.f32 v30;
	v8 =	vpop (erf)  }
0x26c: {  	v30 =	vld [tilespmem:s22+$0x50];
	v31 =	vadd.f32 $1.000000000e+00, v8;
	v32 =	vshll.u32 v6, $0x10;
	(erf) = vrcp.f32 v9  }
0x26d: {  	v9 =	vld [tilespmem:s19+$0xFFFFFF10];
	v33 =	vshll.u32 v14, $0x10;
	v25 =	vand.u32 $0xFFFF0000, v14;
	(erf) = vrcp.f32 v7  }
0x26e: {  	v34 =	vld [tilespmem:s19+$0xFFFFFF50];
	v35 =	vshll.u32 v23, $0x10;
	v23 =	vand.u32 $0xFFFF0000, v23;
	v7 =	vpop (erf);
	(erf) = vrcp.f32 v24  }
0x26f: {  	v36 =	vld [tilespmem:s19+$0xFFFFFF90];
	v37 =	vshll.u32 v22, $0x10;
	v24 =	vand.u32 $0xFFFF0000, v22;
	v42 =	vadd.f32 $1.000000000e+00, v7;
	v7 =	vpop (erf)  }
0x270: {  	v38 =	vld [tilespmem:s19+$0xFFFFFFD0];
	v39 =	vshll.u32 v29, $0x10;
	v22 =	vand.u32 $0xFFFF0000, v29;
	v43 =	vadd.f32 $1.000000000e+00, v7;
	v7 =	vpop (erf)  }
0x271: {  	v40 =	vld [tilespmem:s19+$0x10];
	v41 =	vshll.u32 v30, $0x10;
	v14 =	vand.u32 $0xFFFF0000, v30;
	(erf) = vrcp.f32 v42;
	v8 =	vpop (erf)  }
0x272: {  	v12 =	vadd.f32 v32, v12;
	v9 =	vadd.f32 v27, v9;
	v27 =	vld [tilespmem:s19+$0x50];
	(erf) = vrcp.f32 v43;
	v29 =	vpop (erf)  }
0x273: {  	v30 =	vadd.f32 v33, v34;
	v34 =	vmul.f32 v13, v29;
	(erf) = vrcp.f32 v31  }
0x274: {  	v9 =	vsub.f32 $0.0e+00, v9;
	v29 =	vadd.f32 v35, v36;
	v31 =	vpop (erf);
	(erf) = vrcp.f32 v28  }
0x275: {  	v28 =	vsub.f32 $0.0e+00, v30;
	v30 =	vadd.f32 v37, v38;
	[tilespmem:s17+$0xFFFFFF20] =	vst v34;
	v33 =	vmul.f32 v11, v31;
	v13 =	vpop (erf)  }
0x276: {  	v9 =	vmul.f32 $1.442695020e+00, v9;
	v29 =	vsub.f32 $0.0e+00, v29;
	v31 =	vadd.f32 v39, v40;
	v32 =	vpop (erf)  }
0x277: {  	v28 =	vmul.f32 $1.442695020e+00, v28;
	v30 =	vsub.f32 $0.0e+00, v30;
	v27 =	vadd.f32 v41, v27;
	[tilespmem:s17+$0xFFFFFF60] =	vst v33;
	v11 =	vpop (erf)  }
0x278: {  	v33 =	vmul.f32 $1.442695020e+00, v29;
	v31 =	vsub.f32 $0.0e+00, v31;
	(erf) = vpow2.f32 v9;
	v9 =	vld [tilespmem:s5+$0xFFFFFF30]  }
0x279: {  	v35 =	vmul.f32 $1.442695020e+00, v30;
	v27 =	vsub.f32 $0.0e+00, v27;
	(erf) = vpow2.f32 v28;
	v28 =	vld [tilespmem:s5+$0xFFFFFF70]  }
0x27a: {  	v21 =	vand.u32 $0xFFFF0000, v21;
	v31 =	vmul.f32 $1.442695020e+00, v31;
	(erf) = vpow2.f32 v33;
	v29 =	vpop (erf);
	v33 =	vld [tilespmem:s20+$0xFFFFFF30]  }
0x27b: {  	v26 =	vand.u32 $0xFFFF0000, v26;
	v27 =	vmul.f32 $1.442695020e+00, v27;
	v21 =	vmul.f32 v21, v29;
	v29 =	vpop (erf);
	v34 =	vld [tilespmem:s20+$0xFFFFFF70]  }
0x27c: {  	v26 =	vmul.f32 v26, v29;
	(erf) = vpow2.f32 v35;
	v29 =	vsub.f32 $0.0e+00, v12;
	v30 =	vpop (erf)  }
0x27d: {  	v10 =	vmul.f32 v10, v13;
	[tilespmem:s23+$0x90] =	vst v21;
	(erf) = vpow2.f32 v31;
	v21 =	vshll.u32 v9, $0x10;
	v12 =	vpop (erf)  }
0x27e: {  	v15 =	vmul.f32 v15, v32;
	[tilespmem:s23+$0xD0] =	vst v26;
	(erf) = vpow2.f32 v27;
	v13 =	vshll.u32 v28, $0x10  }
0x27f: {  	v11 =	vmul.f32 v16, v11;
	v16 =	vmul.f32 v17, v30;
	v27 =	vld [tilespmem:s19+$0xA0];
	v31 =	vadd.f32 v21, v33;
	[tilespmem:s17+$0xFFFFFFA0] =	vst v10  }
0x280: {  	v17 =	vld [tilespmem:s22+$0xA0];
	v13 =	vadd.f32 v13, v34;
	[tilespmem:s17+$0xFFFFFFE0] =	vst v15;
	v15 =	vmul.f32 $1.442695020e+00, v29;
	(erf) = vrcp.f32 v19  }
0x281: {  	v10 =	vand.u32 $0xFFFF0000, v9;
	v19 =	vld [tilespmem:s22+$0xE0];
	v26 =	vpop (erf);
	v9 =	vsub.f32 $0.0e+00, v31;
	[tilespmem:s17+$0x20] =	vst v11;
	(erf) = vrcp.f32 v20  }
0x282: {  	v11 =	vadd.f32 $1.000000000e+00, v26;
	v20 =	vld [tilespmem:s19+$0xE0];
	v21 =	vpop (erf);
	v26 =	vsub.f32 $0.0e+00, v13;
	[tilespmem:s17+$0x60] =	vst v16;
	(erf) = vpow2.f32 v15  }
0x283: {  	v13 =	vand.u32 $0xFFFF0000, v28;
	v21 =	vadd.f32 $1.000000000e+00, v21;
	v16 =	vpop (erf);
	v29 =	vmul.f32 $1.442695020e+00, v9;
	v28 =	vld [tilespmem:s5+$0xFFFFFFB0]  }
0x284: {  	v31 =	vadd.f32 $1.000000000e+00, v16;
	(erf) = vrcp.f32 v11;
	v26 =	vmul.f32 $1.442695020e+00, v26;
	v30 =	vld [tilespmem:s5+$0xFFFFFFF0]  }
0x285: {  	v6 =	vand.u32 $0xFFFF0000, v6;
	v11 =	vshll.u32 v17, $0x10;
	(erf) = vrcp.f32 v21;
	v15 =	vpop (erf);
	v33 =	vld [tilespmem:s5+$0x30]  }
0x286: {  	v34 =	vadd.f32 $1.000000000e+00, v15;
	v21 =	vshll.u32 v19, $0x10;
	v11 =	vadd.f32 v11, v27;
	v27 =	vpop (erf);
	v15 =	vld [tilespmem:s5+$0x70];
	s5 =	smov.u32 s22  }
0x287: {  	v27 =	vadd.f32 $1.000000000e+00, v27;
	v20 =	vadd.f32 v21, v20;
	(erf) = vrcp.f32 v31;
	v9 =	vpop (erf);
	v21 =	vld [tilespmem:s20+$0xFFFFFFB0]  }
0x288: {  	v36 =	vadd.f32 $1.000000000e+00, v9;
	v11 =	vsub.f32 $0.0e+00, v11;
	(erf) = vrcp.f32 v34;
	v31 =	vld [tilespmem:s20+$0xFFFFFFF0]  }
0x289: {  	v20 =	vsub.f32 $0.0e+00, v20;
	(erf) = vrcp.f32 v27;
	v27 =	vshll.u32 v28, $0x10;
	v32 =	vld [tilespmem:s20+$0x30];
	v16 =	vpop (erf)  }
0x28a: {  	v34 =	vshll.u32 v30, $0x10;
	v11 =	vmul.f32 $1.442695020e+00, v11;
	(erf) = vrcp.f32 v36;
	v35 =	vld [tilespmem:s20+$0x70];
	v9 =	vpop (erf);
	s20 =	smov.u32 s19  }
0x28b: {  	v36 =	vshll.u32 v33, $0x10;
	v20 =	vmul.f32 $1.442695020e+00, v20;
	v37 =	vshll.u32 v15, $0x10;
	v38 =	vpop (erf)  }
0x28c: {  	(erf) = vpow2.f32 v11;
	v27 =	vadd.f32 v27, v21;
	v21 =	vadd.f32 $1.000000000e+00, v38  }
0x28d: {  	v11 =	vand.u32 $0xFFFF0000, v28;
	v38 =	vpop (erf);
	(erf) = vpow2.f32 v20;
	v20 =	vadd.f32 v34, v31  }
0x28e: {  	v34 =	vmul.f32 v18, v38;
	v28 =	vpop (erf);
	v27 =	vsub.f32 $0.0e+00, v27;
	v31 =	vadd.f32 v36, v32  }
.Ltmp2:
0x28f: {  	v25 =	vmul.f32 v25, v28;
	v20 =	vsub.f32 $0.0e+00, v20;
	v32 =	vadd.f32 v37, v35;
	(pc) =	sbr.rel @p2 .LBB2_8-.Ltmp2, $4  }
0x290: {  	[tilespmem:s23+$0xFFFFFF10] =	vst v34;
	v18 =	vpop (erf);
	v28 =	vmul.f32 $1.442695020e+00, v27;
	v27 =	vsub.f32 $0.0e+00, v31;
	(erf) = vpow2.f32 v29  }
0x291: {  	[tilespmem:s23+$0xFFFFFF50] =	vst v25;
	v18 =	vmul.f32 v23, v18;
	v23 =	vpop (erf);
	v31 =	vmul.f32 $1.442695020e+00, v20;
	v34 =	vsub.f32 $0.0e+00, v32  }
0x292: {  	v20 =	vand.u32 $0xFFFF0000, v30;
	v25 =	vld [tilespmem:s22+$0xFFFFFF20];
	v29 =	vmul.f32 v24, v23;
	v23 =	vpop (erf);
	v27 =	vmul.f32 $1.442695020e+00, v27  }
0x293: {  	s19 =	sadd.s32 $0x200, s19;
	v24 =	vld [tilespmem:s22+$0xFFFFFF60];
	[tilespmem:s23+$0xFFFFFF90] =	vst v18;
	v30 =	vmul.f32 v22, v23;
	v32 =	vpop (erf);
	v18 =	vand.u32 $0xFFFF0000, v33;
	v23 =	vmul.f32 $1.442695020e+00, v34  }
0x294: {  	_ = 	snop  }
0x295: {  	(erf) = vpow2.f32 v26;
	v22 =	vpop (erf)  }
0x296: {  	(erf) = vpow2.f32 v28;
	v22 =	vadd.f32 $1.000000000e+00, v22;
	v26 =	vpop (erf)  }
0x297: {  	(erf) = vpow2.f32 v31;
	v26 =	vadd.f32 $1.000000000e+00, v26  }
0x298: {  	(erf) = vrcp.f32 v22  }
0x299: {  	(erf) = vrcp.f32 v26;
	_ =	sdelay $0x3  }
0x29a: {  	v26 =	vpop (erf)  }
0x29b: {  	v28 =	vpop (erf)  }
0x29c: {  	v31 =	vpop (erf)  }
0x29d: {  	v22 =	vpop (erf)  }
0x29e: {  	v17 =	vand.u32 $0xFFFF0000, v17;
	v33 =	vpop (erf)  }
0x29f: {  	v19 =	vand.u32 $0xFFFF0000, v19;
	v17 =	vmul.f32 v17, v33;
	v44 =	vpop (erf)  }
0x2a0: {  	v19 =	vmul.f32 v19, v44  }
0x2a1: {  	[tilespmem:s23+$0xA0] =	vst v17  }
0x2a2: {  	[tilespmem:s23+$0xE0] =	vst v19  }
0x2a3: {  	v17 =	vld [tilespmem:s5+$0xF0]  }
0x2a4: {  	v19 =	vld [tilespmem:s20+$0xF0];
	_ =	sdelay $0x3  }
0x2a5: {  	v45 =	vshll.u32 v17, $0x10  }
0x2a6: {  	v19 =	vadd.f32 v45, v19;
	_ =	sdelay $0x1  }
0x2a7: {  	v26 =	vadd.f32 $1.000000000e+00, v26;
	(erf) = vpow2.f32 v27;
	v19 =	vsub.f32 $0.0e+00, v19  }
0x2a8: {  	[tilespmem:s23+$0xFFFFFFD0] =	vst v29;
	v14 =	vmul.f32 v14, v32;
	(erf) = vpow2.f32 v23  }
0x2a9: {  	[tilespmem:s23+$0x10] =	vst v30;
	v34 =	vld [tilespmem:s20+$0xFFFFFFA0];
	(erf) = vrcp.f32 v26;
	v19 =	vmul.f32 $1.442695020e+00, v19  }
0x2aa: {  	v36 =	vld [tilespmem:s20+$0xFFFFFFE0];
	[tilespmem:s23+$0x50] =	vst v14;
	(erf) = vrcp.f32 v21  }
0x2ab: {  	v29 =	vld [tilespmem:s5+$0x20];
	(erf) = vpow2.f32 v19  }
0x2ac: {  	v27 =	vld [tilespmem:s20+$0xFFFFFF60]  }
0x2ad: {  	v21 =	vld [tilespmem:s20+$0xFFFFFF20]  }
0x2ae: {  	v46 =	vld [tilespmem:s5+$0x60]  }
0x2af: {  	v23 =	vld [tilespmem:s5+$0xFFFFFFA0]  }
0x2b0: {  	v14 =	vshll.u32 v25, $0x10;
	v26 =	vld [tilespmem:s5+$0xFFFFFFE0];
	v30 =	vpop (erf)  }
0x2b1: {  	v37 =	vld [tilespmem:s20+$0x20];
	v35 =	vshll.u32 v24, $0x10;
	v47 =	vpop (erf)  }
0x2b2: {  	v27 =	vadd.f32 v35, v27;
	v21 =	vadd.f32 v14, v21;
	v19 =	vpop (erf)  }
0x2b3: {  	v39 =	vld [tilespmem:s20+$0x60];
	v41 =	vshll.u32 v29, $0x10;
	v42 =	vshll.u32 v46, $0x10;
	v14 =	vpop (erf)  }
0x2b4: {  	v48 =	vshll.u32 v23, $0x10;
	v27 =	vsub.f32 $0.0e+00, v27;
	v21 =	vsub.f32 $0.0e+00, v21;
	v40 =	vpop (erf)  }
0x2b5: {  	v38 =	vshll.u32 v26, $0x10;
	v34 =	vadd.f32 v48, v34;
	v40 =	vadd.f32 $1.000000000e+00, v40  }
0x2b6: {  	v50 =	vadd.f32 v41, v37;
	v49 =	vadd.f32 v38, v36;
	v21 =	vmul.f32 $1.442695020e+00, v21  }
0x2b7: {  	v27 =	vmul.f32 $1.442695020e+00, v27;
	v34 =	vsub.f32 $0.0e+00, v34;
	(erf) = vrcp.f32 v40  }
0x2b8: {  	v35 =	vsub.f32 $0.0e+00, v49;
	(erf) = vpow2.f32 v21;
	v21 =	vadd.f32 v42, v39  }
0x2b9: {  	v34 =	vmul.f32 $1.442695020e+00, v34;
	(erf) = vpow2.f32 v27;
	v27 =	vsub.f32 $0.0e+00, v50  }
0x2ba: {  	v35 =	vmul.f32 $1.442695020e+00, v35;
	v21 =	vsub.f32 $0.0e+00, v21  }
0x2bb: {  	(erf) = vpow2.f32 v34;
	v27 =	vmul.f32 $1.442695020e+00, v27  }
0x2bc: {  	(erf) = vpow2.f32 v35;
	v21 =	vmul.f32 $1.442695020e+00, v21  }
0x2bd: {  	(erf) = vpow2.f32 v27  }
0x2be: {  	(erf) = vpow2.f32 v21;
	_ =	sdelay $0x1  }
0x2bf: {  	v27 =	vadd.f32 $1.000000000e+00, v28;
	v28 =	vadd.f32 $1.000000000e+00, v31;
	v21 =	vpop (erf)  }
0x2c0: {  	v31 =	vpop (erf)  }
0x2c1: {  	(erf) = vrcp.f32 v27;
	v31 =	vadd.f32 $1.000000000e+00, v31;
	v51 =	vpop (erf)  }
0x2c2: {  	(erf) = vrcp.f32 v28;
	v27 =	vadd.f32 $1.000000000e+00, v51  }
0x2c3: {  	v28 =	vpop (erf);
	(erf) = vrcp.f32 v31  }
0x2c4: {  	(erf) = vrcp.f32 v27;
	v27 =	vadd.f32 $1.000000000e+00, v28;
	v28 =	vpop (erf)  }
0x2c5: {  	v31 =	vpop (erf)  }
0x2c6: {  	v28 =	vadd.f32 $1.000000000e+00, v28;
	v52 =	vpop (erf)  }
0x2c7: {  	v31 =	vadd.f32 $1.000000000e+00, v31;
	(erf) = vrcp.f32 v27;
	v27 =	vadd.f32 $1.000000000e+00, v52  }
0x2c8: {  	(erf) = vrcp.f32 v28  }
0x2c9: {  	(erf) = vrcp.f32 v31  }
0x2ca: {  	v28 =	vpop (erf)  }
0x2cb: {  	(erf) = vrcp.f32 v27;
	v27 =	vpop (erf)  }
0x2cc: {  	v25 =	vand.u32 $0xFFFF0000, v25;
	v31 =	vpop (erf)  }
0x2cd: {  	v24 =	vand.u32 $0xFFFF0000, v24;
	v25 =	vmul.f32 v25, v31;
	v31 =	vpop (erf)  }
0x2ce: {  	v24 =	vmul.f32 v24, v31  }
0x2cf: {  	v31 =	vld [tilespmem:s20+$0xB0];
	[tilespmem:s24+$0xFFFFFF20] =	vst v25  }
0x2d0: {  	v23 =	vand.u32 $0xFFFF0000, v23;
	v25 =	vld [tilespmem:s5+$0xB0];
	v53 =	vpop (erf);
	[tilespmem:s24+$0xFFFFFF60] =	vst v24  }
0x2d1: {  	v24 =	vand.u32 $0xFFFF0000, v26;
	v26 =	vpop (erf);
	v23 =	vmul.f32 v23, v53;
	v54 =	vld [tilespmem:s5+$0xFFFFFF30]  }
0x2d2: {  	v29 =	vand.u32 $0xFFFF0000, v29;
	v55 =	vpop (erf);
	v56 =	vld [tilespmem:s5+$0xFFFFFF70];
	v24 =	vmul.f32 v24, v26  }
0x2d3: {  	v57 =	vld [tilespmem:s20+$0xFFFFFF30];
	[tilespmem:s24+$0xFFFFFFA0] =	vst v23;
	v23 =	vmul.f32 v29, v55  }
0x2d4: {  	v29 =	vld [tilespmem:s20+$0xFFFFFF70];
	[tilespmem:s24+$0xFFFFFFE0] =	vst v24  }
0x2d5: {  	v26 =	vand.u32 $0xFFFF0000, v46;
	v58 =	vpop (erf);
	[tilespmem:s24+$0x20] =	vst v23;
	v23 =	vld [tilespmem:s5+$0xFFFFFFB0]  }
0x2d6: {  	v26 =	vmul.f32 v26, v58;
	v24 =	vshll.u32 v25, $0x10;
	v61 =	vld [tilespmem:s20+$0xFFFFFFB0]  }
0x2d7: {  	v22 =	vadd.f32 $1.000000000e+00, v22;
	v62 =	vld [tilespmem:s20+$0xFFFFFFF0];
	v24 =	vadd.f32 v24, v31  }
0x2d8: {  	v30 =	vadd.f32 $1.000000000e+00, v30;
	[tilespmem:s24+$0x60] =	vst v26;
	v26 =	vld [tilespmem:s5+$0xFFFFFFF0]  }
0x2d9: {  	v33 =	vadd.f32 $1.000000000e+00, v47;
	(erf) = vrcp.f32 v22;
	v31 =	vld [tilespmem:s5+$0x30];
	v24 =	vsub.f32 $0.0e+00, v24  }
0x2da: {  	(erf) = vrcp.f32 v30;
	v59 =	vld [tilespmem:s5+$0x70];
	v60 =	vshll.u32 v54, $0x10;
	v22 =	vshll.u32 v56, $0x10  }
0x2db: {  	v32 =	vadd.f32 v60, v57;
	v22 =	vadd.f32 v22, v29;
	v29 =	vld [tilespmem:s20+$0x30];
	v24 =	vmul.f32 $1.442695020e+00, v24  }
0x2dc: {  	(erf) = vrcp.f32 v33;
	v63 =	vld [tilespmem:s20+$0x70]  }
0x2dd: {  	v30 =	vsub.f32 $0.0e+00, v32;
	(erf) = vpow2.f32 v24;
	v24 =	vshll.u32 v23, $0x10  }
0x2de: {  	v22 =	vsub.f32 $0.0e+00, v22;
	v42 =	vshll.u32 v26, $0x10;
	v24 =	vadd.f32 v24, v61  }
0x2df: {  	v30 =	vmul.f32 $1.442695020e+00, v30;
	v43 =	vshll.u32 v31, $0x10;
	v33 =	vadd.f32 v42, v62  }
0x2e0: {  	v44 =	vshll.u32 v59, $0x10;
	v29 =	vadd.f32 v43, v29;
	v24 =	vsub.f32 $0.0e+00, v24  }
0x2e1: {  	v32 =	vadd.f32 v44, v63;
	(erf) = vpow2.f32 v30;
	v30 =	vsub.f32 $0.0e+00, v33  }
0x2e2: {  	v22 =	vmul.f32 $1.442695020e+00, v22;
	v29 =	vsub.f32 $0.0e+00, v29;
	v24 =	vmul.f32 $1.442695020e+00, v24  }
0x2e3: {  	v32 =	vsub.f32 $0.0e+00, v32;
	v30 =	vmul.f32 $1.442695020e+00, v30  }
0x2e4: {  	(erf) = vpow2.f32 v22;
	v22 =	vmul.f32 $1.442695020e+00, v29  }
0x2e5: {  	v29 =	vmul.f32 $1.442695020e+00, v32  }
0x2e6: {  	(erf) = vpow2.f32 v24;
	v24 =	vpop (erf)  }
0x2e7: {  	(erf) = vpow2.f32 v30;
	v30 =	vpop (erf)  }
0x2e8: {  	(erf) = vpow2.f32 v22;
	v22 =	vpop (erf)  }
0x2e9: {  	(erf) = vpow2.f32 v29;
	v29 =	vpop (erf)  }
0x2ea: {  	v45 =	vpop (erf)  }
0x2eb: {  	v1 =	vmul.f32 v1, v7;
	v7 =	vadd.f32 $1.000000000e+00, v45  }
0x2ec: {  	v2 =	vmul.f32 v2, v8  }
0x2ed: {  	[tilespmem:s16+$0xFFFFFF70] =	vst v1  }
0x2ee: {  	v1 =	vmul.f32 v3, v12;
	[tilespmem:s16+$0xFFFFFFB0] =	vst v2;
	v2 =	vmul.f32 v4, v16  }
0x2ef: {  	v4 =	vmul.f32 v10, v19;
	v3 =	vadd.f32 $1.000000000e+00, v29;
	(erf) = vrcp.f32 v7;
	v7 =	vpop (erf)  }
0x2f0: {  	[tilespmem:s16+$0xFFFFFFF0] =	vst v1;
	v1 =	vmul.f32 v5, v9;
	v8 =	vpop (erf)  }
0x2f1: {  	[tilespmem:s17+$0xFFFFFF30] =	vst v4;
	v4 =	vand.u32 $0xFFFF0000, v17;
	v7 =	vadd.f32 $1.000000000e+00, v7;
	v5 =	vpop (erf);
	(erf) = vrcp.f32 v3  }
0x2f2: {  	[tilespmem:s16+$0x70] =	vst v1;
	v1 =	vmul.f32 v4, v21  }
0x2f3: {  	[tilespmem:s16+$0x30] =	vst v2;
	v2 =	vmul.f32 v6, v14;
	v3 =	vadd.f32 $1.000000000e+00, v8  }
0x2f4: {  	[tilespmem:s24+$0xF0] =	vst v1;
	v1 =	vmul.f32 v11, v27;
	v6 =	vpop (erf);
	v5 =	vadd.f32 $1.000000000e+00, v5;
	(erf) = vrcp.f32 v7  }
0x2f5: {  	[tilespmem:s17+$0xB0] =	vst v2;
	v2 =	vmul.f32 v13, v28;
	v6 =	vadd.f32 $1.000000000e+00, v6;
	(erf) = vrcp.f32 v3;
	v7 =	vpop (erf)  }
0x2f6: {  	[tilespmem:s17+$0xFFFFFFB0] =	vst v1;
	v1 =	vmul.f32 v18, v30;
	(erf) = vrcp.f32 v5;
	v3 =	vadd.f32 $1.000000000e+00, v7  }
0x2f7: {  	[tilespmem:s17+$0xFFFFFF70] =	vst v2;
	v2 =	vmul.f32 v20, v24;
	(erf) = vrcp.f32 v6  }
0x2f8: {  	v4 =	vpop (erf);
	(erf) = vrcp.f32 v3;
	v3 =	vand.u32 $0xFFFF0000, v54  }
0x2f9: {  	[tilespmem:s17+$0xFFFFFFF0] =	vst v2;
	v5 =	vand.u32 $0xFFFF0000, v15;
	v2 =	vmul.f32 v3, v4  }
0x2fa: {  	[tilespmem:s17+$0x30] =	vst v1;
	v3 =	vand.u32 $0xFFFF0000, v25;
	v4 =	vmul.f32 v5, v22;
	v1 =	vpop (erf)  }
0x2fb: {  	v1 =	vmul.f32 v3, v1;
	_ =	sdelay $0x1  }
0x2fc: {  	v5 =	vand.u32 $0xFFFF0000, v56;
	[tilespmem:s24+$0xFFFFFF30] =	vst v2;
	v2 =	vpop (erf)  }
0x2fd: {  	[tilespmem:s17+$0x70] =	vst v4;
	v3 =	vand.u32 $0xFFFF0000, v23;
	v4 =	vpop (erf);
	v2 =	vmul.f32 v5, v2;
	v5 =	vand.u32 $0xFFFF0000, v26  }
0x2fe: {  	[tilespmem:s24+$0xB0] =	vst v1;
	v3 =	vmul.f32 v3, v4;
	v1 =	vpop (erf)  }
0x2ff: {  	v4 =	vand.u32 $0xFFFF0000, v31;
	[tilespmem:s24+$0xFFFFFF70] =	vst v2;
	v6 =	vpop (erf);
	v1 =	vmul.f32 v5, v1  }
0x300: {  	v2 =	vand.u32 $0xFFFF0000, v59;
	[tilespmem:s24+$0xFFFFFFB0] =	vst v3;
	v5 =	vpop (erf);
	v3 =	vmul.f32 v4, v6  }
0x301: {  	[tilespmem:s24+$0xFFFFFFF0] =	vst v1;
	v1 =	vmul.f32 v2, v5  }
0x302: {  	s23 =	sand.u32 $0x3FFFFF00, s1;
	[tilespmem:s24+$0x30] =	vst v3  }
0x303: {  	p2 =	seq.s32 s9, $0x7;
	s5 =	sadd.s32 $0x1600, s23;
	[tilespmem:s24+$0x70] =	vst v1  }
0x304: {  	[spmem:s4] =	stream.indirect.scatter.add.f32 [tilespmem:s12], [sflag:$0x5], $0x80, s5, s18, $0xb8;
	[tilespmem:$0x1BA00] =	vst v63  }
0x305: {  	s11 =	simm.s32 @!p2 $0x20;
	s14 =	simm.s32 @!p2 $0x1E00;
	s5 =	sadd.s32 @!p2 $0x700, s1  }
0x306: {  	[tilespmem:s14], [sflag:$0x1] =	stream.indirect.gather @!p2 [hbm4b:s6+s11], $0x80, s5, s11, $0xb8;
	[tilespmem:$0x1BA00] =	vst v63  }
0x307: {  	s1 =	sadd.s32 @!p2 $0xF00, s1;
	s5 =	simm.s32 @!p2 $0x3E00  }
0x308: {  	[tilespmem:s5], [sflag:$0x3] =	stream.indirect.gather @!p2 [hbm4b:s7+s11], $0x80, s1, s11, $0xb8;
	[tilespmem:$0x1BA00] =	vst v63  }
0x309: {  	_ =	swait.ge [sflag:s30], $0x1000  }
0x30a: {  	[sflag:s30] =	ssyncset.done $0x0  }
0x30b: {  	[sflag:s30] =	ssyncadd.s32 $0xFFFFF000  }
0x30c: {  	_ =	swait.ge [sflag:s31], $0x1000  }
0x30d: {  	[sflag:s31] =	ssyncset.done $0x0  }
0x30e: {  	s1 =	simm.s32 @!p1 $0x6;
	[sflag:s31] =	ssyncadd.s32 $0xFFFFF000  }
0x30f: {  	_ =	swait.ge @!p1 [sflag:s1], $0x1000  }
0x310: {  	[sflag:s1] =	ssyncset.done @!p1 $0x0  }
0x311: {  	s11 =	simm.s32 $0x2F00;
	[sflag:s1] =	ssyncadd.s32 @!p1 $0xFFFFF000  }
0x312: {  	s14 =	simm.s32 $0x4F00;
	v1 =	vld [tilespmem:s11+$0x80]  }
0x313: {  	v2 =	vld [tilespmem:s14+$0x80]  }
0x314: {  	v3 =	vld [tilespmem:s14+$0xC0]  }
0x315: {  	v4 =	vld [tilespmem:s11+$0xC0];
	_ =	sdelay $0x2  }
0x316: {  	v5 =	vshll.u32 v2, $0x10  }
0x317: {  	v6 =	vshll.u32 v3, $0x10;
	v1 =	vadd.f32 v5, v1  }
0x318: {  	v4 =	vadd.f32 v6, v4  }
0x319: {  	v1 =	vsub.f32 $0.0e+00, v1  }
0x31a: {  	v7 =	vld [tilespmem:s11+$0xFFFFFF40];
	v4 =	vsub.f32 $0.0e+00, v4  }
0x31b: {  	v5 =	vld [tilespmem:s14+$0xFFFFFF40];
	v1 =	vmul.f32 $1.442695020e+00, v1  }
0x31c: {  	v6 =	vld [tilespmem:s14+$0xFFFFFF80];
	v4 =	vmul.f32 $1.442695020e+00, v4  }
0x31d: {  	v8 =	vld [tilespmem:s11+$0xFFFFFF80];
	(erf) = vpow2.f32 v1  }
0x31e: {  	(erf) = vpow2.f32 v4  }
0x31f: {  	v9 =	vld [tilespmem:s14+$0xFFFFFFC0]  }
0x320: {  	v11 =	vld [tilespmem:s11+$0xFFFFFFC0];
	v4 =	vshll.u32 v5, $0x10  }
0x321: {  	v10 =	vshll.u32 v6, $0x10;
	v1 =	vld [tilespmem:s14+$0xFFFFFF00];
	v4 =	vadd.f32 v4, v7  }
0x322: {  	v8 =	vadd.f32 v10, v8;
	v10 =	vld [tilespmem:s11+$0xFFFFFF00]  }
0x323: {  	v7 =	vld [tilespmem:s14+$0x0];
	v4 =	vsub.f32 $0.0e+00, v4  }
0x324: {  	v12 =	vld [tilespmem:s11+$0x0];
	v8 =	vsub.f32 $0.0e+00, v8  }
0x325: {  	v14 =	vld [tilespmem:s14+$0x40];
	v4 =	vmul.f32 $1.442695020e+00, v4  }
0x326: {  	v17 =	vld [tilespmem:s11+$0x40];
	v16 =	vshll.u32 v9, $0x10;
	v8 =	vmul.f32 $1.442695020e+00, v8;
	v13 =	vshll.u32 v1, $0x10;
	v15 =	vpop (erf)  }
0x327: {  	v10 =	vadd.f32 v13, v10;
	(erf) = vpow2.f32 v4;
	v4 =	vadd.f32 $1.000000000e+00, v15;
	v15 =	vpop (erf)  }
0x328: {  	v13 =	vshll.u32 v7, $0x10;
	(erf) = vpow2.f32 v8;
	v8 =	vadd.f32 $1.000000000e+00, v15  }
0x329: {  	v11 =	vadd.f32 v16, v11;
	(erf) = vrcp.f32 v4;
	v4 =	vadd.f32 v13, v12  }
0x32a: {  	v10 =	vsub.f32 $0.0e+00, v10;
	(erf) = vrcp.f32 v8;
	v8 =	vshll.u32 v14, $0x10  }
0x32b: {  	v8 =	vadd.f32 v8, v17;
	v4 =	vsub.f32 $0.0e+00, v4  }
0x32c: {  	v11 =	vsub.f32 $0.0e+00, v11  }
0x32d: {  	v10 =	vmul.f32 $1.442695020e+00, v10;
	v8 =	vsub.f32 $0.0e+00, v8;
	v4 =	vmul.f32 $1.442695020e+00, v4  }
0x32e: {  	v11 =	vmul.f32 $1.442695020e+00, v11  }
0x32f: {  	(erf) = vpow2.f32 v10;
	v8 =	vmul.f32 $1.442695020e+00, v8  }
0x330: {  	(erf) = vpow2.f32 v11  }
0x331: {  	(erf) = vpow2.f32 v4;
	v4 =	vpop (erf)  }
0x332: {  	v10 =	vpop (erf)  }
0x333: {  	v2 =	vand.u32 $0xFFFF0000, v2;
	(erf) = vpow2.f32 v8;
	v8 =	vpop (erf)  }
0x334: {  	v3 =	vand.u32 $0xFFFF0000, v3;
	v2 =	vmul.f32 v2, v8;
	v8 =	vpop (erf)  }
0x335: {  	v3 =	vmul.f32 v3, v8  }
0x336: {  	s1 =	simm.s32 $0x6F00  }
0x337: {  	[tilespmem:s1+$0xC0] =	vst v3;
	v3 =	vadd.f32 $1.000000000e+00, v10  }
0x338: {  	[tilespmem:s1+$0x80] =	vst v2;
	v2 =	vadd.f32 $1.000000000e+00, v4  }
0x339: {  	v4 =	vpop (erf);
	v8 =	vld [tilespmem:s11+$0x90]  }
0x33a: {  	(erf) = vrcp.f32 v2;
	v2 =	vadd.f32 $1.000000000e+00, v4;
	v4 =	vld [tilespmem:s14+$0x90]  }
0x33b: {  	v10 =	vld [tilespmem:s14+$0xD0];
	(erf) = vrcp.f32 v3;
	v3 =	vpop (erf)  }
0x33c: {  	(erf) = vrcp.f32 v2;
	v2 =	vld [tilespmem:s11+$0xD0];
	v3 =	vadd.f32 $1.000000000e+00, v3;
	v11 =	vpop (erf)  }
0x33d: {  	v11 =	vadd.f32 $1.000000000e+00, v11;
	v12 =	vpop (erf)  }
0x33e: {  	(erf) = vrcp.f32 v3;
	v3 =	vadd.f32 $1.000000000e+00, v12  }
0x33f: {  	(erf) = vrcp.f32 v11;
	v11 =	vshll.u32 v4, $0x10  }
0x340: {  	(erf) = vrcp.f32 v3;
	v3 =	vshll.u32 v10, $0x10;
	v8 =	vadd.f32 v11, v8  }
0x341: {  	v2 =	vadd.f32 v3, v2  }
0x342: {  	v3 =	vsub.f32 $0.0e+00, v8  }
0x343: {  	v2 =	vsub.f32 $0.0e+00, v2  }
0x344: {  	v3 =	vmul.f32 $1.442695020e+00, v3  }
0x345: {  	v5 =	vand.u32 $0xFFFF0000, v5;
	v8 =	vpop (erf);
	v2 =	vmul.f32 $1.442695020e+00, v2  }
0x346: {  	v11 =	vpop (erf);
	v5 =	vmul.f32 v5, v8;
	(erf) = vpow2.f32 v3  }
0x347: {  	v1 =	vand.u32 $0xFFFF0000, v1;
	v8 =	vpop (erf);
	(erf) = vpow2.f32 v2  }
0x348: {  	v6 =	vand.u32 $0xFFFF0000, v6;
	v1 =	vmul.f32 v1, v8  }
0x349: {  	v6 =	vmul.f32 v6, v11;
	[tilespmem:s1+$0xFFFFFF40] =	vst v5  }
0x34a: {  	v3 =	vand.u32 $0xFFFF0000, v9;
	v5 =	vpop (erf);
	[tilespmem:s1+$0xFFFFFF00] =	vst v1  }
0x34b: {  	v2 =	vand.u32 $0xFFFF0000, v7;
	v3 =	vmul.f32 v3, v5;
	v5 =	vpop (erf);
	v7 =	vld [tilespmem:s11+$0xFFFFFF50]  }
0x34c: {  	[tilespmem:s1+$0xFFFFFF80] =	vst v6;
	v2 =	vmul.f32 v2, v5;
	v5 =	vld [tilespmem:s14+$0xFFFFFF10]  }
0x34d: {  	v1 =	vand.u32 $0xFFFF0000, v14;
	v6 =	vpop (erf);
	[tilespmem:s1+$0xFFFFFFC0] =	vst v3;
	v3 =	vld [tilespmem:s14+$0xFFFFFF50]  }
0x34e: {  	v1 =	vmul.f32 v1, v6;
	v6 =	vld [tilespmem:s11+$0xFFFFFF10]  }
0x34f: {  	[tilespmem:s1+$0x0] =	vst v2;
	v2 =	vld [tilespmem:s14+$0xFFFFFF90];
	v8 =	vpop (erf)  }
0x350: {  	v11 =	vld [tilespmem:s11+$0xFFFFFF90];
	v8 =	vadd.f32 $1.000000000e+00, v8;
	v12 =	vpop (erf)  }
0x351: {  	v13 =	vld [tilespmem:s11+$0xFFFFFFD0];
	v12 =	vadd.f32 $1.000000000e+00, v12  }
0x352: {  	[tilespmem:s1+$0x40] =	vst v1;
	v1 =	vld [tilespmem:s14+$0xFFFFFFD0];
	(erf) = vrcp.f32 v8  }
0x353: {  	v9 =	vld [tilespmem:s14+$0x10];
	v8 =	vshll.u32 v5, $0x10;
	(erf) = vrcp.f32 v12;
	v12 =	vshll.u32 v3, $0x10  }
0x354: {  	v14 =	vld [tilespmem:s14+$0x50];
	v16 =	vshll.u32 v2, $0x10;
	v6 =	vadd.f32 v8, v6;
	v7 =	vadd.f32 v12, v7  }
0x355: {  	v15 =	vld [tilespmem:s11+$0x10];
	v11 =	vadd.f32 v16, v11  }
0x356: {  	v8 =	vld [tilespmem:s11+$0x50];
	v6 =	vsub.f32 $0.0e+00, v6;
	v7 =	vsub.f32 $0.0e+00, v7  }
0x357: {  	v4 =	vand.u32 $0xFFFF0000, v4;
	v17 =	vshll.u32 v1, $0x10  }
0x358: {  	v11 =	vsub.f32 $0.0e+00, v11;
	v6 =	vmul.f32 $1.442695020e+00, v6;
	v7 =	vmul.f32 $1.442695020e+00, v7  }
0x359: {  	v12 =	vshll.u32 v9, $0x10;
	v13 =	vadd.f32 v17, v13;
	v16 =	vshll.u32 v14, $0x10  }
0x35a: {  	v12 =	vadd.f32 v12, v15;
	v11 =	vmul.f32 $1.442695020e+00, v11;
	(erf) = vpow2.f32 v6  }
0x35b: {  	v13 =	vsub.f32 $0.0e+00, v13;
	v8 =	vadd.f32 v16, v8;
	(erf) = vpow2.f32 v7  }
0x35c: {  	v10 =	vand.u32 $0xFFFF0000, v10;
	v12 =	vsub.f32 $0.0e+00, v12;
	(erf) = vpow2.f32 v11;
	v7 =	vpop (erf)  }
0x35d: {  	v6 =	vmul.f32 $1.442695020e+00, v13;
	v8 =	vsub.f32 $0.0e+00, v8;
	v4 =	vmul.f32 v4, v7;
	v7 =	vpop (erf)  }
0x35e: {  	v11 =	vmul.f32 $1.442695020e+00, v12;
	v7 =	vmul.f32 v10, v7  }
0x35f: {  	v8 =	vmul.f32 $1.442695020e+00, v8;
	(erf) = vpow2.f32 v6;
	[tilespmem:s1+$0x90] =	vst v4  }
0x360: {  	(erf) = vpow2.f32 v11;
	[tilespmem:s1+$0xD0] =	vst v7  }
0x361: {  	(erf) = vpow2.f32 v8;
	v4 =	vld [tilespmem:s11+$0xA0]  }
0x362: {  	v10 =	vld [tilespmem:s14+$0xA0]  }
0x363: {  	v11 =	vld [tilespmem:s14+$0xE0];
	v6 =	vpop (erf)  }
0x364: {  	v7 =	vld [tilespmem:s11+$0xE0];
	v8 =	vpop (erf);
	v6 =	vadd.f32 $1.000000000e+00, v6  }
0x365: {  	v12 =	vpop (erf);
	v8 =	vadd.f32 $1.000000000e+00, v8  }
0x366: {  	v12 =	vadd.f32 $1.000000000e+00, v12  }
0x367: {  	v13 =	vshll.u32 v10, $0x10  }
0x368: {  	(erf) = vrcp.f32 v6;
	v15 =	vshll.u32 v11, $0x10;
	v6 =	vpop (erf);
	v4 =	vadd.f32 v13, v4  }
0x369: {  	(erf) = vrcp.f32 v8;
	v7 =	vadd.f32 v15, v7;
	v6 =	vadd.f32 $1.000000000e+00, v6;
	v8 =	vpop (erf)  }
0x36a: {  	(erf) = vrcp.f32 v12;
	v8 =	vadd.f32 $1.000000000e+00, v8;
	v12 =	vpop (erf);
	v4 =	vsub.f32 $0.0e+00, v4  }
0x36b: {  	v12 =	vadd.f32 $1.000000000e+00, v12;
	(erf) = vrcp.f32 v6;
	v6 =	vsub.f32 $0.0e+00, v7  }
0x36c: {  	(erf) = vrcp.f32 v8;
	v4 =	vmul.f32 $1.442695020e+00, v4  }
0x36d: {  	(erf) = vrcp.f32 v12;
	v6 =	vmul.f32 $1.442695020e+00, v6  }
0x36e: {  	(erf) = vpow2.f32 v4  }
0x36f: {  	(erf) = vpow2.f32 v6;
	_ =	sdelay $0x1  }
0x370: {  	v4 =	vpop (erf)  }
0x371: {  	v12 =	vpop (erf)  }
0x372: {  	v13 =	vpop (erf)  }
0x373: {  	s21 =	simm.s32 $0x5100;
	v15 =	vpop (erf)  }
0x374: {  	v18 =	vld [tilespmem:s21+$0x80];
	v16 =	vpop (erf)  }
0x375: {  	s19 =	simm.s32 $0x3100;
	v19 =	vld [tilespmem:s21+$0xC0];
	v17 =	vpop (erf)  }
0x376: {  	v6 =	vld [tilespmem:s19+$0x80];
	v7 =	vpop (erf)  }
0x377: {  	v20 =	vld [tilespmem:s19+$0xC0];
	v7 =	vadd.f32 $1.000000000e+00, v7;
	v8 =	vpop (erf)  }
0x378: {  	v8 =	vadd.f32 $1.000000000e+00, v8  }
0x379: {  	(erf) = vrcp.f32 v7  }
0x37a: {  	v7 =	vshll.u32 v18, $0x10;
	(erf) = vrcp.f32 v8  }
0x37b: {  	v8 =	vshll.u32 v19, $0x10;
	v6 =	vadd.f32 v7, v6  }
0x37c: {  	v21 =	vld [tilespmem:s21+$0xFFFFFF00];
	v20 =	vadd.f32 v8, v20  }
0x37d: {  	v22 =	vld [tilespmem:s21+$0xFFFFFF40];
	v23 =	vsub.f32 $0.0e+00, v6  }
0x37e: {  	v24 =	vld [tilespmem:s19+$0xFFFFFF40];
	v5 =	vand.u32 $0xFFFF0000, v5;
	v20 =	vsub.f32 $0.0e+00, v20  }
0x37f: {  	v26 =	vld [tilespmem:s19+$0xFFFFFF80];
	v2 =	vand.u32 $0xFFFF0000, v2;
	v3 =	vand.u32 $0xFFFF0000, v3;
	v23 =	vmul.f32 $1.442695020e+00, v23  }
0x380: {  	v1 =	vand.u32 $0xFFFF0000, v1;
	v4 =	vmul.f32 v5, v4;
	v8 =	vld [tilespmem:s21+$0xFFFFFF80];
	v20 =	vmul.f32 $1.442695020e+00, v20  }
0x381: {  	v5 =	vand.u32 $0xFFFF0000, v10;
	v3 =	vmul.f32 v3, v12;
	v7 =	vld [tilespmem:s21+$0xFFFFFFC0];
	(erf) = vpow2.f32 v23  }
0x382: {  	v12 =	vld [tilespmem:s19+$0xFFFFFFC0];
	v2 =	vmul.f32 v2, v13;
	v13 =	vshll.u32 v22, $0x10;
	(erf) = vpow2.f32 v20;
	v10 =	vpop (erf)  }
0x383: {  	v11 =	vand.u32 $0xFFFF0000, v11;
	v13 =	vadd.f32 v13, v24;
	v6 =	vld [tilespmem:s21+$0x0];
	v5 =	vmul.f32 v5, v10;
	v10 =	vpop (erf)  }
0x384: {  	v25 =	vand.u32 $0xFFFF0000, v9;
	v14 =	vand.u32 $0xFFFF0000, v14;
	v20 =	vld [tilespmem:s19+$0xFFFFFF00];
	v10 =	vmul.f32 v11, v10  }
0x385: {  	v15 =	vmul.f32 v1, v15;
	v13 =	vsub.f32 $0.0e+00, v13;
	v1 =	vshll.u32 v8, $0x10;
	v11 =	vld [tilespmem:s19+$0x0];
	[tilespmem:s1+$0xA0] =	vst v5  }
0x386: {  	v9 =	vld [tilespmem:s21+$0x40];
	v14 =	vmul.f32 v14, v17;
	v23 =	vshll.u32 v7, $0x10;
	v17 =	vadd.f32 v1, v26;
	[tilespmem:s1+$0xE0] =	vst v10  }
0x387: {  	[tilespmem:s1+$0xFFFFFF10] =	vst v4;
	v4 =	vmul.f32 $1.442695020e+00, v13;
	v12 =	vadd.f32 v23, v12;
	v1 =	vld [tilespmem:s14+$0xF0]  }
0x388: {  	v24 =	vshll.u32 v6, $0x10;
	v17 =	vsub.f32 $0.0e+00, v17;
	v10 =	vshll.u32 v21, $0x10;
	v23 =	vld [tilespmem:s11+$0xF0]  }
0x389: {  	[tilespmem:s1+$0xFFFFFF50] =	vst v3;
	(erf) = vpow2.f32 v4;
	v12 =	vsub.f32 $0.0e+00, v12;
	v13 =	vadd.f32 v10, v20  }
0x38a: {  	[tilespmem:s1+$0xFFFFFF90] =	vst v2;
	v5 =	vmul.f32 v25, v16;
	v16 =	vld [tilespmem:s19+$0x40];
	v17 =	vmul.f32 $1.442695020e+00, v17;
	v3 =	vadd.f32 v24, v11;
	v11 =	vpop (erf)  }
0x38b: {  	[tilespmem:s1+$0x50] =	vst v14;
	v14 =	vld [tilespmem:s11+$0xFFFFFF20];
	v25 =	vshll.u32 v9, $0x10;
	v13 =	vsub.f32 $0.0e+00, v13;
	v2 =	vadd.f32 $1.000000000e+00, v11;
	v4 =	vpop (erf)  }
0x38c: {  	[tilespmem:s1+$0xFFFFFFD0] =	vst v15;
	v10 =	vld [tilespmem:s14+$0xFFFFFF20];
	(erf) = vpow2.f32 v17;
	v17 =	vadd.f32 $1.000000000e+00, v4;
	v15 =	vshll.u32 v1, $0x10  }
0x38d: {  	v11 =	vld [tilespmem:s14+$0xFFFFFF60];
	v13 =	vmul.f32 $1.442695020e+00, v13;
	(erf) = vrcp.f32 v2;
	v15 =	vadd.f32 v15, v23  }
0x38e: {  	v12 =	vmul.f32 $1.442695020e+00, v12;
	[tilespmem:s1+$0x10] =	vst v5;
	v4 =	vld [tilespmem:s14+$0xFFFFFFA0];
	v5 =	vsub.f32 $0.0e+00, v3;
	(erf) = vrcp.f32 v17  }
0x38f: {  	v16 =	vadd.f32 v25, v16;
	v2 =	vld [tilespmem:s14+$0xFFFFFFE0];
	(erf) = vpow2.f32 v13;
	v15 =	vsub.f32 $0.0e+00, v15  }
0x390: {  	v5 =	vmul.f32 $1.442695020e+00, v5;
	v17 =	vld [tilespmem:s11+$0xFFFFFFA0];
	(erf) = vpow2.f32 v12  }
0x391: {  	v16 =	vsub.f32 $0.0e+00, v16;
	v13 =	vld [tilespmem:s11+$0xFFFFFF60];
	v12 =	vmul.f32 $1.442695020e+00, v15;
	v15 =	vshll.u32 v10, $0x10  }
0x392: {  	(erf) = vpow2.f32 v5  }
0x393: {  	v16 =	vmul.f32 $1.442695020e+00, v16;
	v20 =	vshll.u32 v11, $0x10;
	(erf) = vpow2.f32 v12;
	v12 =	vld [tilespmem:s11+$0xFFFFFFE0]  }
0x394: {  	v14 =	vadd.f32 v15, v14;
	v15 =	vpop (erf)  }
0x395: {  	v23 =	vshll.u32 v2, $0x10;
	(erf) = vpow2.f32 v16;
	v16 =	vshll.u32 v4, $0x10;
	v26 =	vpop (erf)  }
0x396: {  	v18 =	vand.u32 $0xFFFF0000, v18;
	v3 =	vld [tilespmem:s14+$0x20];
	v13 =	vadd.f32 v20, v13;
	v16 =	vadd.f32 v16, v17;
	v20 =	vpop (erf)  }
0x397: {  	v17 =	vand.u32 $0xFFFF0000, v19;
	v15 =	vadd.f32 $1.000000000e+00, v15;
	v18 =	vmul.f32 v18, v20;
	v19 =	vpop (erf)  }
0x398: {  	v24 =	vld [tilespmem:s11+$0x20];
	v17 =	vmul.f32 v17, v19;
	v20 =	vadd.f32 v23, v12;
	v12 =	vadd.f32 $1.000000000e+00, v26;
	v23 =	vpop (erf)  }
0x399: {  	s16 =	simm.s32 $0x7100;
	(erf) = vrcp.f32 v15;
	v15 =	vadd.f32 $1.000000000e+00, v23;
	v23 =	vpop (erf)  }
0x39a: {  	v22 =	vand.u32 $0xFFFF0000, v22;
	v5 =	vld [tilespmem:s14+$0x60];
	v14 =	vsub.f32 $0.0e+00, v14;
	[tilespmem:s16+$0xC0] =	vst v17;
	v17 =	vadd.f32 $1.000000000e+00, v23  }
0x39b: {  	v8 =	vand.u32 $0xFFFF0000, v8;
	v27 =	vld [tilespmem:s11+$0x60];
	v25 =	vshll.u32 v3, $0x10;
	v13 =	vsub.f32 $0.0e+00, v13  }
0x39c: {  	v14 =	vmul.f32 $1.442695020e+00, v14;
	v16 =	vsub.f32 $0.0e+00, v16;
	[tilespmem:s16+$0x80] =	vst v18;
	(erf) = vrcp.f32 v12;
	v12 =	vpop (erf)  }
0x39d: {  	v18 =	vadd.f32 v25, v24;
	(erf) = vrcp.f32 v15;
	v24 =	vadd.f32 $1.000000000e+00, v12;
	v15 =	vpop (erf);
	v12 =	vld [tilespmem:s21+$0x90]  }
0x39e: {  	v13 =	vmul.f32 $1.442695020e+00, v13;
	v23 =	vld [tilespmem:s19+$0x90];
	(erf) = vrcp.f32 v17;
	v17 =	vpop (erf);
	v15 =	vadd.f32 $1.000000000e+00, v15  }
0x39f: {  	v19 =	vshll.u32 v5, $0x10;
	v25 =	vld [tilespmem:s21+$0xD0];
	v17 =	vadd.f32 $1.000000000e+00, v17;
	(erf) = vrcp.f32 v24  }
0x3a0: {  	v19 =	vadd.f32 v19, v27;
	v16 =	vmul.f32 $1.442695020e+00, v16;
	v24 =	vld [tilespmem:s19+$0xD0];
	(erf) = vrcp.f32 v15  }
0x3a1: {  	v20 =	vsub.f32 $0.0e+00, v20;
	v18 =	vsub.f32 $0.0e+00, v18;
	(erf) = vrcp.f32 v17  }
0x3a2: {  	v15 =	vsub.f32 $0.0e+00, v19;
	(erf) = vpow2.f32 v14;
	v14 =	vshll.u32 v12, $0x10  }
0x3a3: {  	v18 =	vmul.f32 $1.442695020e+00, v18;
	v17 =	vmul.f32 $1.442695020e+00, v20;
	v14 =	vadd.f32 v14, v23  }
0x3a4: {  	v15 =	vmul.f32 $1.442695020e+00, v15;
	(erf) = vpow2.f32 v13;
	v13 =	vshll.u32 v25, $0x10  }
0x3a5: {  	v19 =	vpop (erf);
	(erf) = vpow2.f32 v16;
	v13 =	vadd.f32 v13, v24;
	v14 =	vsub.f32 $0.0e+00, v14  }
0x3a6: {  	v21 =	vand.u32 $0xFFFF0000, v21;
	v16 =	vpop (erf);
	(erf) = vpow2.f32 v17;
	v17 =	vmul.f32 v22, v19  }
0x3a7: {  	v19 =	vpop (erf);
	v8 =	vmul.f32 v8, v16;
	v13 =	vsub.f32 $0.0e+00, v13;
	v14 =	vmul.f32 $1.442695020e+00, v14  }
0x3a8: {  	(erf) = vpow2.f32 v18;
	v18 =	vmul.f32 v21, v19;
	v19 =	vpop (erf)  }
0x3a9: {  	v6 =	vand.u32 $0xFFFF0000, v6;
	(erf) = vpow2.f32 v15;
	v15 =	vpop (erf);
	v13 =	vmul.f32 $1.442695020e+00, v13  }
0x3aa: {  	v16 =	vpop (erf);
	(erf) = vpow2.f32 v14;
	v6 =	vmul.f32 v6, v15  }
0x3ab: {  	[tilespmem:s16+$0xFFFFFF40] =	vst v17;
	v14 =	vpop (erf);
	(erf) = vpow2.f32 v13  }
0x3ac: {  	v7 =	vand.u32 $0xFFFF0000, v7;
	[tilespmem:s16+$0xFFFFFF00] =	vst v18  }
0x3ad: {  	v7 =	vmul.f32 v7, v19;
	[tilespmem:s16+$0xFFFFFF80] =	vst v8;
	v15 =	vld [tilespmem:s21+$0xFFFFFF10];
	v8 =	vpop (erf)  }
0x3ae: {  	v9 =	vand.u32 $0xFFFF0000, v9;
	v20 =	vld [tilespmem:s19+$0xFFFFFF10];
	[tilespmem:s16+$0x0] =	vst v6;
	v8 =	vadd.f32 $1.000000000e+00, v8;
	v6 =	vpop (erf)  }
0x3af: {  	[tilespmem:s16+$0xFFFFFFC0] =	vst v7;
	v7 =	vmul.f32 v9, v14;
	v9 =	vld [tilespmem:s21+$0xFFFFFF50];
	v6 =	vadd.f32 $1.000000000e+00, v6;
	v13 =	vpop (erf)  }
0x3b0: {  	v14 =	vld [tilespmem:s21+$0xFFFFFF90];
	(erf) = vrcp.f32 v8;
	v17 =	vpop (erf);
	v13 =	vadd.f32 $1.000000000e+00, v13  }
0x3b1: {  	[tilespmem:s16+$0x40] =	vst v7;
	v7 =	vld [tilespmem:s21+$0xFFFFFFD0];
	v18 =	vpop (erf);
	(erf) = vrcp.f32 v6  }
0x3b2: {  	v17 =	vadd.f32 $1.000000000e+00, v17;
	v19 =	vpop (erf);
	(erf) = vrcp.f32 v13;
	v13 =	vld [tilespmem:s19+$0xFFFFFF50]  }
0x3b3: {  	v8 =	vld [tilespmem:s21+$0x10];
	v18 =	vadd.f32 $1.000000000e+00, v18;
	v21 =	vpop (erf)  }
0x3b4: {  	v11 =	vand.u32 $0xFFFF0000, v11;
	v6 =	vld [tilespmem:s21+$0x50];
	(erf) = vrcp.f32 v17;
	v21 =	vadd.f32 $1.000000000e+00, v21;
	v22 =	vpop (erf)  }
0x3b5: {  	v10 =	vand.u32 $0xFFFF0000, v10;
	v17 =	vld [tilespmem:s19+$0xFFFFFF90];
	(erf) = vrcp.f32 v18;
	v22 =	vadd.f32 $1.000000000e+00, v22  }
0x3b6: {  	v23 =	vshll.u32 v15, $0x10;
	v24 =	vshll.u32 v9, $0x10;
	v18 =	vld [tilespmem:s19+$0xFFFFFFD0];
	(erf) = vrcp.f32 v21  }
0x3b7: {  	v27 =	vld [tilespmem:s19+$0x10];
	v20 =	vadd.f32 v23, v20;
	v13 =	vadd.f32 v24, v13;
	(erf) = vrcp.f32 v22  }
0x3b8: {  	v12 =	vand.u32 $0xFFFF0000, v12;
	v23 =	vld [tilespmem:s19+$0x50];
	v19 =	vadd.f32 $1.000000000e+00, v19;
	v26 =	vshll.u32 v7, $0x10  }
0x3b9: {  	v21 =	vshll.u32 v14, $0x10;
	v28 =	vshll.u32 v6, $0x10;
	v13 =	vsub.f32 $0.0e+00, v13  }
0x3ba: {  	v22 =	vshll.u32 v8, $0x10;
	v29 =	vpop (erf);
	(erf) = vrcp.f32 v19;
	v19 =	vsub.f32 $0.0e+00, v20  }
0x3bb: {  	v17 =	vadd.f32 v21, v17;
	v18 =	vadd.f32 v26, v18;
	v20 =	vpop (erf);
	v13 =	vmul.f32 $1.442695020e+00, v13  }
0x3bc: {  	v21 =	vadd.f32 v22, v27;
	v22 =	vld [tilespmem:s14+$0xB0];
	v11 =	vmul.f32 v11, v20;
	v20 =	vpop (erf);
	v19 =	vmul.f32 $1.442695020e+00, v19  }
0x3bd: {  	v23 =	vadd.f32 v28, v23;
	v26 =	vld [tilespmem:s11+$0xB0];
	v10 =	vmul.f32 v10, v29;
	v17 =	vsub.f32 $0.0e+00, v17;
	v24 =	vpop (erf)  }
0x3be: {  	v18 =	vsub.f32 $0.0e+00, v18;
	v21 =	vsub.f32 $0.0e+00, v21;
	v27 =	vpop (erf);
	(erf) = vpow2.f32 v19  }
0x3bf: {  	v17 =	vmul.f32 $1.442695020e+00, v17;
	[tilespmem:s1+$0xFFFFFF20] =	vst v10;
	v10 =	vand.u32 $0xFFFF0000, v25;
	(erf) = vpow2.f32 v13;
	v13 =	vpop (erf)  }
0x3c0: {  	v18 =	vmul.f32 $1.442695020e+00, v18;
	v19 =	vsub.f32 $0.0e+00, v23;
	v12 =	vmul.f32 v12, v13;
	v13 =	vpop (erf)  }
0x3c1: {  	[tilespmem:s1+$0xFFFFFF60] =	vst v11;
	(erf) = vpow2.f32 v17;
	v10 =	vmul.f32 v10, v13;
	v13 =	vshll.u32 v22, $0x10  }
0x3c2: {  	v11 =	vmul.f32 $1.442695020e+00, v21;
	[tilespmem:s16+$0x90] =	vst v12;
	v12 =	vadd.f32 v13, v26  }
0x3c3: {  	v1 =	vand.u32 $0xFFFF0000, v1;
	v19 =	vmul.f32 $1.442695020e+00, v19;
	(erf) = vpow2.f32 v18  }
0x3c4: {  	(erf) = vpow2.f32 v11;
	v11 =	vmul.f32 v1, v16;
	v1 =	vsub.f32 $0.0e+00, v12  }
0x3c5: {  	v17 =	vld [tilespmem:s14+$0xFFFFFF30];
	[tilespmem:s16+$0xD0] =	vst v10  }
0x3c6: {  	(erf) = vpow2.f32 v19;
	v10 =	vld [tilespmem:s19+$0xA0];
	v1 =	vmul.f32 $1.442695020e+00, v1  }
0x3c7: {  	v4 =	vand.u32 $0xFFFF0000, v4;
	v13 =	vld [tilespmem:s21+$0xA0];
	v12 =	vand.u32 $0xFFFF0000, v15;
	v15 =	vpop (erf)  }
0x3c8: {  	v2 =	vand.u32 $0xFFFF0000, v2;
	v4 =	vmul.f32 v4, v20;
	v19 =	vand.u32 $0xFFFF0000, v14;
	v14 =	vld [tilespmem:s21+$0xE0];
	v20 =	vpop (erf)  }
0x3c9: {  	v3 =	vand.u32 $0xFFFF0000, v3;
	v2 =	vmul.f32 v2, v24;
	v21 =	vld [tilespmem:s19+$0xE0];
	v24 =	vpop (erf)  }
0x3ca: {  	v5 =	vand.u32 $0xFFFF0000, v5;
	[tilespmem:s1+$0xFFFFFFA0] =	vst v4;
	v4 =	vadd.f32 $1.000000000e+00, v24;
	(erf) = vpow2.f32 v1;
	v1 =	vpop (erf)  }
0x3cb: {  	v5 =	vmul.f32 v5, v15;
	v15 =	vadd.f32 $1.000000000e+00, v20;
	v1 =	vadd.f32 $1.000000000e+00, v1  }
0x3cc: {  	v3 =	vmul.f32 v3, v27;
	v18 =	vld [tilespmem:s14+$0xFFFFFF70];
	v16 =	vshll.u32 v17, $0x10;
	v24 =	vshll.u32 v13, $0x10  }
0x3cd: {  	[tilespmem:s1+$0xFFFFFFE0] =	vst v2;
	v20 =	vld [tilespmem:s11+$0xFFFFFF30];
	(erf) = vrcp.f32 v15;
	v15 =	vshll.u32 v14, $0x10;
	v10 =	vadd.f32 v24, v10;
	v2 =	vpop (erf)  }
0x3ce: {  	v25 =	vld [tilespmem:s11+$0xFFFFFF70];
	(erf) = vrcp.f32 v4;
	v15 =	vadd.f32 v15, v21;
	v2 =	vadd.f32 $1.000000000e+00, v2;
	v4 =	vpop (erf)  }
0x3cf: {  	[tilespmem:s1+$0x20] =	vst v3;
	v3 =	vld [tilespmem:s14+$0xFFFFFFB0];
	v10 =	vsub.f32 $0.0e+00, v10;
	v4 =	vadd.f32 $1.000000000e+00, v4;
	(erf) = vrcp.f32 v1;
	v1 =	vpop (erf)  }
0x3d0: {  	[tilespmem:s1+$0x60] =	vst v5;
	v5 =	vld [tilespmem:s14+$0xFFFFFFF0];
	(erf) = vrcp.f32 v2;
	v2 =	vsub.f32 $0.0e+00, v15;
	v1 =	vadd.f32 $1.000000000e+00, v1  }
0x3d1: {  	v23 =	vshll.u32 v18, $0x10;
	v21 =	vld [tilespmem:s14+$0x30];
	(erf) = vrcp.f32 v4;
	v4 =	vmul.f32 $1.442695020e+00, v10  }
0x3d2: {  	v15 =	vadd.f32 v16, v20;
	(erf) = vrcp.f32 v1;
	v1 =	vmul.f32 $1.442695020e+00, v2;
	v2 =	vld [tilespmem:s11+$0xFFFFFFF0]  }
0x3d3: {  	v9 =	vand.u32 $0xFFFF0000, v9;
	v16 =	vld [tilespmem:s11+$0xFFFFFFB0];
	v10 =	vadd.f32 v23, v25  }
0x3d4: {  	v20 =	vld [tilespmem:s14+$0x70];
	v23 =	vand.u32 $0xFFFF0000, v6;
	(erf) = vpow2.f32 v4;
	v4 =	vsub.f32 $0.0e+00, v15  }
0x3d5: {  	(erf) = vpow2.f32 v1;
	v1 =	vand.u32 $0xFFFF0000, v18;
	v18 =	vshll.u32 v3, $0x10  }
0x3d6: {  	v24 =	vld [tilespmem:s11+$0x30];
	v6 =	vand.u32 $0xFFFF0000, v22;
	v22 =	vshll.u32 v5, $0x10;
	v10 =	vsub.f32 $0.0e+00, v10;
	v15 =	vpop (erf)  }
0x3d7: {  	v7 =	vand.u32 $0xFFFF0000, v7;
	v26 =	vld [tilespmem:s11+$0x70];
	v25 =	vpop (erf);
	v4 =	vmul.f32 $1.442695020e+00, v4;
	v22 =	vadd.f32 v22, v2  }
0x3d8: {  	v27 =	vshll.u32 v21, $0x10;
	v10 =	vmul.f32 $1.442695020e+00, v10;
	v16 =	vadd.f32 v18, v16;
	v18 =	vpop (erf)  }
0x3d9: {  	v28 =	vshll.u32 v20, $0x10;
	v30 =	vadd.f32 $1.000000000e+00, v15;
	v29 =	vpop (erf);
	v15 =	vsub.f32 $0.0e+00, v22  }
0x3da: {  	s20 =	simm.s32 $0x5300;
	v2 =	vand.u32 $0xFFFF0000, v3;
	v3 =	vsub.f32 $0.0e+00, v16;
	(erf) = vpow2.f32 v4;
	v31 =	vpop (erf)  }
0x3db: {  	s17 =	simm.s32 $0x3300;
	v12 =	vmul.f32 v12, v25;
	v16 =	vadd.f32 v27, v24;
	v4 =	vpop (erf);
	v25 =	vmul.f32 $1.442695020e+00, v15;
	v15 =	vld [tilespmem:s20+$0x80]  }
0x3dc: {  	v24 =	vadd.f32 v28, v26;
	v9 =	vmul.f32 v9, v18;
	v3 =	vmul.f32 $1.442695020e+00, v3;
	v22 =	vld [tilespmem:s17+$0x80];
	v18 =	vpop (erf)  }
0x3dd: {  	v8 =	vand.u32 $0xFFFF0000, v8;
	[tilespmem:s16+$0xFFFFFF10] =	vst v12;
	(erf) = vpow2.f32 v10;
	v12 =	vsub.f32 $0.0e+00, v16;
	v10 =	vpop (erf)  }
0x3de: {  	v16 =	vld [tilespmem:s20+$0xC0];
	v24 =	vsub.f32 $0.0e+00, v24;
	(erf) = vpow2.f32 v3;
	v3 =	vadd.f32 $1.000000000e+00, v10;
	v10 =	vpop (erf)  }
0x3df: {  	[tilespmem:s16+$0xFFFFFF50] =	vst v9;
	v9 =	vld [tilespmem:s17+$0xC0];
	v26 =	vmul.f32 v7, v31;
	(erf) = vpow2.f32 v25;
	v10 =	vadd.f32 $1.000000000e+00, v10  }
0x3e0: {  	(erf) = vrcp.f32 v3;
	v3 =	vand.u32 $0xFFFF0000, v5;
	v5 =	vshll.u32 v15, $0x10  }
0x3e1: {  	v7 =	vmul.f32 $1.442695020e+00, v12;
	v12 =	vld [tilespmem:s21+$0xFFFFFF60];
	v27 =	vmul.f32 v8, v4;
	v22 =	vadd.f32 v5, v22  }
0x3e2: {  	v4 =	vand.u32 $0xFFFF0000, v21;
	v8 =	vmul.f32 $1.442695020e+00, v24;
	v25 =	vld [tilespmem:s21+$0xFFFFFF20];
	(erf) = vrcp.f32 v10  }
0x3e3: {  	v10 =	vshll.u32 v16, $0x10;
	v5 =	vand.u32 $0xFFFF0000, v20;
	v20 =	vpop (erf);
	v22 =	vsub.f32 $0.0e+00, v22  }
0x3e4: {  	v21 =	vld [tilespmem:s20+$0xFFFFFF00];
	v9 =	vadd.f32 v10, v9;
	(erf) = vpow2.f32 v7;
	v20 =	vadd.f32 $1.000000000e+00, v20  }
0x3e5: {  	v24 =	vld [tilespmem:s20+$0xFFFFFF40];
	(erf) = vpow2.f32 v8;
	v22 =	vmul.f32 $1.442695020e+00, v22  }
0x3e6: {  	v13 =	vand.u32 $0xFFFF0000, v13;
	v7 =	vpop (erf);
	v46 =	vsub.f32 $0.0e+00, v9;
	(erf) = vrcp.f32 v20;
	v20 =	vld [tilespmem:s17+$0xFFFFFF40]  }
0x3e7: {  	v47 =	vld [tilespmem:s20+$0x40];
	v19 =	vmul.f32 v19, v29;
	v33 =	vshll.u32 v12, $0x10;
	v29 =	vshll.u32 v25, $0x10;
	v8 =	vpop (erf)  }
0x3e8: {  	v28 =	vld [tilespmem:s20+$0xFFFFFFC0];
	v10 =	vand.u32 $0xFFFF0000, v25;
	v9 =	vand.u32 $0xFFFF0000, v12;
	v25 =	vmul.f32 $1.442695020e+00, v46;
	v12 =	vpop (erf)  }
0x3e9: {  	v18 =	vmul.f32 v23, v18;
	v23 =	vld [tilespmem:s20+$0xFFFFFF80];
	v48 =	vshll.u32 v21, $0x10;
	(erf) = vpow2.f32 v22;
	v22 =	vpop (erf)  }
0x3ea: {  	v49 =	vld [tilespmem:s17+$0xFFFFFF80];
	v13 =	vmul.f32 v13, v22;
	v22 =	vand.u32 $0xFFFF0000, v21;
	v21 =	vshll.u32 v24, $0x10  }
0x3eb: {  	v50 =	vld [tilespmem:s17+$0xFFFFFFC0];
	v21 =	vadd.f32 v21, v20  }
0x3ec: {  	v53 =	vld [tilespmem:s17+$0xFFFFFF00];
	v14 =	vand.u32 $0xFFFF0000, v14;
	(erf) = vpow2.f32 v25;
	v25 =	vpop (erf)  }
0x3ed: {  	v31 =	vld [tilespmem:s20+$0x0];
	v54 =	vshll.u32 v28, $0x10;
	v52 =	vmul.f32 v14, v25;
	v21 =	vsub.f32 $0.0e+00, v21  }
0x3ee: {  	v25 =	vand.u32 $0xFFFF0000, v24;
	v24 =	vshll.u32 v23, $0x10;
	v14 =	vand.u32 $0xFFFF0000, v28;
	v28 =	vld [tilespmem:s17+$0x40]  }
0x3ef: {  	v51 =	vld [tilespmem:s17+$0x0];
	[tilespmem:s16+$0xA0] =	vst v13;
	v35 =	vadd.f32 v24, v49;
	v21 =	vmul.f32 $1.442695020e+00, v21  }
0x3f0: {  	v20 =	vand.u32 $0xFFFF0000, v23;
	v23 =	vpop (erf);
	[tilespmem:s16+$0xE0] =	vst v52  }
0x3f1: {  	[tilespmem:s16+$0xFFFFFF90] =	vst v19;
	v19 =	vshll.u32 v47, $0x10;
	v36 =	vadd.f32 v54, v50;
	v13 =	vld [tilespmem:s21+$0xF0];
	v24 =	vpop (erf);
	v35 =	vsub.f32 $0.0e+00, v35  }
0x3f2: {  	[tilespmem:s16+$0xFFFFFFD0] =	vst v26;
	v55 =	vshll.u32 v31, $0x10;
	v32 =	vadd.f32 v48, v53;
	(erf) = vrcp.f32 v30;
	v30 =	vld [tilespmem:s19+$0xF0];
	v26 =	vpop (erf)  }
0x3f3: {  	v19 =	vadd.f32 v19, v28;
	v28 =	vmul.f32 $1.442695020e+00, v35;
	(erf) = vpow2.f32 v21;
	v21 =	vpop (erf)  }
0x3f4: {  	v17 =	vand.u32 $0xFFFF0000, v17;
	v37 =	vadd.f32 v55, v51;
	v21 =	vadd.f32 $1.000000000e+00, v21  }
0x3f5: {  	v32 =	vsub.f32 $0.0e+00, v32;
	v17 =	vmul.f32 v17, v26;
	(erf) = vpow2.f32 v28  }
0x3f6: {  	v26 =	vsub.f32 $0.0e+00, v36;
	v58 =	vshll.u32 v13, $0x10;
	v57 =	vpop (erf);
	(erf) = vrcp.f32 v21  }
0x3f7: {  	v61 =	vld [tilespmem:s19+$0xFFFFFF20];
	v30 =	vadd.f32 v58, v30;
	v28 =	vadd.f32 $1.000000000e+00, v57  }
0x3f8: {  	[tilespmem:s16+$0x50] =	vst v18;
	v18 =	vld [tilespmem:s21+$0xFFFFFFE0];
	v63 =	vand.u32 $0xFFFF0000, v31;
	v60 =	vsub.f32 $0.0e+00, v37;
	v32 =	vmul.f32 $1.442695020e+00, v32  }
0x3f9: {  	v31 =	vld [tilespmem:s19+$0xFFFFFFE0];
	v21 =	vmul.f32 $1.442695020e+00, v26;
	(erf) = vrcp.f32 v28;
	v28 =	vsub.f32 $0.0e+00, v30  }
0x3fa: {  	[tilespmem:s16+$0x10] =	vst v27;
	v27 =	vld [tilespmem:s21+$0xFFFFFFA0];
	v30 =	vmul.f32 $1.442695020e+00, v60;
	(erf) = vpow2.f32 v32  }
0x3fb: {  	v62 =	vld [tilespmem:s19+$0xFFFFFFA0];
	(erf) = vpow2.f32 v21;
	v21 =	vmul.f32 $1.442695020e+00, v28  }
0x3fc: {  	v56 =	vld [tilespmem:s21+$0x20];
	v29 =	vadd.f32 v29, v61;
	v19 =	vsub.f32 $0.0e+00, v19;
	v45 =	vpop (erf);
	(erf) = vpow2.f32 v30  }
0x3fd: {  	v26 =	vld [tilespmem:s19+$0xFFFFFF60];
	v28 =	vand.u32 $0xFFFF0000, v47;
	v47 =	vpop (erf);
	(erf) = vpow2.f32 v21;
	v21 =	vshll.u32 v18, $0x10  }
0x3fe: {  	v59 =	vld [tilespmem:s21+$0x60];
	v19 =	vmul.f32 $1.442695020e+00, v19;
	v21 =	vadd.f32 v21, v31;
	v31 =	vpop (erf)  }
0x3ff: {  	v44 =	vld [tilespmem:s19+$0x20];
	v15 =	vand.u32 $0xFFFF0000, v15;
	v29 =	vsub.f32 $0.0e+00, v29;
	v49 =	vpop (erf)  }
0x400: {  	(erf) = vpow2.f32 v19;
	v15 =	vmul.f32 v15, v49  }
0x401: {  	v16 =	vand.u32 $0xFFFF0000, v16;
	v46 =	vld [tilespmem:s19+$0x60];
	v30 =	vshll.u32 v27, $0x10  }
0x402: {  	v51 =	vmul.f32 $1.442695020e+00, v29;
	v26 =	vadd.f32 v33, v26;
	v30 =	vadd.f32 v30, v62;
	v50 =	vpop (erf)  }
0x403: {  	s22 =	simm.s32 $0x7300;
	v33 =	vadd.f32 $1.000000000e+00, v47;
	v19 =	vshll.u32 v56, $0x10;
	v16 =	vmul.f32 v16, v50;
	v29 =	vpop (erf)  }
0x404: {  	v48 =	vshll.u32 v59, $0x10;
	v19 =	vadd.f32 v19, v44;
	v31 =	vadd.f32 $1.000000000e+00, v31;
	[tilespmem:s22+$0x80] =	vst v15;
	v15 =	vpop (erf)  }
0x405: {  	(erf) = vrcp.f32 v33;
	v29 =	vadd.f32 $1.000000000e+00, v29;
	v15 =	vadd.f32 $1.000000000e+00, v15  }
0x406: {  	v36 =	vadd.f32 v48, v46;
	v26 =	vsub.f32 $0.0e+00, v26;
	(erf) = vrcp.f32 v31;
	[tilespmem:s22+$0xC0] =	vst v16  }
0x407: {  	v30 =	vsub.f32 $0.0e+00, v30;
	v52 =	vsub.f32 $0.0e+00, v21;
	v21 =	vld [tilespmem:s20+$0x90];
	v16 =	vpop (erf);
	(erf) = vrcp.f32 v29  }
0x408: {  	v31 =	vsub.f32 $0.0e+00, v19;
	v53 =	vld [tilespmem:s17+$0x90];
	v16 =	vadd.f32 $1.000000000e+00, v16;
	v19 =	vpop (erf)  }
0x409: {  	v26 =	vmul.f32 $1.442695020e+00, v26;
	v29 =	vld [tilespmem:s20+$0xD0];
	(erf) = vrcp.f32 v15;
	v19 =	vadd.f32 $1.000000000e+00, v19;
	v15 =	vpop (erf)  }
0x40a: {  	v30 =	vmul.f32 $1.442695020e+00, v30;
	v54 =	vld [tilespmem:s17+$0xD0];
	(erf) = vrcp.f32 v16;
	v15 =	vadd.f32 $1.000000000e+00, v15  }
0x40b: {  	v33 =	vmul.f32 $1.442695020e+00, v52;
	(erf) = vrcp.f32 v19;
	v19 =	vand.u32 $0xFFFF0000, v27  }
0x40c: {  	v27 =	vmul.f32 $1.442695020e+00, v31;
	v31 =	vshll.u32 v21, $0x10;
	(erf) = vrcp.f32 v15  }
0x40d: {  	v16 =	vsub.f32 $0.0e+00, v36;
	v31 =	vadd.f32 v31, v53;
	(erf) = vpow2.f32 v51  }
0x40e: {  	v55 =	vpop (erf);
	v15 =	vand.u32 $0xFFFF0000, v56;
	v56 =	vshll.u32 v29, $0x10;
	(erf) = vpow2.f32 v26  }
0x40f: {  	v16 =	vmul.f32 $1.442695020e+00, v16;
	v57 =	vadd.f32 v56, v54;
	(erf) = vpow2.f32 v30;
	v30 =	vpop (erf)  }
0x410: {  	v25 =	vmul.f32 v25, v55;
	v31 =	vsub.f32 $0.0e+00, v31;
	(erf) = vpow2.f32 v33;
	v58 =	vpop (erf)  }
0x411: {  	(erf) = vpow2.f32 v27;
	v22 =	vmul.f32 v22, v58;
	v27 =	vsub.f32 $0.0e+00, v57  }
0x412: {  	v26 =	vand.u32 $0xFFFF0000, v59;
	v59 =	vpop (erf);
	(erf) = vpow2.f32 v16  }
0x413: {  	v16 =	vmul.f32 $1.442695020e+00, v31;
	[tilespmem:s22+$0xFFFFFF00] =	vst v22;
	v22 =	vmul.f32 $1.442695020e+00, v27  }
0x414: {  	v7 =	vadd.f32 $1.000000000e+00, v7;
	[tilespmem:s22+$0xFFFFFF40] =	vst v25;
	v20 =	vmul.f32 v20, v30;
	v25 =	vpop (erf)  }
0x415: {  	v8 =	vadd.f32 $1.000000000e+00, v8;
	v14 =	vmul.f32 v14, v59;
	(erf) = vpow2.f32 v16;
	v27 =	vpop (erf)  }
0x416: {  	v30 =	vadd.f32 $1.000000000e+00, v23;
	[tilespmem:s22+$0xFFFFFF80] =	vst v20;
	v20 =	vmul.f32 v63, v25;
	(erf) = vpow2.f32 v22;
	v60 =	vpop (erf)  }
0x417: {  	v31 =	vadd.f32 $1.000000000e+00, v24;
	v23 =	vld [tilespmem:s20+$0xFFFFFF10];
	[tilespmem:s22+$0xFFFFFFC0] =	vst v14;
	(erf) = vrcp.f32 v7;
	v22 =	vpop (erf);
	v14 =	vmul.f32 v28, v60  }
0x418: {  	v7 =	vld [tilespmem:s20+$0xFFFFFF50];
	v24 =	vadd.f32 $1.000000000e+00, v22;
	v25 =	vpop (erf);
	v22 =	vmul.f32 v6, v45;
	v6 =	vand.u32 $0xFFFF0000, v13  }
0x419: {  	[tilespmem:s22+$0x0] =	vst v20;
	v20 =	vmul.f32 v6, v27;
	v6 =	vadd.f32 $1.000000000e+00, v25  }
0x41a: {  	(erf) = vrcp.f32 v8;
	v8 =	vld [tilespmem:s20+$0xFFFFFF90];
	v13 =	vpop (erf)  }
0x41b: {  	v50 =	vld [tilespmem:s17+$0xFFFFFF50];
	[tilespmem:s22+$0x40] =	vst v14;
	(erf) = vrcp.f32 v24;
	v14 =	vpop (erf)  }
0x41c: {  	v52 =	vld [tilespmem:s17+$0xFFFFFF90];
	v61 =	vshll.u32 v23, $0x10;
	v13 =	vadd.f32 $1.000000000e+00, v13;
	v24 =	vand.u32 $0xFFFF0000, v23;
	v23 =	vpop (erf)  }
0x41d: {  	v25 =	vld [tilespmem:s20+$0xFFFFFFD0];
	v49 =	vshll.u32 v7, $0x10;
	(erf) = vrcp.f32 v6;
	v6 =	vpop (erf)  }
0x41e: {  	v28 =	vand.u32 $0xFFFF0000, v7;
	v14 =	vadd.f32 $1.000000000e+00, v14;
	(erf) = vrcp.f32 v13;
	v13 =	vld [tilespmem:s17+$0xFFFFFF10];
	v7 =	vpop (erf)  }
0x41f: {  	v62 =	vld [tilespmem:s20+$0x10];
	v51 =	vshll.u32 v8, $0x10;
	v27 =	vand.u32 $0xFFFF0000, v8;
	v8 =	vadd.f32 $1.000000000e+00, v7  }
0x420: {  	v12 =	vadd.f32 $1.000000000e+00, v12;
	v21 =	vand.u32 $0xFFFF0000, v21;
	v23 =	vadd.f32 $1.000000000e+00, v23  }
0x421: {  	v54 =	vld [tilespmem:s17+$0xFFFFFFD0];
	v58 =	vadd.f32 v49, v50;
	v60 =	vadd.f32 v51, v52;
	(erf) = vrcp.f32 v14;
	v7 =	vpop (erf)  }
0x422: {  	v63 =	vld [tilespmem:s20+$0x50];
	v6 =	vadd.f32 $1.000000000e+00, v6;
	(erf) = vrcp.f32 v23;
	v56 =	vadd.f32 $1.000000000e+00, v7;
	v7 =	vpop (erf)  }
0x423: {  	v43 =	vld [tilespmem:s17+$0x10];
	v53 =	vshll.u32 v25, $0x10;
	(erf) = vrcp.f32 v8;
	v13 =	vadd.f32 v61, v13;
	v8 =	vpop (erf)  }
0x424: {  	v55 =	vshll.u32 v62, $0x10;
	v23 =	vand.u32 $0xFFFF0000, v62;
	(erf) = vrcp.f32 v56;
	v59 =	vpop (erf)  }
0x425: {  	v16 =	vld [tilespmem:s21+$0xB0];
	(erf) = vrcp.f32 v6;
	v6 =	vsub.f32 $0.0e+00, v13;
	v10 =	vmul.f32 v10, v59  }
0x426: {  	v57 =	vld [tilespmem:s17+$0x50];
	v62 =	vadd.f32 v53, v54;
	v61 =	vpop (erf);
	(erf) = vrcp.f32 v12;
	v12 =	vsub.f32 $0.0e+00, v58  }
0x427: {  	v13 =	vld [tilespmem:s19+$0xB0];
	v9 =	vmul.f32 v9, v61;
	v6 =	vmul.f32 $1.442695020e+00, v6;
	[tilespmem:s16+$0xFFFFFF20] =	vst v10;
	v10 =	vsub.f32 $0.0e+00, v60  }
0x428: {  	v44 =	vshll.u32 v63, $0x10;
	v14 =	vand.u32 $0xFFFF0000, v63;
	v63 =	vadd.f32 v55, v43  }
0x429: {  	v33 =	vsub.f32 $0.0e+00, v62;
	v12 =	vmul.f32 $1.442695020e+00, v12;
	[tilespmem:s16+$0xFFFFFF60] =	vst v9;
	v9 =	vmul.f32 $1.442695020e+00, v10  }
0x42a: {  	v48 =	vshll.u32 v16, $0x10;
	v40 =	vpop (erf);
	(erf) = vpow2.f32 v6;
	v10 =	vsub.f32 $0.0e+00, v63  }
0x42b: {  	v32 =	vadd.f32 v44, v57;
	v33 =	vmul.f32 $1.442695020e+00, v33;
	v41 =	vld [tilespmem:s21+$0xFFFFFF30];
	v6 =	vpop (erf);
	(erf) = vpow2.f32 v12  }
0x42c: {  	v42 =	vld [tilespmem:s21+$0xFFFFFF70];
	v12 =	vadd.f32 v48, v13;
	v13 =	vpop (erf);
	v10 =	vmul.f32 $1.442695020e+00, v10;
	(erf) = vpow2.f32 v9  }
0x42d: {  	v18 =	vand.u32 $0xFFFF0000, v18;
	v32 =	vsub.f32 $0.0e+00, v32;
	v43 =	vld [tilespmem:s19+$0xFFFFFF30];
	(erf) = vpow2.f32 v33;
	v9 =	vpop (erf)  }
0x42e: {  	v29 =	vand.u32 $0xFFFF0000, v29;
	v44 =	vld [tilespmem:s19+$0xFFFFFF70];
	(erf) = vpow2.f32 v10;
	v9 =	vmul.f32 v21, v9;
	v21 =	vpop (erf)  }
0x42f: {  	v32 =	vmul.f32 $1.442695020e+00, v32;
	v21 =	vmul.f32 v29, v21;
	v29 =	vsub.f32 $0.0e+00, v12  }
0x430: {  	v6 =	vmul.f32 v18, v6;
	v13 =	vmul.f32 v15, v13;
	[tilespmem:s22+$0x90] =	vst v9  }
0x431: {  	v10 =	vmul.f32 v19, v40;
	v19 =	vpop (erf);
	(erf) = vpow2.f32 v32;
	v9 =	vshll.u32 v41, $0x10;
	[tilespmem:s22+$0xD0] =	vst v21  }
0x432: {  	v12 =	vpop (erf);
	v15 =	vmul.f32 v26, v19;
	v21 =	vshll.u32 v42, $0x10;
	v9 =	vadd.f32 v9, v43;
	v19 =	vld [tilespmem:s20+$0xE0]  }
0x433: {  	(erf) = vrcp.f32 v30;
	v26 =	vmul.f32 $1.442695020e+00, v29;
	v18 =	vld [tilespmem:s20+$0xA0];
	v21 =	vadd.f32 v21, v44;
	v29 =	vpop (erf)  }
0x434: {  	[tilespmem:s16+$0xFFFFFFE0] =	vst v6;
	(erf) = vrcp.f32 v31;
	v6 =	vsub.f32 $0.0e+00, v9;
	v9 =	vld [tilespmem:s17+$0xE0];
	v29 =	vadd.f32 $1.000000000e+00, v29;
	v30 =	vpop (erf)  }
0x435: {  	[tilespmem:s16+$0xFFFFFFA0] =	vst v10;
	v45 =	vld [tilespmem:s17+$0xA0];
	(erf) = vpow2.f32 v26;
	v21 =	vsub.f32 $0.0e+00, v21;
	v26 =	vadd.f32 $1.000000000e+00, v30;
	v30 =	vpop (erf)  }
0x436: {  	[tilespmem:s16+$0x60] =	vst v15;
	(erf) = vrcp.f32 v29;
	v29 =	vmul.f32 $1.442695020e+00, v6;
	v6 =	vadd.f32 $1.000000000e+00, v30;
	v15 =	vpop (erf)  }
0x437: {  	v46 =	vld [tilespmem:s21+$0xFFFFFFF0];
	(erf) = vrcp.f32 v26;
	v26 =	vmul.f32 $1.442695020e+00, v21;
	v48 =	vshll.u32 v19, $0x10;
	v49 =	vpop (erf)  }
0x438: {  	v51 =	vld [tilespmem:s19+$0xFFFFFFB0];
	(erf) = vrcp.f32 v6;
	v6 =	vand.u32 $0xFFFF0000, v16;
	v16 =	vadd.f32 $1.000000000e+00, v49  }
0x439: {  	[tilespmem:s16+$0x20] =	vst v13;
	v31 =	vld [tilespmem:s21+$0xFFFFFFB0];
	v21 =	vshll.u32 v18, $0x10;
	v30 =	vadd.f32 $1.000000000e+00, v15;
	v9 =	vadd.f32 v48, v9  }
0x43a: {  	v47 =	vld [tilespmem:s21+$0x30];
	v21 =	vadd.f32 v21, v45  }
0x43b: {  	v25 =	vand.u32 $0xFFFF0000, v25;
	v13 =	vand.u32 $0xFFFF0000, v42;
	v50 =	vpop (erf);
	(erf) = vrcp.f32 v30;
	v30 =	vld [tilespmem:s19+$0xFFFFFFF0]  }
0x43c: {  	v54 =	vld [tilespmem:s19+$0x30];
	v32 =	vadd.f32 $1.000000000e+00, v50;
	v21 =	vsub.f32 $0.0e+00, v21;
	(erf) = vrcp.f32 v16;
	v16 =	vpop (erf)  }
0x43d: {  	v10 =	vand.u32 $0xFFFF0000, v41;
	v55 =	vshll.u32 v46, $0x10;
	v15 =	vld [tilespmem:s21+$0x70];
	v52 =	vsub.f32 $0.0e+00, v9;
	v9 =	vpop (erf)  }
0x43e: {  	v56 =	vld [tilespmem:s19+$0x70];
	v53 =	vshll.u32 v31, $0x10;
	v21 =	vmul.f32 $1.442695020e+00, v21;
	(erf) = vrcp.f32 v32;
	v59 =	vpop (erf)  }
0x43f: {  	[tilespmem:s1+$0xF0] =	vst v11;
	v57 =	vshll.u32 v47, $0x10;
	v11 =	vadd.f32 v53, v51;
	v36 =	vmul.f32 $1.442695020e+00, v52;
	v60 =	vpop (erf)  }
0x440: {  	[tilespmem:s1+$0xFFFFFF30] =	vst v17;
	(erf) = vpow2.f32 v21;
	v17 =	vadd.f32 v55, v30;
	v24 =	vmul.f32 v24, v60  }
0x441: {  	[tilespmem:s1+$0xB0] =	vst v22;
	v61 =	vadd.f32 v57, v54;
	v22 =	vsub.f32 $0.0e+00, v11;
	(erf) = vpow2.f32 v36  }
0x442: {  	v11 =	vand.u32 $0xFFFF0000, v31;
	v58 =	vshll.u32 v15, $0x10;
	v30 =	vpop (erf);
	v17 =	vsub.f32 $0.0e+00, v17  }
0x443: {  	[tilespmem:s16+$0xF0] =	vst v20;
	v62 =	vadd.f32 v58, v56;
	v21 =	vadd.f32 $1.000000000e+00, v59;
	v30 =	vmul.f32 v28, v30  }
0x444: {  	(erf) = vpow2.f32 v29;
	v28 =	vmul.f32 $1.442695020e+00, v22;
	v22 =	vsub.f32 $0.0e+00, v61;
	[tilespmem:s22+$0xFFFFFF10] =	vst v24;
	v24 =	vpop (erf)  }
0x445: {  	v35 =	vsub.f32 $0.0e+00, v62;
	v31 =	vmul.f32 $1.442695020e+00, v17;
	[tilespmem:s22+$0xFFFFFF50] =	vst v30;
	v63 =	vmul.f32 v27, v24;
	v20 =	vpop (erf)  }
0x446: {  	s23 =	simm.s32 $0x7300;
	s24 =	simm.s32 $0x5300;
	v27 =	vld [tilespmem:s20+$0xFFFFFF20];
	v30 =	vmul.f32 v25, v20;
	v17 =	vpop (erf);
	v20 =	vand.u32 $0xFFFF0000, v46;
	v25 =	vmul.f32 $1.442695020e+00, v22  }
0x447: {  	s5 =	simm.s32 $0x8;
	s19 =	simm.s32 $0x3500;
	v24 =	vld [tilespmem:s20+$0xFFFFFF60];
	[tilespmem:s22+$0xFFFFFF90] =	vst v63;
	v29 =	vmul.f32 v23, v17;
	v32 =	vpop (erf);
	v17 =	vand.u32 $0xFFFF0000, v47;
	v23 =	vmul.f32 $1.442695020e+00, v35  }
.LBB2_10:
0x448: {  	v33 =	vld [tilespmem:s19+$0x80];
	[tilespmem:s22+$0xFFFFFFD0] =	vst v30;
	v30 =	vmul.f32 v14, v32;
	s20 =	sadd.s32 $0x200, s20;
	v14 =	vand.u32 $0xFFFF0000, v15;
	(erf) = vpow2.f32 v26  }
0x449: {  	v7 =	vmul.f32 v1, v7;
	v1 =	vmov v13;
	v15 =	vld [tilespmem:s20+$0x80];
	[tilespmem:s22+$0x10] =	vst v29;
	v26 =	vpop (erf);
	(erf) = vpow2.f32 v28  }
0x44a: {  	v8 =	vmul.f32 v2, v8;
	v22 =	vld [tilespmem:s20+$0xC0];
	[tilespmem:s22+$0x50] =	vst v30;
	v28 =	vadd.f32 $1.000000000e+00, v26;
	v29 =	vpop (erf);
	(erf) = vpow2.f32 v31  }
0x44b: {  	v2 =	vmovc v11;
	v30 =	vld [tilespmem:s19+$0xC0];
	v26 =	vshll.u32 v27, $0x10;
	v13 =	vand.u32 $0xFFFF0000, v27;
	v29 =	vadd.f32 $1.000000000e+00, v29;
	[tilespmem:s1+$0xFFFFFF70] =	vst v7  }
0x44c: {  	v7 =	vld [tilespmem:s20+$0xFFFFFF00];
	v27 =	vshll.u32 v24, $0x10;
	v11 =	vand.u32 $0xFFFF0000, v24;
	(erf) = vrcp.f32 v28;
	[tilespmem:s1+$0xFFFFFFB0] =	vst v8  }
0x44d: {  	v12 =	vmul.f32 v3, v12;
	v3 =	vmov v20;
	v8 =	vld [tilespmem:s20+$0xFFFFFF40];
	(erf) = vrcp.f32 v29;
	v24 =	vpop (erf)  }
0x44e: {  	s5 =	sadd.s32 $0x4, s5;
	v28 =	vld [tilespmem:s20+$0xFFFFFF80];
	v20 =	vshll.u32 v15, $0x10;
	v24 =	vadd.f32 $1.000000000e+00, v24;
	(erf) = vpow2.f32 v25  }
0x44f: {  	p1 =	slt.u32 s5, $0x1C;
	v31 =	vld [tilespmem:s20+$0xFFFFFFC0];
	v25 =	vshll.u32 v22, $0x10;
	v32 =	vadd.f32 v20, v33;
	(erf) = vpow2.f32 v23;
	[tilespmem:s1+$0xFFFFFFF0] =	vst v12  }
0x450: {  	v16 =	vmul.f32 v4, v16;
	v4 =	vmovc v17;
	v12 =	vld [tilespmem:s20+$0x0];
	v35 =	vadd.f32 v25, v30;
	(erf) = vrcp.f32 v24  }
0x451: {  	v17 =	vshll.u32 v7, $0x10;
	v7 =	vand.u32 $0xFFFF0000, v7;
	v30 =	vld [tilespmem:s20+$0x40];
	v36 =	vsub.f32 $0.0e+00, v32;
	v20 =	vpop (erf)  }
0x452: {  	v32 =	vld [tilespmem:s19+$0xFFFFFF40];
	v33 =	vshll.u32 v8, $0x10;
	v23 =	vand.u32 $0xFFFF0000, v8;
	v34 =	vsub.f32 $0.0e+00, v35;
	v25 =	vpop (erf);
	[tilespmem:s1+$0x30] =	vst v16  }
0x453: {  	v16 =	vld [tilespmem:s19+$0xFFFFFF80];
	v35 =	vshll.u32 v28, $0x10;
	v24 =	vand.u32 $0xFFFF0000, v28;
	v39 =	vmul.f32 $1.442695020e+00, v36;
	v29 =	vpop (erf)  }
0x454: {  	v36 =	vld [tilespmem:s19+$0xFFFFFFC0];
	v37 =	vshll.u32 v31, $0x10;
	v8 =	vand.u32 $0xFFFF0000, v31;
	v31 =	vmul.f32 $1.442695020e+00, v34  }
0x455: {  	v40 =	vand.u32 $0xFFFF0000, v18;
	v34 =	vld [tilespmem:s19+$0x0];
	v38 =	vshll.u32 v12, $0x10;
	(erf) = vpow2.f32 v39;
	v28 =	vpop (erf)  }
0x456: {  	v41 =	vand.u32 $0xFFFF0000, v19;
	v39 =	vld [tilespmem:s19+$0x40];
	(erf) = vpow2.f32 v31;
	v28 =	vmul.f32 v40, v28;
	v18 =	vpop (erf)  }
0x457: {  	v31 =	vld [tilespmem:s19+$0xFFFFFF00];
	v32 =	vadd.f32 v33, v32;
	v33 =	vshll.u32 v30, $0x10;
	v41 =	vmul.f32 v41, v18;
	v19 =	vpop (erf)  }
0x458: {  	v18 =	vand.u32 $0xFFFF0000, v12;
	v12 =	vand.u32 $0xFFFF0000, v30;
	v16 =	vadd.f32 v35, v16;
	v35 =	vld [tilespmem:s24+$0xFFFFFFA0];
	[tilespmem:s22+$0xA0] =	vst v28;
	v30 =	vpop (erf)  }
0x459: {  	v32 =	vsub.f32 $0.0e+00, v32;
	v36 =	vadd.f32 v37, v36;
	v37 =	vld [tilespmem:s24+$0xFFFFFFE0];
	[tilespmem:s22+$0xE0] =	vst v41;
	v40 =	vpop (erf);
	(erf) = vrcp.f32 v21  }
0x45a: {  	v16 =	vsub.f32 $0.0e+00, v16;
	v21 =	vadd.f32 v38, v34;
	v28 =	vld [tilespmem:s24+$0xF0];
	v10 =	vmul.f32 v10, v40  }
0x45b: {  	v32 =	vmul.f32 $1.442695020e+00, v32;
	v34 =	vsub.f32 $0.0e+00, v36;
	v33 =	vadd.f32 v33, v39;
	v36 =	vld [tilespmem:s17+$0xF0]  }
0x45c: {  	v17 =	vadd.f32 v17, v31;
	v39 =	vmul.f32 $1.442695020e+00, v16;
	v21 =	vsub.f32 $0.0e+00, v21;
	v31 =	vld [tilespmem:s24+$0x20];
	[tilespmem:s16+$0xFFFFFF30] =	vst v10  }
0x45d: {  	v10 =	vmul.f32 $1.442695020e+00, v34;
	v33 =	vsub.f32 $0.0e+00, v33;
	(erf) = vpow2.f32 v32;
	v32 =	vld [tilespmem:s24+$0x60]  }
0x45e: {  	v17 =	vsub.f32 $0.0e+00, v17;
	v21 =	vmul.f32 $1.442695020e+00, v21;
	(erf) = vpow2.f32 v39;
	v16 =	vpop (erf);
	v34 =	vld [tilespmem:s17+$0xFFFFFF20]  }
0x45f: {  	v33 =	vmul.f32 $1.442695020e+00, v33;
	v16 =	vadd.f32 $1.000000000e+00, v16;
	v38 =	vpop (erf);
	v39 =	vld [tilespmem:s17+$0xFFFFFF60];
	v40 =	vshll.u32 v28, $0x10  }
0x460: {  	v17 =	vmul.f32 $1.442695020e+00, v17;
	v38 =	vadd.f32 $1.000000000e+00, v38;
	v41 =	vld [tilespmem:s17+$0xFFFFFFA0];
	v36 =	vadd.f32 v40, v36  }
0x461: {  	v42 =	vshll.u32 v37, $0x10;
	v40 =	vshll.u32 v35, $0x10;
	(erf) = vrcp.f32 v16;
	v16 =	vld [tilespmem:s17+$0xFFFFFFE0]  }
0x462: {  	v43 =	vshll.u32 v31, $0x10;
	(erf) = vrcp.f32 v38;
	v38 =	vld [tilespmem:s17+$0x20];
	v36 =	vsub.f32 $0.0e+00, v36;
	v44 =	vpop (erf)  }
0x463: {  	(erf) = vpow2.f32 v17;
	v17 =	vadd.f32 v26, v34;
	v26 =	vld [tilespmem:s17+$0x60];
	v34 =	vshll.u32 v32, $0x10  }
0x464: {  	(erf) = vpow2.f32 v10;
	v10 =	vadd.f32 v27, v39;
	v27 =	vmul.f32 $1.442695020e+00, v36  }
0x465: {  	(erf) = vpow2.f32 v21;
	v17 =	vsub.f32 $0.0e+00, v17;
	v21 =	vadd.f32 v40, v41  }
0x466: {  	v36 =	vpop (erf);
	v10 =	vsub.f32 $0.0e+00, v10;
	v16 =	vadd.f32 v42, v16;
	(erf) = vpow2.f32 v27  }
0x467: {  	v27 =	vadd.f32 $1.000000000e+00, v36;
	v36 =	vpop (erf);
	(erf) = vpow2.f32 v33;
	v33 =	vadd.f32 v43, v38  }
0x468: {  	v38 =	vmul.f32 $1.442695020e+00, v17;
	v36 =	vadd.f32 $1.000000000e+00, v36;
	v17 =	vadd.f32 v34, v26  }
0x469: {  	v21 =	vsub.f32 $0.0e+00, v21;
	v16 =	vsub.f32 $0.0e+00, v16;
	(erf) = vrcp.f32 v27  }
0x46a: {  	v15 =	vand.u32 $0xFFFF0000, v15;
	v27 =	vsub.f32 $0.0e+00, v33;
	(erf) = vrcp.f32 v36;
	v26 =	vpop (erf)  }
0x46b: {  	v22 =	vand.u32 $0xFFFF0000, v22;
	v17 =	vsub.f32 $0.0e+00, v17;
	v34 =	vmul.f32 v15, v26;
	v26 =	vpop (erf)  }
0x46c: {  	s22 =	sadd.s32 $0x200, s22;
	v33 =	vmul.f32 $1.442695020e+00, v10;
	v10 =	vand.u32 $0xFFFF0000, v35;
	v22 =	vmul.f32 v22, v26;
	v26 =	vpop (erf)  }
0x46d: {  	v35 =	vmul.f32 $1.442695020e+00, v16;
	v26 =	vadd.f32 $1.000000000e+00, v26;
	[tilespmem:s22+$0x80] =	vst v34;
	v15 =	vpop (erf);
	v34 =	vmul.f32 $1.442695020e+00, v21  }
0x46e: {  	v36 =	vmul.f32 $1.442695020e+00, v17;
	v16 =	vadd.f32 $1.000000000e+00, v15;
	[tilespmem:s22+$0xC0] =	vst v22;
	v15 =	vpop (erf);
	v22 =	vmul.f32 $1.442695020e+00, v27  }
0x46f: {  	v17 =	vadd.f32 $1.000000000e+00, v15;
	v39 =	vld [tilespmem:s19+$0x90];
	(erf) = vrcp.f32 v26;
	v15 =	vand.u32 $0xFFFF0000, v37;
	v21 =	vpop (erf)  }
0x470: {  	v26 =	vld [tilespmem:s20+$0x90];
	(erf) = vrcp.f32 v16;
	v27 =	vpop (erf);
	v16 =	vand.u32 $0xFFFF0000, v31;
	v21 =	vadd.f32 $1.000000000e+00, v21  }
0x471: {  	v31 =	vadd.f32 $1.000000000e+00, v27;
	v27 =	vld [tilespmem:s20+$0xD0];
	(erf) = vrcp.f32 v17;
	v17 =	vand.u32 $0xFFFF0000, v32  }
0x472: {  	v20 =	vadd.f32 $1.000000000e+00, v20;
	v25 =	vadd.f32 $1.000000000e+00, v25;
	v32 =	vld [tilespmem:s19+$0xD0];
	v37 =	vpop (erf);
	(erf) = vrcp.f32 v21  }
0x473: {  	v29 =	vadd.f32 $1.000000000e+00, v29;
	v21 =	vmul.f32 v23, v37;
	v23 =	vpop (erf);
	(erf) = vrcp.f32 v31  }
0x474: {  	v19 =	vadd.f32 $1.000000000e+00, v19;
	v23 =	vmul.f32 v24, v23;
	(erf) = vpow2.f32 v38  }
0x475: {  	[tilespmem:s22+$0xFFFFFF40] =	vst v21;
	v24 =	vshll.u32 v26, $0x10;
	(erf) = vpow2.f32 v33;
	v21 =	vadd.f32 $1.000000000e+00, v30  }
0x476: {  	[tilespmem:s22+$0xFFFFFF80] =	vst v23;
	v23 =	vshll.u32 v27, $0x10;
	v30 =	vadd.f32 v24, v39;
	(erf) = vpow2.f32 v34  }
0x477: {  	v9 =	vmul.f32 v5, v9;
	v5 =	vmovc v14;
	v31 =	vadd.f32 v23, v32;
	(erf) = vpow2.f32 v35  }
0x478: {  	v6 =	vmul.f32 v6, v44;
	v30 =	vsub.f32 $0.0e+00, v30;
	v24 =	vpop (erf);
	(erf) = vpow2.f32 v22  }
0x479: {  	v7 =	vmul.f32 v7, v24;
	v22 =	vsub.f32 $0.0e+00, v31;
	v23 =	vpop (erf);
	(erf) = vpow2.f32 v36;
	[tilespmem:s1+$0x70] =	vst v9;
	s1 =	smov.u32 s16;
	s16 =	smov.u32 s23;
	s23 =	smov.u32 s22  }
0x47a: {  	v23 =	vmul.f32 v8, v23;
	v9 =	vmul.f32 $1.442695020e+00, v30;
	v14 =	vpop (erf);
	[tilespmem:s1+$0xB0] =	vst v6  }
0x47b: {  	[tilespmem:s22+$0xFFFFFF00] =	vst v7;
	v24 =	vmul.f32 v18, v14;
	v7 =	vmul.f32 $1.442695020e+00, v22;
	v14 =	vand.u32 $0xFFFF0000, v28;
	v18 =	vpop (erf)  }
0x47c: {  	v22 =	vld [tilespmem:s20+$0xFFFFFF10];
	[tilespmem:s22+$0xFFFFFFC0] =	vst v23;
	v8 =	vpop (erf);
	(erf) = vpow2.f32 v9;
	v14 =	vmul.f32 v14, v18  }
0x47d: {  	[tilespmem:s22+$0x0] =	vst v24;
	v8 =	vmul.f32 v12, v8;
	(erf) = vpow2.f32 v7;
	v12 =	vld [tilespmem:s17+$0xB0];
	v6 =	vpop (erf)  }
0x47e: {  	v24 =	vadd.f32 $1.000000000e+00, v6;
	v6 =	vld [tilespmem:s24+$0xB0];
	[tilespmem:s16+$0xF0] =	vst v14;
	v9 =	vpop (erf);
	(erf) = vrcp.f32 v20  }
0x47f: {  	v14 =	vld [tilespmem:s20+$0xFFFFFF50];
	[tilespmem:s22+$0x40] =	vst v8;
	v31 =	vadd.f32 $1.000000000e+00, v9;
	v9 =	vpop (erf);
	(erf) = vrcp.f32 v25  }
0x480: {  	v18 =	vld [tilespmem:s20+$0xFFFFFF90];
	v9 =	vadd.f32 $1.000000000e+00, v9;
	(erf) = vrcp.f32 v24;
	v7 =	vpop (erf)  }
0x481: {  	v28 =	vshll.u32 v22, $0x10;
	v20 =	vand.u32 $0xFFFF0000, v22;
	v22 =	vld [tilespmem:s20+$0xFFFFFFD0];
	v7 =	vadd.f32 $1.000000000e+00, v7;
	v23 =	vpop (erf)  }
0x482: {  	v30 =	vld [tilespmem:s20+$0x10];
	v24 =	vadd.f32 $1.000000000e+00, v23;
	(erf) = vrcp.f32 v31;
	v8 =	vpop (erf)  }
0x483: {  	v31 =	vld [tilespmem:s20+$0x50];
	v32 =	vadd.f32 $1.000000000e+00, v8;
	v33 =	vshll.u32 v6, $0x10;
	(erf) = vrcp.f32 v9  }
0x484: {  	v9 =	vld [tilespmem:s19+$0xFFFFFF10];
	v34 =	vshll.u32 v14, $0x10;
	v25 =	vand.u32 $0xFFFF0000, v14;
	(erf) = vrcp.f32 v7  }
0x485: {  	v35 =	vld [tilespmem:s19+$0xFFFFFF50];
	v36 =	vshll.u32 v18, $0x10;
	v23 =	vand.u32 $0xFFFF0000, v18;
	v7 =	vpop (erf);
	(erf) = vrcp.f32 v24  }
0x486: {  	v18 =	vld [tilespmem:s19+$0xFFFFFF90];
	v37 =	vshll.u32 v22, $0x10;
	v24 =	vand.u32 $0xFFFF0000, v22;
	v42 =	vadd.f32 $1.000000000e+00, v7;
	v7 =	vpop (erf)  }
0x487: {  	v38 =	vld [tilespmem:s19+$0xFFFFFFD0];
	v39 =	vshll.u32 v30, $0x10;
	v22 =	vand.u32 $0xFFFF0000, v30;
	v43 =	vadd.f32 $1.000000000e+00, v7;
	v7 =	vpop (erf)  }
0x488: {  	v40 =	vld [tilespmem:s19+$0x10];
	v41 =	vshll.u32 v31, $0x10;
	v14 =	vand.u32 $0xFFFF0000, v31;
	(erf) = vrcp.f32 v42;
	v8 =	vpop (erf)  }
0x489: {  	v12 =	vadd.f32 v33, v12;
	v9 =	vadd.f32 v28, v9;
	v28 =	vld [tilespmem:s19+$0x50];
	(erf) = vrcp.f32 v43;
	v30 =	vpop (erf)  }
0x48a: {  	v31 =	vadd.f32 v34, v35;
	v33 =	vmul.f32 v13, v30;
	(erf) = vrcp.f32 v32  }
0x48b: {  	v9 =	vsub.f32 $0.0e+00, v9;
	v18 =	vadd.f32 v36, v18;
	v30 =	vpop (erf);
	(erf) = vrcp.f32 v29  }
0x48c: {  	v29 =	vsub.f32 $0.0e+00, v31;
	v31 =	vadd.f32 v37, v38;
	[tilespmem:s16+$0xFFFFFF20] =	vst v33;
	v33 =	vmul.f32 v11, v30;
	v13 =	vpop (erf)  }
0x48d: {  	v9 =	vmul.f32 $1.442695020e+00, v9;
	v18 =	vsub.f32 $0.0e+00, v18;
	v30 =	vadd.f32 v39, v40;
	v32 =	vpop (erf)  }
0x48e: {  	v29 =	vmul.f32 $1.442695020e+00, v29;
	v31 =	vsub.f32 $0.0e+00, v31;
	v28 =	vadd.f32 v41, v28;
	[tilespmem:s16+$0xFFFFFF60] =	vst v33;
	v11 =	vpop (erf)  }
0x48f: {  	v33 =	vmul.f32 $1.442695020e+00, v18;
	v30 =	vsub.f32 $0.0e+00, v30;
	(erf) = vpow2.f32 v9;
	v9 =	vld [tilespmem:s24+$0xFFFFFF30]  }
0x490: {  	v35 =	vmul.f32 $1.442695020e+00, v31;
	v28 =	vsub.f32 $0.0e+00, v28;
	(erf) = vpow2.f32 v29;
	v29 =	vld [tilespmem:s24+$0xFFFFFF70]  }
0x491: {  	v34 =	vand.u32 $0xFFFF0000, v26;
	v30 =	vmul.f32 $1.442695020e+00, v30;
	(erf) = vpow2.f32 v33;
	v18 =	vpop (erf);
	v33 =	vld [tilespmem:s17+$0xFFFFFF30]  }
0x492: {  	v27 =	vand.u32 $0xFFFF0000, v27;
	v28 =	vmul.f32 $1.442695020e+00, v28;
	v18 =	vmul.f32 v34, v18;
	v26 =	vpop (erf);
	v34 =	vld [tilespmem:s17+$0xFFFFFF70]  }
0x493: {  	v26 =	vmul.f32 v27, v26;
	(erf) = vpow2.f32 v35;
	v27 =	vsub.f32 $0.0e+00, v12;
	v31 =	vpop (erf)  }
0x494: {  	v10 =	vmul.f32 v10, v13;
	[tilespmem:s22+$0x90] =	vst v18;
	(erf) = vpow2.f32 v30;
	v18 =	vshll.u32 v9, $0x10;
	v12 =	vpop (erf)  }
0x495: {  	v15 =	vmul.f32 v15, v32;
	[tilespmem:s22+$0xD0] =	vst v26;
	(erf) = vpow2.f32 v28;
	v13 =	vshll.u32 v29, $0x10  }
0x496: {  	v11 =	vmul.f32 v16, v11;
	v16 =	vmul.f32 v17, v31;
	v28 =	vld [tilespmem:s19+$0xA0];
	v26 =	vadd.f32 v18, v33;
	[tilespmem:s16+$0xFFFFFFA0] =	vst v10  }
0x497: {  	v18 =	vld [tilespmem:s20+$0xA0];
	v13 =	vadd.f32 v13, v34;
	[tilespmem:s16+$0xFFFFFFE0] =	vst v15;
	v15 =	vmul.f32 $1.442695020e+00, v27;
	(erf) = vrcp.f32 v19  }
0x498: {  	v10 =	vand.u32 $0xFFFF0000, v9;
	v19 =	vld [tilespmem:s20+$0xE0];
	v17 =	vpop (erf);
	v9 =	vsub.f32 $0.0e+00, v26;
	[tilespmem:s16+$0x20] =	vst v11;
	(erf) = vrcp.f32 v21  }
0x499: {  	v11 =	vadd.f32 $1.000000000e+00, v17;
	v17 =	vld [tilespmem:s19+$0xE0];
	v21 =	vpop (erf);
	v26 =	vsub.f32 $0.0e+00, v13;
	[tilespmem:s16+$0x60] =	vst v16;
	(erf) = vpow2.f32 v15  }
0x49a: {  	v13 =	vand.u32 $0xFFFF0000, v29;
	v21 =	vadd.f32 $1.000000000e+00, v21;
	v16 =	vpop (erf);
	v27 =	vmul.f32 $1.442695020e+00, v9;
	v29 =	vld [tilespmem:s24+$0xFFFFFFB0]  }
0x49b: {  	v30 =	vadd.f32 $1.000000000e+00, v16;
	(erf) = vrcp.f32 v11;
	v26 =	vmul.f32 $1.442695020e+00, v26;
	v32 =	vld [tilespmem:s24+$0xFFFFFFF0]  }
0x49c: {  	v6 =	vand.u32 $0xFFFF0000, v6;
	v11 =	vshll.u32 v18, $0x10;
	(erf) = vrcp.f32 v21;
	v15 =	vpop (erf);
	v33 =	vld [tilespmem:s24+$0x30]  }
0x49d: {  	v34 =	vadd.f32 $1.000000000e+00, v15;
	v21 =	vshll.u32 v19, $0x10;
	v11 =	vadd.f32 v11, v28;
	v28 =	vpop (erf);
	v15 =	vld [tilespmem:s24+$0x70];
	s24 =	smov.u32 s20  }
0x49e: {  	v28 =	vadd.f32 $1.000000000e+00, v28;
	v17 =	vadd.f32 v21, v17;
	(erf) = vrcp.f32 v30;
	v9 =	vpop (erf);
	v21 =	vld [tilespmem:s17+$0xFFFFFFB0]  }
0x49f: {  	v36 =	vadd.f32 $1.000000000e+00, v9;
	v11 =	vsub.f32 $0.0e+00, v11;
	(erf) = vrcp.f32 v34;
	v30 =	vld [tilespmem:s17+$0xFFFFFFF0]  }
0x4a0: {  	v17 =	vsub.f32 $0.0e+00, v17;
	(erf) = vrcp.f32 v28;
	v28 =	vshll.u32 v29, $0x10;
	v31 =	vld [tilespmem:s17+$0x30];
	v16 =	vpop (erf)  }
0x4a1: {  	v34 =	vshll.u32 v32, $0x10;
	v11 =	vmul.f32 $1.442695020e+00, v11;
	(erf) = vrcp.f32 v36;
	v35 =	vld [tilespmem:s17+$0x70];
	v9 =	vpop (erf);
	s17 =	smov.u32 s19  }
0x4a2: {  	v36 =	vshll.u32 v33, $0x10;
	v17 =	vmul.f32 $1.442695020e+00, v17;
	v37 =	vshll.u32 v15, $0x10;
	v38 =	vpop (erf)  }
0x4a3: {  	(erf) = vpow2.f32 v11;
	v28 =	vadd.f32 v28, v21;
	v21 =	vadd.f32 $1.000000000e+00, v38  }
0x4a4: {  	v11 =	vand.u32 $0xFFFF0000, v29;
	v38 =	vpop (erf);
	(erf) = vpow2.f32 v17;
	v17 =	vadd.f32 v34, v30  }
0x4a5: {  	v34 =	vmul.f32 v20, v38;
	v29 =	vpop (erf);
	v28 =	vsub.f32 $0.0e+00, v28;
	v30 =	vadd.f32 v36, v31  }
.Ltmp3:
0x4a6: {  	v25 =	vmul.f32 v25, v29;
	v36 =	vsub.f32 $0.0e+00, v17;
	v29 =	vadd.f32 v37, v35;
	(pc) =	sbr.rel @p1 .LBB2_10-.Ltmp3, $4  }
0x4a7: {  	[tilespmem:s22+$0xFFFFFF10] =	vst v34;
	v20 =	vpop (erf);
	v28 =	vmul.f32 $1.442695020e+00, v28;
	v34 =	vsub.f32 $0.0e+00, v30;
	(erf) = vpow2.f32 v27  }
0x4a8: {  	[tilespmem:s22+$0xFFFFFF50] =	vst v25;
	v23 =	vmul.f32 v23, v20;
	v20 =	vpop (erf);
	v31 =	vmul.f32 $1.442695020e+00, v36;
	v35 =	vsub.f32 $0.0e+00, v29  }
0x4a9: {  	v27 =	vld [tilespmem:s20+$0xFFFFFF20];
	v30 =	vmul.f32 v24, v20;
	v17 =	vpop (erf);
	v20 =	vand.u32 $0xFFFF0000, v32;
	v25 =	vmul.f32 $1.442695020e+00, v34  }
0x4aa: {  	s19 =	sadd.s32 $0x200, s19;
	v24 =	vld [tilespmem:s20+$0xFFFFFF60];
	[tilespmem:s22+$0xFFFFFF90] =	vst v23;
	v29 =	vmul.f32 v22, v17;
	v32 =	vpop (erf);
	v17 =	vand.u32 $0xFFFF0000, v33;
	v23 =	vmul.f32 $1.442695020e+00, v35  }
0x4ab: {  	_ = 	snop  }
0x4ac: {  	(erf) = vpow2.f32 v26;
	v22 =	vpop (erf)  }
0x4ad: {  	(erf) = vpow2.f32 v28;
	v22 =	vadd.f32 $1.000000000e+00, v22;
	v60 =	vpop (erf)  }
0x4ae: {  	(erf) = vpow2.f32 v31;
	v26 =	vadd.f32 $1.000000000e+00, v60  }
0x4af: {  	(erf) = vrcp.f32 v22  }
0x4b0: {  	(erf) = vrcp.f32 v26;
	_ =	sdelay $0x3  }
0x4b1: {  	v61 =	vpop (erf)  }
0x4b2: {  	v62 =	vpop (erf)  }
0x4b3: {  	v63 =	vpop (erf)  }
0x4b4: {  	v22 =	vpop (erf)  }
0x4b5: {  	v18 =	vand.u32 $0xFFFF0000, v18;
	v33 =	vpop (erf)  }
0x4b6: {  	v19 =	vand.u32 $0xFFFF0000, v19;
	v18 =	vmul.f32 v18, v33;
	v41 =	vpop (erf)  }
0x4b7: {  	v19 =	vmul.f32 v19, v41  }
0x4b8: {  	[tilespmem:s22+$0xA0] =	vst v18  }
0x4b9: {  	[tilespmem:s22+$0xE0] =	vst v19  }
0x4ba: {  	v18 =	vld [tilespmem:s24+$0xF0]  }
0x4bb: {  	v19 =	vld [tilespmem:s17+$0xF0];
	_ =	sdelay $0x3  }
0x4bc: {  	v42 =	vshll.u32 v18, $0x10  }
0x4bd: {  	v19 =	vadd.f32 v42, v19;
	_ =	sdelay $0x1  }
0x4be: {  	v26 =	vadd.f32 $1.000000000e+00, v61;
	(erf) = vpow2.f32 v25;
	v19 =	vsub.f32 $0.0e+00, v19  }
0x4bf: {  	(erf) = vpow2.f32 v23  }
0x4c0: {  	(erf) = vrcp.f32 v26;
	v19 =	vmul.f32 $1.442695020e+00, v19  }
0x4c1: {  	(erf) = vrcp.f32 v21  }
0x4c2: {  	v45 =	vld [tilespmem:s17+$0xFFFFFF20];
	(erf) = vpow2.f32 v19  }
0x4c3: {  	[tilespmem:s22+$0xFFFFFFD0] =	vst v30;
	v46 =	vld [tilespmem:s17+$0xFFFFFF60]  }
0x4c4: {  	v43 =	vld [tilespmem:s24+$0xFFFFFFA0]  }
0x4c5: {  	v14 =	vmul.f32 v14, v32;
	v44 =	vld [tilespmem:s24+$0xFFFFFFE0]  }
0x4c6: {  	[tilespmem:s22+$0x10] =	vst v29;
	v47 =	vld [tilespmem:s17+$0xFFFFFFA0]  }
0x4c7: {  	v34 =	vld [tilespmem:s17+$0xFFFFFFE0];
	[tilespmem:s22+$0x50] =	vst v14;
	v30 =	vpop (erf)  }
0x4c8: {  	v48 =	vld [tilespmem:s24+$0x20];
	v49 =	vshll.u32 v27, $0x10;
	v33 =	vpop (erf)  }
0x4c9: {  	v37 =	vld [tilespmem:s24+$0x60];
	v35 =	vshll.u32 v24, $0x10;
	v21 =	vadd.f32 v49, v45;
	v19 =	vpop (erf)  }
0x4ca: {  	v50 =	vld [tilespmem:s17+$0x60];
	v38 =	vshll.u32 v43, $0x10;
	v26 =	vadd.f32 v35, v46;
	v14 =	vpop (erf)  }
0x4cb: {  	v36 =	vld [tilespmem:s17+$0x20];
	v29 =	vadd.f32 v38, v47;
	v21 =	vsub.f32 $0.0e+00, v21;
	v51 =	vpop (erf)  }
0x4cc: {  	v39 =	vshll.u32 v44, $0x10;
	v26 =	vsub.f32 $0.0e+00, v26;
	v38 =	vadd.f32 $1.000000000e+00, v51  }
0x4cd: {  	v34 =	vadd.f32 v39, v34;
	v52 =	vshll.u32 v48, $0x10;
	v21 =	vmul.f32 $1.442695020e+00, v21  }
0x4ce: {  	v53 =	vshll.u32 v37, $0x10;
	v26 =	vmul.f32 $1.442695020e+00, v26;
	(erf) = vrcp.f32 v38  }
0x4cf: {  	v29 =	vsub.f32 $0.0e+00, v29;
	v54 =	vadd.f32 v53, v50;
	(erf) = vpow2.f32 v21  }
0x4d0: {  	v36 =	vadd.f32 v52, v36;
	v34 =	vsub.f32 $0.0e+00, v34;
	(erf) = vpow2.f32 v26  }
0x4d1: {  	v29 =	vmul.f32 $1.442695020e+00, v29;
	v21 =	vsub.f32 $0.0e+00, v54  }
0x4d2: {  	v55 =	vsub.f32 $0.0e+00, v36;
	v34 =	vmul.f32 $1.442695020e+00, v34  }
0x4d3: {  	(erf) = vpow2.f32 v29;
	v21 =	vmul.f32 $1.442695020e+00, v21  }
0x4d4: {  	v26 =	vmul.f32 $1.442695020e+00, v55;
	(erf) = vpow2.f32 v34;
	_ =	sdelay $0x1  }
0x4d5: {  	(erf) = vpow2.f32 v26  }
0x4d6: {  	v56 =	vadd.f32 $1.000000000e+00, v62;
	(erf) = vpow2.f32 v21;
	v21 =	vpop (erf)  }
0x4d7: {  	v57 =	vadd.f32 $1.000000000e+00, v63;
	v58 =	vpop (erf)  }
0x4d8: {  	(erf) = vrcp.f32 v56;
	v29 =	vadd.f32 $1.000000000e+00, v58;
	v59 =	vpop (erf)  }
0x4d9: {  	(erf) = vrcp.f32 v57;
	v60 =	vadd.f32 $1.000000000e+00, v59  }
0x4da: {  	(erf) = vrcp.f32 v29  }
0x4db: {  	v61 =	vpop (erf);
	(erf) = vrcp.f32 v60  }
0x4dc: {  	v62 =	vadd.f32 $1.000000000e+00, v61;
	v63 =	vpop (erf)  }
0x4dd: {  	v28 =	vadd.f32 $1.000000000e+00, v63  }
0x4de: {  	(erf) = vrcp.f32 v62  }
0x4df: {  	v34 =	vpop (erf);
	(erf) = vrcp.f32 v28  }
0x4e0: {  	v29 =	vadd.f32 $1.000000000e+00, v34;
	v35 =	vpop (erf)  }
0x4e1: {  	v36 =	vadd.f32 $1.000000000e+00, v35;
	v28 =	vpop (erf)  }
0x4e2: {  	(erf) = vrcp.f32 v29;
	v26 =	vpop (erf)  }
0x4e3: {  	v38 =	vand.u32 $0xFFFF0000, v27;
	(erf) = vrcp.f32 v36;
	v39 =	vpop (erf)  }
0x4e4: {  	v40 =	vand.u32 $0xFFFF0000, v24;
	v27 =	vmul.f32 v38, v39;
	v41 =	vpop (erf)  }
0x4e5: {  	v24 =	vmul.f32 v40, v41  }
0x4e6: {  	v42 =	vld [tilespmem:s17+$0xB0];
	[tilespmem:s23+$0xFFFFFF20] =	vst v27  }
0x4e7: {  	v23 =	vand.u32 $0xFFFF0000, v43;
	v43 =	vpop (erf);
	v27 =	vld [tilespmem:s24+$0xB0];
	[tilespmem:s23+$0xFFFFFF60] =	vst v24  }
0x4e8: {  	v44 =	vand.u32 $0xFFFF0000, v44;
	v45 =	vpop (erf);
	v23 =	vmul.f32 v23, v43;
	v34 =	vld [tilespmem:s24+$0xFFFFFF30]  }
0x4e9: {  	v24 =	vmul.f32 v44, v45;
	v35 =	vld [tilespmem:s24+$0xFFFFFF70]  }
0x4ea: {  	v49 =	vld [tilespmem:s17+$0xFFFFFF30];
	[tilespmem:s23+$0xFFFFFFA0] =	vst v23  }
0x4eb: {  	v46 =	vand.u32 $0xFFFF0000, v48;
	v47 =	vpop (erf);
	v52 =	vld [tilespmem:s17+$0xFFFFFF70];
	[tilespmem:s23+$0xFFFFFFE0] =	vst v24  }
0x4ec: {  	v48 =	vand.u32 $0xFFFF0000, v37;
	v50 =	vpop (erf);
	v51 =	vmul.f32 v46, v47;
	v23 =	vld [tilespmem:s24+$0xFFFFFFB0]  }
0x4ed: {  	v22 =	vadd.f32 $1.000000000e+00, v22;
	v25 =	vmul.f32 v48, v50;
	v24 =	vld [tilespmem:s24+$0xFFFFFFF0];
	v53 =	vshll.u32 v27, $0x10  }
0x4ee: {  	v30 =	vadd.f32 $1.000000000e+00, v30;
	[tilespmem:s23+$0x20] =	vst v51;
	v54 =	vld [tilespmem:s17+$0xFFFFFFB0];
	v29 =	vadd.f32 v53, v42;
	v55 =	vshll.u32 v34, $0x10  }
0x4ef: {  	v33 =	vadd.f32 $1.000000000e+00, v33;
	(erf) = vrcp.f32 v22;
	v56 =	vld [tilespmem:s17+$0xFFFFFFF0];
	[tilespmem:s23+$0x60] =	vst v25;
	v32 =	vadd.f32 v55, v49  }
0x4f0: {  	(erf) = vrcp.f32 v30;
	v25 =	vld [tilespmem:s24+$0x30];
	v29 =	vsub.f32 $0.0e+00, v29  }
0x4f1: {  	(erf) = vrcp.f32 v33;
	v58 =	vld [tilespmem:s17+$0x30];
	v57 =	vshll.u32 v35, $0x10;
	v59 =	vsub.f32 $0.0e+00, v32  }
0x4f2: {  	v30 =	vld [tilespmem:s24+$0x70];
	v22 =	vadd.f32 v57, v52;
	v60 =	vshll.u32 v23, $0x10;
	v29 =	vmul.f32 $1.442695020e+00, v29  }
0x4f3: {  	v61 =	vld [tilespmem:s17+$0x70];
	v62 =	vshll.u32 v24, $0x10;
	v32 =	vadd.f32 v60, v54;
	v31 =	vmul.f32 $1.442695020e+00, v59  }
0x4f4: {  	v37 =	vadd.f32 v62, v56;
	v22 =	vsub.f32 $0.0e+00, v22;
	(erf) = vpow2.f32 v29  }
0x4f5: {  	v32 =	vsub.f32 $0.0e+00, v32;
	(erf) = vpow2.f32 v31  }
0x4f6: {  	v63 =	vshll.u32 v25, $0x10;
	v22 =	vmul.f32 $1.442695020e+00, v22;
	v41 =	vsub.f32 $0.0e+00, v37  }
0x4f7: {  	v40 =	vshll.u32 v30, $0x10;
	v39 =	vadd.f32 v63, v58;
	v32 =	vmul.f32 $1.442695020e+00, v32  }
0x4f8: {  	v31 =	vadd.f32 v40, v61;
	v33 =	vmul.f32 $1.442695020e+00, v41;
	(erf) = vpow2.f32 v22  }
0x4f9: {  	v29 =	vsub.f32 $0.0e+00, v39;
	(erf) = vpow2.f32 v32  }
0x4fa: {  	v43 =	vpop (erf);
	v31 =	vsub.f32 $0.0e+00, v31;
	(erf) = vpow2.f32 v33  }
0x4fb: {  	v44 =	vpop (erf);
	v42 =	vmul.f32 $1.442695020e+00, v29  }
0x4fc: {  	v45 =	vpop (erf);
	v31 =	vmul.f32 $1.442695020e+00, v31  }
0x4fd: {  	(erf) = vpow2.f32 v42;
	v46 =	vpop (erf)  }
0x4fe: {  	v1 =	vmul.f32 v1, v7;
	(erf) = vpow2.f32 v31;
	v47 =	vpop (erf)  }
0x4ff: {  	v48 =	vadd.f32 $1.000000000e+00, v47  }
0x500: {  	[tilespmem:s1+$0xFFFFFF70] =	vst v1;
	v1 =	vmul.f32 v3, v12  }
0x501: {  	v2 =	vmul.f32 v2, v8;
	v3 =	vadd.f32 $1.000000000e+00, v46;
	v49 =	vpop (erf);
	(erf) = vrcp.f32 v48  }
0x502: {  	[tilespmem:s1+$0xFFFFFFF0] =	vst v1;
	v1 =	vmul.f32 v5, v9;
	v51 =	vpop (erf)  }
0x503: {  	[tilespmem:s1+$0xFFFFFFB0] =	vst v2;
	v2 =	vmul.f32 v4, v16;
	v54 =	vand.u32 $0xFFFF0000, v18;
	v52 =	vpop (erf);
	(erf) = vrcp.f32 v3  }
0x504: {  	[tilespmem:s1+$0x70] =	vst v1;
	v1 =	vmul.f32 v54, v21;
	v7 =	vadd.f32 $1.000000000e+00, v49  }
0x505: {  	[tilespmem:s1+$0x30] =	vst v2;
	v2 =	vmul.f32 v6, v14;
	v3 =	vadd.f32 $1.000000000e+00, v51  }
0x506: {  	[tilespmem:s23+$0xF0] =	vst v1;
	v1 =	vmul.f32 v11, v26;
	v53 =	vpop (erf);
	v5 =	vadd.f32 $1.000000000e+00, v52;
	(erf) = vrcp.f32 v7  }
0x507: {  	[tilespmem:s16+$0xB0] =	vst v2;
	v2 =	vmul.f32 v13, v28;
	v6 =	vadd.f32 $1.000000000e+00, v53;
	v55 =	vpop (erf);
	(erf) = vrcp.f32 v3  }
0x508: {  	[tilespmem:s16+$0xFFFFFFB0] =	vst v1;
	v1 =	vmul.f32 v17, v44;
	v3 =	vadd.f32 $1.000000000e+00, v55;
	(erf) = vrcp.f32 v5  }
0x509: {  	[tilespmem:s16+$0xFFFFFF70] =	vst v2;
	v2 =	vmul.f32 v20, v43;
	(erf) = vrcp.f32 v6  }
0x50a: {  	(erf) = vrcp.f32 v3;
	v3 =	vand.u32 $0xFFFF0000, v34;
	v56 =	vpop (erf)  }
0x50b: {  	[tilespmem:s16+$0xFFFFFFF0] =	vst v2;
	v2 =	vmul.f32 v3, v56  }
0x50c: {  	v50 =	vmul.f32 v10, v19;
	[tilespmem:s16+$0x30] =	vst v1;
	v3 =	vand.u32 $0xFFFF0000, v27;
	v1 =	vpop (erf)  }
0x50d: {  	v57 =	vand.u32 $0xFFFF0000, v15;
	v1 =	vmul.f32 v3, v1  }
0x50e: {  	[tilespmem:s16+$0xFFFFFF30] =	vst v50;
	v58 =	vmul.f32 v57, v45  }
0x50f: {  	v59 =	vand.u32 $0xFFFF0000, v35;
	[tilespmem:s23+$0xFFFFFF30] =	vst v2;
	v2 =	vpop (erf)  }
0x510: {  	[tilespmem:s16+$0x70] =	vst v58;
	v3 =	vand.u32 $0xFFFF0000, v23;
	v60 =	vpop (erf);
	v2 =	vmul.f32 v59, v2  }
0x511: {  	s9 =	sadd.s32 $0x1, s9;
	v61 =	vand.u32 $0xFFFF0000, v24;
	[tilespmem:s23+$0xB0] =	vst v1;
	v1 =	vpop (erf);
	v3 =	vmul.f32 v3, v60  }
0x512: {  	p1 =	sne.s32 s9, $0x8;
	v62 =	vand.u32 $0xFFFF0000, v25;
	v6 =	vpop (erf);
	[tilespmem:s23+$0xFFFFFF70] =	vst v2;
	v1 =	vmul.f32 v61, v1  }
.Ltmp4:
0x513: {  	v2 =	vand.u32 $0xFFFF0000, v30;
	v63 =	vpop (erf);
	[tilespmem:s23+$0xFFFFFFB0] =	vst v3;
	v3 =	vmul.f32 v62, v6;
	(pc) =	sbr.rel @p1 .LBB2_7-.Ltmp4, $4  }
0x514: {  	[tilespmem:s23+$0xFFFFFFF0] =	vst v1;
	v1 =	vmul.f32 v2, v63  }
0x515: {  	[tilespmem:s23+$0x30] =	vst v3  }
0x516: {  	s24 =	sadd.s32 $0x1600, s3;
	[tilespmem:s23+$0x70] =	vst v1  }
0x517: {  	[spmem:s4] =	stream.indirect.scatter.add.f32 [tilespmem:s2], [sflag:$0x6], $0x80, s24, s18, $0xb8;
	[tilespmem:$0x1BA00] =	vst v63  }
0x518: {  	s8 =	sadd.s32 $0x1, s8  }
0x519: {  	_ =	swait.ge [sflag:s10], $0x1000;
	p1 =	sne.s32 s8, s15  }
.Ltmp5:
0x51a: {  	[sflag:s10] =	ssyncset.done $0x0;
	(pc) =	sbr.rel @p1 .LBB2_4-.Ltmp5, $4  }
0x51b: {  	[sflag:s10] =	ssyncadd.s32 $0xFFFFF000  }
0x51c: {  	_ =	swait.ge [sflag:s0], $0x1000  }
0x51d: {  	[sflag:s0] =	ssyncset.done $0x0  }
0x51e: {  	[sflag:s0] =	ssyncadd.s32 $0xFFFFF000  }
0x51f: {  	s1 =	stileid.u32;
	[bflag:$0x0] =	sbarrier.arrive $0xFFFF  }
0x520: {  	s1 =	sshll.u32 s1, $0x6;
	s5 =	rddreg [dreg:$0x5]  }
0x521: {  	s8 =	rddreg [dreg:$0x12];
	s1 =	sor.u32 $0x1C07, s1;
	s3 =	sshrl.u32 s5, $0x3  }
0x522: {  	[hbm:s8], [sflag:s1] =	dma.local [spmem:s3], $0x2080  }
0x523: {  	_ =	swait.ge [sflag:s13], $0x2080  }
0x524: {  	[sflag:s13] =	ssyncset.done $0x0;
	s3 =	rddreg [dreg:$0x13]  }
0x525: {  	s8 =	rddreg [dreg:$0x15];
	[sflag:s13] =	ssyncadd.s32 $0xFFFFDF80  }
0x526: {  	[hbm:s3], [sflag:s1] =	dma.local @!p0 [spmem:s8], $0x700  }
0x527: {  	s1 =	simm.s32 @!p0 $0x7  }
0x528: {  	_ =	swait.ge @!p0 [sflag:s1], $0x700  }
0x529: {  	s23 =	rddreg [dreg:$0x1f]  }
0x52a: {  	s24 =	rddreg [dreg:$0x14];
	s8 =	sadd.s32 $0x1, s23  }
0x52b: {  	p1 =	sne.s32 s8, s24  }
.Ltmp6:
0x52c: {  	_ = 	snop;
	(pc) =	sbr.rel @p1 .LBB2_1-.Ltmp6, $3  }
0x52d: {  	_ =	sdelay $0x1  }
0x52e: {  	[sflag:s1] =	ssyncset.done @!p0 $0x0  }
0x52f: {  	[sflag:s1] =	ssyncadd.s32 @!p0 $0xFFFFF900  }
0x530: {  	_ =	sfence.sel $0x180000  }
0x531: {  	[bflag:$0x0] =	sbarrier.arrive $0xFFFF  }
0x532: {  	_ =	strace $0x90000047  }
0x533: {  	s0 =	stileid.u32;
	[bflag:$0x2] =	sbarrier.arrive $0xFFFF  }
0x534: {  	p0 =	sne.s32 s0, $0x0;
	s0 =	rddreg [dreg:$0x4]  }
0x535: {  	s0 =	sadd.s32 @!p0 $0x100000, s0  }
0x536: {  	[sflag:s0] =	ssyncadd.tile.s32 @!p0 $0x1;
	_ =	shalt  }
.Lfunc_end2:
_tile_overlayer_lowered:
.L_overlay_start_2:
0x537: {  	(tag) =	ssettag $0x2  }
0x538: {  	s0 =	rddreg [dreg:$0x0];
	s2 =	stileid.u32  }
0x539: {  	s1 =	rddreg [dreg:$0x1];
	p0 =	sne.s32 s2, $0x0  }
0x53a: {  	s3 =	rddreg [dreg:$0x2];
	[bflag:$0x3] =	sbarrier.arrive $0xFFFF;
	s2 =	simm.s32 @!p0 $0x1C07  }
0x53b: {  	[timem:s3], [sflag:s2] =	dma.local @!p0 [hbm:s0], s1  }
0x53c: {  	s0 =	simm.s32 @!p0 $0x7  }
0x53d: {  	_ =	swait.ge @!p0 [sflag:s0], s1  }
0x53e: {  	s1 =	ssub.s32 @!p0 $0x0, s1;
	[sflag:s0] =	ssyncset.done @!p0 $0x0  }
0x53f: {  	[sflag:s0] =	ssyncadd.s32 @!p0 s1  }
0x540: {  	[bflag:$0x3] =	sbarrier.arrive $0xFFFF  }
0x541: {  	_ =	shalt  }

</sc_bundles>
